<compile_context>
chip_gen: v7x
topology: tpu7x:2x2x1
jax: 0.10.2.dev20260603
libtpu: 0.0.44.dev20260713+nightly
codegen_flags: <defaults>
</compile_context>

<pallas_src>
import jax
import jax.numpy as jnp
from jax import lax
from jax.experimental import pallas as pl
from jax.experimental.pallas import tpu as pltpu
from jax.experimental.pallas import tpu_sc as plsc

_BATCH = 8
_NPTS = 1024
_DF = 3
_NN = 16
_R = 512
_NB = _NPTS // _R
_RSC = 256
_NSC = _NPTS // _RSC
_PAD = 16
_BIG = 1e30


def _topk_body(x3_ref, xT_ref, idx_ref, x3p_ref):
    b = pl.program_id(0)
    q = x3_ref[0]
    X0 = xT_ref[0, 0:1, :]
    X1 = xT_ref[0, 1:2, :]
    X2 = xT_ref[0, 2:3, :]
    d0 = q[:, 0:1] - X0
    d1 = q[:, 1:2] - X1
    d2 = q[:, 2:3] - X2
    D = d0 * d0 + d1 * d1 + d2 * d2
    D = jnp.where(D == 0.0, _BIG, D)

    iota = lax.broadcasted_iota(jnp.int32, (_R, _NPTS), 1).astype(jnp.float32)
    cols = []
    for s in range(_NN):
        m = jnp.min(D, axis=1, keepdims=True)
        jsel = jnp.where(D == m, iota, jnp.float32(2.0 ** 30))
        jmin = jnp.min(jsel, axis=1, keepdims=True)
        cols.append(jmin)
        if s < _NN - 1:
            D = jnp.where(jsel == jmin, _BIG, D)
    idx = jnp.concatenate(cols, axis=1).astype(jnp.int32)
    idx_ref[0] = idx + b * _NPTS

    x3p_ref[...] = jnp.concatenate(
        [q, jnp.zeros((_R, _PAD - _DF), jnp.float32)], axis=1)


def _run_topk_tc(x3, xT):
    return pl.pallas_call(
        _topk_body,
        grid=(_BATCH, _NB),
        in_specs=[
            pl.BlockSpec((1, _R, _DF), lambda b, r: (b, r, 0)),
            pl.BlockSpec((1, _DF, _NPTS), lambda b, r: (b, 0, 0)),
        ],
        out_specs=[
            pl.BlockSpec((1, _R, _NN), lambda b, r: (b, r, 0)),
            pl.BlockSpec((_R, _PAD), lambda b, r: (b * _NB + r, 0)),
        ],
        out_shape=[
            jax.ShapeDtypeStruct((_BATCH, _NPTS, _NN), jnp.int32),
            jax.ShapeDtypeStruct((_BATCH * _NPTS, _PAD), jnp.float32),
        ],
        compiler_params=pltpu.CompilerParams(
            dimension_semantics=("arbitrary", "arbitrary"),
        ),
    )(x3, xT)


def _gather_sc(x3p_hbm, idx_hbm, out_hbm, ibuf_v, gbuf_v, semi, semg):
    wid = lax.axis_index("s") * 2 + lax.axis_index("c")
    b = wid // _NSC
    rb = wid % _NSC

    nseg = (_RSC * _NN) // 128
    base = (b * _NPTS + rb * _RSC) * _NN
    hs = []
    for r in range(nseg):
        hs.append(pltpu.async_copy(
            idx_hbm.at[pl.ds(base + r * 128, 128)],
            ibuf_v.at[r], semi))
    for h in hs:
        h.wait()
    hs = []
    for r in range(nseg):
        hs.append(pltpu.async_copy(
            x3p_hbm.at[ibuf_v.at[r]],
            gbuf_v.at[pl.ds(r * 128, 128)], semg))
    for h in hs:
        h.wait()
    pltpu.sync_copy(gbuf_v, out_hbm.at[b, pl.ds(rb * _RSC * _NN, _RSC * _NN)])


def _run_gather_sc(x3p, idxg):
    mesh = plsc.VectorSubcoreMesh(core_axis_name="c", subcore_axis_name="s")
    return pl.kernel(
        _gather_sc,
        mesh=mesh,
        out_type=jax.ShapeDtypeStruct((_BATCH, _NPTS * _NN, _PAD), jnp.float32),
        scratch_types=[
            pltpu.VMEM((32, 128), jnp.int32),
            pltpu.VMEM((_RSC * _NN, _PAD), jnp.float32),
            pltpu.SemaphoreType.DMA,
            pltpu.SemaphoreType.DMA,
        ],
        compiler_params=pltpu.CompilerParams(use_tc_tiling_on_sc=False),
    )(x3p, idxg)


def _mlp_body(nb_ref, z_ref, A_ref, B_ref, C_ref, E_ref, b4_ref,
              Wcat_ref, bcat_ref, Wzc_ref, bzc_ref,
              xout_ref, zout_ref):
    rb = pl.program_id(1)
    nb4 = nb_ref[0]

    def stack(cols):
        return jnp.concatenate(cols, axis=0)

    relu = lambda a: jnp.maximum(a, 0.0)
    third = jnp.float32(1.0 / 3.0)

    A = A_ref[...]
    B = B_ref[...]
    C = C_ref[...]
    E = E_ref[...]
    b4 = b4_ref[...]
    F = jnp.zeros((15 * _R, 128), jnp.float32)
    for f in range(_DF):
        cf = [nb4[:, s, f:f + 1] for s in range(_NN)]
        t1 = stack([cf[0]] * 15)
        t2 = stack(cf[1:16])
        u2 = stack([cf[1]] * 14 + [cf[2]])
        u3 = stack(cf[2:16] + [cf[3]])
        F = F + relu(t1 * A + t2 * B + u2 * C + u3 * E + b4)

    zsc = z_ref[0, 0, 0]
    zcat = zsc * Wzc_ref[...] + bzc_ref[...]

    XV = jnp.dot(F * third, Wcat_ref[...], preferred_element_type=jnp.float32)
    XV = relu(XV + bcat_ref[...] + zcat)

    xm = XV[:, 0:32]
    xs = xm[0:_R]
    for k in range(1, 15):
        xs = xs + xm[k * _R:(k + 1) * _R]
    xout_ref[0] = xs * jnp.float32(1.0 / 15.0)

    vm = XV[:, 32:96]
    part = jnp.sum(vm, axis=0, keepdims=True)
    acc = jnp.where(rb == 0, part, zout_ref[0] + part)
    zout_ref[0] = jnp.where(rb == _NB - 1,
                            acc * jnp.float32(1.0 / (15.0 * _NPTS)), acc)


def kernel(x, z, Wm2, bm2, Wm3, bm3, Wv2, bv2, Wv3, bv3,
           Wmx, bmx, Wvx, bvx, Wmz, bmz, Wvz, bvz):
    bs = x.shape[0]
    x3 = x.reshape(bs, _NPTS, _DF)
    xT = jnp.transpose(x3, (0, 2, 1))

    idxg, x3p = _run_topk_tc(x3, xT)
    neigh = _run_gather_sc(x3p, idxg.reshape(-1))
    neigh4 = neigh.reshape(bs, _NPTS, _NN, _PAD)

    row = lambda a: a.reshape(1, -1)
    z32 = jnp.zeros((32,), jnp.float32)
    cat = lambda parts: jnp.concatenate(parts).reshape(1, 128)
    A_row = cat([Wm2[:, 0], Wm3[:, 0], Wv2[:, 0], Wv3[:, 0]])
    B_row = cat([Wm2[:, 1], z32, Wv2[:, 1], z32])
    C_row = cat([z32, Wm3[:, 1], z32, Wv3[:, 1]])
    E_row = cat([z32, Wm3[:, 2], z32, Wv3[:, 2]])
    b4_row = cat([bm2, bm3, bv2, bv3])
    Wcat = jnp.zeros((128, 96), jnp.float32)
    Wcat = Wcat.at[0:64, 0:32].set(Wmx.T).at[64:128, 32:96].set(Wvx.T)
    bcat = jnp.concatenate([bmx, bvx]).reshape(1, 96)
    Wzc = jnp.concatenate([Wmz.T, Wvz.T], axis=1)
    bzc = jnp.concatenate([bmz, bvz]).reshape(1, 96)
    full = lambda shp: pl.BlockSpec(shp, lambda b, r: (0,) * len(shp))

    xout, zout = pl.pallas_call(
        _mlp_body,
        grid=(bs, _NB),
        in_specs=[
            pl.BlockSpec((1, _R, _NN, _PAD), lambda b, r: (b, r, 0, 0)),
            pl.BlockSpec((1, 1, 1), lambda b, r: (b, 0, 0)),
            full((1, 128)), full((1, 128)), full((1, 128)), full((1, 128)),
            full((1, 128)),
            full((128, 96)), full((1, 96)),
            full((1, 96)), full((1, 96)),
        ],
        out_specs=[
            pl.BlockSpec((1, _R, 32), lambda b, r: (b, r, 0)),
            pl.BlockSpec((1, 1, 64), lambda b, r: (b, 0, 0)),
        ],
        out_shape=[
            jax.ShapeDtypeStruct((bs, _NPTS, 32), jnp.float32),
            jax.ShapeDtypeStruct((bs, 1, 64), jnp.float32),
        ],
        compiler_params=pltpu.CompilerParams(
            dimension_semantics=("arbitrary", "arbitrary"),
        ),
    )(neigh4, z.reshape(bs, 1, 1),
      A_row, B_row, C_row, E_row, b4_row, Wcat, bcat, Wzc, bzc)

    return xout.reshape(bs, _NPTS * 32), zout.reshape(bs, 64)

# --- scband reference (transcript-rebuilt; emitter-appended) ---
"""Pipeline reference for scband-eb-19490561589325 (READ-ONLY COPY).

The authoritative reference and input builder live on the scoring server;
editing this copy changes nothing except your own understanding.
"""

import itertools
import jax
import jax.numpy as jnp
import numpy as np

BATCH = 8
D_FEAT = 3
NPOINTS = 1024
N_NEIGH = 16
ORDERS = (2, 3)
D_MFEAT = 32
D_OUT = 32
NMOMENTS = 64


def _to_select(order, N):
    combos = [[0] + list(l) for l in itertools.combinations(range(1, N), order - 1)][:N - 1]
    return np.asarray(combos, dtype=np.int32)


def _linear_params(k, fan_out, fan_in):
    k1, k2 = jax.random.split(k)
    bound = 1.0 / float(np.sqrt(fan_in))
    W = jax.random.uniform(k1, (fan_out, fan_in), minval=-bound, maxval=bound, dtype=jnp.float32)
    b = jax.random.uniform(k2, (fan_out,), minval=-bound, maxval=bound, dtype=jnp.float32)
    return W, b


def setup_inputs(seed: int = 0):
    key = jax.random.key(seed)
    ks = jax.random.split(key, 12)
    x = jax.random.normal(ks[0], (BATCH, NPOINTS * D_FEAT), dtype=jnp.float32)
    z = jax.random.normal(ks[1], (BATCH, 1), dtype=jnp.float32)
    Wm2, bm2 = _linear_params(ks[2], D_MFEAT, 2)
    Wm3, bm3 = _linear_params(ks[3], D_MFEAT, 3)
    Wv2, bv2 = _linear_params(ks[4], D_MFEAT, 2)
    Wv3, bv3 = _linear_params(ks[5], D_MFEAT, 3)
    Wmx, bmx = _linear_params(ks[6], D_OUT, D_MFEAT * len(ORDERS))
    Wvx, bvx = _linear_params(ks[7], NMOMENTS, D_MFEAT * len(ORDERS))
    Wmz, bmz = _linear_params(ks[8], D_OUT, 1)
    Wvz, bvz = _linear_params(ks[9], NMOMENTS, 1)
    return {"x": x, "z": z, "Wm2": Wm2, "bm2": bm2, "Wm3": Wm3, "bm3": bm3,
            "Wv2": Wv2, "bv2": bv2, "Wv3": Wv3, "bv3": bv3,
            "Wmx": Wmx, "bmx": bmx, "Wvx": Wvx, "bvx": bvx,
            "Wmz": Wmz, "bmz": bmz, "Wvz": Wvz, "bvz": bvz}


def reference(x, z, Wm2, bm2, Wm3, bm3, Wv2, bv2, Wv3, bv3, Wmx, bmx, Wvx, bvx, Wmz, bmz, Wvz, bvz):
    bs = x.shape[0]
    n = x.shape[1] // D_FEAT
    N = N_NEIGH if n > N_NEIGH else n // 2
    x_pts = x.reshape(bs, n, D_FEAT)
    # batch_Lpcost(x, x, 2, d_feat): pairwise sum_f |x_i - x_j|^2, then sqrt
    xp = jax.lax.stop_gradient(x_pts)
    diff = xp[:, :, None, :] - xp[:, None, :, :]
    dist = jnp.sqrt(jnp.sum(jnp.abs(diff) ** 2, axis=3))
    dist = jnp.where(dist == 0.0, 99999999.0, dist)
    _, idx = jax.lax.top_k(-dist, N)  # smallest-N, sorted ascending
    neigh = x_pts[jnp.arange(bs)[:, None, None], idx]  # [bs, n, N, d_feat]
    meas_params = [(Wm2, bm2), (Wm3, bm3)]
    vect_params = [(Wv2, bv2), (Wv3, bv3)]
    moments = None
    v_moments = None
    for i, order in enumerate(ORDERS):
        ts = _to_select(order, N)  # [N-1, order]
        sel = neigh[:, :, ts, :]  # [bs, n, N-1, order, d_feat]
        M = (N - 1) * n
        x_ = sel.reshape(bs, M, order * D_FEAT)
        a = x_.reshape(bs, M * order, D_FEAT)
        x2 = jnp.transpose(a, (0, 2, 1)).reshape(bs, M * D_FEAT, order)
        Wm, bm = meas_params[i]
        m_feat = jax.nn.relu(x2 @ Wm.T + bm)
        m_feat = m_feat.reshape(bs, D_FEAT, M, D_MFEAT).mean(axis=1)
        Wv, bv = vect_params[i]
        v_feat = jax.nn.relu(x2 @ Wv.T + bv)
        v_feat = v_feat.reshape(bs, D_FEAT, M, D_MFEAT).mean(axis=1)
        if v_moments is None:
            moments = m_feat
            v_moments = v_feat
        else:
            moments = jnp.concatenate([moments, m_feat], axis=2)
            v_moments = jnp.concatenate([v_moments, v_feat], axis=2)
    x_new = moments @ Wmx.T + bmx + (z @ Wmz.T + bmz)[:, None, :]
    x_new = jax.nn.relu(x_new)
    x_new = x_new.reshape(bs, n, N - 1, D_OUT).mean(axis=2).reshape(bs, n * D_OUT)
    z_new = v_moments @ Wvx.T + bvx + (z @ Wvz.T + bvz)[:, None, :]
    z_new = jax.nn.relu(z_new)
    z_new = z_new.mean(axis=1)
    return (x_new, z_new)

if __name__ == "__main__":
    import jax
    _d = setup_inputs()
    print(jax.jit(kernel)(*tuple(_d.values())))

</pallas_src>

<mosaic_0001>
#map = affine_map<(d0, d1) -> (0, 0)>
#map1 = affine_map<(d0, d1) -> (0)>
#map2 = affine_map<(d0, d1) -> (0, 0, 0)>
module attributes {stable_mosaic.version = 14 : i64} {
  func.func @_gather_sc(%arg0: i32, %arg1: i32, %arg2: memref<8192x16xf32, #tpu.memory_space<hbm>>, %arg3: memref<131072xi32, #tpu.memory_space<hbm>>, %arg4: memref<8x16384x16xf32, #tpu.memory_space<hbm>>, %arg5: memref<32x128xi32, #tpu.memory_space<vmem>>, %arg6: memref<4096x16xf32, #tpu.memory_space<vmem>>, %arg7: memref<!tpu.dma_semaphore, #tpu.memory_space<semaphore_mem>>, %arg8: memref<!tpu.dma_semaphore, #tpu.memory_space<semaphore_mem>>) attributes {dimension_semantics = [#tpu.dimension_semantics<core_parallel>, #tpu.dimension_semantics<subcore_parallel>], iteration_bounds = array<i64: 2, 16>, scalar_prefetch = 0 : i64, scratch_operands = 4 : i64, tpu.core_type = #tpu.core_type<sc_vector_subcore>, window_params = [{transform_indices = #map}, {transform_indices = #map1}, {transform_indices = #map2}]} {
    %mul3A = arith.constant 2 : i32
    %mul3A_0 = arith.muli %arg1, %mul3A : i32
    %add3A = arith.addi %mul3A_0, %arg0 : i32
    %jit3A = arith.constant 4 : i32
    %div3A = arith.divsi %add3A, %jit3A : i32
    %sign3A = arith.constant 0 : i32
    %sign3A_1 = arith.cmpi sgt, %add3A, %sign3A : i32
    %sign3A_2 = arith.extui %sign3A_1 : i1 to i32
    %sign3A_3 = arith.constant 0 : i32
    %sign3A_4 = arith.cmpi slt, %add3A, %sign3A_3 : i32
    %sign3A_5 = arith.extui %sign3A_4 : i1 to i32
    %sign3A_6 = arith.subi %sign3A_2, %sign3A_5 : i32
    %sign3A_7 = arith.constant 0 : i32
    %sign3A_8 = arith.cmpi sgt, %jit3A, %sign3A_7 : i32
    %sign3A_9 = arith.extui %sign3A_8 : i1 to i32
    %sign3A_10 = arith.constant 0 : i32
    %sign3A_11 = arith.cmpi slt, %jit3A, %sign3A_10 : i32
    %sign3A_12 = arith.extui %sign3A_11 : i1 to i32
    %sign3A_13 = arith.subi %sign3A_9, %sign3A_12 : i32
    %ne3A = arith.cmpi ne, %sign3A_6, %sign3A_13 : i32
    %rem3A = arith.remsi %add3A, %jit3A : i32
    %ne3A_14 = arith.constant 0 : i32
    %ne3A_15 = arith.cmpi ne, %rem3A, %ne3A_14 : i32
    %and3A = arith.andi %ne3A, %ne3A_15 : i1
    %sub3A = arith.constant 1 : i32
    %sub3A_16 = arith.subi %div3A, %sub3A : i32
    %select_n3A = arith.select %and3A, %sub3A_16, %div3A : i32
    %jit3A_17 = arith.constant 4 : i32
    %eq3A = arith.constant 0 : i32
    %eq3A_18 = arith.cmpi eq, %jit3A_17, %eq3A : i32
    %jit3A_19 = arith.constant 1 : i32
    %select_n3A_20 = arith.select %eq3A_18, %jit3A_19, %jit3A_17 : i32
    %rem3A_21 = arith.remsi %add3A, %select_n3A_20 : i32
    %ne3A_22 = arith.constant 0 : i32
    %ne3A_23 = arith.cmpi ne, %rem3A_21, %ne3A_22 : i32
    %lt3A = arith.constant 0 : i32
    %lt3A_24 = arith.cmpi slt, %rem3A_21, %lt3A : i32
    %lt3A_25 = arith.constant 0 : i32
    %lt3A_26 = arith.cmpi slt, %select_n3A_20, %lt3A_25 : i32
    %ne3A_27 = arith.xori %lt3A_24, %lt3A_26 : i1
    %and3A_28 = arith.andi %ne3A_27, %ne3A_23 : i1
    %add3A_29 = arith.addi %rem3A_21, %select_n3A_20 : i32
    %select_n3A_30 = arith.select %and3A_28, %add3A_29, %rem3A_21 : i32
    %mul3A_31 = arith.constant 1024 : i32
    %mul3A_32 = arith.muli %select_n3A, %mul3A_31 : i32
    %mul3A_33 = arith.constant 256 : i32
    %mul3A_34 = arith.muli %select_n3A_30, %mul3A_33 : i32
    %add3A_35 = arith.addi %mul3A_32, %mul3A_34 : i32
    %mul3A_36 = arith.constant 16 : i32
    %mul3A_37 = arith.muli %add3A_35, %mul3A_36 : i32
    %add3A_38 = arith.constant 0 : i32
    %add3A_39 = arith.addi %mul3A_37, %add3A_38 : i32
    %dma_start3A = arith.constant 0 : i32
    %dma_start3A_40 = arith.constant 0 : i32
    %dma_start3A_41 = tpu.memref_slice %arg5[%dma_start3A, %dma_start3A_40] : memref<32x128xi32, #tpu.memory_space<vmem>> -> memref<1x128xi32, #tpu.memory_space<vmem>>
    %dma_start3A_42 = tpu.memref_squeeze %dma_start3A_41 : memref<1x128xi32, #tpu.memory_space<vmem>> -> memref<128xi32, #tpu.memory_space<vmem>>
    %dma_start3A_43 = tpu.memref_slice %arg3[%add3A_39] : memref<131072xi32, #tpu.memory_space<hbm>> -> memref<128xi32, #tpu.memory_space<hbm>>
    %dma_start3A_44 = arith.constant 0 : i32
    %dma_start3A_45 = tpu.memref_slice %arg5[%dma_start3A, %dma_start3A_44] : memref<32x128xi32, #tpu.memory_space<vmem>> -> memref<1x128xi32, #tpu.memory_space<vmem>>
    %dma_start3A_46 = tpu.memref_squeeze %dma_start3A_45 : memref<1x128xi32, #tpu.memory_space<vmem>> -> memref<128xi32, #tpu.memory_space<vmem>>
    %dma_start3A_47 = tpu.memref_slice %arg3[%add3A_39] : memref<131072xi32, #tpu.memory_space<hbm>> -> memref<128xi32, #tpu.memory_space<hbm>>
    tpu.enqueue_dma source(%dma_start3A_47 : memref<128xi32, #tpu.memory_space<hbm>>) target(%dma_start3A_46 : memref<128xi32, #tpu.memory_space<vmem>>) target_semaphore(%arg7 : memref<!tpu.dma_semaphore, #tpu.memory_space<semaphore_mem>>)
    %add3A_48 = arith.constant 128 : i32
    %add3A_49 = arith.addi %mul3A_37, %add3A_48 : i32
    %dma_start3A_50 = arith.constant 1 : i32
    %dma_start3A_51 = arith.constant 0 : i32
    %dma_start3A_52 = tpu.memref_slice %arg5[%dma_start3A_50, %dma_start3A_51] : memref<32x128xi32, #tpu.memory_space<vmem>> -> memref<1x128xi32, #tpu.memory_space<vmem>>
    %dma_start3A_53 = tpu.memref_squeeze %dma_start3A_52 : memref<1x128xi32, #tpu.memory_space<vmem>> -> memref<128xi32, #tpu.memory_space<vmem>>
    %dma_start3A_54 = tpu.memref_slice %arg3[%add3A_49] : memref<131072xi32, #tpu.memory_space<hbm>> -> memref<128xi32, #tpu.memory_space<hbm>>
    %dma_start3A_55 = arith.constant 0 : i32
    %dma_start3A_56 = tpu.memref_slice %arg5[%dma_start3A_50, %dma_start3A_55] : memref<32x128xi32, #tpu.memory_space<vmem>> -> memref<1x128xi32, #tpu.memory_space<vmem>>
    %dma_start3A_57 = tpu.memref_squeeze %dma_start3A_56 : memref<1x128xi32, #tpu.memory_space<vmem>> -> memref<128xi32, #tpu.memory_space<vmem>>
    %dma_start3A_58 = tpu.memref_slice %arg3[%add3A_49] : memref<131072xi32, #tpu.memory_space<hbm>> -> memref<128xi32, #tpu.memory_space<hbm>>
    tpu.enqueue_dma source(%dma_start3A_58 : memref<128xi32, #tpu.memory_space<hbm>>) target(%dma_start3A_57 : memref<128xi32, #tpu.memory_space<vmem>>) target_semaphore(%arg7 : memref<!tpu.dma_semaphore, #tpu.memory_space<semaphore_mem>>)
    %add3A_59 = arith.constant 256 : i32
    %add3A_60 = arith.addi %mul3A_37, %add3A_59 : i32
    %dma_start3A_61 = arith.constant 2 : i32
    %dma_start3A_62 = arith.constant 0 : i32
    %dma_start3A_63 = tpu.memref_slice %arg5[%dma_start3A_61, %dma_start3A_62] : memref<32x128xi32, #tpu.memory_space<vmem>> -> memref<1x128xi32, #tpu.memory_space<vmem>>
    %dma_start3A_64 = tpu.memref_squeeze %dma_start3A_63 : memref<1x128xi32, #tpu.memory_space<vmem>> -> memref<128xi32, #tpu.memory_space<vmem>>
    %dma_start3A_65 = tpu.memref_slice %arg3[%add3A_60] : memref<131072xi32, #tpu.memory_space<hbm>> -> memref<128xi32, #tpu.memory_space<hbm>>
    %dma_start3A_66 = arith.constant 0 : i32
    %dma_start3A_67 = tpu.memref_slice %arg5[%dma_start3A_61, %dma_start3A_66] : memref<32x128xi32, #tpu.memory_space<vmem>> -> memref<1x128xi32, #tpu.memory_space<vmem>>
    %dma_start3A_68 = tpu.memref_squeeze %dma_start3A_67 : memref<1x128xi32, #tpu.memory_space<vmem>> -> memref<128xi32, #tpu.memory_space<vmem>>
    %dma_start3A_69 = tpu.memref_slice %arg3[%add3A_60] : memref<131072xi32, #tpu.memory_space<hbm>> -> memref<128xi32, #tpu.memory_space<hbm>>
    tpu.enqueue_dma source(%dma_start3A_69 : memref<128xi32, #tpu.memory_space<hbm>>) target(%dma_start3A_68 : memref<128xi32, #tpu.memory_space<vmem>>) target_semaphore(%arg7 : memref<!tpu.dma_semaphore, #tpu.memory_space<semaphore_mem>>)
    %add3A_70 = arith.constant 384 : i32
    %add3A_71 = arith.addi %mul3A_37, %add3A_70 : i32
    %dma_start3A_72 = arith.constant 3 : i32
    %dma_start3A_73 = arith.constant 0 : i32
    %dma_start3A_74 = tpu.memref_slice %arg5[%dma_start3A_72, %dma_start3A_73] : memref<32x128xi32, #tpu.memory_space<vmem>> -> memref<1x128xi32, #tpu.memory_space<vmem>>
    %dma_start3A_75 = tpu.memref_squeeze %dma_start3A_74 : memref<1x128xi32, #tpu.memory_space<vmem>> -> memref<128xi32, #tpu.memory_space<vmem>>
    %dma_start3A_76 = tpu.memref_slice %arg3[%add3A_71] : memref<131072xi32, #tpu.memory_space<hbm>> -> memref<128xi32, #tpu.memory_space<hbm>>
    %dma_start3A_77 = arith.constant 0 : i32
    %dma_start3A_78 = tpu.memref_slice %arg5[%dma_start3A_72, %dma_start3A_77] : memref<32x128xi32, #tpu.memory_space<vmem>> -> memref<1x128xi32, #tpu.memory_space<vmem>>
    %dma_start3A_79 = tpu.memref_squeeze %dma_start3A_78 : memref<1x128xi32, #tpu.memory_space<vmem>> -> memref<128xi32, #tpu.memory_space<vmem>>
    %dma_start3A_80 = tpu.memref_slice %arg3[%add3A_71] : memref<131072xi32, #tpu.memory_space<hbm>> -> memref<128xi32, #tpu.memory_space<hbm>>
    tpu.enqueue_dma source(%dma_start3A_80 : memref<128xi32, #tpu.memory_space<hbm>>) target(%dma_start3A_79 : memref<128xi32, #tpu.memory_space<vmem>>) target_semaphore(%arg7 : memref<!tpu.dma_semaphore, #tpu.memory_space<semaphore_mem>>)
    %add3A_81 = arith.constant 512 : i32
    %add3A_82 = arith.addi %mul3A_37, %add3A_81 : i32
    %dma_start3A_83 = arith.constant 4 : i32
    %dma_start3A_84 = arith.constant 0 : i32
    %dma_start3A_85 = tpu.memref_slice %arg5[%dma_start3A_83, %dma_start3A_84] : memref<32x128xi32, #tpu.memory_space<vmem>> -> memref<1x128xi32, #tpu.memory_space<vmem>>
    %dma_start3A_86 = tpu.memref_squeeze %dma_start3A_85 : memref<1x128xi32, #tpu.memory_space<vmem>> -> memref<128xi32, #tpu.memory_space<vmem>>
    %dma_start3A_87 = tpu.memref_slice %arg3[%add3A_82] : memref<131072xi32, #tpu.memory_space<hbm>> -> memref<128xi32, #tpu.memory_space<hbm>>
    %dma_start3A_88 = arith.constant 0 : i32
    %dma_start3A_89 = tpu.memref_slice %arg5[%dma_start3A_83, %dma_start3A_88] : memref<32x128xi32, #tpu.memory_space<vmem>> -> memref<1x128xi32, #tpu.memory_space<vmem>>
    %dma_start3A_90 = tpu.memref_squeeze %dma_start3A_89 : memref<1x128xi32, #tpu.memory_space<vmem>> -> memref<128xi32, #tpu.memory_space<vmem>>
    %dma_start3A_91 = tpu.memref_slice %arg3[%add3A_82] : memref<131072xi32, #tpu.memory_space<hbm>> -> memref<128xi32, #tpu.memory_space<hbm>>
    tpu.enqueue_dma source(%dma_start3A_91 : memref<128xi32, #tpu.memory_space<hbm>>) target(%dma_start3A_90 : memref<128xi32, #tpu.memory_space<vmem>>) target_semaphore(%arg7 : memref<!tpu.dma_semaphore, #tpu.memory_space<semaphore_mem>>)
    %add3A_92 = arith.constant 640 : i32
    %add3A_93 = arith.addi %mul3A_37, %add3A_92 : i32
    %dma_start3A_94 = arith.constant 5 : i32
    %dma_start3A_95 = arith.constant 0 : i32
    %dma_start3A_96 = tpu.memref_slice %arg5[%dma_start3A_94, %dma_start3A_95] : memref<32x128xi32, #tpu.memory_space<vmem>> -> memref<1x128xi32, #tpu.memory_space<vmem>>
    %dma_start3A_97 = tpu.memref_squeeze %dma_start3A_96 : memref<1x128xi32, #tpu.memory_space<vmem>> -> memref<128xi32, #tpu.memory_space<vmem>>
    %dma_start3A_98 = tpu.memref_slice %arg3[%add3A_93] : memref<131072xi32, #tpu.memory_space<hbm>> -> memref<128xi32, #tpu.memory_space<hbm>>
    %dma_start3A_99 = arith.constant 0 : i32
    %dma_start3A_100 = tpu.memref_slice %arg5[%dma_start3A_94, %dma_start3A_99] : memref<32x128xi32, #tpu.memory_space<vmem>> -> memref<1x128xi32, #tpu.memory_space<vmem>>
    %dma_start3A_101 = tpu.memref_squeeze %dma_start3A_100 : memref<1x128xi32, #tpu.memory_space<vmem>> -> memref<128xi32, #tpu.memory_space<vmem>>
    %dma_start3A_102 = tpu.memref_slice %arg3[%add3A_93] : memref<131072xi32, #tpu.memory_space<hbm>> -> memref<128xi32, #tpu.memory_space<hbm>>
    tpu.enqueue_dma source(%dma_start3A_102 : memref<128xi32, #tpu.memory_space<hbm>>) target(%dma_start3A_101 : memref<128xi32, #tpu.memory_space<vmem>>) target_semaphore(%arg7 : memref<!tpu.dma_semaphore, #tpu.memory_space<semaphore_mem>>)
    %add3A_103 = arith.constant 768 : i32
    %add3A_104 = arith.addi %mul3A_37, %add3A_103 : i32
    %dma_start3A_105 = arith.constant 6 : i32
    %dma_start3A_106 = arith.constant 0 : i32
    %dma_start3A_107 = tpu.memref_slice %arg5[%dma_start3A_105, %dma_start3A_106] : memref<32x128xi32, #tpu.memory_space<vmem>> -> memref<1x128xi32, #tpu.memory_space<vmem>>
    %dma_start3A_108 = tpu.memref_squeeze %dma_start3A_107 : memref<1x128xi32, #tpu.memory_space<vmem>> -> memref<128xi32, #tpu.memory_space<vmem>>
    %dma_start3A_109 = tpu.memref_slice %arg3[%add3A_104] : memref<131072xi32, #tpu.memory_space<hbm>> -> memref<128xi32, #tpu.memory_space<hbm>>
    %dma_start3A_110 = arith.constant 0 : i32
    %dma_start3A_111 = tpu.memref_slice %arg5[%dma_start3A_105, %dma_start3A_110] : memref<32x128xi32, #tpu.memory_space<vmem>> -> memref<1x128xi32, #tpu.memory_space<vmem>>
    %dma_start3A_112 = tpu.memref_squeeze %dma_start3A_111 : memref<1x128xi32, #tpu.memory_space<vmem>> -> memref<128xi32, #tpu.memory_space<vmem>>
    %dma_start3A_113 = tpu.memref_slice %arg3[%add3A_104] : memref<131072xi32, #tpu.memory_space<hbm>> -> memref<128xi32, #tpu.memory_space<hbm>>
    tpu.enqueue_dma source(%dma_start3A_113 : memref<128xi32, #tpu.memory_space<hbm>>) target(%dma_start3A_112 : memref<128xi32, #tpu.memory_space<vmem>>) target_semaphore(%arg7 : memref<!tpu.dma_semaphore, #tpu.memory_space<semaphore_mem>>)
    %add3A_114 = arith.constant 896 : i32
    %add3A_115 = arith.addi %mul3A_37, %add3A_114 : i32
    %dma_start3A_116 = arith.constant 7 : i32
    %dma_start3A_117 = arith.constant 0 : i32
    %dma_start3A_118 = tpu.memref_slice %arg5[%dma_start3A_116, %dma_start3A_117] : memref<32x128xi32, #tpu.memory_space<vmem>> -> memref<1x128xi32, #tpu.memory_space<vmem>>
    %dma_start3A_119 = tpu.memref_squeeze %dma_start3A_118 : memref<1x128xi32, #tpu.memory_space<vmem>> -> memref<128xi32, #tpu.memory_space<vmem>>
    %dma_start3A_120 = tpu.memref_slice %arg3[%add3A_115] : memref<131072xi32, #tpu.memory_space<hbm>> -> memref<128xi32, #tpu.memory_space<hbm>>
    %dma_start3A_121 = arith.constant 0 : i32
    %dma_start3A_122 = tpu.memref_slice %arg5[%dma_start3A_116, %dma_start3A_121] : memref<32x128xi32, #tpu.memory_space<vmem>> -> memref<1x128xi32, #tpu.memory_space<vmem>>
    %dma_start3A_123 = tpu.memref_squeeze %dma_start3A_122 : memref<1x128xi32, #tpu.memory_space<vmem>> -> memref<128xi32, #tpu.memory_space<vmem>>
    %dma_start3A_124 = tpu.memref_slice %arg3[%add3A_115] : memref<131072xi32, #tpu.memory_space<hbm>> -> memref<128xi32, #tpu.memory_space<hbm>>
    tpu.enqueue_dma source(%dma_start3A_124 : memref<128xi32, #tpu.memory_space<hbm>>) target(%dma_start3A_123 : memref<128xi32, #tpu.memory_space<vmem>>) target_semaphore(%arg7 : memref<!tpu.dma_semaphore, #tpu.memory_space<semaphore_mem>>)
    %add3A_125 = arith.constant 1024 : i32
    %add3A_126 = arith.addi %mul3A_37, %add3A_125 : i32
    %dma_start3A_127 = arith.constant 8 : i32
    %dma_start3A_128 = arith.constant 0 : i32
    %dma_start3A_129 = tpu.memref_slice %arg5[%dma_start3A_127, %dma_start3A_128] : memref<32x128xi32, #tpu.memory_space<vmem>> -> memref<1x128xi32, #tpu.memory_space<vmem>>
    %dma_start3A_130 = tpu.memref_squeeze %dma_start3A_129 : memref<1x128xi32, #tpu.memory_space<vmem>> -> memref<128xi32, #tpu.memory_space<vmem>>
    %dma_start3A_131 = tpu.memref_slice %arg3[%add3A_126] : memref<131072xi32, #tpu.memory_space<hbm>> -> memref<128xi32, #tpu.memory_space<hbm>>
    %dma_start3A_132 = arith.constant 0 : i32
    %dma_start3A_133 = tpu.memref_slice %arg5[%dma_start3A_127, %dma_start3A_132] : memref<32x128xi32, #tpu.memory_space<vmem>> -> memref<1x128xi32, #tpu.memory_space<vmem>>
    %dma_start3A_134 = tpu.memref_squeeze %dma_start3A_133 : memref<1x128xi32, #tpu.memory_space<vmem>> -> memref<128xi32, #tpu.memory_space<vmem>>
    %dma_start3A_135 = tpu.memref_slice %arg3[%add3A_126] : memref<131072xi32, #tpu.memory_space<hbm>> -> memref<128xi32, #tpu.memory_space<hbm>>
    tpu.enqueue_dma source(%dma_start3A_135 : memref<128xi32, #tpu.memory_space<hbm>>) target(%dma_start3A_134 : memref<128xi32, #tpu.memory_space<vmem>>) target_semaphore(%arg7 : memref<!tpu.dma_semaphore, #tpu.memory_space<semaphore_mem>>)
    %add3A_136 = arith.constant 1152 : i32
    %add3A_137 = arith.addi %mul3A_37, %add3A_136 : i32
    %dma_start3A_138 = arith.constant 9 : i32
    %dma_start3A_139 = arith.constant 0 : i32
    %dma_start3A_140 = tpu.memref_slice %arg5[%dma_start3A_138, %dma_start3A_139] : memref<32x128xi32, #tpu.memory_space<vmem>> -> memref<1x128xi32, #tpu.memory_space<vmem>>
    %dma_start3A_141 = tpu.memref_squeeze %dma_start3A_140 : memref<1x128xi32, #tpu.memory_space<vmem>> -> memref<128xi32, #tpu.memory_space<vmem>>
    %dma_start3A_142 = tpu.memref_slice %arg3[%add3A_137] : memref<131072xi32, #tpu.memory_space<hbm>> -> memref<128xi32, #tpu.memory_space<hbm>>
    %dma_start3A_143 = arith.constant 0 : i32
    %dma_start3A_144 = tpu.memref_slice %arg5[%dma_start3A_138, %dma_start3A_143] : memref<32x128xi32, #tpu.memory_space<vmem>> -> memref<1x128xi32, #tpu.memory_space<vmem>>
    %dma_start3A_145 = tpu.memref_squeeze %dma_start3A_144 : memref<1x128xi32, #tpu.memory_space<vmem>> -> memref<128xi32, #tpu.memory_space<vmem>>
    %dma_start3A_146 = tpu.memref_slice %arg3[%add3A_137] : memref<131072xi32, #tpu.memory_space<hbm>> -> memref<128xi32, #tpu.memory_space<hbm>>
    tpu.enqueue_dma source(%dma_start3A_146 : memref<128xi32, #tpu.memory_space<hbm>>) target(%dma_start3A_145 : memref<128xi32, #tpu.memory_space<vmem>>) target_semaphore(%arg7 : memref<!tpu.dma_semaphore, #tpu.memory_space<semaphore_mem>>)
    %add3A_147 = arith.constant 1280 : i32
    %add3A_148 = arith.addi %mul3A_37, %add3A_147 : i32
    %dma_start3A_149 = arith.constant 10 : i32
    %dma_start3A_150 = arith.constant 0 : i32
    %dma_start3A_151 = tpu.memref_slice %arg5[%dma_start3A_149, %dma_start3A_150] : memref<32x128xi32, #tpu.memory_space<vmem>> -> memref<1x128xi32, #tpu.memory_space<vmem>>
    %dma_start3A_152 = tpu.memref_squeeze %dma_start3A_151 : memref<1x128xi32, #tpu.memory_space<vmem>> -> memref<128xi32, #tpu.memory_space<vmem>>
    %dma_start3A_153 = tpu.memref_slice %arg3[%add3A_148] : memref<131072xi32, #tpu.memory_space<hbm>> -> memref<128xi32, #tpu.memory_space<hbm>>
    %dma_start3A_154 = arith.constant 0 : i32
    %dma_start3A_155 = tpu.memref_slice %arg5[%dma_start3A_149, %dma_start3A_154] : memref<32x128xi32, #tpu.memory_space<vmem>> -> memref<1x128xi32, #tpu.memory_space<vmem>>
    %dma_start3A_156 = tpu.memref_squeeze %dma_start3A_155 : memref<1x128xi32, #tpu.memory_space<vmem>> -> memref<128xi32, #tpu.memory_space<vmem>>
    %dma_start3A_157 = tpu.memref_slice %arg3[%add3A_148] : memref<131072xi32, #tpu.memory_space<hbm>> -> memref<128xi32, #tpu.memory_space<hbm>>
    tpu.enqueue_dma source(%dma_start3A_157 : memref<128xi32, #tpu.memory_space<hbm>>) target(%dma_start3A_156 : memref<128xi32, #tpu.memory_space<vmem>>) target_semaphore(%arg7 : memref<!tpu.dma_semaphore, #tpu.memory_space<semaphore_mem>>)
    %add3A_158 = arith.constant 1408 : i32
    %add3A_159 = arith.addi %mul3A_37, %add3A_158 : i32
    %dma_start3A_160 = arith.constant 11 : i32
    %dma_start3A_161 = arith.constant 0 : i32
    %dma_start3A_162 = tpu.memref_slice %arg5[%dma_start3A_160, %dma_start3A_161] : memref<32x128xi32, #tpu.memory_space<vmem>> -> memref<1x128xi32, #tpu.memory_space<vmem>>
    %dma_start3A_163 = tpu.memref_squeeze %dma_start3A_162 : memref<1x128xi32, #tpu.memory_space<vmem>> -> memref<128xi32, #tpu.memory_space<vmem>>
    %dma_start3A_164 = tpu.memref_slice %arg3[%add3A_159] : memref<131072xi32, #tpu.memory_space<hbm>> -> memref<128xi32, #tpu.memory_space<hbm>>
    %dma_start3A_165 = arith.constant 0 : i32
    %dma_start3A_166 = tpu.memref_slice %arg5[%dma_start3A_160, %dma_start3A_165] : memref<32x128xi32, #tpu.memory_space<vmem>> -> memref<1x128xi32, #tpu.memory_space<vmem>>
    %dma_start3A_167 = tpu.memref_squeeze %dma_start3A_166 : memref<1x128xi32, #tpu.memory_space<vmem>> -> memref<128xi32, #tpu.memory_space<vmem>>
    %dma_start3A_168 = tpu.memref_slice %arg3[%add3A_159] : memref<131072xi32, #tpu.memory_space<hbm>> -> memref<128xi32, #tpu.memory_space<hbm>>
    tpu.enqueue_dma source(%dma_start3A_168 : memref<128xi32, #tpu.memory_space<hbm>>) target(%dma_start3A_167 : memref<128xi32, #tpu.memory_space<vmem>>) target_semaphore(%arg7 : memref<!tpu.dma_semaphore, #tpu.memory_space<semaphore_mem>>)
    %add3A_169 = arith.constant 1536 : i32
    %add3A_170 = arith.addi %mul3A_37, %add3A_169 : i32
    %dma_start3A_171 = arith.constant 12 : i32
    %dma_start3A_172 = arith.constant 0 : i32
    %dma_start3A_173 = tpu.memref_slice %arg5[%dma_start3A_171, %dma_start3A_172] : memref<32x128xi32, #tpu.memory_space<vmem>> -> memref<1x128xi32, #tpu.memory_space<vmem>>
    %dma_start3A_174 = tpu.memref_squeeze %dma_start3A_173 : memref<1x128xi32, #tpu.memory_space<vmem>> -> memref<128xi32, #tpu.memory_space<vmem>>
    %dma_start3A_175 = tpu.memref_slice %arg3[%add3A_170] : memref<131072xi32, #tpu.memory_space<hbm>> -> memref<128xi32, #tpu.memory_space<hbm>>
    %dma_start3A_176 = arith.constant 0 : i32
    %dma_start3A_177 = tpu.memref_slice %arg5[%dma_start3A_171, %dma_start3A_176] : memref<32x128xi32, #tpu.memory_space<vmem>> -> memref<1x128xi32, #tpu.memory_space<vmem>>
    %dma_start3A_178 = tpu.memref_squeeze %dma_start3A_177 : memref<1x128xi32, #tpu.memory_space<vmem>> -> memref<128xi32, #tpu.memory_space<vmem>>
    %dma_start3A_179 = tpu.memref_slice %arg3[%add3A_170] : memref<131072xi32, #tpu.memory_space<hbm>> -> memref<128xi32, #tpu.memory_space<hbm>>
    tpu.enqueue_dma source(%dma_start3A_179 : memref<128xi32, #tpu.memory_space<hbm>>) target(%dma_start3A_178 : memref<128xi32, #tpu.memory_space<vmem>>) target_semaphore(%arg7 : memref<!tpu.dma_semaphore, #tpu.memory_space<semaphore_mem>>)
    %add3A_180 = arith.constant 1664 : i32
    %add3A_181 = arith.addi %mul3A_37, %add3A_180 : i32
    %dma_start3A_182 = arith.constant 13 : i32
    %dma_start3A_183 = arith.constant 0 : i32
    %dma_start3A_184 = tpu.memref_slice %arg5[%dma_start3A_182, %dma_start3A_183] : memref<32x128xi32, #tpu.memory_space<vmem>> -> memref<1x128xi32, #tpu.memory_space<vmem>>
    %dma_start3A_185 = tpu.memref_squeeze %dma_start3A_184 : memref<1x128xi32, #tpu.memory_space<vmem>> -> memref<128xi32, #tpu.memory_space<vmem>>
    %dma_start3A_186 = tpu.memref_slice %arg3[%add3A_181] : memref<131072xi32, #tpu.memory_space<hbm>> -> memref<128xi32, #tpu.memory_space<hbm>>
    %dma_start3A_187 = arith.constant 0 : i32
    %dma_start3A_188 = tpu.memref_slice %arg5[%dma_start3A_182, %dma_start3A_187] : memref<32x128xi32, #tpu.memory_space<vmem>> -> memref<1x128xi32, #tpu.memory_space<vmem>>
    %dma_start3A_189 = tpu.memref_squeeze %dma_start3A_188 : memref<1x128xi32, #tpu.memory_space<vmem>> -> memref<128xi32, #tpu.memory_space<vmem>>
    %dma_start3A_190 = tpu.memref_slice %arg3[%add3A_181] : memref<131072xi32, #tpu.memory_space<hbm>> -> memref<128xi32, #tpu.memory_space<hbm>>
    tpu.enqueue_dma source(%dma_start3A_190 : memref<128xi32, #tpu.memory_space<hbm>>) target(%dma_start3A_189 : memref<128xi32, #tpu.memory_space<vmem>>) target_semaphore(%arg7 : memref<!tpu.dma_semaphore, #tpu.memory_space<semaphore_mem>>)
    %add3A_191 = arith.constant 1792 : i32
    %add3A_192 = arith.addi %mul3A_37, %add3A_191 : i32
    %dma_start3A_193 = arith.constant 14 : i32
    %dma_start3A_194 = arith.constant 0 : i32
    %dma_start3A_195 = tpu.memref_slice %arg5[%dma_start3A_193, %dma_start3A_194] : memref<32x128xi32, #tpu.memory_space<vmem>> -> memref<1x128xi32, #tpu.memory_space<vmem>>
    %dma_start3A_196 = tpu.memref_squeeze %dma_start3A_195 : memref<1x128xi32, #tpu.memory_space<vmem>> -> memref<128xi32, #tpu.memory_space<vmem>>
    %dma_start3A_197 = tpu.memref_slice %arg3[%add3A_192] : memref<131072xi32, #tpu.memory_space<hbm>> -> memref<128xi32, #tpu.memory_space<hbm>>
    %dma_start3A_198 = arith.constant 0 : i32
    %dma_start3A_199 = tpu.memref_slice %arg5[%dma_start3A_193, %dma_start3A_198] : memref<32x128xi32, #tpu.memory_space<vmem>> -> memref<1x128xi32, #tpu.memory_space<vmem>>
    %dma_start3A_200 = tpu.memref_squeeze %dma_start3A_199 : memref<1x128xi32, #tpu.memory_space<vmem>> -> memref<128xi32, #tpu.memory_space<vmem>>
    %dma_start3A_201 = tpu.memref_slice %arg3[%add3A_192] : memref<131072xi32, #tpu.memory_space<hbm>> -> memref<128xi32, #tpu.memory_space<hbm>>
    tpu.enqueue_dma source(%dma_start3A_201 : memref<128xi32, #tpu.memory_space<hbm>>) target(%dma_start3A_200 : memref<128xi32, #tpu.memory_space<vmem>>) target_semaphore(%arg7 : memref<!tpu.dma_semaphore, #tpu.memory_space<semaphore_mem>>)
    %add3A_202 = arith.constant 1920 : i32
    %add3A_203 = arith.addi %mul3A_37, %add3A_202 : i32
    %dma_start3A_204 = arith.constant 15 : i32
    %dma_start3A_205 = arith.constant 0 : i32
    %dma_start3A_206 = tpu.memref_slice %arg5[%dma_start3A_204, %dma_start3A_205] : memref<32x128xi32, #tpu.memory_space<vmem>> -> memref<1x128xi32, #tpu.memory_space<vmem>>
    %dma_start3A_207 = tpu.memref_squeeze %dma_start3A_206 : memref<1x128xi32, #tpu.memory_space<vmem>> -> memref<128xi32, #tpu.memory_space<vmem>>
    %dma_start3A_208 = tpu.memref_slice %arg3[%add3A_203] : memref<131072xi32, #tpu.memory_space<hbm>> -> memref<128xi32, #tpu.memory_space<hbm>>
    %dma_start3A_209 = arith.constant 0 : i32
    %dma_start3A_210 = tpu.memref_slice %arg5[%dma_start3A_204, %dma_start3A_209] : memref<32x128xi32, #tpu.memory_space<vmem>> -> memref<1x128xi32, #tpu.memory_space<vmem>>
    %dma_start3A_211 = tpu.memref_squeeze %dma_start3A_210 : memref<1x128xi32, #tpu.memory_space<vmem>> -> memref<128xi32, #tpu.memory_space<vmem>>
    %dma_start3A_212 = tpu.memref_slice %arg3[%add3A_203] : memref<131072xi32, #tpu.memory_space<hbm>> -> memref<128xi32, #tpu.memory_space<hbm>>
    tpu.enqueue_dma source(%dma_start3A_212 : memref<128xi32, #tpu.memory_space<hbm>>) target(%dma_start3A_211 : memref<128xi32, #tpu.memory_space<vmem>>) target_semaphore(%arg7 : memref<!tpu.dma_semaphore, #tpu.memory_space<semaphore_mem>>)
    %add3A_213 = arith.constant 2048 : i32
    %add3A_214 = arith.addi %mul3A_37, %add3A_213 : i32
    %dma_start3A_215 = arith.constant 16 : i32
    %dma_start3A_216 = arith.constant 0 : i32
    %dma_start3A_217 = tpu.memref_slice %arg5[%dma_start3A_215, %dma_start3A_216] : memref<32x128xi32, #tpu.memory_space<vmem>> -> memref<1x128xi32, #tpu.memory_space<vmem>>
    %dma_start3A_218 = tpu.memref_squeeze %dma_start3A_217 : memref<1x128xi32, #tpu.memory_space<vmem>> -> memref<128xi32, #tpu.memory_space<vmem>>
    %dma_start3A_219 = tpu.memref_slice %arg3[%add3A_214] : memref<131072xi32, #tpu.memory_space<hbm>> -> memref<128xi32, #tpu.memory_space<hbm>>
    %dma_start3A_220 = arith.constant 0 : i32
    %dma_start3A_221 = tpu.memref_slice %arg5[%dma_start3A_215, %dma_start3A_220] : memref<32x128xi32, #tpu.memory_space<vmem>> -> memref<1x128xi32, #tpu.memory_space<vmem>>
    %dma_start3A_222 = tpu.memref_squeeze %dma_start3A_221 : memref<1x128xi32, #tpu.memory_space<vmem>> -> memref<128xi32, #tpu.memory_space<vmem>>
    %dma_start3A_223 = tpu.memref_slice %arg3[%add3A_214] : memref<131072xi32, #tpu.memory_space<hbm>> -> memref<128xi32, #tpu.memory_space<hbm>>
    tpu.enqueue_dma source(%dma_start3A_223 : memref<128xi32, #tpu.memory_space<hbm>>) target(%dma_start3A_222 : memref<128xi32, #tpu.memory_space<vmem>>) target_semaphore(%arg7 : memref<!tpu.dma_semaphore, #tpu.memory_space<semaphore_mem>>)
    %add3A_224 = arith.constant 2176 : i32
    %add3A_225 = arith.addi %mul3A_37, %add3A_224 : i32
    %dma_start3A_226 = arith.constant 17 : i32
    %dma_start3A_227 = arith.constant 0 : i32
    %dma_start3A_228 = tpu.memref_slice %arg5[%dma_start3A_226, %dma_start3A_227] : memref<32x128xi32, #tpu.memory_space<vmem>> -> memref<1x128xi32, #tpu.memory_space<vmem>>
    %dma_start3A_229 = tpu.memref_squeeze %dma_start3A_228 : memref<1x128xi32, #tpu.memory_space<vmem>> -> memref<128xi32, #tpu.memory_space<vmem>>
    %dma_start3A_230 = tpu.memref_slice %arg3[%add3A_225] : memref<131072xi32, #tpu.memory_space<hbm>> -> memref<128xi32, #tpu.memory_space<hbm>>
    %dma_start3A_231 = arith.constant 0 : i32
    %dma_start3A_232 = tpu.memref_slice %arg5[%dma_start3A_226, %dma_start3A_231] : memref<32x128xi32, #tpu.memory_space<vmem>> -> memref<1x128xi32, #tpu.memory_space<vmem>>
    %dma_start3A_233 = tpu.memref_squeeze %dma_start3A_232 : memref<1x128xi32, #tpu.memory_space<vmem>> -> memref<128xi32, #tpu.memory_space<vmem>>
    %dma_start3A_234 = tpu.memref_slice %arg3[%add3A_225] : memref<131072xi32, #tpu.memory_space<hbm>> -> memref<128xi32, #tpu.memory_space<hbm>>
    tpu.enqueue_dma source(%dma_start3A_234 : memref<128xi32, #tpu.memory_space<hbm>>) target(%dma_start3A_233 : memref<128xi32, #tpu.memory_space<vmem>>) target_semaphore(%arg7 : memref<!tpu.dma_semaphore, #tpu.memory_space<semaphore_mem>>)
    %add3A_235 = arith.constant 2304 : i32
    %add3A_236 = arith.addi %mul3A_37, %add3A_235 : i32
    %dma_start3A_237 = arith.constant 18 : i32
    %dma_start3A_238 = arith.constant 0 : i32
    %dma_start3A_239 = tpu.memref_slice %arg5[%dma_start3A_237, %dma_start3A_238] : memref<32x128xi32, #tpu.memory_space<vmem>> -> memref<1x128xi32, #tpu.memory_space<vmem>>
    %dma_start3A_240 = tpu.memref_squeeze %dma_start3A_239 : memref<1x128xi32, #tpu.memory_space<vmem>> -> memref<128xi32, #tpu.memory_space<vmem>>
    %dma_start3A_241 = tpu.memref_slice %arg3[%add3A_236] : memref<131072xi32, #tpu.memory_space<hbm>> -> memref<128xi32, #tpu.memory_space<hbm>>
    %dma_start3A_242 = arith.constant 0 : i32
    %dma_start3A_243 = tpu.memref_slice %arg5[%dma_start3A_237, %dma_start3A_242] : memref<32x128xi32, #tpu.memory_space<vmem>> -> memref<1x128xi32, #tpu.memory_space<vmem>>
    %dma_start3A_244 = tpu.memref_squeeze %dma_start3A_243 : memref<1x128xi32, #tpu.memory_space<vmem>> -> memref<128xi32, #tpu.memory_space<vmem>>
    %dma_start3A_245 = tpu.memref_slice %arg3[%add3A_236] : memref<131072xi32, #tpu.memory_space<hbm>> -> memref<128xi32, #tpu.memory_space<hbm>>
    tpu.enqueue_dma source(%dma_start3A_245 : memref<128xi32, #tpu.memory_space<hbm>>) target(%dma_start3A_244 : memref<128xi32, #tpu.memory_space<vmem>>) target_semaphore(%arg7 : memref<!tpu.dma_semaphore, #tpu.memory_space<semaphore_mem>>)
    %add3A_246 = arith.constant 2432 : i32
    %add3A_247 = arith.addi %mul3A_37, %add3A_246 : i32
    %dma_start3A_248 = arith.constant 19 : i32
    %dma_start3A_249 = arith.constant 0 : i32
    %dma_start3A_250 = tpu.memref_slice %arg5[%dma_start3A_248, %dma_start3A_249] : memref<32x128xi32, #tpu.memory_space<vmem>> -> memref<1x128xi32, #tpu.memory_space<vmem>>
    %dma_start3A_251 = tpu.memref_squeeze %dma_start3A_250 : memref<1x128xi32, #tpu.memory_space<vmem>> -> memref<128xi32, #tpu.memory_space<vmem>>
    %dma_start3A_252 = tpu.memref_slice %arg3[%add3A_247] : memref<131072xi32, #tpu.memory_space<hbm>> -> memref<128xi32, #tpu.memory_space<hbm>>
    %dma_start3A_253 = arith.constant 0 : i32
    %dma_start3A_254 = tpu.memref_slice %arg5[%dma_start3A_248, %dma_start3A_253] : memref<32x128xi32, #tpu.memory_space<vmem>> -> memref<1x128xi32, #tpu.memory_space<vmem>>
    %dma_start3A_255 = tpu.memref_squeeze %dma_start3A_254 : memref<1x128xi32, #tpu.memory_space<vmem>> -> memref<128xi32, #tpu.memory_space<vmem>>
    %dma_start3A_256 = tpu.memref_slice %arg3[%add3A_247] : memref<131072xi32, #tpu.memory_space<hbm>> -> memref<128xi32, #tpu.memory_space<hbm>>
    tpu.enqueue_dma source(%dma_start3A_256 : memref<128xi32, #tpu.memory_space<hbm>>) target(%dma_start3A_255 : memref<128xi32, #tpu.memory_space<vmem>>) target_semaphore(%arg7 : memref<!tpu.dma_semaphore, #tpu.memory_space<semaphore_mem>>)
    %add3A_257 = arith.constant 2560 : i32
    %add3A_258 = arith.addi %mul3A_37, %add3A_257 : i32
    %dma_start3A_259 = arith.constant 20 : i32
    %dma_start3A_260 = arith.constant 0 : i32
    %dma_start3A_261 = tpu.memref_slice %arg5[%dma_start3A_259, %dma_start3A_260] : memref<32x128xi32, #tpu.memory_space<vmem>> -> memref<1x128xi32, #tpu.memory_space<vmem>>
    %dma_start3A_262 = tpu.memref_squeeze %dma_start3A_261 : memref<1x128xi32, #tpu.memory_space<vmem>> -> memref<128xi32, #tpu.memory_space<vmem>>
    %dma_start3A_263 = tpu.memref_slice %arg3[%add3A_258] : memref<131072xi32, #tpu.memory_space<hbm>> -> memref<128xi32, #tpu.memory_space<hbm>>
    %dma_start3A_264 = arith.constant 0 : i32
    %dma_start3A_265 = tpu.memref_slice %arg5[%dma_start3A_259, %dma_start3A_264] : memref<32x128xi32, #tpu.memory_space<vmem>> -> memref<1x128xi32, #tpu.memory_space<vmem>>
    %dma_start3A_266 = tpu.memref_squeeze %dma_start3A_265 : memref<1x128xi32, #tpu.memory_space<vmem>> -> memref<128xi32, #tpu.memory_space<vmem>>
    %dma_start3A_267 = tpu.memref_slice %arg3[%add3A_258] : memref<131072xi32, #tpu.memory_space<hbm>> -> memref<128xi32, #tpu.memory_space<hbm>>
    tpu.enqueue_dma source(%dma_start3A_267 : memref<128xi32, #tpu.memory_space<hbm>>) target(%dma_start3A_266 : memref<128xi32, #tpu.memory_space<vmem>>) target_semaphore(%arg7 : memref<!tpu.dma_semaphore, #tpu.memory_space<semaphore_mem>>)
    %add3A_268 = arith.constant 2688 : i32
    %add3A_269 = arith.addi %mul3A_37, %add3A_268 : i32
    %dma_start3A_270 = arith.constant 21 : i32
    %dma_start3A_271 = arith.constant 0 : i32
    %dma_start3A_272 = tpu.memref_slice %arg5[%dma_start3A_270, %dma_start3A_271] : memref<32x128xi32, #tpu.memory_space<vmem>> -> memref<1x128xi32, #tpu.memory_space<vmem>>
    %dma_start3A_273 = tpu.memref_squeeze %dma_start3A_272 : memref<1x128xi32, #tpu.memory_space<vmem>> -> memref<128xi32, #tpu.memory_space<vmem>>
    %dma_start3A_274 = tpu.memref_slice %arg3[%add3A_269] : memref<131072xi32, #tpu.memory_space<hbm>> -> memref<128xi32, #tpu.memory_space<hbm>>
    %dma_start3A_275 = arith.constant 0 : i32
    %dma_start3A_276 = tpu.memref_slice %arg5[%dma_start3A_270, %dma_start3A_275] : memref<32x128xi32, #tpu.memory_space<vmem>> -> memref<1x128xi32, #tpu.memory_space<vmem>>
    %dma_start3A_277 = tpu.memref_squeeze %dma_start3A_276 : memref<1x128xi32, #tpu.memory_space<vmem>> -> memref<128xi32, #tpu.memory_space<vmem>>
    %dma_start3A_278 = tpu.memref_slice %arg3[%add3A_269] : memref<131072xi32, #tpu.memory_space<hbm>> -> memref<128xi32, #tpu.memory_space<hbm>>
    tpu.enqueue_dma source(%dma_start3A_278 : memref<128xi32, #tpu.memory_space<hbm>>) target(%dma_start3A_277 : memref<128xi32, #tpu.memory_space<vmem>>) target_semaphore(%arg7 : memref<!tpu.dma_semaphore, #tpu.memory_space<semaphore_mem>>)
    %add3A_279 = arith.constant 2816 : i32
    %add3A_280 = arith.addi %mul3A_37, %add3A_279 : i32
    %dma_start3A_281 = arith.constant 22 : i32
    %dma_start3A_282 = arith.constant 0 : i32
    %dma_start3A_283 = tpu.memref_slice %arg5[%dma_start3A_281, %dma_start3A_282] : memref<32x128xi32, #tpu.memory_space<vmem>> -> memref<1x128xi32, #tpu.memory_space<vmem>>
    %dma_start3A_284 = tpu.memref_squeeze %dma_start3A_283 : memref<1x128xi32, #tpu.memory_space<vmem>> -> memref<128xi32, #tpu.memory_space<vmem>>
    %dma_start3A_285 = tpu.memref_slice %arg3[%add3A_280] : memref<131072xi32, #tpu.memory_space<hbm>> -> memref<128xi32, #tpu.memory_space<hbm>>
    %dma_start3A_286 = arith.constant 0 : i32
    %dma_start3A_287 = tpu.memref_slice %arg5[%dma_start3A_281, %dma_start3A_286] : memref<32x128xi32, #tpu.memory_space<vmem>> -> memref<1x128xi32, #tpu.memory_space<vmem>>
    %dma_start3A_288 = tpu.memref_squeeze %dma_start3A_287 : memref<1x128xi32, #tpu.memory_space<vmem>> -> memref<128xi32, #tpu.memory_space<vmem>>
    %dma_start3A_289 = tpu.memref_slice %arg3[%add3A_280] : memref<131072xi32, #tpu.memory_space<hbm>> -> memref<128xi32, #tpu.memory_space<hbm>>
    tpu.enqueue_dma source(%dma_start3A_289 : memref<128xi32, #tpu.memory_space<hbm>>) target(%dma_start3A_288 : memref<128xi32, #tpu.memory_space<vmem>>) target_semaphore(%arg7 : memref<!tpu.dma_semaphore, #tpu.memory_space<semaphore_mem>>)
    %add3A_290 = arith.constant 2944 : i32
    %add3A_291 = arith.addi %mul3A_37, %add3A_290 : i32
    %dma_start3A_292 = arith.constant 23 : i32
    %dma_start3A_293 = arith.constant 0 : i32
    %dma_start3A_294 = tpu.memref_slice %arg5[%dma_start3A_292, %dma_start3A_293] : memref<32x128xi32, #tpu.memory_space<vmem>> -> memref<1x128xi32, #tpu.memory_space<vmem>>
    %dma_start3A_295 = tpu.memref_squeeze %dma_start3A_294 : memref<1x128xi32, #tpu.memory_space<vmem>> -> memref<128xi32, #tpu.memory_space<vmem>>
    %dma_start3A_296 = tpu.memref_slice %arg3[%add3A_291] : memref<131072xi32, #tpu.memory_space<hbm>> -> memref<128xi32, #tpu.memory_space<hbm>>
    %dma_start3A_297 = arith.constant 0 : i32
    %dma_start3A_298 = tpu.memref_slice %arg5[%dma_start3A_292, %dma_start3A_297] : memref<32x128xi32, #tpu.memory_space<vmem>> -> memref<1x128xi32, #tpu.memory_space<vmem>>
    %dma_start3A_299 = tpu.memref_squeeze %dma_start3A_298 : memref<1x128xi32, #tpu.memory_space<vmem>> -> memref<128xi32, #tpu.memory_space<vmem>>
    %dma_start3A_300 = tpu.memref_slice %arg3[%add3A_291] : memref<131072xi32, #tpu.memory_space<hbm>> -> memref<128xi32, #tpu.memory_space<hbm>>
    tpu.enqueue_dma source(%dma_start3A_300 : memref<128xi32, #tpu.memory_space<hbm>>) target(%dma_start3A_299 : memref<128xi32, #tpu.memory_space<vmem>>) target_semaphore(%arg7 : memref<!tpu.dma_semaphore, #tpu.memory_space<semaphore_mem>>)
    %add3A_301 = arith.constant 3072 : i32
    %add3A_302 = arith.addi %mul3A_37, %add3A_301 : i32
    %dma_start3A_303 = arith.constant 24 : i32
    %dma_start3A_304 = arith.constant 0 : i32
    %dma_start3A_305 = tpu.memref_slice %arg5[%dma_start3A_303, %dma_start3A_304] : memref<32x128xi32, #tpu.memory_space<vmem>> -> memref<1x128xi32, #tpu.memory_space<vmem>>
    %dma_start3A_306 = tpu.memref_squeeze %dma_start3A_305 : memref<1x128xi32, #tpu.memory_space<vmem>> -> memref<128xi32, #tpu.memory_space<vmem>>
    %dma_start3A_307 = tpu.memref_slice %arg3[%add3A_302] : memref<131072xi32, #tpu.memory_space<hbm>> -> memref<128xi32, #tpu.memory_space<hbm>>
    %dma_start3A_308 = arith.constant 0 : i32
    %dma_start3A_309 = tpu.memref_slice %arg5[%dma_start3A_303, %dma_start3A_308] : memref<32x128xi32, #tpu.memory_space<vmem>> -> memref<1x128xi32, #tpu.memory_space<vmem>>
    %dma_start3A_310 = tpu.memref_squeeze %dma_start3A_309 : memref<1x128xi32, #tpu.memory_space<vmem>> -> memref<128xi32, #tpu.memory_space<vmem>>
    %dma_start3A_311 = tpu.memref_slice %arg3[%add3A_302] : memref<131072xi32, #tpu.memory_space<hbm>> -> memref<128xi32, #tpu.memory_space<hbm>>
    tpu.enqueue_dma source(%dma_start3A_311 : memref<128xi32, #tpu.memory_space<hbm>>) target(%dma_start3A_310 : memref<128xi32, #tpu.memory_space<vmem>>) target_semaphore(%arg7 : memref<!tpu.dma_semaphore, #tpu.memory_space<semaphore_mem>>)
    %add3A_312 = arith.constant 3200 : i32
    %add3A_313 = arith.addi %mul3A_37, %add3A_312 : i32
    %dma_start3A_314 = arith.constant 25 : i32
    %dma_start3A_315 = arith.constant 0 : i32
    %dma_start3A_316 = tpu.memref_slice %arg5[%dma_start3A_314, %dma_start3A_315] : memref<32x128xi32, #tpu.memory_space<vmem>> -> memref<1x128xi32, #tpu.memory_space<vmem>>
    %dma_start3A_317 = tpu.memref_squeeze %dma_start3A_316 : memref<1x128xi32, #tpu.memory_space<vmem>> -> memref<128xi32, #tpu.memory_space<vmem>>
    %dma_start3A_318 = tpu.memref_slice %arg3[%add3A_313] : memref<131072xi32, #tpu.memory_space<hbm>> -> memref<128xi32, #tpu.memory_space<hbm>>
    %dma_start3A_319 = arith.constant 0 : i32
    %dma_start3A_320 = tpu.memref_slice %arg5[%dma_start3A_314, %dma_start3A_319] : memref<32x128xi32, #tpu.memory_space<vmem>> -> memref<1x128xi32, #tpu.memory_space<vmem>>
    %dma_start3A_321 = tpu.memref_squeeze %dma_start3A_320 : memref<1x128xi32, #tpu.memory_space<vmem>> -> memref<128xi32, #tpu.memory_space<vmem>>
    %dma_start3A_322 = tpu.memref_slice %arg3[%add3A_313] : memref<131072xi32, #tpu.memory_space<hbm>> -> memref<128xi32, #tpu.memory_space<hbm>>
    tpu.enqueue_dma source(%dma_start3A_322 : memref<128xi32, #tpu.memory_space<hbm>>) target(%dma_start3A_321 : memref<128xi32, #tpu.memory_space<vmem>>) target_semaphore(%arg7 : memref<!tpu.dma_semaphore, #tpu.memory_space<semaphore_mem>>)
    %add3A_323 = arith.constant 3328 : i32
    %add3A_324 = arith.addi %mul3A_37, %add3A_323 : i32
    %dma_start3A_325 = arith.constant 26 : i32
    %dma_start3A_326 = arith.constant 0 : i32
    %dma_start3A_327 = tpu.memref_slice %arg5[%dma_start3A_325, %dma_start3A_326] : memref<32x128xi32, #tpu.memory_space<vmem>> -> memref<1x128xi32, #tpu.memory_space<vmem>>
    %dma_start3A_328 = tpu.memref_squeeze %dma_start3A_327 : memref<1x128xi32, #tpu.memory_space<vmem>> -> memref<128xi32, #tpu.memory_space<vmem>>
    %dma_start3A_329 = tpu.memref_slice %arg3[%add3A_324] : memref<131072xi32, #tpu.memory_space<hbm>> -> memref<128xi32, #tpu.memory_space<hbm>>
    %dma_start3A_330 = arith.constant 0 : i32
    %dma_start3A_331 = tpu.memref_slice %arg5[%dma_start3A_325, %dma_start3A_330] : memref<32x128xi32, #tpu.memory_space<vmem>> -> memref<1x128xi32, #tpu.memory_space<vmem>>
    %dma_start3A_332 = tpu.memref_squeeze %dma_start3A_331 : memref<1x128xi32, #tpu.memory_space<vmem>> -> memref<128xi32, #tpu.memory_space<vmem>>
    %dma_start3A_333 = tpu.memref_slice %arg3[%add3A_324] : memref<131072xi32, #tpu.memory_space<hbm>> -> memref<128xi32, #tpu.memory_space<hbm>>
    tpu.enqueue_dma source(%dma_start3A_333 : memref<128xi32, #tpu.memory_space<hbm>>) target(%dma_start3A_332 : memref<128xi32, #tpu.memory_space<vmem>>) target_semaphore(%arg7 : memref<!tpu.dma_semaphore, #tpu.memory_space<semaphore_mem>>)
    %add3A_334 = arith.constant 3456 : i32
    %add3A_335 = arith.addi %mul3A_37, %add3A_334 : i32
    %dma_start3A_336 = arith.constant 27 : i32
    %dma_start3A_337 = arith.constant 0 : i32
    %dma_start3A_338 = tpu.memref_slice %arg5[%dma_start3A_336, %dma_start3A_337] : memref<32x128xi32, #tpu.memory_space<vmem>> -> memref<1x128xi32, #tpu.memory_space<vmem>>
    %dma_start3A_339 = tpu.memref_squeeze %dma_start3A_338 : memref<1x128xi32, #tpu.memory_space<vmem>> -> memref<128xi32, #tpu.memory_space<vmem>>
    %dma_start3A_340 = tpu.memref_slice %arg3[%add3A_335] : memref<131072xi32, #tpu.memory_space<hbm>> -> memref<128xi32, #tpu.memory_space<hbm>>
    %dma_start3A_341 = arith.constant 0 : i32
    %dma_start3A_342 = tpu.memref_slice %arg5[%dma_start3A_336, %dma_start3A_341] : memref<32x128xi32, #tpu.memory_space<vmem>> -> memref<1x128xi32, #tpu.memory_space<vmem>>
    %dma_start3A_343 = tpu.memref_squeeze %dma_start3A_342 : memref<1x128xi32, #tpu.memory_space<vmem>> -> memref<128xi32, #tpu.memory_space<vmem>>
    %dma_start3A_344 = tpu.memref_slice %arg3[%add3A_335] : memref<131072xi32, #tpu.memory_space<hbm>> -> memref<128xi32, #tpu.memory_space<hbm>>
    tpu.enqueue_dma source(%dma_start3A_344 : memref<128xi32, #tpu.memory_space<hbm>>) target(%dma_start3A_343 : memref<128xi32, #tpu.memory_space<vmem>>) target_semaphore(%arg7 : memref<!tpu.dma_semaphore, #tpu.memory_space<semaphore_mem>>)
    %add3A_345 = arith.constant 3584 : i32
    %add3A_346 = arith.addi %mul3A_37, %add3A_345 : i32
    %dma_start3A_347 = arith.constant 28 : i32
    %dma_start3A_348 = arith.constant 0 : i32
    %dma_start3A_349 = tpu.memref_slice %arg5[%dma_start3A_347, %dma_start3A_348] : memref<32x128xi32, #tpu.memory_space<vmem>> -> memref<1x128xi32, #tpu.memory_space<vmem>>
    %dma_start3A_350 = tpu.memref_squeeze %dma_start3A_349 : memref<1x128xi32, #tpu.memory_space<vmem>> -> memref<128xi32, #tpu.memory_space<vmem>>
    %dma_start3A_351 = tpu.memref_slice %arg3[%add3A_346] : memref<131072xi32, #tpu.memory_space<hbm>> -> memref<128xi32, #tpu.memory_space<hbm>>
    %dma_start3A_352 = arith.constant 0 : i32
    %dma_start3A_353 = tpu.memref_slice %arg5[%dma_start3A_347, %dma_start3A_352] : memref<32x128xi32, #tpu.memory_space<vmem>> -> memref<1x128xi32, #tpu.memory_space<vmem>>
    %dma_start3A_354 = tpu.memref_squeeze %dma_start3A_353 : memref<1x128xi32, #tpu.memory_space<vmem>> -> memref<128xi32, #tpu.memory_space<vmem>>
    %dma_start3A_355 = tpu.memref_slice %arg3[%add3A_346] : memref<131072xi32, #tpu.memory_space<hbm>> -> memref<128xi32, #tpu.memory_space<hbm>>
    tpu.enqueue_dma source(%dma_start3A_355 : memref<128xi32, #tpu.memory_space<hbm>>) target(%dma_start3A_354 : memref<128xi32, #tpu.memory_space<vmem>>) target_semaphore(%arg7 : memref<!tpu.dma_semaphore, #tpu.memory_space<semaphore_mem>>)
    %add3A_356 = arith.constant 3712 : i32
    %add3A_357 = arith.addi %mul3A_37, %add3A_356 : i32
    %dma_start3A_358 = arith.constant 29 : i32
    %dma_start3A_359 = arith.constant 0 : i32
    %dma_start3A_360 = tpu.memref_slice %arg5[%dma_start3A_358, %dma_start3A_359] : memref<32x128xi32, #tpu.memory_space<vmem>> -> memref<1x128xi32, #tpu.memory_space<vmem>>
    %dma_start3A_361 = tpu.memref_squeeze %dma_start3A_360 : memref<1x128xi32, #tpu.memory_space<vmem>> -> memref<128xi32, #tpu.memory_space<vmem>>
    %dma_start3A_362 = tpu.memref_slice %arg3[%add3A_357] : memref<131072xi32, #tpu.memory_space<hbm>> -> memref<128xi32, #tpu.memory_space<hbm>>
    %dma_start3A_363 = arith.constant 0 : i32
    %dma_start3A_364 = tpu.memref_slice %arg5[%dma_start3A_358, %dma_start3A_363] : memref<32x128xi32, #tpu.memory_space<vmem>> -> memref<1x128xi32, #tpu.memory_space<vmem>>
    %dma_start3A_365 = tpu.memref_squeeze %dma_start3A_364 : memref<1x128xi32, #tpu.memory_space<vmem>> -> memref<128xi32, #tpu.memory_space<vmem>>
    %dma_start3A_366 = tpu.memref_slice %arg3[%add3A_357] : memref<131072xi32, #tpu.memory_space<hbm>> -> memref<128xi32, #tpu.memory_space<hbm>>
    tpu.enqueue_dma source(%dma_start3A_366 : memref<128xi32, #tpu.memory_space<hbm>>) target(%dma_start3A_365 : memref<128xi32, #tpu.memory_space<vmem>>) target_semaphore(%arg7 : memref<!tpu.dma_semaphore, #tpu.memory_space<semaphore_mem>>)
    %add3A_367 = arith.constant 3840 : i32
    %add3A_368 = arith.addi %mul3A_37, %add3A_367 : i32
    %dma_start3A_369 = arith.constant 30 : i32
    %dma_start3A_370 = arith.constant 0 : i32
    %dma_start3A_371 = tpu.memref_slice %arg5[%dma_start3A_369, %dma_start3A_370] : memref<32x128xi32, #tpu.memory_space<vmem>> -> memref<1x128xi32, #tpu.memory_space<vmem>>
    %dma_start3A_372 = tpu.memref_squeeze %dma_start3A_371 : memref<1x128xi32, #tpu.memory_space<vmem>> -> memref<128xi32, #tpu.memory_space<vmem>>
    %dma_start3A_373 = tpu.memref_slice %arg3[%add3A_368] : memref<131072xi32, #tpu.memory_space<hbm>> -> memref<128xi32, #tpu.memory_space<hbm>>
    %dma_start3A_374 = arith.constant 0 : i32
    %dma_start3A_375 = tpu.memref_slice %arg5[%dma_start3A_369, %dma_start3A_374] : memref<32x128xi32, #tpu.memory_space<vmem>> -> memref<1x128xi32, #tpu.memory_space<vmem>>
    %dma_start3A_376 = tpu.memref_squeeze %dma_start3A_375 : memref<1x128xi32, #tpu.memory_space<vmem>> -> memref<128xi32, #tpu.memory_space<vmem>>
    %dma_start3A_377 = tpu.memref_slice %arg3[%add3A_368] : memref<131072xi32, #tpu.memory_space<hbm>> -> memref<128xi32, #tpu.memory_space<hbm>>
    tpu.enqueue_dma source(%dma_start3A_377 : memref<128xi32, #tpu.memory_space<hbm>>) target(%dma_start3A_376 : memref<128xi32, #tpu.memory_space<vmem>>) target_semaphore(%arg7 : memref<!tpu.dma_semaphore, #tpu.memory_space<semaphore_mem>>)
    %add3A_378 = arith.constant 3968 : i32
    %add3A_379 = arith.addi %mul3A_37, %add3A_378 : i32
    %dma_start3A_380 = arith.constant 31 : i32
    %dma_start3A_381 = arith.constant 0 : i32
    %dma_start3A_382 = tpu.memref_slice %arg5[%dma_start3A_380, %dma_start3A_381] : memref<32x128xi32, #tpu.memory_space<vmem>> -> memref<1x128xi32, #tpu.memory_space<vmem>>
    %dma_start3A_383 = tpu.memref_squeeze %dma_start3A_382 : memref<1x128xi32, #tpu.memory_space<vmem>> -> memref<128xi32, #tpu.memory_space<vmem>>
    %dma_start3A_384 = tpu.memref_slice %arg3[%add3A_379] : memref<131072xi32, #tpu.memory_space<hbm>> -> memref<128xi32, #tpu.memory_space<hbm>>
    %dma_start3A_385 = arith.constant 0 : i32
    %dma_start3A_386 = tpu.memref_slice %arg5[%dma_start3A_380, %dma_start3A_385] : memref<32x128xi32, #tpu.memory_space<vmem>> -> memref<1x128xi32, #tpu.memory_space<vmem>>
    %dma_start3A_387 = tpu.memref_squeeze %dma_start3A_386 : memref<1x128xi32, #tpu.memory_space<vmem>> -> memref<128xi32, #tpu.memory_space<vmem>>
    %dma_start3A_388 = tpu.memref_slice %arg3[%add3A_379] : memref<131072xi32, #tpu.memory_space<hbm>> -> memref<128xi32, #tpu.memory_space<hbm>>
    tpu.enqueue_dma source(%dma_start3A_388 : memref<128xi32, #tpu.memory_space<hbm>>) target(%dma_start3A_387 : memref<128xi32, #tpu.memory_space<vmem>>) target_semaphore(%arg7 : memref<!tpu.dma_semaphore, #tpu.memory_space<semaphore_mem>>)
    %dma_wait3A = arith.constant 0 : i32
    %dma_wait3A_389 = arith.constant 0 : i32
    %dma_wait3A_390 = tpu.memref_slice %arg5[%dma_wait3A, %dma_wait3A_389] : memref<32x128xi32, #tpu.memory_space<vmem>> -> memref<1x128xi32, #tpu.memory_space<vmem>>
    %dma_wait3A_391 = tpu.memref_squeeze %dma_wait3A_390 : memref<1x128xi32, #tpu.memory_space<vmem>> -> memref<128xi32, #tpu.memory_space<vmem>>
    %dma_wait3A_392 = tpu.memref_slice %arg3[%add3A_39] : memref<131072xi32, #tpu.memory_space<hbm>> -> memref<128xi32, #tpu.memory_space<hbm>>
    %dma_wait3A_393 = arith.constant 0 : i32
    %dma_wait3A_394 = tpu.memref_slice %arg5[%dma_wait3A, %dma_wait3A_393] : memref<32x128xi32, #tpu.memory_space<vmem>> -> memref<1x128xi32, #tpu.memory_space<vmem>>
    %dma_wait3A_395 = tpu.memref_squeeze %dma_wait3A_394 : memref<1x128xi32, #tpu.memory_space<vmem>> -> memref<128xi32, #tpu.memory_space<vmem>>
    %dma_wait3A_396 = tpu.memref_slice %arg3[%add3A_39] : memref<131072xi32, #tpu.memory_space<hbm>> -> memref<128xi32, #tpu.memory_space<hbm>>
    tpu.wait_dma2 semaphore(%arg7 : memref<!tpu.dma_semaphore, #tpu.memory_space<semaphore_mem>>) src(%dma_wait3A_396 : memref<128xi32, #tpu.memory_space<hbm>>) dst(%dma_wait3A_395 : memref<128xi32, #tpu.memory_space<vmem>>)
    %dma_wait3A_397 = arith.constant 1 : i32
    %dma_wait3A_398 = arith.constant 0 : i32
    %dma_wait3A_399 = tpu.memref_slice %arg5[%dma_wait3A_397, %dma_wait3A_398] : memref<32x128xi32, #tpu.memory_space<vmem>> -> memref<1x128xi32, #tpu.memory_space<vmem>>
    %dma_wait3A_400 = tpu.memref_squeeze %dma_wait3A_399 : memref<1x128xi32, #tpu.memory_space<vmem>> -> memref<128xi32, #tpu.memory_space<vmem>>
    %dma_wait3A_401 = tpu.memref_slice %arg3[%add3A_49] : memref<131072xi32, #tpu.memory_space<hbm>> -> memref<128xi32, #tpu.memory_space<hbm>>
    %dma_wait3A_402 = arith.constant 0 : i32
    %dma_wait3A_403 = tpu.memref_slice %arg5[%dma_wait3A_397, %dma_wait3A_402] : memref<32x128xi32, #tpu.memory_space<vmem>> -> memref<1x128xi32, #tpu.memory_space<vmem>>
    %dma_wait3A_404 = tpu.memref_squeeze %dma_wait3A_403 : memref<1x128xi32, #tpu.memory_space<vmem>> -> memref<128xi32, #tpu.memory_space<vmem>>
    %dma_wait3A_405 = tpu.memref_slice %arg3[%add3A_49] : memref<131072xi32, #tpu.memory_space<hbm>> -> memref<128xi32, #tpu.memory_space<hbm>>
    tpu.wait_dma2 semaphore(%arg7 : memref<!tpu.dma_semaphore, #tpu.memory_space<semaphore_mem>>) src(%dma_wait3A_405 : memref<128xi32, #tpu.memory_space<hbm>>) dst(%dma_wait3A_404 : memref<128xi32, #tpu.memory_space<vmem>>)
    %dma_wait3A_406 = arith.constant 2 : i32
    %dma_wait3A_407 = arith.constant 0 : i32
    %dma_wait3A_408 = tpu.memref_slice %arg5[%dma_wait3A_406, %dma_wait3A_407] : memref<32x128xi32, #tpu.memory_space<vmem>> -> memref<1x128xi32, #tpu.memory_space<vmem>>
    %dma_wait3A_409 = tpu.memref_squeeze %dma_wait3A_408 : memref<1x128xi32, #tpu.memory_space<vmem>> -> memref<128xi32, #tpu.memory_space<vmem>>
    %dma_wait3A_410 = tpu.memref_slice %arg3[%add3A_60] : memref<131072xi32, #tpu.memory_space<hbm>> -> memref<128xi32, #tpu.memory_space<hbm>>
    %dma_wait3A_411 = arith.constant 0 : i32
    %dma_wait3A_412 = tpu.memref_slice %arg5[%dma_wait3A_406, %dma_wait3A_411] : memref<32x128xi32, #tpu.memory_space<vmem>> -> memref<1x128xi32, #tpu.memory_space<vmem>>
    %dma_wait3A_413 = tpu.memref_squeeze %dma_wait3A_412 : memref<1x128xi32, #tpu.memory_space<vmem>> -> memref<128xi32, #tpu.memory_space<vmem>>
    %dma_wait3A_414 = tpu.memref_slice %arg3[%add3A_60] : memref<131072xi32, #tpu.memory_space<hbm>> -> memref<128xi32, #tpu.memory_space<hbm>>
    tpu.wait_dma2 semaphore(%arg7 : memref<!tpu.dma_semaphore, #tpu.memory_space<semaphore_mem>>) src(%dma_wait3A_414 : memref<128xi32, #tpu.memory_space<hbm>>) dst(%dma_wait3A_413 : memref<128xi32, #tpu.memory_space<vmem>>)
    %dma_wait3A_415 = arith.constant 3 : i32
    %dma_wait3A_416 = arith.constant 0 : i32
    %dma_wait3A_417 = tpu.memref_slice %arg5[%dma_wait3A_415, %dma_wait3A_416] : memref<32x128xi32, #tpu.memory_space<vmem>> -> memref<1x128xi32, #tpu.memory_space<vmem>>
    %dma_wait3A_418 = tpu.memref_squeeze %dma_wait3A_417 : memref<1x128xi32, #tpu.memory_space<vmem>> -> memref<128xi32, #tpu.memory_space<vmem>>
    %dma_wait3A_419 = tpu.memref_slice %arg3[%add3A_71] : memref<131072xi32, #tpu.memory_space<hbm>> -> memref<128xi32, #tpu.memory_space<hbm>>
    %dma_wait3A_420 = arith.constant 0 : i32
    %dma_wait3A_421 = tpu.memref_slice %arg5[%dma_wait3A_415, %dma_wait3A_420] : memref<32x128xi32, #tpu.memory_space<vmem>> -> memref<1x128xi32, #tpu.memory_space<vmem>>
    %dma_wait3A_422 = tpu.memref_squeeze %dma_wait3A_421 : memref<1x128xi32, #tpu.memory_space<vmem>> -> memref<128xi32, #tpu.memory_space<vmem>>
    %dma_wait3A_423 = tpu.memref_slice %arg3[%add3A_71] : memref<131072xi32, #tpu.memory_space<hbm>> -> memref<128xi32, #tpu.memory_space<hbm>>
    tpu.wait_dma2 semaphore(%arg7 : memref<!tpu.dma_semaphore, #tpu.memory_space<semaphore_mem>>) src(%dma_wait3A_423 : memref<128xi32, #tpu.memory_space<hbm>>) dst(%dma_wait3A_422 : memref<128xi32, #tpu.memory_space<vmem>>)
    %dma_wait3A_424 = arith.constant 4 : i32
    %dma_wait3A_425 = arith.constant 0 : i32
    %dma_wait3A_426 = tpu.memref_slice %arg5[%dma_wait3A_424, %dma_wait3A_425] : memref<32x128xi32, #tpu.memory_space<vmem>> -> memref<1x128xi32, #tpu.memory_space<vmem>>
    %dma_wait3A_427 = tpu.memref_squeeze %dma_wait3A_426 : memref<1x128xi32, #tpu.memory_space<vmem>> -> memref<128xi32, #tpu.memory_space<vmem>>
    %dma_wait3A_428 = tpu.memref_slice %arg3[%add3A_82] : memref<131072xi32, #tpu.memory_space<hbm>> -> memref<128xi32, #tpu.memory_space<hbm>>
    %dma_wait3A_429 = arith.constant 0 : i32
    %dma_wait3A_430 = tpu.memref_slice %arg5[%dma_wait3A_424, %dma_wait3A_429] : memref<32x128xi32, #tpu.memory_space<vmem>> -> memref<1x128xi32, #tpu.memory_space<vmem>>
    %dma_wait3A_431 = tpu.memref_squeeze %dma_wait3A_430 : memref<1x128xi32, #tpu.memory_space<vmem>> -> memref<128xi32, #tpu.memory_space<vmem>>
    %dma_wait3A_432 = tpu.memref_slice %arg3[%add3A_82] : memref<131072xi32, #tpu.memory_space<hbm>> -> memref<128xi32, #tpu.memory_space<hbm>>
    tpu.wait_dma2 semaphore(%arg7 : memref<!tpu.dma_semaphore, #tpu.memory_space<semaphore_mem>>) src(%dma_wait3A_432 : memref<128xi32, #tpu.memory_space<hbm>>) dst(%dma_wait3A_431 : memref<128xi32, #tpu.memory_space<vmem>>)
    %dma_wait3A_433 = arith.constant 5 : i32
    %dma_wait3A_434 = arith.constant 0 : i32
    %dma_wait3A_435 = tpu.memref_slice %arg5[%dma_wait3A_433, %dma_wait3A_434] : memref<32x128xi32, #tpu.memory_space<vmem>> -> memref<1x128xi32, #tpu.memory_space<vmem>>
    %dma_wait3A_436 = tpu.memref_squeeze %dma_wait3A_435 : memref<1x128xi32, #tpu.memory_space<vmem>> -> memref<128xi32, #tpu.memory_space<vmem>>
    %dma_wait3A_437 = tpu.memref_slice %arg3[%add3A_93] : memref<131072xi32, #tpu.memory_space<hbm>> -> memref<128xi32, #tpu.memory_space<hbm>>
    %dma_wait3A_438 = arith.constant 0 : i32
    %dma_wait3A_439 = tpu.memref_slice %arg5[%dma_wait3A_433, %dma_wait3A_438] : memref<32x128xi32, #tpu.memory_space<vmem>> -> memref<1x128xi32, #tpu.memory_space<vmem>>
    %dma_wait3A_440 = tpu.memref_squeeze %dma_wait3A_439 : memref<1x128xi32, #tpu.memory_space<vmem>> -> memref<128xi32, #tpu.memory_space<vmem>>
    %dma_wait3A_441 = tpu.memref_slice %arg3[%add3A_93] : memref<131072xi32, #tpu.memory_space<hbm>> -> memref<128xi32, #tpu.memory_space<hbm>>
    tpu.wait_dma2 semaphore(%arg7 : memref<!tpu.dma_semaphore, #tpu.memory_space<semaphore_mem>>) src(%dma_wait3A_441 : memref<128xi32, #tpu.memory_space<hbm>>) dst(%dma_wait3A_440 : memref<128xi32, #tpu.memory_space<vmem>>)
    %dma_wait3A_442 = arith.constant 6 : i32
    %dma_wait3A_443 = arith.constant 0 : i32
    %dma_wait3A_444 = tpu.memref_slice %arg5[%dma_wait3A_442, %dma_wait3A_443] : memref<32x128xi32, #tpu.memory_space<vmem>> -> memref<1x128xi32, #tpu.memory_space<vmem>>
    %dma_wait3A_445 = tpu.memref_squeeze %dma_wait3A_444 : memref<1x128xi32, #tpu.memory_space<vmem>> -> memref<128xi32, #tpu.memory_space<vmem>>
    %dma_wait3A_446 = tpu.memref_slice %arg3[%add3A_104] : memref<131072xi32, #tpu.memory_space<hbm>> -> memref<128xi32, #tpu.memory_space<hbm>>
    %dma_wait3A_447 = arith.constant 0 : i32
    %dma_wait3A_448 = tpu.memref_slice %arg5[%dma_wait3A_442, %dma_wait3A_447] : memref<32x128xi32, #tpu.memory_space<vmem>> -> memref<1x128xi32, #tpu.memory_space<vmem>>
    %dma_wait3A_449 = tpu.memref_squeeze %dma_wait3A_448 : memref<1x128xi32, #tpu.memory_space<vmem>> -> memref<128xi32, #tpu.memory_space<vmem>>
    %dma_wait3A_450 = tpu.memref_slice %arg3[%add3A_104] : memref<131072xi32, #tpu.memory_space<hbm>> -> memref<128xi32, #tpu.memory_space<hbm>>
    tpu.wait_dma2 semaphore(%arg7 : memref<!tpu.dma_semaphore, #tpu.memory_space<semaphore_mem>>) src(%dma_wait3A_450 : memref<128xi32, #tpu.memory_space<hbm>>) dst(%dma_wait3A_449 : memref<128xi32, #tpu.memory_space<vmem>>)
    %dma_wait3A_451 = arith.constant 7 : i32
    %dma_wait3A_452 = arith.constant 0 : i32
    %dma_wait3A_453 = tpu.memref_slice %arg5[%dma_wait3A_451, %dma_wait3A_452] : memref<32x128xi32, #tpu.memory_space<vmem>> -> memref<1x128xi32, #tpu.memory_space<vmem>>
    %dma_wait3A_454 = tpu.memref_squeeze %dma_wait3A_453 : memref<1x128xi32, #tpu.memory_space<vmem>> -> memref<128xi32, #tpu.memory_space<vmem>>
    %dma_wait3A_455 = tpu.memref_slice %arg3[%add3A_115] : memref<131072xi32, #tpu.memory_space<hbm>> -> memref<128xi32, #tpu.memory_space<hbm>>
    %dma_wait3A_456 = arith.constant 0 : i32
    %dma_wait3A_457 = tpu.memref_slice %arg5[%dma_wait3A_451, %dma_wait3A_456] : memref<32x128xi32, #tpu.memory_space<vmem>> -> memref<1x128xi32, #tpu.memory_space<vmem>>
    %dma_wait3A_458 = tpu.memref_squeeze %dma_wait3A_457 : memref<1x128xi32, #tpu.memory_space<vmem>> -> memref<128xi32, #tpu.memory_space<vmem>>
    %dma_wait3A_459 = tpu.memref_slice %arg3[%add3A_115] : memref<131072xi32, #tpu.memory_space<hbm>> -> memref<128xi32, #tpu.memory_space<hbm>>
    tpu.wait_dma2 semaphore(%arg7 : memref<!tpu.dma_semaphore, #tpu.memory_space<semaphore_mem>>) src(%dma_wait3A_459 : memref<128xi32, #tpu.memory_space<hbm>>) dst(%dma_wait3A_458 : memref<128xi32, #tpu.memory_space<vmem>>)
    %dma_wait3A_460 = arith.constant 8 : i32
    %dma_wait3A_461 = arith.constant 0 : i32
    %dma_wait3A_462 = tpu.memref_slice %arg5[%dma_wait3A_460, %dma_wait3A_461] : memref<32x128xi32, #tpu.memory_space<vmem>> -> memref<1x128xi32, #tpu.memory_space<vmem>>
    %dma_wait3A_463 = tpu.memref_squeeze %dma_wait3A_462 : memref<1x128xi32, #tpu.memory_space<vmem>> -> memref<128xi32, #tpu.memory_space<vmem>>
    %dma_wait3A_464 = tpu.memref_slice %arg3[%add3A_126] : memref<131072xi32, #tpu.memory_space<hbm>> -> memref<128xi32, #tpu.memory_space<hbm>>
    %dma_wait3A_465 = arith.constant 0 : i32
    %dma_wait3A_466 = tpu.memref_slice %arg5[%dma_wait3A_460, %dma_wait3A_465] : memref<32x128xi32, #tpu.memory_space<vmem>> -> memref<1x128xi32, #tpu.memory_space<vmem>>
    %dma_wait3A_467 = tpu.memref_squeeze %dma_wait3A_466 : memref<1x128xi32, #tpu.memory_space<vmem>> -> memref<128xi32, #tpu.memory_space<vmem>>
    %dma_wait3A_468 = tpu.memref_slice %arg3[%add3A_126] : memref<131072xi32, #tpu.memory_space<hbm>> -> memref<128xi32, #tpu.memory_space<hbm>>
    tpu.wait_dma2 semaphore(%arg7 : memref<!tpu.dma_semaphore, #tpu.memory_space<semaphore_mem>>) src(%dma_wait3A_468 : memref<128xi32, #tpu.memory_space<hbm>>) dst(%dma_wait3A_467 : memref<128xi32, #tpu.memory_space<vmem>>)
    %dma_wait3A_469 = arith.constant 9 : i32
    %dma_wait3A_470 = arith.constant 0 : i32
    %dma_wait3A_471 = tpu.memref_slice %arg5[%dma_wait3A_469, %dma_wait3A_470] : memref<32x128xi32, #tpu.memory_space<vmem>> -> memref<1x128xi32, #tpu.memory_space<vmem>>
    %dma_wait3A_472 = tpu.memref_squeeze %dma_wait3A_471 : memref<1x128xi32, #tpu.memory_space<vmem>> -> memref<128xi32, #tpu.memory_space<vmem>>
    %dma_wait3A_473 = tpu.memref_slice %arg3[%add3A_137] : memref<131072xi32, #tpu.memory_space<hbm>> -> memref<128xi32, #tpu.memory_space<hbm>>
    %dma_wait3A_474 = arith.constant 0 : i32
    %dma_wait3A_475 = tpu.memref_slice %arg5[%dma_wait3A_469, %dma_wait3A_474] : memref<32x128xi32, #tpu.memory_space<vmem>> -> memref<1x128xi32, #tpu.memory_space<vmem>>
    %dma_wait3A_476 = tpu.memref_squeeze %dma_wait3A_475 : memref<1x128xi32, #tpu.memory_space<vmem>> -> memref<128xi32, #tpu.memory_space<vmem>>
    %dma_wait3A_477 = tpu.memref_slice %arg3[%add3A_137] : memref<131072xi32, #tpu.memory_space<hbm>> -> memref<128xi32, #tpu.memory_space<hbm>>
    tpu.wait_dma2 semaphore(%arg7 : memref<!tpu.dma_semaphore, #tpu.memory_space<semaphore_mem>>) src(%dma_wait3A_477 : memref<128xi32, #tpu.memory_space<hbm>>) dst(%dma_wait3A_476 : memref<128xi32, #tpu.memory_space<vmem>>)
    %dma_wait3A_478 = arith.constant 10 : i32
    %dma_wait3A_479 = arith.constant 0 : i32
    %dma_wait3A_480 = tpu.memref_slice %arg5[%dma_wait3A_478, %dma_wait3A_479] : memref<32x128xi32, #tpu.memory_space<vmem>> -> memref<1x128xi32, #tpu.memory_space<vmem>>
    %dma_wait3A_481 = tpu.memref_squeeze %dma_wait3A_480 : memref<1x128xi32, #tpu.memory_space<vmem>> -> memref<128xi32, #tpu.memory_space<vmem>>
    %dma_wait3A_482 = tpu.memref_slice %arg3[%add3A_148] : memref<131072xi32, #tpu.memory_space<hbm>> -> memref<128xi32, #tpu.memory_space<hbm>>
    %dma_wait3A_483 = arith.constant 0 : i32
    %dma_wait3A_484 = tpu.memref_slice %arg5[%dma_wait3A_478, %dma_wait3A_483] : memref<32x128xi32, #tpu.memory_space<vmem>> -> memref<1x128xi32, #tpu.memory_space<vmem>>
    %dma_wait3A_485 = tpu.memref_squeeze %dma_wait3A_484 : memref<1x128xi32, #tpu.memory_space<vmem>> -> memref<128xi32, #tpu.memory_space<vmem>>
    %dma_wait3A_486 = tpu.memref_slice %arg3[%add3A_148] : memref<131072xi32, #tpu.memory_space<hbm>> -> memref<128xi32, #tpu.memory_space<hbm>>
    tpu.wait_dma2 semaphore(%arg7 : memref<!tpu.dma_semaphore, #tpu.memory_space<semaphore_mem>>) src(%dma_wait3A_486 : memref<128xi32, #tpu.memory_space<hbm>>) dst(%dma_wait3A_485 : memref<128xi32, #tpu.memory_space<vmem>>)
    %dma_wait3A_487 = arith.constant 11 : i32
    %dma_wait3A_488 = arith.constant 0 : i32
    %dma_wait3A_489 = tpu.memref_slice %arg5[%dma_wait3A_487, %dma_wait3A_488] : memref<32x128xi32, #tpu.memory_space<vmem>> -> memref<1x128xi32, #tpu.memory_space<vmem>>
    %dma_wait3A_490 = tpu.memref_squeeze %dma_wait3A_489 : memref<1x128xi32, #tpu.memory_space<vmem>> -> memref<128xi32, #tpu.memory_space<vmem>>
    %dma_wait3A_491 = tpu.memref_slice %arg3[%add3A_159] : memref<131072xi32, #tpu.memory_space<hbm>> -> memref<128xi32, #tpu.memory_space<hbm>>
    %dma_wait3A_492 = arith.constant 0 : i32
    %dma_wait3A_493 = tpu.memref_slice %arg5[%dma_wait3A_487, %dma_wait3A_492] : memref<32x128xi32, #tpu.memory_space<vmem>> -> memref<1x128xi32, #tpu.memory_space<vmem>>
    %dma_wait3A_494 = tpu.memref_squeeze %dma_wait3A_493 : memref<1x128xi32, #tpu.memory_space<vmem>> -> memref<128xi32, #tpu.memory_space<vmem>>
    %dma_wait3A_495 = tpu.memref_slice %arg3[%add3A_159] : memref<131072xi32, #tpu.memory_space<hbm>> -> memref<128xi32, #tpu.memory_space<hbm>>
    tpu.wait_dma2 semaphore(%arg7 : memref<!tpu.dma_semaphore, #tpu.memory_space<semaphore_mem>>) src(%dma_wait3A_495 : memref<128xi32, #tpu.memory_space<hbm>>) dst(%dma_wait3A_494 : memref<128xi32, #tpu.memory_space<vmem>>)
    %dma_wait3A_496 = arith.constant 12 : i32
    %dma_wait3A_497 = arith.constant 0 : i32
    %dma_wait3A_498 = tpu.memref_slice %arg5[%dma_wait3A_496, %dma_wait3A_497] : memref<32x128xi32, #tpu.memory_space<vmem>> -> memref<1x128xi32, #tpu.memory_space<vmem>>
    %dma_wait3A_499 = tpu.memref_squeeze %dma_wait3A_498 : memref<1x128xi32, #tpu.memory_space<vmem>> -> memref<128xi32, #tpu.memory_space<vmem>>
    %dma_wait3A_500 = tpu.memref_slice %arg3[%add3A_170] : memref<131072xi32, #tpu.memory_space<hbm>> -> memref<128xi32, #tpu.memory_space<hbm>>
    %dma_wait3A_501 = arith.constant 0 : i32
    %dma_wait3A_502 = tpu.memref_slice %arg5[%dma_wait3A_496, %dma_wait3A_501] : memref<32x128xi32, #tpu.memory_space<vmem>> -> memref<1x128xi32, #tpu.memory_space<vmem>>
    %dma_wait3A_503 = tpu.memref_squeeze %dma_wait3A_502 : memref<1x128xi32, #tpu.memory_space<vmem>> -> memref<128xi32, #tpu.memory_space<vmem>>
    %dma_wait3A_504 = tpu.memref_slice %arg3[%add3A_170] : memref<131072xi32, #tpu.memory_space<hbm>> -> memref<128xi32, #tpu.memory_space<hbm>>
    tpu.wait_dma2 semaphore(%arg7 : memref<!tpu.dma_semaphore, #tpu.memory_space<semaphore_mem>>) src(%dma_wait3A_504 : memref<128xi32, #tpu.memory_space<hbm>>) dst(%dma_wait3A_503 : memref<128xi32, #tpu.memory_space<vmem>>)
    %dma_wait3A_505 = arith.constant 13 : i32
    %dma_wait3A_506 = arith.constant 0 : i32
    %dma_wait3A_507 = tpu.memref_slice %arg5[%dma_wait3A_505, %dma_wait3A_506] : memref<32x128xi32, #tpu.memory_space<vmem>> -> memref<1x128xi32, #tpu.memory_space<vmem>>
    %dma_wait3A_508 = tpu.memref_squeeze %dma_wait3A_507 : memref<1x128xi32, #tpu.memory_space<vmem>> -> memref<128xi32, #tpu.memory_space<vmem>>
    %dma_wait3A_509 = tpu.memref_slice %arg3[%add3A_181] : memref<131072xi32, #tpu.memory_space<hbm>> -> memref<128xi32, #tpu.memory_space<hbm>>
    %dma_wait3A_510 = arith.constant 0 : i32
    %dma_wait3A_511 = tpu.memref_slice %arg5[%dma_wait3A_505, %dma_wait3A_510] : memref<32x128xi32, #tpu.memory_space<vmem>> -> memref<1x128xi32, #tpu.memory_space<vmem>>
    %dma_wait3A_512 = tpu.memref_squeeze %dma_wait3A_511 : memref<1x128xi32, #tpu.memory_space<vmem>> -> memref<128xi32, #tpu.memory_space<vmem>>
    %dma_wait3A_513 = tpu.memref_slice %arg3[%add3A_181] : memref<131072xi32, #tpu.memory_space<hbm>> -> memref<128xi32, #tpu.memory_space<hbm>>
    tpu.wait_dma2 semaphore(%arg7 : memref<!tpu.dma_semaphore, #tpu.memory_space<semaphore_mem>>) src(%dma_wait3A_513 : memref<128xi32, #tpu.memory_space<hbm>>) dst(%dma_wait3A_512 : memref<128xi32, #tpu.memory_space<vmem>>)
    %dma_wait3A_514 = arith.constant 14 : i32
    %dma_wait3A_515 = arith.constant 0 : i32
    %dma_wait3A_516 = tpu.memref_slice %arg5[%dma_wait3A_514, %dma_wait3A_515] : memref<32x128xi32, #tpu.memory_space<vmem>> -> memref<1x128xi32, #tpu.memory_space<vmem>>
    %dma_wait3A_517 = tpu.memref_squeeze %dma_wait3A_516 : memref<1x128xi32, #tpu.memory_space<vmem>> -> memref<128xi32, #tpu.memory_space<vmem>>
    %dma_wait3A_518 = tpu.memref_slice %arg3[%add3A_192] : memref<131072xi32, #tpu.memory_space<hbm>> -> memref<128xi32, #tpu.memory_space<hbm>>
    %dma_wait3A_519 = arith.constant 0 : i32
    %dma_wait3A_520 = tpu.memref_slice %arg5[%dma_wait3A_514, %dma_wait3A_519] : memref<32x128xi32, #tpu.memory_space<vmem>> -> memref<1x128xi32, #tpu.memory_space<vmem>>
    %dma_wait3A_521 = tpu.memref_squeeze %dma_wait3A_520 : memref<1x128xi32, #tpu.memory_space<vmem>> -> memref<128xi32, #tpu.memory_space<vmem>>
    %dma_wait3A_522 = tpu.memref_slice %arg3[%add3A_192] : memref<131072xi32, #tpu.memory_space<hbm>> -> memref<128xi32, #tpu.memory_space<hbm>>
    tpu.wait_dma2 semaphore(%arg7 : memref<!tpu.dma_semaphore, #tpu.memory_space<semaphore_mem>>) src(%dma_wait3A_522 : memref<128xi32, #tpu.memory_space<hbm>>) dst(%dma_wait3A_521 : memref<128xi32, #tpu.memory_space<vmem>>)
    %dma_wait3A_523 = arith.constant 15 : i32
    %dma_wait3A_524 = arith.constant 0 : i32
    %dma_wait3A_525 = tpu.memref_slice %arg5[%dma_wait3A_523, %dma_wait3A_524] : memref<32x128xi32, #tpu.memory_space<vmem>> -> memref<1x128xi32, #tpu.memory_space<vmem>>
    %dma_wait3A_526 = tpu.memref_squeeze %dma_wait3A_525 : memref<1x128xi32, #tpu.memory_space<vmem>> -> memref<128xi32, #tpu.memory_space<vmem>>
    %dma_wait3A_527 = tpu.memref_slice %arg3[%add3A_203] : memref<131072xi32, #tpu.memory_space<hbm>> -> memref<128xi32, #tpu.memory_space<hbm>>
    %dma_wait3A_528 = arith.constant 0 : i32
    %dma_wait3A_529 = tpu.memref_slice %arg5[%dma_wait3A_523, %dma_wait3A_528] : memref<32x128xi32, #tpu.memory_space<vmem>> -> memref<1x128xi32, #tpu.memory_space<vmem>>
    %dma_wait3A_530 = tpu.memref_squeeze %dma_wait3A_529 : memref<1x128xi32, #tpu.memory_space<vmem>> -> memref<128xi32, #tpu.memory_space<vmem>>
    %dma_wait3A_531 = tpu.memref_slice %arg3[%add3A_203] : memref<131072xi32, #tpu.memory_space<hbm>> -> memref<128xi32, #tpu.memory_space<hbm>>
    tpu.wait_dma2 semaphore(%arg7 : memref<!tpu.dma_semaphore, #tpu.memory_space<semaphore_mem>>) src(%dma_wait3A_531 : memref<128xi32, #tpu.memory_space<hbm>>) dst(%dma_wait3A_530 : memref<128xi32, #tpu.memory_space<vmem>>)
    %dma_wait3A_532 = arith.constant 16 : i32
    %dma_wait3A_533 = arith.constant 0 : i32
    %dma_wait3A_534 = tpu.memref_slice %arg5[%dma_wait3A_532, %dma_wait3A_533] : memref<32x128xi32, #tpu.memory_space<vmem>> -> memref<1x128xi32, #tpu.memory_space<vmem>>
    %dma_wait3A_535 = tpu.memref_squeeze %dma_wait3A_534 : memref<1x128xi32, #tpu.memory_space<vmem>> -> memref<128xi32, #tpu.memory_space<vmem>>
    %dma_wait3A_536 = tpu.memref_slice %arg3[%add3A_214] : memref<131072xi32, #tpu.memory_space<hbm>> -> memref<128xi32, #tpu.memory_space<hbm>>
    %dma_wait3A_537 = arith.constant 0 : i32
    %dma_wait3A_538 = tpu.memref_slice %arg5[%dma_wait3A_532, %dma_wait3A_537] : memref<32x128xi32, #tpu.memory_space<vmem>> -> memref<1x128xi32, #tpu.memory_space<vmem>>
    %dma_wait3A_539 = tpu.memref_squeeze %dma_wait3A_538 : memref<1x128xi32, #tpu.memory_space<vmem>> -> memref<128xi32, #tpu.memory_space<vmem>>
    %dma_wait3A_540 = tpu.memref_slice %arg3[%add3A_214] : memref<131072xi32, #tpu.memory_space<hbm>> -> memref<128xi32, #tpu.memory_space<hbm>>
    tpu.wait_dma2 semaphore(%arg7 : memref<!tpu.dma_semaphore, #tpu.memory_space<semaphore_mem>>) src(%dma_wait3A_540 : memref<128xi32, #tpu.memory_space<hbm>>) dst(%dma_wait3A_539 : memref<128xi32, #tpu.memory_space<vmem>>)
    %dma_wait3A_541 = arith.constant 17 : i32
    %dma_wait3A_542 = arith.constant 0 : i32
    %dma_wait3A_543 = tpu.memref_slice %arg5[%dma_wait3A_541, %dma_wait3A_542] : memref<32x128xi32, #tpu.memory_space<vmem>> -> memref<1x128xi32, #tpu.memory_space<vmem>>
    %dma_wait3A_544 = tpu.memref_squeeze %dma_wait3A_543 : memref<1x128xi32, #tpu.memory_space<vmem>> -> memref<128xi32, #tpu.memory_space<vmem>>
    %dma_wait3A_545 = tpu.memref_slice %arg3[%add3A_225] : memref<131072xi32, #tpu.memory_space<hbm>> -> memref<128xi32, #tpu.memory_space<hbm>>
    %dma_wait3A_546 = arith.constant 0 : i32
    %dma_wait3A_547 = tpu.memref_slice %arg5[%dma_wait3A_541, %dma_wait3A_546] : memref<32x128xi32, #tpu.memory_space<vmem>> -> memref<1x128xi32, #tpu.memory_space<vmem>>
    %dma_wait3A_548 = tpu.memref_squeeze %dma_wait3A_547 : memref<1x128xi32, #tpu.memory_space<vmem>> -> memref<128xi32, #tpu.memory_space<vmem>>
    %dma_wait3A_549 = tpu.memref_slice %arg3[%add3A_225] : memref<131072xi32, #tpu.memory_space<hbm>> -> memref<128xi32, #tpu.memory_space<hbm>>
    tpu.wait_dma2 semaphore(%arg7 : memref<!tpu.dma_semaphore, #tpu.memory_space<semaphore_mem>>) src(%dma_wait3A_549 : memref<128xi32, #tpu.memory_space<hbm>>) dst(%dma_wait3A_548 : memref<128xi32, #tpu.memory_space<vmem>>)
    %dma_wait3A_550 = arith.constant 18 : i32
    %dma_wait3A_551 = arith.constant 0 : i32
    %dma_wait3A_552 = tpu.memref_slice %arg5[%dma_wait3A_550, %dma_wait3A_551] : memref<32x128xi32, #tpu.memory_space<vmem>> -> memref<1x128xi32, #tpu.memory_space<vmem>>
    %dma_wait3A_553 = tpu.memref_squeeze %dma_wait3A_552 : memref<1x128xi32, #tpu.memory_space<vmem>> -> memref<128xi32, #tpu.memory_space<vmem>>
    %dma_wait3A_554 = tpu.memref_slice %arg3[%add3A_236] : memref<131072xi32, #tpu.memory_space<hbm>> -> memref<128xi32, #tpu.memory_space<hbm>>
    %dma_wait3A_555 = arith.constant 0 : i32
    %dma_wait3A_556 = tpu.memref_slice %arg5[%dma_wait3A_550, %dma_wait3A_555] : memref<32x128xi32, #tpu.memory_space<vmem>> -> memref<1x128xi32, #tpu.memory_space<vmem>>
    %dma_wait3A_557 = tpu.memref_squeeze %dma_wait3A_556 : memref<1x128xi32, #tpu.memory_space<vmem>> -> memref<128xi32, #tpu.memory_space<vmem>>
    %dma_wait3A_558 = tpu.memref_slice %arg3[%add3A_236] : memref<131072xi32, #tpu.memory_space<hbm>> -> memref<128xi32, #tpu.memory_space<hbm>>
    tpu.wait_dma2 semaphore(%arg7 : memref<!tpu.dma_semaphore, #tpu.memory_space<semaphore_mem>>) src(%dma_wait3A_558 : memref<128xi32, #tpu.memory_space<hbm>>) dst(%dma_wait3A_557 : memref<128xi32, #tpu.memory_space<vmem>>)
    %dma_wait3A_559 = arith.constant 19 : i32
    %dma_wait3A_560 = arith.constant 0 : i32
    %dma_wait3A_561 = tpu.memref_slice %arg5[%dma_wait3A_559, %dma_wait3A_560] : memref<32x128xi32, #tpu.memory_space<vmem>> -> memref<1x128xi32, #tpu.memory_space<vmem>>
    %dma_wait3A_562 = tpu.memref_squeeze %dma_wait3A_561 : memref<1x128xi32, #tpu.memory_space<vmem>> -> memref<128xi32, #tpu.memory_space<vmem>>
    %dma_wait3A_563 = tpu.memref_slice %arg3[%add3A_247] : memref<131072xi32, #tpu.memory_space<hbm>> -> memref<128xi32, #tpu.memory_space<hbm>>
    %dma_wait3A_564 = arith.constant 0 : i32
    %dma_wait3A_565 = tpu.memref_slice %arg5[%dma_wait3A_559, %dma_wait3A_564] : memref<32x128xi32, #tpu.memory_space<vmem>> -> memref<1x128xi32, #tpu.memory_space<vmem>>
    %dma_wait3A_566 = tpu.memref_squeeze %dma_wait3A_565 : memref<1x128xi32, #tpu.memory_space<vmem>> -> memref<128xi32, #tpu.memory_space<vmem>>
    %dma_wait3A_567 = tpu.memref_slice %arg3[%add3A_247] : memref<131072xi32, #tpu.memory_space<hbm>> -> memref<128xi32, #tpu.memory_space<hbm>>
    tpu.wait_dma2 semaphore(%arg7 : memref<!tpu.dma_semaphore, #tpu.memory_space<semaphore_mem>>) src(%dma_wait3A_567 : memref<128xi32, #tpu.memory_space<hbm>>) dst(%dma_wait3A_566 : memref<128xi32, #tpu.memory_space<vmem>>)
    %dma_wait3A_568 = arith.constant 20 : i32
    %dma_wait3A_569 = arith.constant 0 : i32
    %dma_wait3A_570 = tpu.memref_slice %arg5[%dma_wait3A_568, %dma_wait3A_569] : memref<32x128xi32, #tpu.memory_space<vmem>> -> memref<1x128xi32, #tpu.memory_space<vmem>>
    %dma_wait3A_571 = tpu.memref_squeeze %dma_wait3A_570 : memref<1x128xi32, #tpu.memory_space<vmem>> -> memref<128xi32, #tpu.memory_space<vmem>>
    %dma_wait3A_572 = tpu.memref_slice %arg3[%add3A_258] : memref<131072xi32, #tpu.memory_space<hbm>> -> memref<128xi32, #tpu.memory_space<hbm>>
    %dma_wait3A_573 = arith.constant 0 : i32
    %dma_wait3A_574 = tpu.memref_slice %arg5[%dma_wait3A_568, %dma_wait3A_573] : memref<32x128xi32, #tpu.memory_space<vmem>> -> memref<1x128xi32, #tpu.memory_space<vmem>>
    %dma_wait3A_575 = tpu.memref_squeeze %dma_wait3A_574 : memref<1x128xi32, #tpu.memory_space<vmem>> -> memref<128xi32, #tpu.memory_space<vmem>>
    %dma_wait3A_576 = tpu.memref_slice %arg3[%add3A_258] : memref<131072xi32, #tpu.memory_space<hbm>> -> memref<128xi32, #tpu.memory_space<hbm>>
    tpu.wait_dma2 semaphore(%arg7 : memref<!tpu.dma_semaphore, #tpu.memory_space<semaphore_mem>>) src(%dma_wait3A_576 : memref<128xi32, #tpu.memory_space<hbm>>) dst(%dma_wait3A_575 : memref<128xi32, #tpu.memory_space<vmem>>)
    %dma_wait3A_577 = arith.constant 21 : i32
    %dma_wait3A_578 = arith.constant 0 : i32
    %dma_wait3A_579 = tpu.memref_slice %arg5[%dma_wait3A_577, %dma_wait3A_578] : memref<32x128xi32, #tpu.memory_space<vmem>> -> memref<1x128xi32, #tpu.memory_space<vmem>>
    %dma_wait3A_580 = tpu.memref_squeeze %dma_wait3A_579 : memref<1x128xi32, #tpu.memory_space<vmem>> -> memref<128xi32, #tpu.memory_space<vmem>>
    %dma_wait3A_581 = tpu.memref_slice %arg3[%add3A_269] : memref<131072xi32, #tpu.memory_space<hbm>> -> memref<128xi32, #tpu.memory_space<hbm>>
    %dma_wait3A_582 = arith.constant 0 : i32
    %dma_wait3A_583 = tpu.memref_slice %arg5[%dma_wait3A_577, %dma_wait3A_582] : memref<32x128xi32, #tpu.memory_space<vmem>> -> memref<1x128xi32, #tpu.memory_space<vmem>>
    %dma_wait3A_584 = tpu.memref_squeeze %dma_wait3A_583 : memref<1x128xi32, #tpu.memory_space<vmem>> -> memref<128xi32, #tpu.memory_space<vmem>>
    %dma_wait3A_585 = tpu.memref_slice %arg3[%add3A_269] : memref<131072xi32, #tpu.memory_space<hbm>> -> memref<128xi32, #tpu.memory_space<hbm>>
    tpu.wait_dma2 semaphore(%arg7 : memref<!tpu.dma_semaphore, #tpu.memory_space<semaphore_mem>>) src(%dma_wait3A_585 : memref<128xi32, #tpu.memory_space<hbm>>) dst(%dma_wait3A_584 : memref<128xi32, #tpu.memory_space<vmem>>)
    %dma_wait3A_586 = arith.constant 22 : i32
    %dma_wait3A_587 = arith.constant 0 : i32
    %dma_wait3A_588 = tpu.memref_slice %arg5[%dma_wait3A_586, %dma_wait3A_587] : memref<32x128xi32, #tpu.memory_space<vmem>> -> memref<1x128xi32, #tpu.memory_space<vmem>>
    %dma_wait3A_589 = tpu.memref_squeeze %dma_wait3A_588 : memref<1x128xi32, #tpu.memory_space<vmem>> -> memref<128xi32, #tpu.memory_space<vmem>>
    %dma_wait3A_590 = tpu.memref_slice %arg3[%add3A_280] : memref<131072xi32, #tpu.memory_space<hbm>> -> memref<128xi32, #tpu.memory_space<hbm>>
    %dma_wait3A_591 = arith.constant 0 : i32
    %dma_wait3A_592 = tpu.memref_slice %arg5[%dma_wait3A_586, %dma_wait3A_591] : memref<32x128xi32, #tpu.memory_space<vmem>> -> memref<1x128xi32, #tpu.memory_space<vmem>>
    %dma_wait3A_593 = tpu.memref_squeeze %dma_wait3A_592 : memref<1x128xi32, #tpu.memory_space<vmem>> -> memref<128xi32, #tpu.memory_space<vmem>>
    %dma_wait3A_594 = tpu.memref_slice %arg3[%add3A_280] : memref<131072xi32, #tpu.memory_space<hbm>> -> memref<128xi32, #tpu.memory_space<hbm>>
    tpu.wait_dma2 semaphore(%arg7 : memref<!tpu.dma_semaphore, #tpu.memory_space<semaphore_mem>>) src(%dma_wait3A_594 : memref<128xi32, #tpu.memory_space<hbm>>) dst(%dma_wait3A_593 : memref<128xi32, #tpu.memory_space<vmem>>)
    %dma_wait3A_595 = arith.constant 23 : i32
    %dma_wait3A_596 = arith.constant 0 : i32
    %dma_wait3A_597 = tpu.memref_slice %arg5[%dma_wait3A_595, %dma_wait3A_596] : memref<32x128xi32, #tpu.memory_space<vmem>> -> memref<1x128xi32, #tpu.memory_space<vmem>>
    %dma_wait3A_598 = tpu.memref_squeeze %dma_wait3A_597 : memref<1x128xi32, #tpu.memory_space<vmem>> -> memref<128xi32, #tpu.memory_space<vmem>>
    %dma_wait3A_599 = tpu.memref_slice %arg3[%add3A_291] : memref<131072xi32, #tpu.memory_space<hbm>> -> memref<128xi32, #tpu.memory_space<hbm>>
    %dma_wait3A_600 = arith.constant 0 : i32
    %dma_wait3A_601 = tpu.memref_slice %arg5[%dma_wait3A_595, %dma_wait3A_600] : memref<32x128xi32, #tpu.memory_space<vmem>> -> memref<1x128xi32, #tpu.memory_space<vmem>>
    %dma_wait3A_602 = tpu.memref_squeeze %dma_wait3A_601 : memref<1x128xi32, #tpu.memory_space<vmem>> -> memref<128xi32, #tpu.memory_space<vmem>>
    %dma_wait3A_603 = tpu.memref_slice %arg3[%add3A_291] : memref<131072xi32, #tpu.memory_space<hbm>> -> memref<128xi32, #tpu.memory_space<hbm>>
    tpu.wait_dma2 semaphore(%arg7 : memref<!tpu.dma_semaphore, #tpu.memory_space<semaphore_mem>>) src(%dma_wait3A_603 : memref<128xi32, #tpu.memory_space<hbm>>) dst(%dma_wait3A_602 : memref<128xi32, #tpu.memory_space<vmem>>)
    %dma_wait3A_604 = arith.constant 24 : i32
    %dma_wait3A_605 = arith.constant 0 : i32
    %dma_wait3A_606 = tpu.memref_slice %arg5[%dma_wait3A_604, %dma_wait3A_605] : memref<32x128xi32, #tpu.memory_space<vmem>> -> memref<1x128xi32, #tpu.memory_space<vmem>>
    %dma_wait3A_607 = tpu.memref_squeeze %dma_wait3A_606 : memref<1x128xi32, #tpu.memory_space<vmem>> -> memref<128xi32, #tpu.memory_space<vmem>>
    %dma_wait3A_608 = tpu.memref_slice %arg3[%add3A_302] : memref<131072xi32, #tpu.memory_space<hbm>> -> memref<128xi32, #tpu.memory_space<hbm>>
    %dma_wait3A_609 = arith.constant 0 : i32
    %dma_wait3A_610 = tpu.memref_slice %arg5[%dma_wait3A_604, %dma_wait3A_609] : memref<32x128xi32, #tpu.memory_space<vmem>> -> memref<1x128xi32, #tpu.memory_space<vmem>>
    %dma_wait3A_611 = tpu.memref_squeeze %dma_wait3A_610 : memref<1x128xi32, #tpu.memory_space<vmem>> -> memref<128xi32, #tpu.memory_space<vmem>>
    %dma_wait3A_612 = tpu.memref_slice %arg3[%add3A_302] : memref<131072xi32, #tpu.memory_space<hbm>> -> memref<128xi32, #tpu.memory_space<hbm>>
    tpu.wait_dma2 semaphore(%arg7 : memref<!tpu.dma_semaphore, #tpu.memory_space<semaphore_mem>>) src(%dma_wait3A_612 : memref<128xi32, #tpu.memory_space<hbm>>) dst(%dma_wait3A_611 : memref<128xi32, #tpu.memory_space<vmem>>)
    %dma_wait3A_613 = arith.constant 25 : i32
    %dma_wait3A_614 = arith.constant 0 : i32
    %dma_wait3A_615 = tpu.memref_slice %arg5[%dma_wait3A_613, %dma_wait3A_614] : memref<32x128xi32, #tpu.memory_space<vmem>> -> memref<1x128xi32, #tpu.memory_space<vmem>>
    %dma_wait3A_616 = tpu.memref_squeeze %dma_wait3A_615 : memref<1x128xi32, #tpu.memory_space<vmem>> -> memref<128xi32, #tpu.memory_space<vmem>>
    %dma_wait3A_617 = tpu.memref_slice %arg3[%add3A_313] : memref<131072xi32, #tpu.memory_space<hbm>> -> memref<128xi32, #tpu.memory_space<hbm>>
    %dma_wait3A_618 = arith.constant 0 : i32
    %dma_wait3A_619 = tpu.memref_slice %arg5[%dma_wait3A_613, %dma_wait3A_618] : memref<32x128xi32, #tpu.memory_space<vmem>> -> memref<1x128xi32, #tpu.memory_space<vmem>>
    %dma_wait3A_620 = tpu.memref_squeeze %dma_wait3A_619 : memref<1x128xi32, #tpu.memory_space<vmem>> -> memref<128xi32, #tpu.memory_space<vmem>>
    %dma_wait3A_621 = tpu.memref_slice %arg3[%add3A_313] : memref<131072xi32, #tpu.memory_space<hbm>> -> memref<128xi32, #tpu.memory_space<hbm>>
    tpu.wait_dma2 semaphore(%arg7 : memref<!tpu.dma_semaphore, #tpu.memory_space<semaphore_mem>>) src(%dma_wait3A_621 : memref<128xi32, #tpu.memory_space<hbm>>) dst(%dma_wait3A_620 : memref<128xi32, #tpu.memory_space<vmem>>)
    %dma_wait3A_622 = arith.constant 26 : i32
    %dma_wait3A_623 = arith.constant 0 : i32
    %dma_wait3A_624 = tpu.memref_slice %arg5[%dma_wait3A_622, %dma_wait3A_623] : memref<32x128xi32, #tpu.memory_space<vmem>> -> memref<1x128xi32, #tpu.memory_space<vmem>>
    %dma_wait3A_625 = tpu.memref_squeeze %dma_wait3A_624 : memref<1x128xi32, #tpu.memory_space<vmem>> -> memref<128xi32, #tpu.memory_space<vmem>>
    %dma_wait3A_626 = tpu.memref_slice %arg3[%add3A_324] : memref<131072xi32, #tpu.memory_space<hbm>> -> memref<128xi32, #tpu.memory_space<hbm>>
    %dma_wait3A_627 = arith.constant 0 : i32
    %dma_wait3A_628 = tpu.memref_slice %arg5[%dma_wait3A_622, %dma_wait3A_627] : memref<32x128xi32, #tpu.memory_space<vmem>> -> memref<1x128xi32, #tpu.memory_space<vmem>>
    %dma_wait3A_629 = tpu.memref_squeeze %dma_wait3A_628 : memref<1x128xi32, #tpu.memory_space<vmem>> -> memref<128xi32, #tpu.memory_space<vmem>>
    %dma_wait3A_630 = tpu.memref_slice %arg3[%add3A_324] : memref<131072xi32, #tpu.memory_space<hbm>> -> memref<128xi32, #tpu.memory_space<hbm>>
    tpu.wait_dma2 semaphore(%arg7 : memref<!tpu.dma_semaphore, #tpu.memory_space<semaphore_mem>>) src(%dma_wait3A_630 : memref<128xi32, #tpu.memory_space<hbm>>) dst(%dma_wait3A_629 : memref<128xi32, #tpu.memory_space<vmem>>)
    %dma_wait3A_631 = arith.constant 27 : i32
    %dma_wait3A_632 = arith.constant 0 : i32
    %dma_wait3A_633 = tpu.memref_slice %arg5[%dma_wait3A_631, %dma_wait3A_632] : memref<32x128xi32, #tpu.memory_space<vmem>> -> memref<1x128xi32, #tpu.memory_space<vmem>>
    %dma_wait3A_634 = tpu.memref_squeeze %dma_wait3A_633 : memref<1x128xi32, #tpu.memory_space<vmem>> -> memref<128xi32, #tpu.memory_space<vmem>>
    %dma_wait3A_635 = tpu.memref_slice %arg3[%add3A_335] : memref<131072xi32, #tpu.memory_space<hbm>> -> memref<128xi32, #tpu.memory_space<hbm>>
    %dma_wait3A_636 = arith.constant 0 : i32
    %dma_wait3A_637 = tpu.memref_slice %arg5[%dma_wait3A_631, %dma_wait3A_636] : memref<32x128xi32, #tpu.memory_space<vmem>> -> memref<1x128xi32, #tpu.memory_space<vmem>>
    %dma_wait3A_638 = tpu.memref_squeeze %dma_wait3A_637 : memref<1x128xi32, #tpu.memory_space<vmem>> -> memref<128xi32, #tpu.memory_space<vmem>>
    %dma_wait3A_639 = tpu.memref_slice %arg3[%add3A_335] : memref<131072xi32, #tpu.memory_space<hbm>> -> memref<128xi32, #tpu.memory_space<hbm>>
    tpu.wait_dma2 semaphore(%arg7 : memref<!tpu.dma_semaphore, #tpu.memory_space<semaphore_mem>>) src(%dma_wait3A_639 : memref<128xi32, #tpu.memory_space<hbm>>) dst(%dma_wait3A_638 : memref<128xi32, #tpu.memory_space<vmem>>)
    %dma_wait3A_640 = arith.constant 28 : i32
    %dma_wait3A_641 = arith.constant 0 : i32
    %dma_wait3A_642 = tpu.memref_slice %arg5[%dma_wait3A_640, %dma_wait3A_641] : memref<32x128xi32, #tpu.memory_space<vmem>> -> memref<1x128xi32, #tpu.memory_space<vmem>>
    %dma_wait3A_643 = tpu.memref_squeeze %dma_wait3A_642 : memref<1x128xi32, #tpu.memory_space<vmem>> -> memref<128xi32, #tpu.memory_space<vmem>>
    %dma_wait3A_644 = tpu.memref_slice %arg3[%add3A_346] : memref<131072xi32, #tpu.memory_space<hbm>> -> memref<128xi32, #tpu.memory_space<hbm>>
    %dma_wait3A_645 = arith.constant 0 : i32
    %dma_wait3A_646 = tpu.memref_slice %arg5[%dma_wait3A_640, %dma_wait3A_645] : memref<32x128xi32, #tpu.memory_space<vmem>> -> memref<1x128xi32, #tpu.memory_space<vmem>>
    %dma_wait3A_647 = tpu.memref_squeeze %dma_wait3A_646 : memref<1x128xi32, #tpu.memory_space<vmem>> -> memref<128xi32, #tpu.memory_space<vmem>>
    %dma_wait3A_648 = tpu.memref_slice %arg3[%add3A_346] : memref<131072xi32, #tpu.memory_space<hbm>> -> memref<128xi32, #tpu.memory_space<hbm>>
    tpu.wait_dma2 semaphore(%arg7 : memref<!tpu.dma_semaphore, #tpu.memory_space<semaphore_mem>>) src(%dma_wait3A_648 : memref<128xi32, #tpu.memory_space<hbm>>) dst(%dma_wait3A_647 : memref<128xi32, #tpu.memory_space<vmem>>)
    %dma_wait3A_649 = arith.constant 29 : i32
    %dma_wait3A_650 = arith.constant 0 : i32
    %dma_wait3A_651 = tpu.memref_slice %arg5[%dma_wait3A_649, %dma_wait3A_650] : memref<32x128xi32, #tpu.memory_space<vmem>> -> memref<1x128xi32, #tpu.memory_space<vmem>>
    %dma_wait3A_652 = tpu.memref_squeeze %dma_wait3A_651 : memref<1x128xi32, #tpu.memory_space<vmem>> -> memref<128xi32, #tpu.memory_space<vmem>>
    %dma_wait3A_653 = tpu.memref_slice %arg3[%add3A_357] : memref<131072xi32, #tpu.memory_space<hbm>> -> memref<128xi32, #tpu.memory_space<hbm>>
    %dma_wait3A_654 = arith.constant 0 : i32
    %dma_wait3A_655 = tpu.memref_slice %arg5[%dma_wait3A_649, %dma_wait3A_654] : memref<32x128xi32, #tpu.memory_space<vmem>> -> memref<1x128xi32, #tpu.memory_space<vmem>>
    %dma_wait3A_656 = tpu.memref_squeeze %dma_wait3A_655 : memref<1x128xi32, #tpu.memory_space<vmem>> -> memref<128xi32, #tpu.memory_space<vmem>>
    %dma_wait3A_657 = tpu.memref_slice %arg3[%add3A_357] : memref<131072xi32, #tpu.memory_space<hbm>> -> memref<128xi32, #tpu.memory_space<hbm>>
    tpu.wait_dma2 semaphore(%arg7 : memref<!tpu.dma_semaphore, #tpu.memory_space<semaphore_mem>>) src(%dma_wait3A_657 : memref<128xi32, #tpu.memory_space<hbm>>) dst(%dma_wait3A_656 : memref<128xi32, #tpu.memory_space<vmem>>)
    %dma_wait3A_658 = arith.constant 30 : i32
    %dma_wait3A_659 = arith.constant 0 : i32
    %dma_wait3A_660 = tpu.memref_slice %arg5[%dma_wait3A_658, %dma_wait3A_659] : memref<32x128xi32, #tpu.memory_space<vmem>> -> memref<1x128xi32, #tpu.memory_space<vmem>>
    %dma_wait3A_661 = tpu.memref_squeeze %dma_wait3A_660 : memref<1x128xi32, #tpu.memory_space<vmem>> -> memref<128xi32, #tpu.memory_space<vmem>>
    %dma_wait3A_662 = tpu.memref_slice %arg3[%add3A_368] : memref<131072xi32, #tpu.memory_space<hbm>> -> memref<128xi32, #tpu.memory_space<hbm>>
    %dma_wait3A_663 = arith.constant 0 : i32
    %dma_wait3A_664 = tpu.memref_slice %arg5[%dma_wait3A_658, %dma_wait3A_663] : memref<32x128xi32, #tpu.memory_space<vmem>> -> memref<1x128xi32, #tpu.memory_space<vmem>>
    %dma_wait3A_665 = tpu.memref_squeeze %dma_wait3A_664 : memref<1x128xi32, #tpu.memory_space<vmem>> -> memref<128xi32, #tpu.memory_space<vmem>>
    %dma_wait3A_666 = tpu.memref_slice %arg3[%add3A_368] : memref<131072xi32, #tpu.memory_space<hbm>> -> memref<128xi32, #tpu.memory_space<hbm>>
    tpu.wait_dma2 semaphore(%arg7 : memref<!tpu.dma_semaphore, #tpu.memory_space<semaphore_mem>>) src(%dma_wait3A_666 : memref<128xi32, #tpu.memory_space<hbm>>) dst(%dma_wait3A_665 : memref<128xi32, #tpu.memory_space<vmem>>)
    %dma_wait3A_667 = arith.constant 31 : i32
    %dma_wait3A_668 = arith.constant 0 : i32
    %dma_wait3A_669 = tpu.memref_slice %arg5[%dma_wait3A_667, %dma_wait3A_668] : memref<32x128xi32, #tpu.memory_space<vmem>> -> memref<1x128xi32, #tpu.memory_space<vmem>>
    %dma_wait3A_670 = tpu.memref_squeeze %dma_wait3A_669 : memref<1x128xi32, #tpu.memory_space<vmem>> -> memref<128xi32, #tpu.memory_space<vmem>>
    %dma_wait3A_671 = tpu.memref_slice %arg3[%add3A_379] : memref<131072xi32, #tpu.memory_space<hbm>> -> memref<128xi32, #tpu.memory_space<hbm>>
    %dma_wait3A_672 = arith.constant 0 : i32
    %dma_wait3A_673 = tpu.memref_slice %arg5[%dma_wait3A_667, %dma_wait3A_672] : memref<32x128xi32, #tpu.memory_space<vmem>> -> memref<1x128xi32, #tpu.memory_space<vmem>>
    %dma_wait3A_674 = tpu.memref_squeeze %dma_wait3A_673 : memref<1x128xi32, #tpu.memory_space<vmem>> -> memref<128xi32, #tpu.memory_space<vmem>>
    %dma_wait3A_675 = tpu.memref_slice %arg3[%add3A_379] : memref<131072xi32, #tpu.memory_space<hbm>> -> memref<128xi32, #tpu.memory_space<hbm>>
    tpu.wait_dma2 semaphore(%arg7 : memref<!tpu.dma_semaphore, #tpu.memory_space<semaphore_mem>>) src(%dma_wait3A_675 : memref<128xi32, #tpu.memory_space<hbm>>) dst(%dma_wait3A_674 : memref<128xi32, #tpu.memory_space<vmem>>)
    %dma_start3A_676 = arith.constant 0 : i32
    %dma_start3A_677 = arith.constant 0 : i32
    %dma_start3A_678 = arith.constant 0 : i32
    %dma_start3A_679 = tpu.memref_slice %arg6[%dma_start3A_677, %dma_start3A_678] : memref<4096x16xf32, #tpu.memory_space<vmem>> -> memref<128x16xf32, #tpu.memory_space<vmem>>
    %dma_start3A_680 = arith.constant 0 : i32
    %dma_start3A_681 = tpu.memref_slice %arg5[%dma_start3A_676, %dma_start3A_680] : memref<32x128xi32, #tpu.memory_space<vmem>> -> memref<1x128xi32, #tpu.memory_space<vmem>>
    %dma_start3A_682 = tpu.memref_squeeze %dma_start3A_681 : memref<1x128xi32, #tpu.memory_space<vmem>> -> memref<128xi32, #tpu.memory_space<vmem>>
    %dma_start3A_683 = arith.constant 0 : i32
    %dma_start3A_684 = arith.constant 0 : i32
    %dma_start3A_685 = tpu.memref_slice %arg2[%dma_start3A_683, %dma_start3A_684] : memref<8192x16xf32, #tpu.memory_space<hbm>> -> memref<8192x16xf32, #tpu.memory_space<hbm>>
    tpu.enqueue_indirect_dma source(%dma_start3A_685 : memref<8192x16xf32, #tpu.memory_space<hbm>>) target(%dma_start3A_679 : memref<128x16xf32, #tpu.memory_space<vmem>>) offsets(%dma_start3A_682 : memref<128xi32, #tpu.memory_space<vmem>>) semaphore(%arg8 : memref<!tpu.dma_semaphore, #tpu.memory_space<semaphore_mem>>)
    %dma_start3A_686 = arith.constant 1 : i32
    %dma_start3A_687 = arith.constant 128 : i32
    %dma_start3A_688 = arith.constant 0 : i32
    %dma_start3A_689 = tpu.memref_slice %arg6[%dma_start3A_687, %dma_start3A_688] : memref<4096x16xf32, #tpu.memory_space<vmem>> -> memref<128x16xf32, #tpu.memory_space<vmem>>
    %dma_start3A_690 = arith.constant 0 : i32
    %dma_start3A_691 = tpu.memref_slice %arg5[%dma_start3A_686, %dma_start3A_690] : memref<32x128xi32, #tpu.memory_space<vmem>> -> memref<1x128xi32, #tpu.memory_space<vmem>>
    %dma_start3A_692 = tpu.memref_squeeze %dma_start3A_691 : memref<1x128xi32, #tpu.memory_space<vmem>> -> memref<128xi32, #tpu.memory_space<vmem>>
    %dma_start3A_693 = arith.constant 0 : i32
    %dma_start3A_694 = arith.constant 0 : i32
    %dma_start3A_695 = tpu.memref_slice %arg2[%dma_start3A_693, %dma_start3A_694] : memref<8192x16xf32, #tpu.memory_space<hbm>> -> memref<8192x16xf32, #tpu.memory_space<hbm>>
    tpu.enqueue_indirect_dma source(%dma_start3A_695 : memref<8192x16xf32, #tpu.memory_space<hbm>>) target(%dma_start3A_689 : memref<128x16xf32, #tpu.memory_space<vmem>>) offsets(%dma_start3A_692 : memref<128xi32, #tpu.memory_space<vmem>>) semaphore(%arg8 : memref<!tpu.dma_semaphore, #tpu.memory_space<semaphore_mem>>)
    %dma_start3A_696 = arith.constant 2 : i32
    %dma_start3A_697 = arith.constant 256 : i32
    %dma_start3A_698 = arith.constant 0 : i32
    %dma_start3A_699 = tpu.memref_slice %arg6[%dma_start3A_697, %dma_start3A_698] : memref<4096x16xf32, #tpu.memory_space<vmem>> -> memref<128x16xf32, #tpu.memory_space<vmem>>
    %dma_start3A_700 = arith.constant 0 : i32
    %dma_start3A_701 = tpu.memref_slice %arg5[%dma_start3A_696, %dma_start3A_700] : memref<32x128xi32, #tpu.memory_space<vmem>> -> memref<1x128xi32, #tpu.memory_space<vmem>>
    %dma_start3A_702 = tpu.memref_squeeze %dma_start3A_701 : memref<1x128xi32, #tpu.memory_space<vmem>> -> memref<128xi32, #tpu.memory_space<vmem>>
    %dma_start3A_703 = arith.constant 0 : i32
    %dma_start3A_704 = arith.constant 0 : i32
    %dma_start3A_705 = tpu.memref_slice %arg2[%dma_start3A_703, %dma_start3A_704] : memref<8192x16xf32, #tpu.memory_space<hbm>> -> memref<8192x16xf32, #tpu.memory_space<hbm>>
    tpu.enqueue_indirect_dma source(%dma_start3A_705 : memref<8192x16xf32, #tpu.memory_space<hbm>>) target(%dma_start3A_699 : memref<128x16xf32, #tpu.memory_space<vmem>>) offsets(%dma_start3A_702 : memref<128xi32, #tpu.memory_space<vmem>>) semaphore(%arg8 : memref<!tpu.dma_semaphore, #tpu.memory_space<semaphore_mem>>)
    %dma_start3A_706 = arith.constant 3 : i32
    %dma_start3A_707 = arith.constant 384 : i32
    %dma_start3A_708 = arith.constant 0 : i32
    %dma_start3A_709 = tpu.memref_slice %arg6[%dma_start3A_707, %dma_start3A_708] : memref<4096x16xf32, #tpu.memory_space<vmem>> -> memref<128x16xf32, #tpu.memory_space<vmem>>
    %dma_start3A_710 = arith.constant 0 : i32
    %dma_start3A_711 = tpu.memref_slice %arg5[%dma_start3A_706, %dma_start3A_710] : memref<32x128xi32, #tpu.memory_space<vmem>> -> memref<1x128xi32, #tpu.memory_space<vmem>>
    %dma_start3A_712 = tpu.memref_squeeze %dma_start3A_711 : memref<1x128xi32, #tpu.memory_space<vmem>> -> memref<128xi32, #tpu.memory_space<vmem>>
    %dma_start3A_713 = arith.constant 0 : i32
    %dma_start3A_714 = arith.constant 0 : i32
    %dma_start3A_715 = tpu.memref_slice %arg2[%dma_start3A_713, %dma_start3A_714] : memref<8192x16xf32, #tpu.memory_space<hbm>> -> memref<8192x16xf32, #tpu.memory_space<hbm>>
    tpu.enqueue_indirect_dma source(%dma_start3A_715 : memref<8192x16xf32, #tpu.memory_space<hbm>>) target(%dma_start3A_709 : memref<128x16xf32, #tpu.memory_space<vmem>>) offsets(%dma_start3A_712 : memref<128xi32, #tpu.memory_space<vmem>>) semaphore(%arg8 : memref<!tpu.dma_semaphore, #tpu.memory_space<semaphore_mem>>)
    %dma_start3A_716 = arith.constant 4 : i32
    %dma_start3A_717 = arith.constant 512 : i32
    %dma_start3A_718 = arith.constant 0 : i32
    %dma_start3A_719 = tpu.memref_slice %arg6[%dma_start3A_717, %dma_start3A_718] : memref<4096x16xf32, #tpu.memory_space<vmem>> -> memref<128x16xf32, #tpu.memory_space<vmem>>
    %dma_start3A_720 = arith.constant 0 : i32
    %dma_start3A_721 = tpu.memref_slice %arg5[%dma_start3A_716, %dma_start3A_720] : memref<32x128xi32, #tpu.memory_space<vmem>> -> memref<1x128xi32, #tpu.memory_space<vmem>>
    %dma_start3A_722 = tpu.memref_squeeze %dma_start3A_721 : memref<1x128xi32, #tpu.memory_space<vmem>> -> memref<128xi32, #tpu.memory_space<vmem>>
    %dma_start3A_723 = arith.constant 0 : i32
    %dma_start3A_724 = arith.constant 0 : i32
    %dma_start3A_725 = tpu.memref_slice %arg2[%dma_start3A_723, %dma_start3A_724] : memref<8192x16xf32, #tpu.memory_space<hbm>> -> memref<8192x16xf32, #tpu.memory_space<hbm>>
    tpu.enqueue_indirect_dma source(%dma_start3A_725 : memref<8192x16xf32, #tpu.memory_space<hbm>>) target(%dma_start3A_719 : memref<128x16xf32, #tpu.memory_space<vmem>>) offsets(%dma_start3A_722 : memref<128xi32, #tpu.memory_space<vmem>>) semaphore(%arg8 : memref<!tpu.dma_semaphore, #tpu.memory_space<semaphore_mem>>)
    %dma_start3A_726 = arith.constant 5 : i32
    %dma_start3A_727 = arith.constant 640 : i32
    %dma_start3A_728 = arith.constant 0 : i32
    %dma_start3A_729 = tpu.memref_slice %arg6[%dma_start3A_727, %dma_start3A_728] : memref<4096x16xf32, #tpu.memory_space<vmem>> -> memref<128x16xf32, #tpu.memory_space<vmem>>
    %dma_start3A_730 = arith.constant 0 : i32
    %dma_start3A_731 = tpu.memref_slice %arg5[%dma_start3A_726, %dma_start3A_730] : memref<32x128xi32, #tpu.memory_space<vmem>> -> memref<1x128xi32, #tpu.memory_space<vmem>>
    %dma_start3A_732 = tpu.memref_squeeze %dma_start3A_731 : memref<1x128xi32, #tpu.memory_space<vmem>> -> memref<128xi32, #tpu.memory_space<vmem>>
    %dma_start3A_733 = arith.constant 0 : i32
    %dma_start3A_734 = arith.constant 0 : i32
    %dma_start3A_735 = tpu.memref_slice %arg2[%dma_start3A_733, %dma_start3A_734] : memref<8192x16xf32, #tpu.memory_space<hbm>> -> memref<8192x16xf32, #tpu.memory_space<hbm>>
    tpu.enqueue_indirect_dma source(%dma_start3A_735 : memref<8192x16xf32, #tpu.memory_space<hbm>>) target(%dma_start3A_729 : memref<128x16xf32, #tpu.memory_space<vmem>>) offsets(%dma_start3A_732 : memref<128xi32, #tpu.memory_space<vmem>>) semaphore(%arg8 : memref<!tpu.dma_semaphore, #tpu.memory_space<semaphore_mem>>)
    %dma_start3A_736 = arith.constant 6 : i32
    %dma_start3A_737 = arith.constant 768 : i32
    %dma_start3A_738 = arith.constant 0 : i32
    %dma_start3A_739 = tpu.memref_slice %arg6[%dma_start3A_737, %dma_start3A_738] : memref<4096x16xf32, #tpu.memory_space<vmem>> -> memref<128x16xf32, #tpu.memory_space<vmem>>
    %dma_start3A_740 = arith.constant 0 : i32
    %dma_start3A_741 = tpu.memref_slice %arg5[%dma_start3A_736, %dma_start3A_740] : memref<32x128xi32, #tpu.memory_space<vmem>> -> memref<1x128xi32, #tpu.memory_space<vmem>>
    %dma_start3A_742 = tpu.memref_squeeze %dma_start3A_741 : memref<1x128xi32, #tpu.memory_space<vmem>> -> memref<128xi32, #tpu.memory_space<vmem>>
    %dma_start3A_743 = arith.constant 0 : i32
    %dma_start3A_744 = arith.constant 0 : i32
    %dma_start3A_745 = tpu.memref_slice %arg2[%dma_start3A_743, %dma_start3A_744] : memref<8192x16xf32, #tpu.memory_space<hbm>> -> memref<8192x16xf32, #tpu.memory_space<hbm>>
    tpu.enqueue_indirect_dma source(%dma_start3A_745 : memref<8192x16xf32, #tpu.memory_space<hbm>>) target(%dma_start3A_739 : memref<128x16xf32, #tpu.memory_space<vmem>>) offsets(%dma_start3A_742 : memref<128xi32, #tpu.memory_space<vmem>>) semaphore(%arg8 : memref<!tpu.dma_semaphore, #tpu.memory_space<semaphore_mem>>)
    %dma_start3A_746 = arith.constant 7 : i32
    %dma_start3A_747 = arith.constant 896 : i32
    %dma_start3A_748 = arith.constant 0 : i32
    %dma_start3A_749 = tpu.memref_slice %arg6[%dma_start3A_747, %dma_start3A_748] : memref<4096x16xf32, #tpu.memory_space<vmem>> -> memref<128x16xf32, #tpu.memory_space<vmem>>
    %dma_start3A_750 = arith.constant 0 : i32
    %dma_start3A_751 = tpu.memref_slice %arg5[%dma_start3A_746, %dma_start3A_750] : memref<32x128xi32, #tpu.memory_space<vmem>> -> memref<1x128xi32, #tpu.memory_space<vmem>>
    %dma_start3A_752 = tpu.memref_squeeze %dma_start3A_751 : memref<1x128xi32, #tpu.memory_space<vmem>> -> memref<128xi32, #tpu.memory_space<vmem>>
    %dma_start3A_753 = arith.constant 0 : i32
    %dma_start3A_754 = arith.constant 0 : i32
    %dma_start3A_755 = tpu.memref_slice %arg2[%dma_start3A_753, %dma_start3A_754] : memref<8192x16xf32, #tpu.memory_space<hbm>> -> memref<8192x16xf32, #tpu.memory_space<hbm>>
    tpu.enqueue_indirect_dma source(%dma_start3A_755 : memref<8192x16xf32, #tpu.memory_space<hbm>>) target(%dma_start3A_749 : memref<128x16xf32, #tpu.memory_space<vmem>>) offsets(%dma_start3A_752 : memref<128xi32, #tpu.memory_space<vmem>>) semaphore(%arg8 : memref<!tpu.dma_semaphore, #tpu.memory_space<semaphore_mem>>)
    %dma_start3A_756 = arith.constant 8 : i32
    %dma_start3A_757 = arith.constant 1024 : i32
    %dma_start3A_758 = arith.constant 0 : i32
    %dma_start3A_759 = tpu.memref_slice %arg6[%dma_start3A_757, %dma_start3A_758] : memref<4096x16xf32, #tpu.memory_space<vmem>> -> memref<128x16xf32, #tpu.memory_space<vmem>>
    %dma_start3A_760 = arith.constant 0 : i32
    %dma_start3A_761 = tpu.memref_slice %arg5[%dma_start3A_756, %dma_start3A_760] : memref<32x128xi32, #tpu.memory_space<vmem>> -> memref<1x128xi32, #tpu.memory_space<vmem>>
    %dma_start3A_762 = tpu.memref_squeeze %dma_start3A_761 : memref<1x128xi32, #tpu.memory_space<vmem>> -> memref<128xi32, #tpu.memory_space<vmem>>
    %dma_start3A_763 = arith.constant 0 : i32
    %dma_start3A_764 = arith.constant 0 : i32
    %dma_start3A_765 = tpu.memref_slice %arg2[%dma_start3A_763, %dma_start3A_764] : memref<8192x16xf32, #tpu.memory_space<hbm>> -> memref<8192x16xf32, #tpu.memory_space<hbm>>
    tpu.enqueue_indirect_dma source(%dma_start3A_765 : memref<8192x16xf32, #tpu.memory_space<hbm>>) target(%dma_start3A_759 : memref<128x16xf32, #tpu.memory_space<vmem>>) offsets(%dma_start3A_762 : memref<128xi32, #tpu.memory_space<vmem>>) semaphore(%arg8 : memref<!tpu.dma_semaphore, #tpu.memory_space<semaphore_mem>>)
    %dma_start3A_766 = arith.constant 9 : i32
    %dma_start3A_767 = arith.constant 1152 : i32
    %dma_start3A_768 = arith.constant 0 : i32
    %dma_start3A_769 = tpu.memref_slice %arg6[%dma_start3A_767, %dma_start3A_768] : memref<4096x16xf32, #tpu.memory_space<vmem>> -> memref<128x16xf32, #tpu.memory_space<vmem>>
    %dma_start3A_770 = arith.constant 0 : i32
    %dma_start3A_771 = tpu.memref_slice %arg5[%dma_start3A_766, %dma_start3A_770] : memref<32x128xi32, #tpu.memory_space<vmem>> -> memref<1x128xi32, #tpu.memory_space<vmem>>
    %dma_start3A_772 = tpu.memref_squeeze %dma_start3A_771 : memref<1x128xi32, #tpu.memory_space<vmem>> -> memref<128xi32, #tpu.memory_space<vmem>>
    %dma_start3A_773 = arith.constant 0 : i32
    %dma_start3A_774 = arith.constant 0 : i32
    %dma_start3A_775 = tpu.memref_slice %arg2[%dma_start3A_773, %dma_start3A_774] : memref<8192x16xf32, #tpu.memory_space<hbm>> -> memref<8192x16xf32, #tpu.memory_space<hbm>>
    tpu.enqueue_indirect_dma source(%dma_start3A_775 : memref<8192x16xf32, #tpu.memory_space<hbm>>) target(%dma_start3A_769 : memref<128x16xf32, #tpu.memory_space<vmem>>) offsets(%dma_start3A_772 : memref<128xi32, #tpu.memory_space<vmem>>) semaphore(%arg8 : memref<!tpu.dma_semaphore, #tpu.memory_space<semaphore_mem>>)
    %dma_start3A_776 = arith.constant 10 : i32
    %dma_start3A_777 = arith.constant 1280 : i32
    %dma_start3A_778 = arith.constant 0 : i32
    %dma_start3A_779 = tpu.memref_slice %arg6[%dma_start3A_777, %dma_start3A_778] : memref<4096x16xf32, #tpu.memory_space<vmem>> -> memref<128x16xf32, #tpu.memory_space<vmem>>
    %dma_start3A_780 = arith.constant 0 : i32
    %dma_start3A_781 = tpu.memref_slice %arg5[%dma_start3A_776, %dma_start3A_780] : memref<32x128xi32, #tpu.memory_space<vmem>> -> memref<1x128xi32, #tpu.memory_space<vmem>>
    %dma_start3A_782 = tpu.memref_squeeze %dma_start3A_781 : memref<1x128xi32, #tpu.memory_space<vmem>> -> memref<128xi32, #tpu.memory_space<vmem>>
    %dma_start3A_783 = arith.constant 0 : i32
    %dma_start3A_784 = arith.constant 0 : i32
    %dma_start3A_785 = tpu.memref_slice %arg2[%dma_start3A_783, %dma_start3A_784] : memref<8192x16xf32, #tpu.memory_space<hbm>> -> memref<8192x16xf32, #tpu.memory_space<hbm>>
    tpu.enqueue_indirect_dma source(%dma_start3A_785 : memref<8192x16xf32, #tpu.memory_space<hbm>>) target(%dma_start3A_779 : memref<128x16xf32, #tpu.memory_space<vmem>>) offsets(%dma_start3A_782 : memref<128xi32, #tpu.memory_space<vmem>>) semaphore(%arg8 : memref<!tpu.dma_semaphore, #tpu.memory_space<semaphore_mem>>)
    %dma_start3A_786 = arith.constant 11 : i32
    %dma_start3A_787 = arith.constant 1408 : i32
    %dma_start3A_788 = arith.constant 0 : i32
    %dma_start3A_789 = tpu.memref_slice %arg6[%dma_start3A_787, %dma_start3A_788] : memref<4096x16xf32, #tpu.memory_space<vmem>> -> memref<128x16xf32, #tpu.memory_space<vmem>>
    %dma_start3A_790 = arith.constant 0 : i32
    %dma_start3A_791 = tpu.memref_slice %arg5[%dma_start3A_786, %dma_start3A_790] : memref<32x128xi32, #tpu.memory_space<vmem>> -> memref<1x128xi32, #tpu.memory_space<vmem>>
    %dma_start3A_792 = tpu.memref_squeeze %dma_start3A_791 : memref<1x128xi32, #tpu.memory_space<vmem>> -> memref<128xi32, #tpu.memory_space<vmem>>
    %dma_start3A_793 = arith.constant 0 : i32
    %dma_start3A_794 = arith.constant 0 : i32
    %dma_start3A_795 = tpu.memref_slice %arg2[%dma_start3A_793, %dma_start3A_794] : memref<8192x16xf32, #tpu.memory_space<hbm>> -> memref<8192x16xf32, #tpu.memory_space<hbm>>
    tpu.enqueue_indirect_dma source(%dma_start3A_795 : memref<8192x16xf32, #tpu.memory_space<hbm>>) target(%dma_start3A_789 : memref<128x16xf32, #tpu.memory_space<vmem>>) offsets(%dma_start3A_792 : memref<128xi32, #tpu.memory_space<vmem>>) semaphore(%arg8 : memref<!tpu.dma_semaphore, #tpu.memory_space<semaphore_mem>>)
    %dma_start3A_796 = arith.constant 12 : i32
    %dma_start3A_797 = arith.constant 1536 : i32
    %dma_start3A_798 = arith.constant 0 : i32
    %dma_start3A_799 = tpu.memref_slice %arg6[%dma_start3A_797, %dma_start3A_798] : memref<4096x16xf32, #tpu.memory_space<vmem>> -> memref<128x16xf32, #tpu.memory_space<vmem>>
    %dma_start3A_800 = arith.constant 0 : i32
    %dma_start3A_801 = tpu.memref_slice %arg5[%dma_start3A_796, %dma_start3A_800] : memref<32x128xi32, #tpu.memory_space<vmem>> -> memref<1x128xi32, #tpu.memory_space<vmem>>
    %dma_start3A_802 = tpu.memref_squeeze %dma_start3A_801 : memref<1x128xi32, #tpu.memory_space<vmem>> -> memref<128xi32, #tpu.memory_space<vmem>>
    %dma_start3A_803 = arith.constant 0 : i32
    %dma_start3A_804 = arith.constant 0 : i32
    %dma_start3A_805 = tpu.memref_slice %arg2[%dma_start3A_803, %dma_start3A_804] : memref<8192x16xf32, #tpu.memory_space<hbm>> -> memref<8192x16xf32, #tpu.memory_space<hbm>>
    tpu.enqueue_indirect_dma source(%dma_start3A_805 : memref<8192x16xf32, #tpu.memory_space<hbm>>) target(%dma_start3A_799 : memref<128x16xf32, #tpu.memory_space<vmem>>) offsets(%dma_start3A_802 : memref<128xi32, #tpu.memory_space<vmem>>) semaphore(%arg8 : memref<!tpu.dma_semaphore, #tpu.memory_space<semaphore_mem>>)
    %dma_start3A_806 = arith.constant 13 : i32
    %dma_start3A_807 = arith.constant 1664 : i32
    %dma_start3A_808 = arith.constant 0 : i32
    %dma_start3A_809 = tpu.memref_slice %arg6[%dma_start3A_807, %dma_start3A_808] : memref<4096x16xf32, #tpu.memory_space<vmem>> -> memref<128x16xf32, #tpu.memory_space<vmem>>
    %dma_start3A_810 = arith.constant 0 : i32
    %dma_start3A_811 = tpu.memref_slice %arg5[%dma_start3A_806, %dma_start3A_810] : memref<32x128xi32, #tpu.memory_space<vmem>> -> memref<1x128xi32, #tpu.memory_space<vmem>>
    %dma_start3A_812 = tpu.memref_squeeze %dma_start3A_811 : memref<1x128xi32, #tpu.memory_space<vmem>> -> memref<128xi32, #tpu.memory_space<vmem>>
    %dma_start3A_813 = arith.constant 0 : i32
    %dma_start3A_814 = arith.constant 0 : i32
    %dma_start3A_815 = tpu.memref_slice %arg2[%dma_start3A_813, %dma_start3A_814] : memref<8192x16xf32, #tpu.memory_space<hbm>> -> memref<8192x16xf32, #tpu.memory_space<hbm>>
    tpu.enqueue_indirect_dma source(%dma_start3A_815 : memref<8192x16xf32, #tpu.memory_space<hbm>>) target(%dma_start3A_809 : memref<128x16xf32, #tpu.memory_space<vmem>>) offsets(%dma_start3A_812 : memref<128xi32, #tpu.memory_space<vmem>>) semaphore(%arg8 : memref<!tpu.dma_semaphore, #tpu.memory_space<semaphore_mem>>)
    %dma_start3A_816 = arith.constant 14 : i32
    %dma_start3A_817 = arith.constant 1792 : i32
    %dma_start3A_818 = arith.constant 0 : i32
    %dma_start3A_819 = tpu.memref_slice %arg6[%dma_start3A_817, %dma_start3A_818] : memref<4096x16xf32, #tpu.memory_space<vmem>> -> memref<128x16xf32, #tpu.memory_space<vmem>>
    %dma_start3A_820 = arith.constant 0 : i32
    %dma_start3A_821 = tpu.memref_slice %arg5[%dma_start3A_816, %dma_start3A_820] : memref<32x128xi32, #tpu.memory_space<vmem>> -> memref<1x128xi32, #tpu.memory_space<vmem>>
    %dma_start3A_822 = tpu.memref_squeeze %dma_start3A_821 : memref<1x128xi32, #tpu.memory_space<vmem>> -> memref<128xi32, #tpu.memory_space<vmem>>
    %dma_start3A_823 = arith.constant 0 : i32
    %dma_start3A_824 = arith.constant 0 : i32
    %dma_start3A_825 = tpu.memref_slice %arg2[%dma_start3A_823, %dma_start3A_824] : memref<8192x16xf32, #tpu.memory_space<hbm>> -> memref<8192x16xf32, #tpu.memory_space<hbm>>
    tpu.enqueue_indirect_dma source(%dma_start3A_825 : memref<8192x16xf32, #tpu.memory_space<hbm>>) target(%dma_start3A_819 : memref<128x16xf32, #tpu.memory_space<vmem>>) offsets(%dma_start3A_822 : memref<128xi32, #tpu.memory_space<vmem>>) semaphore(%arg8 : memref<!tpu.dma_semaphore, #tpu.memory_space<semaphore_mem>>)
    %dma_start3A_826 = arith.constant 15 : i32
    %dma_start3A_827 = arith.constant 1920 : i32
    %dma_start3A_828 = arith.constant 0 : i32
    %dma_start3A_829 = tpu.memref_slice %arg6[%dma_start3A_827, %dma_start3A_828] : memref<4096x16xf32, #tpu.memory_space<vmem>> -> memref<128x16xf32, #tpu.memory_space<vmem>>
    %dma_start3A_830 = arith.constant 0 : i32
    %dma_start3A_831 = tpu.memref_slice %arg5[%dma_start3A_826, %dma_start3A_830] : memref<32x128xi32, #tpu.memory_space<vmem>> -> memref<1x128xi32, #tpu.memory_space<vmem>>
    %dma_start3A_832 = tpu.memref_squeeze %dma_start3A_831 : memref<1x128xi32, #tpu.memory_space<vmem>> -> memref<128xi32, #tpu.memory_space<vmem>>
    %dma_start3A_833 = arith.constant 0 : i32
    %dma_start3A_834 = arith.constant 0 : i32
    %dma_start3A_835 = tpu.memref_slice %arg2[%dma_start3A_833, %dma_start3A_834] : memref<8192x16xf32, #tpu.memory_space<hbm>> -> memref<8192x16xf32, #tpu.memory_space<hbm>>
    tpu.enqueue_indirect_dma source(%dma_start3A_835 : memref<8192x16xf32, #tpu.memory_space<hbm>>) target(%dma_start3A_829 : memref<128x16xf32, #tpu.memory_space<vmem>>) offsets(%dma_start3A_832 : memref<128xi32, #tpu.memory_space<vmem>>) semaphore(%arg8 : memref<!tpu.dma_semaphore, #tpu.memory_space<semaphore_mem>>)
    %dma_start3A_836 = arith.constant 16 : i32
    %dma_start3A_837 = arith.constant 2048 : i32
    %dma_start3A_838 = arith.constant 0 : i32
    %dma_start3A_839 = tpu.memref_slice %arg6[%dma_start3A_837, %dma_start3A_838] : memref<4096x16xf32, #tpu.memory_space<vmem>> -> memref<128x16xf32, #tpu.memory_space<vmem>>
    %dma_start3A_840 = arith.constant 0 : i32
    %dma_start3A_841 = tpu.memref_slice %arg5[%dma_start3A_836, %dma_start3A_840] : memref<32x128xi32, #tpu.memory_space<vmem>> -> memref<1x128xi32, #tpu.memory_space<vmem>>
    %dma_start3A_842 = tpu.memref_squeeze %dma_start3A_841 : memref<1x128xi32, #tpu.memory_space<vmem>> -> memref<128xi32, #tpu.memory_space<vmem>>
    %dma_start3A_843 = arith.constant 0 : i32
    %dma_start3A_844 = arith.constant 0 : i32
    %dma_start3A_845 = tpu.memref_slice %arg2[%dma_start3A_843, %dma_start3A_844] : memref<8192x16xf32, #tpu.memory_space<hbm>> -> memref<8192x16xf32, #tpu.memory_space<hbm>>
    tpu.enqueue_indirect_dma source(%dma_start3A_845 : memref<8192x16xf32, #tpu.memory_space<hbm>>) target(%dma_start3A_839 : memref<128x16xf32, #tpu.memory_space<vmem>>) offsets(%dma_start3A_842 : memref<128xi32, #tpu.memory_space<vmem>>) semaphore(%arg8 : memref<!tpu.dma_semaphore, #tpu.memory_space<semaphore_mem>>)
    %dma_start3A_846 = arith.constant 17 : i32
    %dma_start3A_847 = arith.constant 2176 : i32
    %dma_start3A_848 = arith.constant 0 : i32
    %dma_start3A_849 = tpu.memref_slice %arg6[%dma_start3A_847, %dma_start3A_848] : memref<4096x16xf32, #tpu.memory_space<vmem>> -> memref<128x16xf32, #tpu.memory_space<vmem>>
    %dma_start3A_850 = arith.constant 0 : i32
    %dma_start3A_851 = tpu.memref_slice %arg5[%dma_start3A_846, %dma_start3A_850] : memref<32x128xi32, #tpu.memory_space<vmem>> -> memref<1x128xi32, #tpu.memory_space<vmem>>
    %dma_start3A_852 = tpu.memref_squeeze %dma_start3A_851 : memref<1x128xi32, #tpu.memory_space<vmem>> -> memref<128xi32, #tpu.memory_space<vmem>>
    %dma_start3A_853 = arith.constant 0 : i32
    %dma_start3A_854 = arith.constant 0 : i32
    %dma_start3A_855 = tpu.memref_slice %arg2[%dma_start3A_853, %dma_start3A_854] : memref<8192x16xf32, #tpu.memory_space<hbm>> -> memref<8192x16xf32, #tpu.memory_space<hbm>>
    tpu.enqueue_indirect_dma source(%dma_start3A_855 : memref<8192x16xf32, #tpu.memory_space<hbm>>) target(%dma_start3A_849 : memref<128x16xf32, #tpu.memory_space<vmem>>) offsets(%dma_start3A_852 : memref<128xi32, #tpu.memory_space<vmem>>) semaphore(%arg8 : memref<!tpu.dma_semaphore, #tpu.memory_space<semaphore_mem>>)
    %dma_start3A_856 = arith.constant 18 : i32
    %dma_start3A_857 = arith.constant 2304 : i32
    %dma_start3A_858 = arith.constant 0 : i32
    %dma_start3A_859 = tpu.memref_slice %arg6[%dma_start3A_857, %dma_start3A_858] : memref<4096x16xf32, #tpu.memory_space<vmem>> -> memref<128x16xf32, #tpu.memory_space<vmem>>
    %dma_start3A_860 = arith.constant 0 : i32
    %dma_start3A_861 = tpu.memref_slice %arg5[%dma_start3A_856, %dma_start3A_860] : memref<32x128xi32, #tpu.memory_space<vmem>> -> memref<1x128xi32, #tpu.memory_space<vmem>>
    %dma_start3A_862 = tpu.memref_squeeze %dma_start3A_861 : memref<1x128xi32, #tpu.memory_space<vmem>> -> memref<128xi32, #tpu.memory_space<vmem>>
    %dma_start3A_863 = arith.constant 0 : i32
    %dma_start3A_864 = arith.constant 0 : i32
    %dma_start3A_865 = tpu.memref_slice %arg2[%dma_start3A_863, %dma_start3A_864] : memref<8192x16xf32, #tpu.memory_space<hbm>> -> memref<8192x16xf32, #tpu.memory_space<hbm>>
    tpu.enqueue_indirect_dma source(%dma_start3A_865 : memref<8192x16xf32, #tpu.memory_space<hbm>>) target(%dma_start3A_859 : memref<128x16xf32, #tpu.memory_space<vmem>>) offsets(%dma_start3A_862 : memref<128xi32, #tpu.memory_space<vmem>>) semaphore(%arg8 : memref<!tpu.dma_semaphore, #tpu.memory_space<semaphore_mem>>)
    %dma_start3A_866 = arith.constant 19 : i32
    %dma_start3A_867 = arith.constant 2432 : i32
    %dma_start3A_868 = arith.constant 0 : i32
    %dma_start3A_869 = tpu.memref_slice %arg6[%dma_start3A_867, %dma_start3A_868] : memref<4096x16xf32, #tpu.memory_space<vmem>> -> memref<128x16xf32, #tpu.memory_space<vmem>>
    %dma_start3A_870 = arith.constant 0 : i32
    %dma_start3A_871 = tpu.memref_slice %arg5[%dma_start3A_866, %dma_start3A_870] : memref<32x128xi32, #tpu.memory_space<vmem>> -> memref<1x128xi32, #tpu.memory_space<vmem>>
    %dma_start3A_872 = tpu.memref_squeeze %dma_start3A_871 : memref<1x128xi32, #tpu.memory_space<vmem>> -> memref<128xi32, #tpu.memory_space<vmem>>
    %dma_start3A_873 = arith.constant 0 : i32
    %dma_start3A_874 = arith.constant 0 : i32
    %dma_start3A_875 = tpu.memref_slice %arg2[%dma_start3A_873, %dma_start3A_874] : memref<8192x16xf32, #tpu.memory_space<hbm>> -> memref<8192x16xf32, #tpu.memory_space<hbm>>
    tpu.enqueue_indirect_dma source(%dma_start3A_875 : memref<8192x16xf32, #tpu.memory_space<hbm>>) target(%dma_start3A_869 : memref<128x16xf32, #tpu.memory_space<vmem>>) offsets(%dma_start3A_872 : memref<128xi32, #tpu.memory_space<vmem>>) semaphore(%arg8 : memref<!tpu.dma_semaphore, #tpu.memory_space<semaphore_mem>>)
    %dma_start3A_876 = arith.constant 20 : i32
    %dma_start3A_877 = arith.constant 2560 : i32
    %dma_start3A_878 = arith.constant 0 : i32
    %dma_start3A_879 = tpu.memref_slice %arg6[%dma_start3A_877, %dma_start3A_878] : memref<4096x16xf32, #tpu.memory_space<vmem>> -> memref<128x16xf32, #tpu.memory_space<vmem>>
    %dma_start3A_880 = arith.constant 0 : i32
    %dma_start3A_881 = tpu.memref_slice %arg5[%dma_start3A_876, %dma_start3A_880] : memref<32x128xi32, #tpu.memory_space<vmem>> -> memref<1x128xi32, #tpu.memory_space<vmem>>
    %dma_start3A_882 = tpu.memref_squeeze %dma_start3A_881 : memref<1x128xi32, #tpu.memory_space<vmem>> -> memref<128xi32, #tpu.memory_space<vmem>>
    %dma_start3A_883 = arith.constant 0 : i32
    %dma_start3A_884 = arith.constant 0 : i32
    %dma_start3A_885 = tpu.memref_slice %arg2[%dma_start3A_883, %dma_start3A_884] : memref<8192x16xf32, #tpu.memory_space<hbm>> -> memref<8192x16xf32, #tpu.memory_space<hbm>>
    tpu.enqueue_indirect_dma source(%dma_start3A_885 : memref<8192x16xf32, #tpu.memory_space<hbm>>) target(%dma_start3A_879 : memref<128x16xf32, #tpu.memory_space<vmem>>) offsets(%dma_start3A_882 : memref<128xi32, #tpu.memory_space<vmem>>) semaphore(%arg8 : memref<!tpu.dma_semaphore, #tpu.memory_space<semaphore_mem>>)
    %dma_start3A_886 = arith.constant 21 : i32
    %dma_start3A_887 = arith.constant 2688 : i32
    %dma_start3A_888 = arith.constant 0 : i32
    %dma_start3A_889 = tpu.memref_slice %arg6[%dma_start3A_887, %dma_start3A_888] : memref<4096x16xf32, #tpu.memory_space<vmem>> -> memref<128x16xf32, #tpu.memory_space<vmem>>
    %dma_start3A_890 = arith.constant 0 : i32
    %dma_start3A_891 = tpu.memref_slice %arg5[%dma_start3A_886, %dma_start3A_890] : memref<32x128xi32, #tpu.memory_space<vmem>> -> memref<1x128xi32, #tpu.memory_space<vmem>>
    %dma_start3A_892 = tpu.memref_squeeze %dma_start3A_891 : memref<1x128xi32, #tpu.memory_space<vmem>> -> memref<128xi32, #tpu.memory_space<vmem>>
    %dma_start3A_893 = arith.constant 0 : i32
    %dma_start3A_894 = arith.constant 0 : i32
    %dma_start3A_895 = tpu.memref_slice %arg2[%dma_start3A_893, %dma_start3A_894] : memref<8192x16xf32, #tpu.memory_space<hbm>> -> memref<8192x16xf32, #tpu.memory_space<hbm>>
    tpu.enqueue_indirect_dma source(%dma_start3A_895 : memref<8192x16xf32, #tpu.memory_space<hbm>>) target(%dma_start3A_889 : memref<128x16xf32, #tpu.memory_space<vmem>>) offsets(%dma_start3A_892 : memref<128xi32, #tpu.memory_space<vmem>>) semaphore(%arg8 : memref<!tpu.dma_semaphore, #tpu.memory_space<semaphore_mem>>)
    %dma_start3A_896 = arith.constant 22 : i32
    %dma_start3A_897 = arith.constant 2816 : i32
    %dma_start3A_898 = arith.constant 0 : i32
    %dma_start3A_899 = tpu.memref_slice %arg6[%dma_start3A_897, %dma_start3A_898] : memref<4096x16xf32, #tpu.memory_space<vmem>> -> memref<128x16xf32, #tpu.memory_space<vmem>>
    %dma_start3A_900 = arith.constant 0 : i32
    %dma_start3A_901 = tpu.memref_slice %arg5[%dma_start3A_896, %dma_start3A_900] : memref<32x128xi32, #tpu.memory_space<vmem>> -> memref<1x128xi32, #tpu.memory_space<vmem>>
    %dma_start3A_902 = tpu.memref_squeeze %dma_start3A_901 : memref<1x128xi32, #tpu.memory_space<vmem>> -> memref<128xi32, #tpu.memory_space<vmem>>
    %dma_start3A_903 = arith.constant 0 : i32
    %dma_start3A_904 = arith.constant 0 : i32
    %dma_start3A_905 = tpu.memref_slice %arg2[%dma_start3A_903, %dma_start3A_904] : memref<8192x16xf32, #tpu.memory_space<hbm>> -> memref<8192x16xf32, #tpu.memory_space<hbm>>
    tpu.enqueue_indirect_dma source(%dma_start3A_905 : memref<8192x16xf32, #tpu.memory_space<hbm>>) target(%dma_start3A_899 : memref<128x16xf32, #tpu.memory_space<vmem>>) offsets(%dma_start3A_902 : memref<128xi32, #tpu.memory_space<vmem>>) semaphore(%arg8 : memref<!tpu.dma_semaphore, #tpu.memory_space<semaphore_mem>>)
    %dma_start3A_906 = arith.constant 23 : i32
    %dma_start3A_907 = arith.constant 2944 : i32
    %dma_start3A_908 = arith.constant 0 : i32
    %dma_start3A_909 = tpu.memref_slice %arg6[%dma_start3A_907, %dma_start3A_908] : memref<4096x16xf32, #tpu.memory_space<vmem>> -> memref<128x16xf32, #tpu.memory_space<vmem>>
    %dma_start3A_910 = arith.constant 0 : i32
    %dma_start3A_911 = tpu.memref_slice %arg5[%dma_start3A_906, %dma_start3A_910] : memref<32x128xi32, #tpu.memory_space<vmem>> -> memref<1x128xi32, #tpu.memory_space<vmem>>
    %dma_start3A_912 = tpu.memref_squeeze %dma_start3A_911 : memref<1x128xi32, #tpu.memory_space<vmem>> -> memref<128xi32, #tpu.memory_space<vmem>>
    %dma_start3A_913 = arith.constant 0 : i32
    %dma_start3A_914 = arith.constant 0 : i32
    %dma_start3A_915 = tpu.memref_slice %arg2[%dma_start3A_913, %dma_start3A_914] : memref<8192x16xf32, #tpu.memory_space<hbm>> -> memref<8192x16xf32, #tpu.memory_space<hbm>>
    tpu.enqueue_indirect_dma source(%dma_start3A_915 : memref<8192x16xf32, #tpu.memory_space<hbm>>) target(%dma_start3A_909 : memref<128x16xf32, #tpu.memory_space<vmem>>) offsets(%dma_start3A_912 : memref<128xi32, #tpu.memory_space<vmem>>) semaphore(%arg8 : memref<!tpu.dma_semaphore, #tpu.memory_space<semaphore_mem>>)
    %dma_start3A_916 = arith.constant 24 : i32
    %dma_start3A_917 = arith.constant 3072 : i32
    %dma_start3A_918 = arith.constant 0 : i32
    %dma_start3A_919 = tpu.memref_slice %arg6[%dma_start3A_917, %dma_start3A_918] : memref<4096x16xf32, #tpu.memory_space<vmem>> -> memref<128x16xf32, #tpu.memory_space<vmem>>
    %dma_start3A_920 = arith.constant 0 : i32
    %dma_start3A_921 = tpu.memref_slice %arg5[%dma_start3A_916, %dma_start3A_920] : memref<32x128xi32, #tpu.memory_space<vmem>> -> memref<1x128xi32, #tpu.memory_space<vmem>>
    %dma_start3A_922 = tpu.memref_squeeze %dma_start3A_921 : memref<1x128xi32, #tpu.memory_space<vmem>> -> memref<128xi32, #tpu.memory_space<vmem>>
    %dma_start3A_923 = arith.constant 0 : i32
    %dma_start3A_924 = arith.constant 0 : i32
    %dma_start3A_925 = tpu.memref_slice %arg2[%dma_start3A_923, %dma_start3A_924] : memref<8192x16xf32, #tpu.memory_space<hbm>> -> memref<8192x16xf32, #tpu.memory_space<hbm>>
    tpu.enqueue_indirect_dma source(%dma_start3A_925 : memref<8192x16xf32, #tpu.memory_space<hbm>>) target(%dma_start3A_919 : memref<128x16xf32, #tpu.memory_space<vmem>>) offsets(%dma_start3A_922 : memref<128xi32, #tpu.memory_space<vmem>>) semaphore(%arg8 : memref<!tpu.dma_semaphore, #tpu.memory_space<semaphore_mem>>)
    %dma_start3A_926 = arith.constant 25 : i32
    %dma_start3A_927 = arith.constant 3200 : i32
    %dma_start3A_928 = arith.constant 0 : i32
    %dma_start3A_929 = tpu.memref_slice %arg6[%dma_start3A_927, %dma_start3A_928] : memref<4096x16xf32, #tpu.memory_space<vmem>> -> memref<128x16xf32, #tpu.memory_space<vmem>>
    %dma_start3A_930 = arith.constant 0 : i32
    %dma_start3A_931 = tpu.memref_slice %arg5[%dma_start3A_926, %dma_start3A_930] : memref<32x128xi32, #tpu.memory_space<vmem>> -> memref<1x128xi32, #tpu.memory_space<vmem>>
    %dma_start3A_932 = tpu.memref_squeeze %dma_start3A_931 : memref<1x128xi32, #tpu.memory_space<vmem>> -> memref<128xi32, #tpu.memory_space<vmem>>
    %dma_start3A_933 = arith.constant 0 : i32
    %dma_start3A_934 = arith.constant 0 : i32
    %dma_start3A_935 = tpu.memref_slice %arg2[%dma_start3A_933, %dma_start3A_934] : memref<8192x16xf32, #tpu.memory_space<hbm>> -> memref<8192x16xf32, #tpu.memory_space<hbm>>
    tpu.enqueue_indirect_dma source(%dma_start3A_935 : memref<8192x16xf32, #tpu.memory_space<hbm>>) target(%dma_start3A_929 : memref<128x16xf32, #tpu.memory_space<vmem>>) offsets(%dma_start3A_932 : memref<128xi32, #tpu.memory_space<vmem>>) semaphore(%arg8 : memref<!tpu.dma_semaphore, #tpu.memory_space<semaphore_mem>>)
    %dma_start3A_936 = arith.constant 26 : i32
    %dma_start3A_937 = arith.constant 3328 : i32
    %dma_start3A_938 = arith.constant 0 : i32
    %dma_start3A_939 = tpu.memref_slice %arg6[%dma_start3A_937, %dma_start3A_938] : memref<4096x16xf32, #tpu.memory_space<vmem>> -> memref<128x16xf32, #tpu.memory_space<vmem>>
    %dma_start3A_940 = arith.constant 0 : i32
    %dma_start3A_941 = tpu.memref_slice %arg5[%dma_start3A_936, %dma_start3A_940] : memref<32x128xi32, #tpu.memory_space<vmem>> -> memref<1x128xi32, #tpu.memory_space<vmem>>
    %dma_start3A_942 = tpu.memref_squeeze %dma_start3A_941 : memref<1x128xi32, #tpu.memory_space<vmem>> -> memref<128xi32, #tpu.memory_space<vmem>>
    %dma_start3A_943 = arith.constant 0 : i32
    %dma_start3A_944 = arith.constant 0 : i32
    %dma_start3A_945 = tpu.memref_slice %arg2[%dma_start3A_943, %dma_start3A_944] : memref<8192x16xf32, #tpu.memory_space<hbm>> -> memref<8192x16xf32, #tpu.memory_space<hbm>>
    tpu.enqueue_indirect_dma source(%dma_start3A_945 : memref<8192x16xf32, #tpu.memory_space<hbm>>) target(%dma_start3A_939 : memref<128x16xf32, #tpu.memory_space<vmem>>) offsets(%dma_start3A_942 : memref<128xi32, #tpu.memory_space<vmem>>) semaphore(%arg8 : memref<!tpu.dma_semaphore, #tpu.memory_space<semaphore_mem>>)
    %dma_start3A_946 = arith.constant 27 : i32
    %dma_start3A_947 = arith.constant 3456 : i32
    %dma_start3A_948 = arith.constant 0 : i32
    %dma_start3A_949 = tpu.memref_slice %arg6[%dma_start3A_947, %dma_start3A_948] : memref<4096x16xf32, #tpu.memory_space<vmem>> -> memref<128x16xf32, #tpu.memory_space<vmem>>
    %dma_start3A_950 = arith.constant 0 : i32
    %dma_start3A_951 = tpu.memref_slice %arg5[%dma_start3A_946, %dma_start3A_950] : memref<32x128xi32, #tpu.memory_space<vmem>> -> memref<1x128xi32, #tpu.memory_space<vmem>>
    %dma_start3A_952 = tpu.memref_squeeze %dma_start3A_951 : memref<1x128xi32, #tpu.memory_space<vmem>> -> memref<128xi32, #tpu.memory_space<vmem>>
    %dma_start3A_953 = arith.constant 0 : i32
    %dma_start3A_954 = arith.constant 0 : i32
    %dma_start3A_955 = tpu.memref_slice %arg2[%dma_start3A_953, %dma_start3A_954] : memref<8192x16xf32, #tpu.memory_space<hbm>> -> memref<8192x16xf32, #tpu.memory_space<hbm>>
    tpu.enqueue_indirect_dma source(%dma_start3A_955 : memref<8192x16xf32, #tpu.memory_space<hbm>>) target(%dma_start3A_949 : memref<128x16xf32, #tpu.memory_space<vmem>>) offsets(%dma_start3A_952 : memref<128xi32, #tpu.memory_space<vmem>>) semaphore(%arg8 : memref<!tpu.dma_semaphore, #tpu.memory_space<semaphore_mem>>)
    %dma_start3A_956 = arith.constant 28 : i32
    %dma_start3A_957 = arith.constant 3584 : i32
    %dma_start3A_958 = arith.constant 0 : i32
    %dma_start3A_959 = tpu.memref_slice %arg6[%dma_start3A_957, %dma_start3A_958] : memref<4096x16xf32, #tpu.memory_space<vmem>> -> memref<128x16xf32, #tpu.memory_space<vmem>>
    %dma_start3A_960 = arith.constant 0 : i32
    %dma_start3A_961 = tpu.memref_slice %arg5[%dma_start3A_956, %dma_start3A_960] : memref<32x128xi32, #tpu.memory_space<vmem>> -> memref<1x128xi32, #tpu.memory_space<vmem>>
    %dma_start3A_962 = tpu.memref_squeeze %dma_start3A_961 : memref<1x128xi32, #tpu.memory_space<vmem>> -> memref<128xi32, #tpu.memory_space<vmem>>
    %dma_start3A_963 = arith.constant 0 : i32
    %dma_start3A_964 = arith.constant 0 : i32
    %dma_start3A_965 = tpu.memref_slice %arg2[%dma_start3A_963, %dma_start3A_964] : memref<8192x16xf32, #tpu.memory_space<hbm>> -> memref<8192x16xf32, #tpu.memory_space<hbm>>
    tpu.enqueue_indirect_dma source(%dma_start3A_965 : memref<8192x16xf32, #tpu.memory_space<hbm>>) target(%dma_start3A_959 : memref<128x16xf32, #tpu.memory_space<vmem>>) offsets(%dma_start3A_962 : memref<128xi32, #tpu.memory_space<vmem>>) semaphore(%arg8 : memref<!tpu.dma_semaphore, #tpu.memory_space<semaphore_mem>>)
    %dma_start3A_966 = arith.constant 29 : i32
    %dma_start3A_967 = arith.constant 3712 : i32
    %dma_start3A_968 = arith.constant 0 : i32
    %dma_start3A_969 = tpu.memref_slice %arg6[%dma_start3A_967, %dma_start3A_968] : memref<4096x16xf32, #tpu.memory_space<vmem>> -> memref<128x16xf32, #tpu.memory_space<vmem>>
    %dma_start3A_970 = arith.constant 0 : i32
    %dma_start3A_971 = tpu.memref_slice %arg5[%dma_start3A_966, %dma_start3A_970] : memref<32x128xi32, #tpu.memory_space<vmem>> -> memref<1x128xi32, #tpu.memory_space<vmem>>
    %dma_start3A_972 = tpu.memref_squeeze %dma_start3A_971 : memref<1x128xi32, #tpu.memory_space<vmem>> -> memref<128xi32, #tpu.memory_space<vmem>>
    %dma_start3A_973 = arith.constant 0 : i32
    %dma_start3A_974 = arith.constant 0 : i32
    %dma_start3A_975 = tpu.memref_slice %arg2[%dma_start3A_973, %dma_start3A_974] : memref<8192x16xf32, #tpu.memory_space<hbm>> -> memref<8192x16xf32, #tpu.memory_space<hbm>>
    tpu.enqueue_indirect_dma source(%dma_start3A_975 : memref<8192x16xf32, #tpu.memory_space<hbm>>) target(%dma_start3A_969 : memref<128x16xf32, #tpu.memory_space<vmem>>) offsets(%dma_start3A_972 : memref<128xi32, #tpu.memory_space<vmem>>) semaphore(%arg8 : memref<!tpu.dma_semaphore, #tpu.memory_space<semaphore_mem>>)
    %dma_start3A_976 = arith.constant 30 : i32
    %dma_start3A_977 = arith.constant 3840 : i32
    %dma_start3A_978 = arith.constant 0 : i32
    %dma_start3A_979 = tpu.memref_slice %arg6[%dma_start3A_977, %dma_start3A_978] : memref<4096x16xf32, #tpu.memory_space<vmem>> -> memref<128x16xf32, #tpu.memory_space<vmem>>
    %dma_start3A_980 = arith.constant 0 : i32
    %dma_start3A_981 = tpu.memref_slice %arg5[%dma_start3A_976, %dma_start3A_980] : memref<32x128xi32, #tpu.memory_space<vmem>> -> memref<1x128xi32, #tpu.memory_space<vmem>>
    %dma_start3A_982 = tpu.memref_squeeze %dma_start3A_981 : memref<1x128xi32, #tpu.memory_space<vmem>> -> memref<128xi32, #tpu.memory_space<vmem>>
    %dma_start3A_983 = arith.constant 0 : i32
    %dma_start3A_984 = arith.constant 0 : i32
    %dma_start3A_985 = tpu.memref_slice %arg2[%dma_start3A_983, %dma_start3A_984] : memref<8192x16xf32, #tpu.memory_space<hbm>> -> memref<8192x16xf32, #tpu.memory_space<hbm>>
    tpu.enqueue_indirect_dma source(%dma_start3A_985 : memref<8192x16xf32, #tpu.memory_space<hbm>>) target(%dma_start3A_979 : memref<128x16xf32, #tpu.memory_space<vmem>>) offsets(%dma_start3A_982 : memref<128xi32, #tpu.memory_space<vmem>>) semaphore(%arg8 : memref<!tpu.dma_semaphore, #tpu.memory_space<semaphore_mem>>)
    %dma_start3A_986 = arith.constant 31 : i32
    %dma_start3A_987 = arith.constant 3968 : i32
    %dma_start3A_988 = arith.constant 0 : i32
    %dma_start3A_989 = tpu.memref_slice %arg6[%dma_start3A_987, %dma_start3A_988] : memref<4096x16xf32, #tpu.memory_space<vmem>> -> memref<128x16xf32, #tpu.memory_space<vmem>>
    %dma_start3A_990 = arith.constant 0 : i32
    %dma_start3A_991 = tpu.memref_slice %arg5[%dma_start3A_986, %dma_start3A_990] : memref<32x128xi32, #tpu.memory_space<vmem>> -> memref<1x128xi32, #tpu.memory_space<vmem>>
    %dma_start3A_992 = tpu.memref_squeeze %dma_start3A_991 : memref<1x128xi32, #tpu.memory_space<vmem>> -> memref<128xi32, #tpu.memory_space<vmem>>
    %dma_start3A_993 = arith.constant 0 : i32
    %dma_start3A_994 = arith.constant 0 : i32
    %dma_start3A_995 = tpu.memref_slice %arg2[%dma_start3A_993, %dma_start3A_994] : memref<8192x16xf32, #tpu.memory_space<hbm>> -> memref<8192x16xf32, #tpu.memory_space<hbm>>
    tpu.enqueue_indirect_dma source(%dma_start3A_995 : memref<8192x16xf32, #tpu.memory_space<hbm>>) target(%dma_start3A_989 : memref<128x16xf32, #tpu.memory_space<vmem>>) offsets(%dma_start3A_992 : memref<128xi32, #tpu.memory_space<vmem>>) semaphore(%arg8 : memref<!tpu.dma_semaphore, #tpu.memory_space<semaphore_mem>>)
    %dma_wait3A_996 = arith.constant 0 : i32
    %dma_wait3A_997 = arith.constant 0 : i32
    %dma_wait3A_998 = arith.constant 0 : i32
    %dma_wait3A_999 = tpu.memref_slice %arg6[%dma_wait3A_997, %dma_wait3A_998] : memref<4096x16xf32, #tpu.memory_space<vmem>> -> memref<128x16xf32, #tpu.memory_space<vmem>>
    %dma_wait3A_1000 = arith.constant 0 : i32
    %dma_wait3A_1001 = tpu.memref_slice %arg5[%dma_wait3A_996, %dma_wait3A_1000] : memref<32x128xi32, #tpu.memory_space<vmem>> -> memref<1x128xi32, #tpu.memory_space<vmem>>
    %dma_wait3A_1002 = tpu.memref_squeeze %dma_wait3A_1001 : memref<1x128xi32, #tpu.memory_space<vmem>> -> memref<128xi32, #tpu.memory_space<vmem>>
    %dma_wait3A_1003 = arith.constant 0 : i32
    %dma_wait3A_1004 = arith.constant 0 : i32
    %dma_wait3A_1005 = tpu.memref_slice %arg2[%dma_wait3A_1003, %dma_wait3A_1004] : memref<8192x16xf32, #tpu.memory_space<hbm>> -> memref<8192x16xf32, #tpu.memory_space<hbm>>
    tpu.wait_indirect_dma semaphore(%arg8 : memref<!tpu.dma_semaphore, #tpu.memory_space<semaphore_mem>>) src(%dma_wait3A_1005 : memref<8192x16xf32, #tpu.memory_space<hbm>>) dst(%dma_wait3A_999 : memref<128x16xf32, #tpu.memory_space<vmem>>)
    %dma_wait3A_1006 = arith.constant 1 : i32
    %dma_wait3A_1007 = arith.constant 128 : i32
    %dma_wait3A_1008 = arith.constant 0 : i32
    %dma_wait3A_1009 = tpu.memref_slice %arg6[%dma_wait3A_1007, %dma_wait3A_1008] : memref<4096x16xf32, #tpu.memory_space<vmem>> -> memref<128x16xf32, #tpu.memory_space<vmem>>
    %dma_wait3A_1010 = arith.constant 0 : i32
    %dma_wait3A_1011 = tpu.memref_slice %arg5[%dma_wait3A_1006, %dma_wait3A_1010] : memref<32x128xi32, #tpu.memory_space<vmem>> -> memref<1x128xi32, #tpu.memory_space<vmem>>
    %dma_wait3A_1012 = tpu.memref_squeeze %dma_wait3A_1011 : memref<1x128xi32, #tpu.memory_space<vmem>> -> memref<128xi32, #tpu.memory_space<vmem>>
    %dma_wait3A_1013 = arith.constant 0 : i32
    %dma_wait3A_1014 = arith.constant 0 : i32
    %dma_wait3A_1015 = tpu.memref_slice %arg2[%dma_wait3A_1013, %dma_wait3A_1014] : memref<8192x16xf32, #tpu.memory_space<hbm>> -> memref<8192x16xf32, #tpu.memory_space<hbm>>
    tpu.wait_indirect_dma semaphore(%arg8 : memref<!tpu.dma_semaphore, #tpu.memory_space<semaphore_mem>>) src(%dma_wait3A_1015 : memref<8192x16xf32, #tpu.memory_space<hbm>>) dst(%dma_wait3A_1009 : memref<128x16xf32, #tpu.memory_space<vmem>>)
    %dma_wait3A_1016 = arith.constant 2 : i32
    %dma_wait3A_1017 = arith.constant 256 : i32
    %dma_wait3A_1018 = arith.constant 0 : i32
    %dma_wait3A_1019 = tpu.memref_slice %arg6[%dma_wait3A_1017, %dma_wait3A_1018] : memref<4096x16xf32, #tpu.memory_space<vmem>> -> memref<128x16xf32, #tpu.memory_space<vmem>>
    %dma_wait3A_1020 = arith.constant 0 : i32
    %dma_wait3A_1021 = tpu.memref_slice %arg5[%dma_wait3A_1016, %dma_wait3A_1020] : memref<32x128xi32, #tpu.memory_space<vmem>> -> memref<1x128xi32, #tpu.memory_space<vmem>>
    %dma_wait3A_1022 = tpu.memref_squeeze %dma_wait3A_1021 : memref<1x128xi32, #tpu.memory_space<vmem>> -> memref<128xi32, #tpu.memory_space<vmem>>
    %dma_wait3A_1023 = arith.constant 0 : i32
    %dma_wait3A_1024 = arith.constant 0 : i32
    %dma_wait3A_1025 = tpu.memref_slice %arg2[%dma_wait3A_1023, %dma_wait3A_1024] : memref<8192x16xf32, #tpu.memory_space<hbm>> -> memref<8192x16xf32, #tpu.memory_space<hbm>>
    tpu.wait_indirect_dma semaphore(%arg8 : memref<!tpu.dma_semaphore, #tpu.memory_space<semaphore_mem>>) src(%dma_wait3A_1025 : memref<8192x16xf32, #tpu.memory_space<hbm>>) dst(%dma_wait3A_1019 : memref<128x16xf32, #tpu.memory_space<vmem>>)
    %dma_wait3A_1026 = arith.constant 3 : i32
    %dma_wait3A_1027 = arith.constant 384 : i32
    %dma_wait3A_1028 = arith.constant 0 : i32
    %dma_wait3A_1029 = tpu.memref_slice %arg6[%dma_wait3A_1027, %dma_wait3A_1028] : memref<4096x16xf32, #tpu.memory_space<vmem>> -> memref<128x16xf32, #tpu.memory_space<vmem>>
    %dma_wait3A_1030 = arith.constant 0 : i32
    %dma_wait3A_1031 = tpu.memref_slice %arg5[%dma_wait3A_1026, %dma_wait3A_1030] : memref<32x128xi32, #tpu.memory_space<vmem>> -> memref<1x128xi32, #tpu.memory_space<vmem>>
    %dma_wait3A_1032 = tpu.memref_squeeze %dma_wait3A_1031 : memref<1x128xi32, #tpu.memory_space<vmem>> -> memref<128xi32, #tpu.memory_space<vmem>>
    %dma_wait3A_1033 = arith.constant 0 : i32
    %dma_wait3A_1034 = arith.constant 0 : i32
    %dma_wait3A_1035 = tpu.memref_slice %arg2[%dma_wait3A_1033, %dma_wait3A_1034] : memref<8192x16xf32, #tpu.memory_space<hbm>> -> memref<8192x16xf32, #tpu.memory_space<hbm>>
    tpu.wait_indirect_dma semaphore(%arg8 : memref<!tpu.dma_semaphore, #tpu.memory_space<semaphore_mem>>) src(%dma_wait3A_1035 : memref<8192x16xf32, #tpu.memory_space<hbm>>) dst(%dma_wait3A_1029 : memref<128x16xf32, #tpu.memory_space<vmem>>)
    %dma_wait3A_1036 = arith.constant 4 : i32
    %dma_wait3A_1037 = arith.constant 512 : i32
    %dma_wait3A_1038 = arith.constant 0 : i32
    %dma_wait3A_1039 = tpu.memref_slice %arg6[%dma_wait3A_1037, %dma_wait3A_1038] : memref<4096x16xf32, #tpu.memory_space<vmem>> -> memref<128x16xf32, #tpu.memory_space<vmem>>
    %dma_wait3A_1040 = arith.constant 0 : i32
    %dma_wait3A_1041 = tpu.memref_slice %arg5[%dma_wait3A_1036, %dma_wait3A_1040] : memref<32x128xi32, #tpu.memory_space<vmem>> -> memref<1x128xi32, #tpu.memory_space<vmem>>
    %dma_wait3A_1042 = tpu.memref_squeeze %dma_wait3A_1041 : memref<1x128xi32, #tpu.memory_space<vmem>> -> memref<128xi32, #tpu.memory_space<vmem>>
    %dma_wait3A_1043 = arith.constant 0 : i32
    %dma_wait3A_1044 = arith.constant 0 : i32
    %dma_wait3A_1045 = tpu.memref_slice %arg2[%dma_wait3A_1043, %dma_wait3A_1044] : memref<8192x16xf32, #tpu.memory_space<hbm>> -> memref<8192x16xf32, #tpu.memory_space<hbm>>
    tpu.wait_indirect_dma semaphore(%arg8 : memref<!tpu.dma_semaphore, #tpu.memory_space<semaphore_mem>>) src(%dma_wait3A_1045 : memref<8192x16xf32, #tpu.memory_space<hbm>>) dst(%dma_wait3A_1039 : memref<128x16xf32, #tpu.memory_space<vmem>>)
    %dma_wait3A_1046 = arith.constant 5 : i32
    %dma_wait3A_1047 = arith.constant 640 : i32
    %dma_wait3A_1048 = arith.constant 0 : i32
    %dma_wait3A_1049 = tpu.memref_slice %arg6[%dma_wait3A_1047, %dma_wait3A_1048] : memref<4096x16xf32, #tpu.memory_space<vmem>> -> memref<128x16xf32, #tpu.memory_space<vmem>>
    %dma_wait3A_1050 = arith.constant 0 : i32
    %dma_wait3A_1051 = tpu.memref_slice %arg5[%dma_wait3A_1046, %dma_wait3A_1050] : memref<32x128xi32, #tpu.memory_space<vmem>> -> memref<1x128xi32, #tpu.memory_space<vmem>>
    %dma_wait3A_1052 = tpu.memref_squeeze %dma_wait3A_1051 : memref<1x128xi32, #tpu.memory_space<vmem>> -> memref<128xi32, #tpu.memory_space<vmem>>
    %dma_wait3A_1053 = arith.constant 0 : i32
    %dma_wait3A_1054 = arith.constant 0 : i32
    %dma_wait3A_1055 = tpu.memref_slice %arg2[%dma_wait3A_1053, %dma_wait3A_1054] : memref<8192x16xf32, #tpu.memory_space<hbm>> -> memref<8192x16xf32, #tpu.memory_space<hbm>>
    tpu.wait_indirect_dma semaphore(%arg8 : memref<!tpu.dma_semaphore, #tpu.memory_space<semaphore_mem>>) src(%dma_wait3A_1055 : memref<8192x16xf32, #tpu.memory_space<hbm>>) dst(%dma_wait3A_1049 : memref<128x16xf32, #tpu.memory_space<vmem>>)
    %dma_wait3A_1056 = arith.constant 6 : i32
    %dma_wait3A_1057 = arith.constant 768 : i32
    %dma_wait3A_1058 = arith.constant 0 : i32
    %dma_wait3A_1059 = tpu.memref_slice %arg6[%dma_wait3A_1057, %dma_wait3A_1058] : memref<4096x16xf32, #tpu.memory_space<vmem>> -> memref<128x16xf32, #tpu.memory_space<vmem>>
    %dma_wait3A_1060 = arith.constant 0 : i32
    %dma_wait3A_1061 = tpu.memref_slice %arg5[%dma_wait3A_1056, %dma_wait3A_1060] : memref<32x128xi32, #tpu.memory_space<vmem>> -> memref<1x128xi32, #tpu.memory_space<vmem>>
    %dma_wait3A_1062 = tpu.memref_squeeze %dma_wait3A_1061 : memref<1x128xi32, #tpu.memory_space<vmem>> -> memref<128xi32, #tpu.memory_space<vmem>>
    %dma_wait3A_1063 = arith.constant 0 : i32
    %dma_wait3A_1064 = arith.constant 0 : i32
    %dma_wait3A_1065 = tpu.memref_slice %arg2[%dma_wait3A_1063, %dma_wait3A_1064] : memref<8192x16xf32, #tpu.memory_space<hbm>> -> memref<8192x16xf32, #tpu.memory_space<hbm>>
    tpu.wait_indirect_dma semaphore(%arg8 : memref<!tpu.dma_semaphore, #tpu.memory_space<semaphore_mem>>) src(%dma_wait3A_1065 : memref<8192x16xf32, #tpu.memory_space<hbm>>) dst(%dma_wait3A_1059 : memref<128x16xf32, #tpu.memory_space<vmem>>)
    %dma_wait3A_1066 = arith.constant 7 : i32
    %dma_wait3A_1067 = arith.constant 896 : i32
    %dma_wait3A_1068 = arith.constant 0 : i32
    %dma_wait3A_1069 = tpu.memref_slice %arg6[%dma_wait3A_1067, %dma_wait3A_1068] : memref<4096x16xf32, #tpu.memory_space<vmem>> -> memref<128x16xf32, #tpu.memory_space<vmem>>
    %dma_wait3A_1070 = arith.constant 0 : i32
    %dma_wait3A_1071 = tpu.memref_slice %arg5[%dma_wait3A_1066, %dma_wait3A_1070] : memref<32x128xi32, #tpu.memory_space<vmem>> -> memref<1x128xi32, #tpu.memory_space<vmem>>
    %dma_wait3A_1072 = tpu.memref_squeeze %dma_wait3A_1071 : memref<1x128xi32, #tpu.memory_space<vmem>> -> memref<128xi32, #tpu.memory_space<vmem>>
    %dma_wait3A_1073 = arith.constant 0 : i32
    %dma_wait3A_1074 = arith.constant 0 : i32
    %dma_wait3A_1075 = tpu.memref_slice %arg2[%dma_wait3A_1073, %dma_wait3A_1074] : memref<8192x16xf32, #tpu.memory_space<hbm>> -> memref<8192x16xf32, #tpu.memory_space<hbm>>
    tpu.wait_indirect_dma semaphore(%arg8 : memref<!tpu.dma_semaphore, #tpu.memory_space<semaphore_mem>>) src(%dma_wait3A_1075 : memref<8192x16xf32, #tpu.memory_space<hbm>>) dst(%dma_wait3A_1069 : memref<128x16xf32, #tpu.memory_space<vmem>>)
    %dma_wait3A_1076 = arith.constant 8 : i32
    %dma_wait3A_1077 = arith.constant 1024 : i32
    %dma_wait3A_1078 = arith.constant 0 : i32
    %dma_wait3A_1079 = tpu.memref_slice %arg6[%dma_wait3A_1077, %dma_wait3A_1078] : memref<4096x16xf32, #tpu.memory_space<vmem>> -> memref<128x16xf32, #tpu.memory_space<vmem>>
    %dma_wait3A_1080 = arith.constant 0 : i32
    %dma_wait3A_1081 = tpu.memref_slice %arg5[%dma_wait3A_1076, %dma_wait3A_1080] : memref<32x128xi32, #tpu.memory_space<vmem>> -> memref<1x128xi32, #tpu.memory_space<vmem>>
    %dma_wait3A_1082 = tpu.memref_squeeze %dma_wait3A_1081 : memref<1x128xi32, #tpu.memory_space<vmem>> -> memref<128xi32, #tpu.memory_space<vmem>>
    %dma_wait3A_1083 = arith.constant 0 : i32
    %dma_wait3A_1084 = arith.constant 0 : i32
    %dma_wait3A_1085 = tpu.memref_slice %arg2[%dma_wait3A_1083, %dma_wait3A_1084] : memref<8192x16xf32, #tpu.memory_space<hbm>> -> memref<8192x16xf32, #tpu.memory_space<hbm>>
    tpu.wait_indirect_dma semaphore(%arg8 : memref<!tpu.dma_semaphore, #tpu.memory_space<semaphore_mem>>) src(%dma_wait3A_1085 : memref<8192x16xf32, #tpu.memory_space<hbm>>) dst(%dma_wait3A_1079 : memref<128x16xf32, #tpu.memory_space<vmem>>)
    %dma_wait3A_1086 = arith.constant 9 : i32
    %dma_wait3A_1087 = arith.constant 1152 : i32
    %dma_wait3A_1088 = arith.constant 0 : i32
    %dma_wait3A_1089 = tpu.memref_slice %arg6[%dma_wait3A_1087, %dma_wait3A_1088] : memref<4096x16xf32, #tpu.memory_space<vmem>> -> memref<128x16xf32, #tpu.memory_space<vmem>>
    %dma_wait3A_1090 = arith.constant 0 : i32
    %dma_wait3A_1091 = tpu.memref_slice %arg5[%dma_wait3A_1086, %dma_wait3A_1090] : memref<32x128xi32, #tpu.memory_space<vmem>> -> memref<1x128xi32, #tpu.memory_space<vmem>>
    %dma_wait3A_1092 = tpu.memref_squeeze %dma_wait3A_1091 : memref<1x128xi32, #tpu.memory_space<vmem>> -> memref<128xi32, #tpu.memory_space<vmem>>
    %dma_wait3A_1093 = arith.constant 0 : i32
    %dma_wait3A_1094 = arith.constant 0 : i32
    %dma_wait3A_1095 = tpu.memref_slice %arg2[%dma_wait3A_1093, %dma_wait3A_1094] : memref<8192x16xf32, #tpu.memory_space<hbm>> -> memref<8192x16xf32, #tpu.memory_space<hbm>>
    tpu.wait_indirect_dma semaphore(%arg8 : memref<!tpu.dma_semaphore, #tpu.memory_space<semaphore_mem>>) src(%dma_wait3A_1095 : memref<8192x16xf32, #tpu.memory_space<hbm>>) dst(%dma_wait3A_1089 : memref<128x16xf32, #tpu.memory_space<vmem>>)
    %dma_wait3A_1096 = arith.constant 10 : i32
    %dma_wait3A_1097 = arith.constant 1280 : i32
    %dma_wait3A_1098 = arith.constant 0 : i32
    %dma_wait3A_1099 = tpu.memref_slice %arg6[%dma_wait3A_1097, %dma_wait3A_1098] : memref<4096x16xf32, #tpu.memory_space<vmem>> -> memref<128x16xf32, #tpu.memory_space<vmem>>
    %dma_wait3A_1100 = arith.constant 0 : i32
    %dma_wait3A_1101 = tpu.memref_slice %arg5[%dma_wait3A_1096, %dma_wait3A_1100] : memref<32x128xi32, #tpu.memory_space<vmem>> -> memref<1x128xi32, #tpu.memory_space<vmem>>
    %dma_wait3A_1102 = tpu.memref_squeeze %dma_wait3A_1101 : memref<1x128xi32, #tpu.memory_space<vmem>> -> memref<128xi32, #tpu.memory_space<vmem>>
    %dma_wait3A_1103 = arith.constant 0 : i32
    %dma_wait3A_1104 = arith.constant 0 : i32
    %dma_wait3A_1105 = tpu.memref_slice %arg2[%dma_wait3A_1103, %dma_wait3A_1104] : memref<8192x16xf32, #tpu.memory_space<hbm>> -> memref<8192x16xf32, #tpu.memory_space<hbm>>
    tpu.wait_indirect_dma semaphore(%arg8 : memref<!tpu.dma_semaphore, #tpu.memory_space<semaphore_mem>>) src(%dma_wait3A_1105 : memref<8192x16xf32, #tpu.memory_space<hbm>>) dst(%dma_wait3A_1099 : memref<128x16xf32, #tpu.memory_space<vmem>>)
    %dma_wait3A_1106 = arith.constant 11 : i32
    %dma_wait3A_1107 = arith.constant 1408 : i32
    %dma_wait3A_1108 = arith.constant 0 : i32
    %dma_wait3A_1109 = tpu.memref_slice %arg6[%dma_wait3A_1107, %dma_wait3A_1108] : memref<4096x16xf32, #tpu.memory_space<vmem>> -> memref<128x16xf32, #tpu.memory_space<vmem>>
    %dma_wait3A_1110 = arith.constant 0 : i32
    %dma_wait3A_1111 = tpu.memref_slice %arg5[%dma_wait3A_1106, %dma_wait3A_1110] : memref<32x128xi32, #tpu.memory_space<vmem>> -> memref<1x128xi32, #tpu.memory_space<vmem>>
    %dma_wait3A_1112 = tpu.memref_squeeze %dma_wait3A_1111 : memref<1x128xi32, #tpu.memory_space<vmem>> -> memref<128xi32, #tpu.memory_space<vmem>>
    %dma_wait3A_1113 = arith.constant 0 : i32
    %dma_wait3A_1114 = arith.constant 0 : i32
    %dma_wait3A_1115 = tpu.memref_slice %arg2[%dma_wait3A_1113, %dma_wait3A_1114] : memref<8192x16xf32, #tpu.memory_space<hbm>> -> memref<8192x16xf32, #tpu.memory_space<hbm>>
    tpu.wait_indirect_dma semaphore(%arg8 : memref<!tpu.dma_semaphore, #tpu.memory_space<semaphore_mem>>) src(%dma_wait3A_1115 : memref<8192x16xf32, #tpu.memory_space<hbm>>) dst(%dma_wait3A_1109 : memref<128x16xf32, #tpu.memory_space<vmem>>)
    %dma_wait3A_1116 = arith.constant 12 : i32
    %dma_wait3A_1117 = arith.constant 1536 : i32
    %dma_wait3A_1118 = arith.constant 0 : i32
    %dma_wait3A_1119 = tpu.memref_slice %arg6[%dma_wait3A_1117, %dma_wait3A_1118] : memref<4096x16xf32, #tpu.memory_space<vmem>> -> memref<128x16xf32, #tpu.memory_space<vmem>>
    %dma_wait3A_1120 = arith.constant 0 : i32
    %dma_wait3A_1121 = tpu.memref_slice %arg5[%dma_wait3A_1116, %dma_wait3A_1120] : memref<32x128xi32, #tpu.memory_space<vmem>> -> memref<1x128xi32, #tpu.memory_space<vmem>>
    %dma_wait3A_1122 = tpu.memref_squeeze %dma_wait3A_1121 : memref<1x128xi32, #tpu.memory_space<vmem>> -> memref<128xi32, #tpu.memory_space<vmem>>
    %dma_wait3A_1123 = arith.constant 0 : i32
    %dma_wait3A_1124 = arith.constant 0 : i32
    %dma_wait3A_1125 = tpu.memref_slice %arg2[%dma_wait3A_1123, %dma_wait3A_1124] : memref<8192x16xf32, #tpu.memory_space<hbm>> -> memref<8192x16xf32, #tpu.memory_space<hbm>>
    tpu.wait_indirect_dma semaphore(%arg8 : memref<!tpu.dma_semaphore, #tpu.memory_space<semaphore_mem>>) src(%dma_wait3A_1125 : memref<8192x16xf32, #tpu.memory_space<hbm>>) dst(%dma_wait3A_1119 : memref<128x16xf32, #tpu.memory_space<vmem>>)
    %dma_wait3A_1126 = arith.constant 13 : i32
    %dma_wait3A_1127 = arith.constant 1664 : i32
    %dma_wait3A_1128 = arith.constant 0 : i32
    %dma_wait3A_1129 = tpu.memref_slice %arg6[%dma_wait3A_1127, %dma_wait3A_1128] : memref<4096x16xf32, #tpu.memory_space<vmem>> -> memref<128x16xf32, #tpu.memory_space<vmem>>
    %dma_wait3A_1130 = arith.constant 0 : i32
    %dma_wait3A_1131 = tpu.memref_slice %arg5[%dma_wait3A_1126, %dma_wait3A_1130] : memref<32x128xi32, #tpu.memory_space<vmem>> -> memref<1x128xi32, #tpu.memory_space<vmem>>
    %dma_wait3A_1132 = tpu.memref_squeeze %dma_wait3A_1131 : memref<1x128xi32, #tpu.memory_space<vmem>> -> memref<128xi32, #tpu.memory_space<vmem>>
    %dma_wait3A_1133 = arith.constant 0 : i32
    %dma_wait3A_1134 = arith.constant 0 : i32
    %dma_wait3A_1135 = tpu.memref_slice %arg2[%dma_wait3A_1133, %dma_wait3A_1134] : memref<8192x16xf32, #tpu.memory_space<hbm>> -> memref<8192x16xf32, #tpu.memory_space<hbm>>
    tpu.wait_indirect_dma semaphore(%arg8 : memref<!tpu.dma_semaphore, #tpu.memory_space<semaphore_mem>>) src(%dma_wait3A_1135 : memref<8192x16xf32, #tpu.memory_space<hbm>>) dst(%dma_wait3A_1129 : memref<128x16xf32, #tpu.memory_space<vmem>>)
    %dma_wait3A_1136 = arith.constant 14 : i32
    %dma_wait3A_1137 = arith.constant 1792 : i32
    %dma_wait3A_1138 = arith.constant 0 : i32
    %dma_wait3A_1139 = tpu.memref_slice %arg6[%dma_wait3A_1137, %dma_wait3A_1138] : memref<4096x16xf32, #tpu.memory_space<vmem>> -> memref<128x16xf32, #tpu.memory_space<vmem>>
    %dma_wait3A_1140 = arith.constant 0 : i32
    %dma_wait3A_1141 = tpu.memref_slice %arg5[%dma_wait3A_1136, %dma_wait3A_1140] : memref<32x128xi32, #tpu.memory_space<vmem>> -> memref<1x128xi32, #tpu.memory_space<vmem>>
    %dma_wait3A_1142 = tpu.memref_squeeze %dma_wait3A_1141 : memref<1x128xi32, #tpu.memory_space<vmem>> -> memref<128xi32, #tpu.memory_space<vmem>>
    %dma_wait3A_1143 = arith.constant 0 : i32
    %dma_wait3A_1144 = arith.constant 0 : i32
    %dma_wait3A_1145 = tpu.memref_slice %arg2[%dma_wait3A_1143, %dma_wait3A_1144] : memref<8192x16xf32, #tpu.memory_space<hbm>> -> memref<8192x16xf32, #tpu.memory_space<hbm>>
    tpu.wait_indirect_dma semaphore(%arg8 : memref<!tpu.dma_semaphore, #tpu.memory_space<semaphore_mem>>) src(%dma_wait3A_1145 : memref<8192x16xf32, #tpu.memory_space<hbm>>) dst(%dma_wait3A_1139 : memref<128x16xf32, #tpu.memory_space<vmem>>)
    %dma_wait3A_1146 = arith.constant 15 : i32
    %dma_wait3A_1147 = arith.constant 1920 : i32
    %dma_wait3A_1148 = arith.constant 0 : i32
    %dma_wait3A_1149 = tpu.memref_slice %arg6[%dma_wait3A_1147, %dma_wait3A_1148] : memref<4096x16xf32, #tpu.memory_space<vmem>> -> memref<128x16xf32, #tpu.memory_space<vmem>>
    %dma_wait3A_1150 = arith.constant 0 : i32
    %dma_wait3A_1151 = tpu.memref_slice %arg5[%dma_wait3A_1146, %dma_wait3A_1150] : memref<32x128xi32, #tpu.memory_space<vmem>> -> memref<1x128xi32, #tpu.memory_space<vmem>>
    %dma_wait3A_1152 = tpu.memref_squeeze %dma_wait3A_1151 : memref<1x128xi32, #tpu.memory_space<vmem>> -> memref<128xi32, #tpu.memory_space<vmem>>
    %dma_wait3A_1153 = arith.constant 0 : i32
    %dma_wait3A_1154 = arith.constant 0 : i32
    %dma_wait3A_1155 = tpu.memref_slice %arg2[%dma_wait3A_1153, %dma_wait3A_1154] : memref<8192x16xf32, #tpu.memory_space<hbm>> -> memref<8192x16xf32, #tpu.memory_space<hbm>>
    tpu.wait_indirect_dma semaphore(%arg8 : memref<!tpu.dma_semaphore, #tpu.memory_space<semaphore_mem>>) src(%dma_wait3A_1155 : memref<8192x16xf32, #tpu.memory_space<hbm>>) dst(%dma_wait3A_1149 : memref<128x16xf32, #tpu.memory_space<vmem>>)
    %dma_wait3A_1156 = arith.constant 16 : i32
    %dma_wait3A_1157 = arith.constant 2048 : i32
    %dma_wait3A_1158 = arith.constant 0 : i32
    %dma_wait3A_1159 = tpu.memref_slice %arg6[%dma_wait3A_1157, %dma_wait3A_1158] : memref<4096x16xf32, #tpu.memory_space<vmem>> -> memref<128x16xf32, #tpu.memory_space<vmem>>
    %dma_wait3A_1160 = arith.constant 0 : i32
    %dma_wait3A_1161 = tpu.memref_slice %arg5[%dma_wait3A_1156, %dma_wait3A_1160] : memref<32x128xi32, #tpu.memory_space<vmem>> -> memref<1x128xi32, #tpu.memory_space<vmem>>
    %dma_wait3A_1162 = tpu.memref_squeeze %dma_wait3A_1161 : memref<1x128xi32, #tpu.memory_space<vmem>> -> memref<128xi32, #tpu.memory_space<vmem>>
    %dma_wait3A_1163 = arith.constant 0 : i32
    %dma_wait3A_1164 = arith.constant 0 : i32
    %dma_wait3A_1165 = tpu.memref_slice %arg2[%dma_wait3A_1163, %dma_wait3A_1164] : memref<8192x16xf32, #tpu.memory_space<hbm>> -> memref<8192x16xf32, #tpu.memory_space<hbm>>
    tpu.wait_indirect_dma semaphore(%arg8 : memref<!tpu.dma_semaphore, #tpu.memory_space<semaphore_mem>>) src(%dma_wait3A_1165 : memref<8192x16xf32, #tpu.memory_space<hbm>>) dst(%dma_wait3A_1159 : memref<128x16xf32, #tpu.memory_space<vmem>>)
    %dma_wait3A_1166 = arith.constant 17 : i32
    %dma_wait3A_1167 = arith.constant 2176 : i32
    %dma_wait3A_1168 = arith.constant 0 : i32
    %dma_wait3A_1169 = tpu.memref_slice %arg6[%dma_wait3A_1167, %dma_wait3A_1168] : memref<4096x16xf32, #tpu.memory_space<vmem>> -> memref<128x16xf32, #tpu.memory_space<vmem>>
    %dma_wait3A_1170 = arith.constant 0 : i32
    %dma_wait3A_1171 = tpu.memref_slice %arg5[%dma_wait3A_1166, %dma_wait3A_1170] : memref<32x128xi32, #tpu.memory_space<vmem>> -> memref<1x128xi32, #tpu.memory_space<vmem>>
    %dma_wait3A_1172 = tpu.memref_squeeze %dma_wait3A_1171 : memref<1x128xi32, #tpu.memory_space<vmem>> -> memref<128xi32, #tpu.memory_space<vmem>>
    %dma_wait3A_1173 = arith.constant 0 : i32
    %dma_wait3A_1174 = arith.constant 0 : i32
    %dma_wait3A_1175 = tpu.memref_slice %arg2[%dma_wait3A_1173, %dma_wait3A_1174] : memref<8192x16xf32, #tpu.memory_space<hbm>> -> memref<8192x16xf32, #tpu.memory_space<hbm>>
    tpu.wait_indirect_dma semaphore(%arg8 : memref<!tpu.dma_semaphore, #tpu.memory_space<semaphore_mem>>) src(%dma_wait3A_1175 : memref<8192x16xf32, #tpu.memory_space<hbm>>) dst(%dma_wait3A_1169 : memref<128x16xf32, #tpu.memory_space<vmem>>)
    %dma_wait3A_1176 = arith.constant 18 : i32
    %dma_wait3A_1177 = arith.constant 2304 : i32
    %dma_wait3A_1178 = arith.constant 0 : i32
    %dma_wait3A_1179 = tpu.memref_slice %arg6[%dma_wait3A_1177, %dma_wait3A_1178] : memref<4096x16xf32, #tpu.memory_space<vmem>> -> memref<128x16xf32, #tpu.memory_space<vmem>>
    %dma_wait3A_1180 = arith.constant 0 : i32
    %dma_wait3A_1181 = tpu.memref_slice %arg5[%dma_wait3A_1176, %dma_wait3A_1180] : memref<32x128xi32, #tpu.memory_space<vmem>> -> memref<1x128xi32, #tpu.memory_space<vmem>>
    %dma_wait3A_1182 = tpu.memref_squeeze %dma_wait3A_1181 : memref<1x128xi32, #tpu.memory_space<vmem>> -> memref<128xi32, #tpu.memory_space<vmem>>
    %dma_wait3A_1183 = arith.constant 0 : i32
    %dma_wait3A_1184 = arith.constant 0 : i32
    %dma_wait3A_1185 = tpu.memref_slice %arg2[%dma_wait3A_1183, %dma_wait3A_1184] : memref<8192x16xf32, #tpu.memory_space<hbm>> -> memref<8192x16xf32, #tpu.memory_space<hbm>>
    tpu.wait_indirect_dma semaphore(%arg8 : memref<!tpu.dma_semaphore, #tpu.memory_space<semaphore_mem>>) src(%dma_wait3A_1185 : memref<8192x16xf32, #tpu.memory_space<hbm>>) dst(%dma_wait3A_1179 : memref<128x16xf32, #tpu.memory_space<vmem>>)
    %dma_wait3A_1186 = arith.constant 19 : i32
    %dma_wait3A_1187 = arith.constant 2432 : i32
    %dma_wait3A_1188 = arith.constant 0 : i32
    %dma_wait3A_1189 = tpu.memref_slice %arg6[%dma_wait3A_1187, %dma_wait3A_1188] : memref<4096x16xf32, #tpu.memory_space<vmem>> -> memref<128x16xf32, #tpu.memory_space<vmem>>
    %dma_wait3A_1190 = arith.constant 0 : i32
    %dma_wait3A_1191 = tpu.memref_slice %arg5[%dma_wait3A_1186, %dma_wait3A_1190] : memref<32x128xi32, #tpu.memory_space<vmem>> -> memref<1x128xi32, #tpu.memory_space<vmem>>
    %dma_wait3A_1192 = tpu.memref_squeeze %dma_wait3A_1191 : memref<1x128xi32, #tpu.memory_space<vmem>> -> memref<128xi32, #tpu.memory_space<vmem>>
    %dma_wait3A_1193 = arith.constant 0 : i32
    %dma_wait3A_1194 = arith.constant 0 : i32
    %dma_wait3A_1195 = tpu.memref_slice %arg2[%dma_wait3A_1193, %dma_wait3A_1194] : memref<8192x16xf32, #tpu.memory_space<hbm>> -> memref<8192x16xf32, #tpu.memory_space<hbm>>
    tpu.wait_indirect_dma semaphore(%arg8 : memref<!tpu.dma_semaphore, #tpu.memory_space<semaphore_mem>>) src(%dma_wait3A_1195 : memref<8192x16xf32, #tpu.memory_space<hbm>>) dst(%dma_wait3A_1189 : memref<128x16xf32, #tpu.memory_space<vmem>>)
    %dma_wait3A_1196 = arith.constant 20 : i32
    %dma_wait3A_1197 = arith.constant 2560 : i32
    %dma_wait3A_1198 = arith.constant 0 : i32
    %dma_wait3A_1199 = tpu.memref_slice %arg6[%dma_wait3A_1197, %dma_wait3A_1198] : memref<4096x16xf32, #tpu.memory_space<vmem>> -> memref<128x16xf32, #tpu.memory_space<vmem>>
    %dma_wait3A_1200 = arith.constant 0 : i32
    %dma_wait3A_1201 = tpu.memref_slice %arg5[%dma_wait3A_1196, %dma_wait3A_1200] : memref<32x128xi32, #tpu.memory_space<vmem>> -> memref<1x128xi32, #tpu.memory_space<vmem>>
    %dma_wait3A_1202 = tpu.memref_squeeze %dma_wait3A_1201 : memref<1x128xi32, #tpu.memory_space<vmem>> -> memref<128xi32, #tpu.memory_space<vmem>>
    %dma_wait3A_1203 = arith.constant 0 : i32
    %dma_wait3A_1204 = arith.constant 0 : i32
    %dma_wait3A_1205 = tpu.memref_slice %arg2[%dma_wait3A_1203, %dma_wait3A_1204] : memref<8192x16xf32, #tpu.memory_space<hbm>> -> memref<8192x16xf32, #tpu.memory_space<hbm>>
    tpu.wait_indirect_dma semaphore(%arg8 : memref<!tpu.dma_semaphore, #tpu.memory_space<semaphore_mem>>) src(%dma_wait3A_1205 : memref<8192x16xf32, #tpu.memory_space<hbm>>) dst(%dma_wait3A_1199 : memref<128x16xf32, #tpu.memory_space<vmem>>)
    %dma_wait3A_1206 = arith.constant 21 : i32
    %dma_wait3A_1207 = arith.constant 2688 : i32
    %dma_wait3A_1208 = arith.constant 0 : i32
    %dma_wait3A_1209 = tpu.memref_slice %arg6[%dma_wait3A_1207, %dma_wait3A_1208] : memref<4096x16xf32, #tpu.memory_space<vmem>> -> memref<128x16xf32, #tpu.memory_space<vmem>>
    %dma_wait3A_1210 = arith.constant 0 : i32
    %dma_wait3A_1211 = tpu.memref_slice %arg5[%dma_wait3A_1206, %dma_wait3A_1210] : memref<32x128xi32, #tpu.memory_space<vmem>> -> memref<1x128xi32, #tpu.memory_space<vmem>>
    %dma_wait3A_1212 = tpu.memref_squeeze %dma_wait3A_1211 : memref<1x128xi32, #tpu.memory_space<vmem>> -> memref<128xi32, #tpu.memory_space<vmem>>
    %dma_wait3A_1213 = arith.constant 0 : i32
    %dma_wait3A_1214 = arith.constant 0 : i32
    %dma_wait3A_1215 = tpu.memref_slice %arg2[%dma_wait3A_1213, %dma_wait3A_1214] : memref<8192x16xf32, #tpu.memory_space<hbm>> -> memref<8192x16xf32, #tpu.memory_space<hbm>>
    tpu.wait_indirect_dma semaphore(%arg8 : memref<!tpu.dma_semaphore, #tpu.memory_space<semaphore_mem>>) src(%dma_wait3A_1215 : memref<8192x16xf32, #tpu.memory_space<hbm>>) dst(%dma_wait3A_1209 : memref<128x16xf32, #tpu.memory_space<vmem>>)
    %dma_wait3A_1216 = arith.constant 22 : i32
    %dma_wait3A_1217 = arith.constant 2816 : i32
    %dma_wait3A_1218 = arith.constant 0 : i32
    %dma_wait3A_1219 = tpu.memref_slice %arg6[%dma_wait3A_1217, %dma_wait3A_1218] : memref<4096x16xf32, #tpu.memory_space<vmem>> -> memref<128x16xf32, #tpu.memory_space<vmem>>
    %dma_wait3A_1220 = arith.constant 0 : i32
    %dma_wait3A_1221 = tpu.memref_slice %arg5[%dma_wait3A_1216, %dma_wait3A_1220] : memref<32x128xi32, #tpu.memory_space<vmem>> -> memref<1x128xi32, #tpu.memory_space<vmem>>
    %dma_wait3A_1222 = tpu.memref_squeeze %dma_wait3A_1221 : memref<1x128xi32, #tpu.memory_space<vmem>> -> memref<128xi32, #tpu.memory_space<vmem>>
    %dma_wait3A_1223 = arith.constant 0 : i32
    %dma_wait3A_1224 = arith.constant 0 : i32
    %dma_wait3A_1225 = tpu.memref_slice %arg2[%dma_wait3A_1223, %dma_wait3A_1224] : memref<8192x16xf32, #tpu.memory_space<hbm>> -> memref<8192x16xf32, #tpu.memory_space<hbm>>
    tpu.wait_indirect_dma semaphore(%arg8 : memref<!tpu.dma_semaphore, #tpu.memory_space<semaphore_mem>>) src(%dma_wait3A_1225 : memref<8192x16xf32, #tpu.memory_space<hbm>>) dst(%dma_wait3A_1219 : memref<128x16xf32, #tpu.memory_space<vmem>>)
    %dma_wait3A_1226 = arith.constant 23 : i32
    %dma_wait3A_1227 = arith.constant 2944 : i32
    %dma_wait3A_1228 = arith.constant 0 : i32
    %dma_wait3A_1229 = tpu.memref_slice %arg6[%dma_wait3A_1227, %dma_wait3A_1228] : memref<4096x16xf32, #tpu.memory_space<vmem>> -> memref<128x16xf32, #tpu.memory_space<vmem>>
    %dma_wait3A_1230 = arith.constant 0 : i32
    %dma_wait3A_1231 = tpu.memref_slice %arg5[%dma_wait3A_1226, %dma_wait3A_1230] : memref<32x128xi32, #tpu.memory_space<vmem>> -> memref<1x128xi32, #tpu.memory_space<vmem>>
    %dma_wait3A_1232 = tpu.memref_squeeze %dma_wait3A_1231 : memref<1x128xi32, #tpu.memory_space<vmem>> -> memref<128xi32, #tpu.memory_space<vmem>>
    %dma_wait3A_1233 = arith.constant 0 : i32
    %dma_wait3A_1234 = arith.constant 0 : i32
    %dma_wait3A_1235 = tpu.memref_slice %arg2[%dma_wait3A_1233, %dma_wait3A_1234] : memref<8192x16xf32, #tpu.memory_space<hbm>> -> memref<8192x16xf32, #tpu.memory_space<hbm>>
    tpu.wait_indirect_dma semaphore(%arg8 : memref<!tpu.dma_semaphore, #tpu.memory_space<semaphore_mem>>) src(%dma_wait3A_1235 : memref<8192x16xf32, #tpu.memory_space<hbm>>) dst(%dma_wait3A_1229 : memref<128x16xf32, #tpu.memory_space<vmem>>)
    %dma_wait3A_1236 = arith.constant 24 : i32
    %dma_wait3A_1237 = arith.constant 3072 : i32
    %dma_wait3A_1238 = arith.constant 0 : i32
    %dma_wait3A_1239 = tpu.memref_slice %arg6[%dma_wait3A_1237, %dma_wait3A_1238] : memref<4096x16xf32, #tpu.memory_space<vmem>> -> memref<128x16xf32, #tpu.memory_space<vmem>>
    %dma_wait3A_1240 = arith.constant 0 : i32
    %dma_wait3A_1241 = tpu.memref_slice %arg5[%dma_wait3A_1236, %dma_wait3A_1240] : memref<32x128xi32, #tpu.memory_space<vmem>> -> memref<1x128xi32, #tpu.memory_space<vmem>>
    %dma_wait3A_1242 = tpu.memref_squeeze %dma_wait3A_1241 : memref<1x128xi32, #tpu.memory_space<vmem>> -> memref<128xi32, #tpu.memory_space<vmem>>
    %dma_wait3A_1243 = arith.constant 0 : i32
    %dma_wait3A_1244 = arith.constant 0 : i32
    %dma_wait3A_1245 = tpu.memref_slice %arg2[%dma_wait3A_1243, %dma_wait3A_1244] : memref<8192x16xf32, #tpu.memory_space<hbm>> -> memref<8192x16xf32, #tpu.memory_space<hbm>>
    tpu.wait_indirect_dma semaphore(%arg8 : memref<!tpu.dma_semaphore, #tpu.memory_space<semaphore_mem>>) src(%dma_wait3A_1245 : memref<8192x16xf32, #tpu.memory_space<hbm>>) dst(%dma_wait3A_1239 : memref<128x16xf32, #tpu.memory_space<vmem>>)
    %dma_wait3A_1246 = arith.constant 25 : i32
    %dma_wait3A_1247 = arith.constant 3200 : i32
    %dma_wait3A_1248 = arith.constant 0 : i32
    %dma_wait3A_1249 = tpu.memref_slice %arg6[%dma_wait3A_1247, %dma_wait3A_1248] : memref<4096x16xf32, #tpu.memory_space<vmem>> -> memref<128x16xf32, #tpu.memory_space<vmem>>
    %dma_wait3A_1250 = arith.constant 0 : i32
    %dma_wait3A_1251 = tpu.memref_slice %arg5[%dma_wait3A_1246, %dma_wait3A_1250] : memref<32x128xi32, #tpu.memory_space<vmem>> -> memref<1x128xi32, #tpu.memory_space<vmem>>
    %dma_wait3A_1252 = tpu.memref_squeeze %dma_wait3A_1251 : memref<1x128xi32, #tpu.memory_space<vmem>> -> memref<128xi32, #tpu.memory_space<vmem>>
    %dma_wait3A_1253 = arith.constant 0 : i32
    %dma_wait3A_1254 = arith.constant 0 : i32
    %dma_wait3A_1255 = tpu.memref_slice %arg2[%dma_wait3A_1253, %dma_wait3A_1254] : memref<8192x16xf32, #tpu.memory_space<hbm>> -> memref<8192x16xf32, #tpu.memory_space<hbm>>
    tpu.wait_indirect_dma semaphore(%arg8 : memref<!tpu.dma_semaphore, #tpu.memory_space<semaphore_mem>>) src(%dma_wait3A_1255 : memref<8192x16xf32, #tpu.memory_space<hbm>>) dst(%dma_wait3A_1249 : memref<128x16xf32, #tpu.memory_space<vmem>>)
    %dma_wait3A_1256 = arith.constant 26 : i32
    %dma_wait3A_1257 = arith.constant 3328 : i32
    %dma_wait3A_1258 = arith.constant 0 : i32
    %dma_wait3A_1259 = tpu.memref_slice %arg6[%dma_wait3A_1257, %dma_wait3A_1258] : memref<4096x16xf32, #tpu.memory_space<vmem>> -> memref<128x16xf32, #tpu.memory_space<vmem>>
    %dma_wait3A_1260 = arith.constant 0 : i32
    %dma_wait3A_1261 = tpu.memref_slice %arg5[%dma_wait3A_1256, %dma_wait3A_1260] : memref<32x128xi32, #tpu.memory_space<vmem>> -> memref<1x128xi32, #tpu.memory_space<vmem>>
    %dma_wait3A_1262 = tpu.memref_squeeze %dma_wait3A_1261 : memref<1x128xi32, #tpu.memory_space<vmem>> -> memref<128xi32, #tpu.memory_space<vmem>>
    %dma_wait3A_1263 = arith.constant 0 : i32
    %dma_wait3A_1264 = arith.constant 0 : i32
    %dma_wait3A_1265 = tpu.memref_slice %arg2[%dma_wait3A_1263, %dma_wait3A_1264] : memref<8192x16xf32, #tpu.memory_space<hbm>> -> memref<8192x16xf32, #tpu.memory_space<hbm>>
    tpu.wait_indirect_dma semaphore(%arg8 : memref<!tpu.dma_semaphore, #tpu.memory_space<semaphore_mem>>) src(%dma_wait3A_1265 : memref<8192x16xf32, #tpu.memory_space<hbm>>) dst(%dma_wait3A_1259 : memref<128x16xf32, #tpu.memory_space<vmem>>)
    %dma_wait3A_1266 = arith.constant 27 : i32
    %dma_wait3A_1267 = arith.constant 3456 : i32
    %dma_wait3A_1268 = arith.constant 0 : i32
    %dma_wait3A_1269 = tpu.memref_slice %arg6[%dma_wait3A_1267, %dma_wait3A_1268] : memref<4096x16xf32, #tpu.memory_space<vmem>> -> memref<128x16xf32, #tpu.memory_space<vmem>>
    %dma_wait3A_1270 = arith.constant 0 : i32
    %dma_wait3A_1271 = tpu.memref_slice %arg5[%dma_wait3A_1266, %dma_wait3A_1270] : memref<32x128xi32, #tpu.memory_space<vmem>> -> memref<1x128xi32, #tpu.memory_space<vmem>>
    %dma_wait3A_1272 = tpu.memref_squeeze %dma_wait3A_1271 : memref<1x128xi32, #tpu.memory_space<vmem>> -> memref<128xi32, #tpu.memory_space<vmem>>
    %dma_wait3A_1273 = arith.constant 0 : i32
    %dma_wait3A_1274 = arith.constant 0 : i32
    %dma_wait3A_1275 = tpu.memref_slice %arg2[%dma_wait3A_1273, %dma_wait3A_1274] : memref<8192x16xf32, #tpu.memory_space<hbm>> -> memref<8192x16xf32, #tpu.memory_space<hbm>>
    tpu.wait_indirect_dma semaphore(%arg8 : memref<!tpu.dma_semaphore, #tpu.memory_space<semaphore_mem>>) src(%dma_wait3A_1275 : memref<8192x16xf32, #tpu.memory_space<hbm>>) dst(%dma_wait3A_1269 : memref<128x16xf32, #tpu.memory_space<vmem>>)
    %dma_wait3A_1276 = arith.constant 28 : i32
    %dma_wait3A_1277 = arith.constant 3584 : i32
    %dma_wait3A_1278 = arith.constant 0 : i32
    %dma_wait3A_1279 = tpu.memref_slice %arg6[%dma_wait3A_1277, %dma_wait3A_1278] : memref<4096x16xf32, #tpu.memory_space<vmem>> -> memref<128x16xf32, #tpu.memory_space<vmem>>
    %dma_wait3A_1280 = arith.constant 0 : i32
    %dma_wait3A_1281 = tpu.memref_slice %arg5[%dma_wait3A_1276, %dma_wait3A_1280] : memref<32x128xi32, #tpu.memory_space<vmem>> -> memref<1x128xi32, #tpu.memory_space<vmem>>
    %dma_wait3A_1282 = tpu.memref_squeeze %dma_wait3A_1281 : memref<1x128xi32, #tpu.memory_space<vmem>> -> memref<128xi32, #tpu.memory_space<vmem>>
    %dma_wait3A_1283 = arith.constant 0 : i32
    %dma_wait3A_1284 = arith.constant 0 : i32
    %dma_wait3A_1285 = tpu.memref_slice %arg2[%dma_wait3A_1283, %dma_wait3A_1284] : memref<8192x16xf32, #tpu.memory_space<hbm>> -> memref<8192x16xf32, #tpu.memory_space<hbm>>
    tpu.wait_indirect_dma semaphore(%arg8 : memref<!tpu.dma_semaphore, #tpu.memory_space<semaphore_mem>>) src(%dma_wait3A_1285 : memref<8192x16xf32, #tpu.memory_space<hbm>>) dst(%dma_wait3A_1279 : memref<128x16xf32, #tpu.memory_space<vmem>>)
    %dma_wait3A_1286 = arith.constant 29 : i32
    %dma_wait3A_1287 = arith.constant 3712 : i32
    %dma_wait3A_1288 = arith.constant 0 : i32
    %dma_wait3A_1289 = tpu.memref_slice %arg6[%dma_wait3A_1287, %dma_wait3A_1288] : memref<4096x16xf32, #tpu.memory_space<vmem>> -> memref<128x16xf32, #tpu.memory_space<vmem>>
    %dma_wait3A_1290 = arith.constant 0 : i32
    %dma_wait3A_1291 = tpu.memref_slice %arg5[%dma_wait3A_1286, %dma_wait3A_1290] : memref<32x128xi32, #tpu.memory_space<vmem>> -> memref<1x128xi32, #tpu.memory_space<vmem>>
    %dma_wait3A_1292 = tpu.memref_squeeze %dma_wait3A_1291 : memref<1x128xi32, #tpu.memory_space<vmem>> -> memref<128xi32, #tpu.memory_space<vmem>>
    %dma_wait3A_1293 = arith.constant 0 : i32
    %dma_wait3A_1294 = arith.constant 0 : i32
    %dma_wait3A_1295 = tpu.memref_slice %arg2[%dma_wait3A_1293, %dma_wait3A_1294] : memref<8192x16xf32, #tpu.memory_space<hbm>> -> memref<8192x16xf32, #tpu.memory_space<hbm>>
    tpu.wait_indirect_dma semaphore(%arg8 : memref<!tpu.dma_semaphore, #tpu.memory_space<semaphore_mem>>) src(%dma_wait3A_1295 : memref<8192x16xf32, #tpu.memory_space<hbm>>) dst(%dma_wait3A_1289 : memref<128x16xf32, #tpu.memory_space<vmem>>)
    %dma_wait3A_1296 = arith.constant 30 : i32
    %dma_wait3A_1297 = arith.constant 3840 : i32
    %dma_wait3A_1298 = arith.constant 0 : i32
    %dma_wait3A_1299 = tpu.memref_slice %arg6[%dma_wait3A_1297, %dma_wait3A_1298] : memref<4096x16xf32, #tpu.memory_space<vmem>> -> memref<128x16xf32, #tpu.memory_space<vmem>>
    %dma_wait3A_1300 = arith.constant 0 : i32
    %dma_wait3A_1301 = tpu.memref_slice %arg5[%dma_wait3A_1296, %dma_wait3A_1300] : memref<32x128xi32, #tpu.memory_space<vmem>> -> memref<1x128xi32, #tpu.memory_space<vmem>>
    %dma_wait3A_1302 = tpu.memref_squeeze %dma_wait3A_1301 : memref<1x128xi32, #tpu.memory_space<vmem>> -> memref<128xi32, #tpu.memory_space<vmem>>
    %dma_wait3A_1303 = arith.constant 0 : i32
    %dma_wait3A_1304 = arith.constant 0 : i32
    %dma_wait3A_1305 = tpu.memref_slice %arg2[%dma_wait3A_1303, %dma_wait3A_1304] : memref<8192x16xf32, #tpu.memory_space<hbm>> -> memref<8192x16xf32, #tpu.memory_space<hbm>>
    tpu.wait_indirect_dma semaphore(%arg8 : memref<!tpu.dma_semaphore, #tpu.memory_space<semaphore_mem>>) src(%dma_wait3A_1305 : memref<8192x16xf32, #tpu.memory_space<hbm>>) dst(%dma_wait3A_1299 : memref<128x16xf32, #tpu.memory_space<vmem>>)
    %dma_wait3A_1306 = arith.constant 31 : i32
    %dma_wait3A_1307 = arith.constant 3968 : i32
    %dma_wait3A_1308 = arith.constant 0 : i32
    %dma_wait3A_1309 = tpu.memref_slice %arg6[%dma_wait3A_1307, %dma_wait3A_1308] : memref<4096x16xf32, #tpu.memory_space<vmem>> -> memref<128x16xf32, #tpu.memory_space<vmem>>
    %dma_wait3A_1310 = arith.constant 0 : i32
    %dma_wait3A_1311 = tpu.memref_slice %arg5[%dma_wait3A_1306, %dma_wait3A_1310] : memref<32x128xi32, #tpu.memory_space<vmem>> -> memref<1x128xi32, #tpu.memory_space<vmem>>
    %dma_wait3A_1312 = tpu.memref_squeeze %dma_wait3A_1311 : memref<1x128xi32, #tpu.memory_space<vmem>> -> memref<128xi32, #tpu.memory_space<vmem>>
    %dma_wait3A_1313 = arith.constant 0 : i32
    %dma_wait3A_1314 = arith.constant 0 : i32
    %dma_wait3A_1315 = tpu.memref_slice %arg2[%dma_wait3A_1313, %dma_wait3A_1314] : memref<8192x16xf32, #tpu.memory_space<hbm>> -> memref<8192x16xf32, #tpu.memory_space<hbm>>
    tpu.wait_indirect_dma semaphore(%arg8 : memref<!tpu.dma_semaphore, #tpu.memory_space<semaphore_mem>>) src(%dma_wait3A_1315 : memref<8192x16xf32, #tpu.memory_space<hbm>>) dst(%dma_wait3A_1309 : memref<128x16xf32, #tpu.memory_space<vmem>>)
    %mul3A_1316 = arith.constant 256 : i32
    %mul3A_1317 = arith.muli %select_n3A_30, %mul3A_1316 : i32
    %mul3A_1318 = arith.constant 16 : i32
    %mul3A_1319 = arith.muli %mul3A_1317, %mul3A_1318 : i32
    "tpu.region"() ({
      %run_scoped3A = tpu.sem_alloc : memref<!tpu.dma_semaphore, #tpu.memory_space<semaphore_mem>>
      %dma_start3A_1320 = arith.constant 0 : i32
      %dma_start3A_1321 = tpu.memref_slice %arg4[%select_n3A, %mul3A_1319, %dma_start3A_1320] : memref<8x16384x16xf32, #tpu.memory_space<hbm>> -> memref<1x4096x16xf32, #tpu.memory_space<hbm>>
      %dma_start3A_1322 = tpu.memref_squeeze %dma_start3A_1321 : memref<1x4096x16xf32, #tpu.memory_space<hbm>> -> memref<4096x16xf32, #tpu.memory_space<hbm>>
      %dma_start3A_1323 = arith.constant 0 : i32
      %dma_start3A_1324 = tpu.memref_slice %arg4[%select_n3A, %mul3A_1319, %dma_start3A_1323] : memref<8x16384x16xf32, #tpu.memory_space<hbm>> -> memref<1x4096x16xf32, #tpu.memory_space<hbm>>
      %dma_start3A_1325 = tpu.memref_squeeze %dma_start3A_1324 : memref<1x4096x16xf32, #tpu.memory_space<hbm>> -> memref<4096x16xf32, #tpu.memory_space<hbm>>
      tpu.enqueue_dma source(%arg6 : memref<4096x16xf32, #tpu.memory_space<vmem>>) target(%dma_start3A_1325 : memref<4096x16xf32, #tpu.memory_space<hbm>>) target_semaphore(%run_scoped3A : memref<!tpu.dma_semaphore, #tpu.memory_space<semaphore_mem>>)
      %dma_wait3A_1326 = arith.constant 0 : i32
      %dma_wait3A_1327 = tpu.memref_slice %arg4[%select_n3A, %mul3A_1319, %dma_wait3A_1326] : memref<8x16384x16xf32, #tpu.memory_space<hbm>> -> memref<1x4096x16xf32, #tpu.memory_space<hbm>>
      %dma_wait3A_1328 = tpu.memref_squeeze %dma_wait3A_1327 : memref<1x4096x16xf32, #tpu.memory_space<hbm>> -> memref<4096x16xf32, #tpu.memory_space<hbm>>
      %dma_wait3A_1329 = arith.constant 0 : i32
      %dma_wait3A_1330 = tpu.memref_slice %arg4[%select_n3A, %mul3A_1319, %dma_wait3A_1329] : memref<8x16384x16xf32, #tpu.memory_space<hbm>> -> memref<1x4096x16xf32, #tpu.memory_space<hbm>>
      %dma_wait3A_1331 = tpu.memref_squeeze %dma_wait3A_1330 : memref<1x4096x16xf32, #tpu.memory_space<hbm>> -> memref<4096x16xf32, #tpu.memory_space<hbm>>
      tpu.wait_dma2 semaphore(%run_scoped3A : memref<!tpu.dma_semaphore, #tpu.memory_space<semaphore_mem>>) src(%arg6 : memref<4096x16xf32, #tpu.memory_space<vmem>>) dst(%dma_wait3A_1331 : memref<4096x16xf32, #tpu.memory_space<hbm>>)
      tpu.yield
    }) : () -> ()
    return
  }
}

module attributes {stable_mosaic.version = 14 : i64} {
  func.func @_topk_body(%arg0: i32, %arg1: i32, %arg2: memref<1x512x3xf32, #tpu.memory_space<vmem>>, %arg3: memref<1x3x1024xf32, #tpu.memory_space<vmem>>, %arg4: memref<1x512x16xi32, #tpu.memory_space<vmem>>, %arg5: memref<512x16xf32, #tpu.memory_space<vmem>>) attributes {dimension_semantics = [#tpu.dimension_semantics<arbitrary>, #tpu.dimension_semantics<arbitrary>], iteration_bounds = array<i64: 8, 2>, scalar_prefetch = 0 : i64, scratch_operands = 0 : i64, tpu.core_type = #tpu.core_type<tc>, window_params = [{transform_indices = @transform_0, window_bounds = array<i64: 1, 512, 3>}, {transform_indices = @transform_1, window_bounds = array<i64: 1, 3, 1024>}, {transform_indices = @transform_2, window_bounds = array<i64: 1, 512, 16>}, {transform_indices = @transform_3, window_bounds = array<i64: 512, 16>}]} {
    %get3A = arith.constant 0 : index
    %get3A_0 = arith.constant 0 : index
    %get3A_1 = arith.constant 0 : index
    %get3A_2 = vector.load %arg2[%get3A, %get3A_0, %get3A_1] : memref<1x512x3xf32, #tpu.memory_space<vmem>>, vector<1x512x3xf32>
    %get3A_3 = vector.shape_cast %get3A_2 : vector<1x512x3xf32> to vector<512x3xf32>
    %get3A_4 = arith.constant 0 : index
    %get3A_5 = arith.constant 0 : index
    %get3A_6 = arith.constant 0 : index
    %get3A_7 = vector.load %arg3[%get3A_4, %get3A_5, %get3A_6] : memref<1x3x1024xf32, #tpu.memory_space<vmem>>, vector<1x1x1024xf32>
    %get3A_8 = vector.shape_cast %get3A_7 : vector<1x1x1024xf32> to vector<1x1024xf32>
    %get3A_9 = arith.constant 0 : index
    %get3A_10 = arith.constant 1 : index
    %get3A_11 = arith.constant 0 : index
    %get3A_12 = vector.load %arg3[%get3A_9, %get3A_10, %get3A_11] : memref<1x3x1024xf32, #tpu.memory_space<vmem>>, vector<1x1x1024xf32>
    %get3A_13 = vector.shape_cast %get3A_12 : vector<1x1x1024xf32> to vector<1x1024xf32>
    %get3A_14 = arith.constant 0 : index
    %get3A_15 = arith.constant 2 : index
    %get3A_16 = arith.constant 0 : index
    %get3A_17 = vector.load %arg3[%get3A_14, %get3A_15, %get3A_16] : memref<1x3x1024xf32, #tpu.memory_space<vmem>>, vector<1x1x1024xf32>
    %get3A_18 = vector.shape_cast %get3A_17 : vector<1x1x1024xf32> to vector<1x1024xf32>
    %slice3A = vector.extract_strided_slice %get3A_3 {offsets = [0, 0], sizes = [512, 1], strides = [1, 1]} : vector<512x3xf32> to vector<512x1xf32>
    %sub3A = vector.broadcast %slice3A : vector<512x1xf32> to vector<512x1024xf32>
    %sub3A_19 = vector.broadcast %get3A_8 : vector<1x1024xf32> to vector<512x1024xf32>
    %sub3A_20 = arith.subf %sub3A, %sub3A_19 : vector<512x1024xf32>
    %slice3A_21 = vector.extract_strided_slice %get3A_3 {offsets = [0, 1], sizes = [512, 1], strides = [1, 1]} : vector<512x3xf32> to vector<512x1xf32>
    %sub3A_22 = vector.broadcast %slice3A_21 : vector<512x1xf32> to vector<512x1024xf32>
    %sub3A_23 = vector.broadcast %get3A_13 : vector<1x1024xf32> to vector<512x1024xf32>
    %sub3A_24 = arith.subf %sub3A_22, %sub3A_23 : vector<512x1024xf32>
    %slice3A_25 = vector.extract_strided_slice %get3A_3 {offsets = [0, 2], sizes = [512, 1], strides = [1, 1]} : vector<512x3xf32> to vector<512x1xf32>
    %sub3A_26 = vector.broadcast %slice3A_25 : vector<512x1xf32> to vector<512x1024xf32>
    %sub3A_27 = vector.broadcast %get3A_18 : vector<1x1024xf32> to vector<512x1024xf32>
    %sub3A_28 = arith.subf %sub3A_26, %sub3A_27 : vector<512x1024xf32>
    %mul3A = arith.mulf %sub3A_20, %sub3A_20 : vector<512x1024xf32>
    %mul3A_29 = arith.mulf %sub3A_24, %sub3A_24 : vector<512x1024xf32>
    %add3A = arith.addf %mul3A, %mul3A_29 : vector<512x1024xf32>
    %mul3A_30 = arith.mulf %sub3A_28, %sub3A_28 : vector<512x1024xf32>
    %add3A_31 = arith.addf %add3A, %mul3A_30 : vector<512x1024xf32>
    %eq3A = arith.constant 0.000000e+00 : f32
    %eq3A_32 = vector.broadcast %eq3A : f32 to vector<512x1024xf32>
    %eq3A_33 = arith.cmpf oeq, %add3A_31, %eq3A_32 : vector<512x1024xf32>
    %jit3A = arith.constant 1.000000e+30 : f32
    %broadcast_in_dim3A = vector.broadcast %jit3A : f32 to vector<512x1024xf32>
    %select_n3A = arith.select %eq3A_33, %broadcast_in_dim3A, %add3A_31 : vector<512x1024xi1>, vector<512x1024xf32>
    %iota3A = tpu.iota {dimensions = array<i32: 1>} : vector<512x1024xi32>
    %convert_element_type3A = arith.sitofp %iota3A : vector<512x1024xi32> to vector<512x1024xf32>
    %reduce_min3A = arith.constant dense<0x7F800000> : vector<512xf32>
    %reduce_min3A_34 = vector.multi_reduction <minimumf>, %select_n3A, %reduce_min3A [1] : vector<512x1024xf32> to vector<512xf32>
    %broadcast_in_dim3A_35 = vector.shape_cast %reduce_min3A_34 : vector<512xf32> to vector<512x1xf32>
    %eq3A_36 = vector.broadcast %broadcast_in_dim3A_35 : vector<512x1xf32> to vector<512x1024xf32>
    %eq3A_37 = arith.cmpf oeq, %select_n3A, %eq3A_36 : vector<512x1024xf32>
    %jit3A_38 = arith.constant 1.07374182E+9 : f32
    %broadcast_in_dim3A_39 = vector.broadcast %jit3A_38 : f32 to vector<512x1024xf32>
    %select_n3A_40 = arith.select %eq3A_37, %convert_element_type3A, %broadcast_in_dim3A_39 : vector<512x1024xi1>, vector<512x1024xf32>
    %reduce_min3A_41 = arith.constant dense<0x7F800000> : vector<512xf32>
    %reduce_min3A_42 = vector.multi_reduction <minimumf>, %select_n3A_40, %reduce_min3A_41 [1] : vector<512x1024xf32> to vector<512xf32>
    %broadcast_in_dim3A_43 = vector.shape_cast %reduce_min3A_42 : vector<512xf32> to vector<512x1xf32>
    %eq3A_44 = vector.broadcast %broadcast_in_dim3A_43 : vector<512x1xf32> to vector<512x1024xf32>
    %eq3A_45 = arith.cmpf oeq, %select_n3A_40, %eq3A_44 : vector<512x1024xf32>
    %jit3A_46 = arith.constant 1.000000e+30 : f32
    %broadcast_in_dim3A_47 = vector.broadcast %jit3A_46 : f32 to vector<512x1024xf32>
    %select_n3A_48 = arith.select %eq3A_45, %broadcast_in_dim3A_47, %select_n3A : vector<512x1024xi1>, vector<512x1024xf32>
    %reduce_min3A_49 = arith.constant dense<0x7F800000> : vector<512xf32>
    %reduce_min3A_50 = vector.multi_reduction <minimumf>, %select_n3A_48, %reduce_min3A_49 [1] : vector<512x1024xf32> to vector<512xf32>
    %broadcast_in_dim3A_51 = vector.shape_cast %reduce_min3A_50 : vector<512xf32> to vector<512x1xf32>
    %eq3A_52 = vector.broadcast %broadcast_in_dim3A_51 : vector<512x1xf32> to vector<512x1024xf32>
    %eq3A_53 = arith.cmpf oeq, %select_n3A_48, %eq3A_52 : vector<512x1024xf32>
    %jit3A_54 = arith.constant 1.07374182E+9 : f32
    %broadcast_in_dim3A_55 = vector.broadcast %jit3A_54 : f32 to vector<512x1024xf32>
    %select_n3A_56 = arith.select %eq3A_53, %convert_element_type3A, %broadcast_in_dim3A_55 : vector<512x1024xi1>, vector<512x1024xf32>
    %reduce_min3A_57 = arith.constant dense<0x7F800000> : vector<512xf32>
    %reduce_min3A_58 = vector.multi_reduction <minimumf>, %select_n3A_56, %reduce_min3A_57 [1] : vector<512x1024xf32> to vector<512xf32>
    %broadcast_in_dim3A_59 = vector.shape_cast %reduce_min3A_58 : vector<512xf32> to vector<512x1xf32>
    %eq3A_60 = vector.broadcast %broadcast_in_dim3A_59 : vector<512x1xf32> to vector<512x1024xf32>
    %eq3A_61 = arith.cmpf oeq, %select_n3A_56, %eq3A_60 : vector<512x1024xf32>
    %jit3A_62 = arith.constant 1.000000e+30 : f32
    %broadcast_in_dim3A_63 = vector.broadcast %jit3A_62 : f32 to vector<512x1024xf32>
    %select_n3A_64 = arith.select %eq3A_61, %broadcast_in_dim3A_63, %select_n3A_48 : vector<512x1024xi1>, vector<512x1024xf32>
    %reduce_min3A_65 = arith.constant dense<0x7F800000> : vector<512xf32>
    %reduce_min3A_66 = vector.multi_reduction <minimumf>, %select_n3A_64, %reduce_min3A_65 [1] : vector<512x1024xf32> to vector<512xf32>
    %broadcast_in_dim3A_67 = vector.shape_cast %reduce_min3A_66 : vector<512xf32> to vector<512x1xf32>
    %eq3A_68 = vector.broadcast %broadcast_in_dim3A_67 : vector<512x1xf32> to vector<512x1024xf32>
    %eq3A_69 = arith.cmpf oeq, %select_n3A_64, %eq3A_68 : vector<512x1024xf32>
    %jit3A_70 = arith.constant 1.07374182E+9 : f32
    %broadcast_in_dim3A_71 = vector.broadcast %jit3A_70 : f32 to vector<512x1024xf32>
    %select_n3A_72 = arith.select %eq3A_69, %convert_element_type3A, %broadcast_in_dim3A_71 : vector<512x1024xi1>, vector<512x1024xf32>
    %reduce_min3A_73 = arith.constant dense<0x7F800000> : vector<512xf32>
    %reduce_min3A_74 = vector.multi_reduction <minimumf>, %select_n3A_72, %reduce_min3A_73 [1] : vector<512x1024xf32> to vector<512xf32>
    %broadcast_in_dim3A_75 = vector.shape_cast %reduce_min3A_74 : vector<512xf32> to vector<512x1xf32>
    %eq3A_76 = vector.broadcast %broadcast_in_dim3A_75 : vector<512x1xf32> to vector<512x1024xf32>
    %eq3A_77 = arith.cmpf oeq, %select_n3A_72, %eq3A_76 : vector<512x1024xf32>
    %jit3A_78 = arith.constant 1.000000e+30 : f32
    %broadcast_in_dim3A_79 = vector.broadcast %jit3A_78 : f32 to vector<512x1024xf32>
    %select_n3A_80 = arith.select %eq3A_77, %broadcast_in_dim3A_79, %select_n3A_64 : vector<512x1024xi1>, vector<512x1024xf32>
    %reduce_min3A_81 = arith.constant dense<0x7F800000> : vector<512xf32>
    %reduce_min3A_82 = vector.multi_reduction <minimumf>, %select_n3A_80, %reduce_min3A_81 [1] : vector<512x1024xf32> to vector<512xf32>
    %broadcast_in_dim3A_83 = vector.shape_cast %reduce_min3A_82 : vector<512xf32> to vector<512x1xf32>
    %eq3A_84 = vector.broadcast %broadcast_in_dim3A_83 : vector<512x1xf32> to vector<512x1024xf32>
    %eq3A_85 = arith.cmpf oeq, %select_n3A_80, %eq3A_84 : vector<512x1024xf32>
    %jit3A_86 = arith.constant 1.07374182E+9 : f32
    %broadcast_in_dim3A_87 = vector.broadcast %jit3A_86 : f32 to vector<512x1024xf32>
    %select_n3A_88 = arith.select %eq3A_85, %convert_element_type3A, %broadcast_in_dim3A_87 : vector<512x1024xi1>, vector<512x1024xf32>
    %reduce_min3A_89 = arith.constant dense<0x7F800000> : vector<512xf32>
    %reduce_min3A_90 = vector.multi_reduction <minimumf>, %select_n3A_88, %reduce_min3A_89 [1] : vector<512x1024xf32> to vector<512xf32>
    %broadcast_in_dim3A_91 = vector.shape_cast %reduce_min3A_90 : vector<512xf32> to vector<512x1xf32>
    %eq3A_92 = vector.broadcast %broadcast_in_dim3A_91 : vector<512x1xf32> to vector<512x1024xf32>
    %eq3A_93 = arith.cmpf oeq, %select_n3A_88, %eq3A_92 : vector<512x1024xf32>
    %jit3A_94 = arith.constant 1.000000e+30 : f32
    %broadcast_in_dim3A_95 = vector.broadcast %jit3A_94 : f32 to vector<512x1024xf32>
    %select_n3A_96 = arith.select %eq3A_93, %broadcast_in_dim3A_95, %select_n3A_80 : vector<512x1024xi1>, vector<512x1024xf32>
    %reduce_min3A_97 = arith.constant dense<0x7F800000> : vector<512xf32>
    %reduce_min3A_98 = vector.multi_reduction <minimumf>, %select_n3A_96, %reduce_min3A_97 [1] : vector<512x1024xf32> to vector<512xf32>
    %broadcast_in_dim3A_99 = vector.shape_cast %reduce_min3A_98 : vector<512xf32> to vector<512x1xf32>
    %eq3A_100 = vector.broadcast %broadcast_in_dim3A_99 : vector<512x1xf32> to vector<512x1024xf32>
    %eq3A_101 = arith.cmpf oeq, %select_n3A_96, %eq3A_100 : vector<512x1024xf32>
    %jit3A_102 = arith.constant 1.07374182E+9 : f32
    %broadcast_in_dim3A_103 = vector.broadcast %jit3A_102 : f32 to vector<512x1024xf32>
    %select_n3A_104 = arith.select %eq3A_101, %convert_element_type3A, %broadcast_in_dim3A_103 : vector<512x1024xi1>, vector<512x1024xf32>
    %reduce_min3A_105 = arith.constant dense<0x7F800000> : vector<512xf32>
    %reduce_min3A_106 = vector.multi_reduction <minimumf>, %select_n3A_104, %reduce_min3A_105 [1] : vector<512x1024xf32> to vector<512xf32>
    %broadcast_in_dim3A_107 = vector.shape_cast %reduce_min3A_106 : vector<512xf32> to vector<512x1xf32>
    %eq3A_108 = vector.broadcast %broadcast_in_dim3A_107 : vector<512x1xf32> to vector<512x1024xf32>
    %eq3A_109 = arith.cmpf oeq, %select_n3A_104, %eq3A_108 : vector<512x1024xf32>
    %jit3A_110 = arith.constant 1.000000e+30 : f32
    %broadcast_in_dim3A_111 = vector.broadcast %jit3A_110 : f32 to vector<512x1024xf32>
    %select_n3A_112 = arith.select %eq3A_109, %broadcast_in_dim3A_111, %select_n3A_96 : vector<512x1024xi1>, vector<512x1024xf32>
    %reduce_min3A_113 = arith.constant dense<0x7F800000> : vector<512xf32>
    %reduce_min3A_114 = vector.multi_reduction <minimumf>, %select_n3A_112, %reduce_min3A_113 [1] : vector<512x1024xf32> to vector<512xf32>
    %broadcast_in_dim3A_115 = vector.shape_cast %reduce_min3A_114 : vector<512xf32> to vector<512x1xf32>
    %eq3A_116 = vector.broadcast %broadcast_in_dim3A_115 : vector<512x1xf32> to vector<512x1024xf32>
    %eq3A_117 = arith.cmpf oeq, %select_n3A_112, %eq3A_116 : vector<512x1024xf32>
    %jit3A_118 = arith.constant 1.07374182E+9 : f32
    %broadcast_in_dim3A_119 = vector.broadcast %jit3A_118 : f32 to vector<512x1024xf32>
    %select_n3A_120 = arith.select %eq3A_117, %convert_element_type3A, %broadcast_in_dim3A_119 : vector<512x1024xi1>, vector<512x1024xf32>
    %reduce_min3A_121 = arith.constant dense<0x7F800000> : vector<512xf32>
    %reduce_min3A_122 = vector.multi_reduction <minimumf>, %select_n3A_120, %reduce_min3A_121 [1] : vector<512x1024xf32> to vector<512xf32>
    %broadcast_in_dim3A_123 = vector.shape_cast %reduce_min3A_122 : vector<512xf32> to vector<512x1xf32>
    %eq3A_124 = vector.broadcast %broadcast_in_dim3A_123 : vector<512x1xf32> to vector<512x1024xf32>
    %eq3A_125 = arith.cmpf oeq, %select_n3A_120, %eq3A_124 : vector<512x1024xf32>
    %jit3A_126 = arith.constant 1.000000e+30 : f32
    %broadcast_in_dim3A_127 = vector.broadcast %jit3A_126 : f32 to vector<512x1024xf32>
    %select_n3A_128 = arith.select %eq3A_125, %broadcast_in_dim3A_127, %select_n3A_112 : vector<512x1024xi1>, vector<512x1024xf32>
    %reduce_min3A_129 = arith.constant dense<0x7F800000> : vector<512xf32>
    %reduce_min3A_130 = vector.multi_reduction <minimumf>, %select_n3A_128, %reduce_min3A_129 [1] : vector<512x1024xf32> to vector<512xf32>
    %broadcast_in_dim3A_131 = vector.shape_cast %reduce_min3A_130 : vector<512xf32> to vector<512x1xf32>
    %eq3A_132 = vector.broadcast %broadcast_in_dim3A_131 : vector<512x1xf32> to vector<512x1024xf32>
    %eq3A_133 = arith.cmpf oeq, %select_n3A_128, %eq3A_132 : vector<512x1024xf32>
    %jit3A_134 = arith.constant 1.07374182E+9 : f32
    %broadcast_in_dim3A_135 = vector.broadcast %jit3A_134 : f32 to vector<512x1024xf32>
    %select_n3A_136 = arith.select %eq3A_133, %convert_element_type3A, %broadcast_in_dim3A_135 : vector<512x1024xi1>, vector<512x1024xf32>
    %reduce_min3A_137 = arith.constant dense<0x7F800000> : vector<512xf32>
    %reduce_min3A_138 = vector.multi_reduction <minimumf>, %select_n3A_136, %reduce_min3A_137 [1] : vector<512x1024xf32> to vector<512xf32>
    %broadcast_in_dim3A_139 = vector.shape_cast %reduce_min3A_138 : vector<512xf32> to vector<512x1xf32>
    %eq3A_140 = vector.broadcast %broadcast_in_dim3A_139 : vector<512x1xf32> to vector<512x1024xf32>
    %eq3A_141 = arith.cmpf oeq, %select_n3A_136, %eq3A_140 : vector<512x1024xf32>
    %jit3A_142 = arith.constant 1.000000e+30 : f32
    %broadcast_in_dim3A_143 = vector.broadcast %jit3A_142 : f32 to vector<512x1024xf32>
    %select_n3A_144 = arith.select %eq3A_141, %broadcast_in_dim3A_143, %select_n3A_128 : vector<512x1024xi1>, vector<512x1024xf32>
    %reduce_min3A_145 = arith.constant dense<0x7F800000> : vector<512xf32>
    %reduce_min3A_146 = vector.multi_reduction <minimumf>, %select_n3A_144, %reduce_min3A_145 [1] : vector<512x1024xf32> to vector<512xf32>
    %broadcast_in_dim3A_147 = vector.shape_cast %reduce_min3A_146 : vector<512xf32> to vector<512x1xf32>
    %eq3A_148 = vector.broadcast %broadcast_in_dim3A_147 : vector<512x1xf32> to vector<512x1024xf32>
    %eq3A_149 = arith.cmpf oeq, %select_n3A_144, %eq3A_148 : vector<512x1024xf32>
    %jit3A_150 = arith.constant 1.07374182E+9 : f32
    %broadcast_in_dim3A_151 = vector.broadcast %jit3A_150 : f32 to vector<512x1024xf32>
    %select_n3A_152 = arith.select %eq3A_149, %convert_element_type3A, %broadcast_in_dim3A_151 : vector<512x1024xi1>, vector<512x1024xf32>
    %reduce_min3A_153 = arith.constant dense<0x7F800000> : vector<512xf32>
    %reduce_min3A_154 = vector.multi_reduction <minimumf>, %select_n3A_152, %reduce_min3A_153 [1] : vector<512x1024xf32> to vector<512xf32>
    %broadcast_in_dim3A_155 = vector.shape_cast %reduce_min3A_154 : vector<512xf32> to vector<512x1xf32>
    %eq3A_156 = vector.broadcast %broadcast_in_dim3A_155 : vector<512x1xf32> to vector<512x1024xf32>
    %eq3A_157 = arith.cmpf oeq, %select_n3A_152, %eq3A_156 : vector<512x1024xf32>
    %jit3A_158 = arith.constant 1.000000e+30 : f32
    %broadcast_in_dim3A_159 = vector.broadcast %jit3A_158 : f32 to vector<512x1024xf32>
    %select_n3A_160 = arith.select %eq3A_157, %broadcast_in_dim3A_159, %select_n3A_144 : vector<512x1024xi1>, vector<512x1024xf32>
    %reduce_min3A_161 = arith.constant dense<0x7F800000> : vector<512xf32>
    %reduce_min3A_162 = vector.multi_reduction <minimumf>, %select_n3A_160, %reduce_min3A_161 [1] : vector<512x1024xf32> to vector<512xf32>
    %broadcast_in_dim3A_163 = vector.shape_cast %reduce_min3A_162 : vector<512xf32> to vector<512x1xf32>
    %eq3A_164 = vector.broadcast %broadcast_in_dim3A_163 : vector<512x1xf32> to vector<512x1024xf32>
    %eq3A_165 = arith.cmpf oeq, %select_n3A_160, %eq3A_164 : vector<512x1024xf32>
    %jit3A_166 = arith.constant 1.07374182E+9 : f32
    %broadcast_in_dim3A_167 = vector.broadcast %jit3A_166 : f32 to vector<512x1024xf32>
    %select_n3A_168 = arith.select %eq3A_165, %convert_element_type3A, %broadcast_in_dim3A_167 : vector<512x1024xi1>, vector<512x1024xf32>
    %reduce_min3A_169 = arith.constant dense<0x7F800000> : vector<512xf32>
    %reduce_min3A_170 = vector.multi_reduction <minimumf>, %select_n3A_168, %reduce_min3A_169 [1] : vector<512x1024xf32> to vector<512xf32>
    %broadcast_in_dim3A_171 = vector.shape_cast %reduce_min3A_170 : vector<512xf32> to vector<512x1xf32>
    %eq3A_172 = vector.broadcast %broadcast_in_dim3A_171 : vector<512x1xf32> to vector<512x1024xf32>
    %eq3A_173 = arith.cmpf oeq, %select_n3A_168, %eq3A_172 : vector<512x1024xf32>
    %jit3A_174 = arith.constant 1.000000e+30 : f32
    %broadcast_in_dim3A_175 = vector.broadcast %jit3A_174 : f32 to vector<512x1024xf32>
    %select_n3A_176 = arith.select %eq3A_173, %broadcast_in_dim3A_175, %select_n3A_160 : vector<512x1024xi1>, vector<512x1024xf32>
    %reduce_min3A_177 = arith.constant dense<0x7F800000> : vector<512xf32>
    %reduce_min3A_178 = vector.multi_reduction <minimumf>, %select_n3A_176, %reduce_min3A_177 [1] : vector<512x1024xf32> to vector<512xf32>
    %broadcast_in_dim3A_179 = vector.shape_cast %reduce_min3A_178 : vector<512xf32> to vector<512x1xf32>
    %eq3A_180 = vector.broadcast %broadcast_in_dim3A_179 : vector<512x1xf32> to vector<512x1024xf32>
    %eq3A_181 = arith.cmpf oeq, %select_n3A_176, %eq3A_180 : vector<512x1024xf32>
    %jit3A_182 = arith.constant 1.07374182E+9 : f32
    %broadcast_in_dim3A_183 = vector.broadcast %jit3A_182 : f32 to vector<512x1024xf32>
    %select_n3A_184 = arith.select %eq3A_181, %convert_element_type3A, %broadcast_in_dim3A_183 : vector<512x1024xi1>, vector<512x1024xf32>
    %reduce_min3A_185 = arith.constant dense<0x7F800000> : vector<512xf32>
    %reduce_min3A_186 = vector.multi_reduction <minimumf>, %select_n3A_184, %reduce_min3A_185 [1] : vector<512x1024xf32> to vector<512xf32>
    %broadcast_in_dim3A_187 = vector.shape_cast %reduce_min3A_186 : vector<512xf32> to vector<512x1xf32>
    %eq3A_188 = vector.broadcast %broadcast_in_dim3A_187 : vector<512x1xf32> to vector<512x1024xf32>
    %eq3A_189 = arith.cmpf oeq, %select_n3A_184, %eq3A_188 : vector<512x1024xf32>
    %jit3A_190 = arith.constant 1.000000e+30 : f32
    %broadcast_in_dim3A_191 = vector.broadcast %jit3A_190 : f32 to vector<512x1024xf32>
    %select_n3A_192 = arith.select %eq3A_189, %broadcast_in_dim3A_191, %select_n3A_176 : vector<512x1024xi1>, vector<512x1024xf32>
    %reduce_min3A_193 = arith.constant dense<0x7F800000> : vector<512xf32>
    %reduce_min3A_194 = vector.multi_reduction <minimumf>, %select_n3A_192, %reduce_min3A_193 [1] : vector<512x1024xf32> to vector<512xf32>
    %broadcast_in_dim3A_195 = vector.shape_cast %reduce_min3A_194 : vector<512xf32> to vector<512x1xf32>
    %eq3A_196 = vector.broadcast %broadcast_in_dim3A_195 : vector<512x1xf32> to vector<512x1024xf32>
    %eq3A_197 = arith.cmpf oeq, %select_n3A_192, %eq3A_196 : vector<512x1024xf32>
    %jit3A_198 = arith.constant 1.07374182E+9 : f32
    %broadcast_in_dim3A_199 = vector.broadcast %jit3A_198 : f32 to vector<512x1024xf32>
    %select_n3A_200 = arith.select %eq3A_197, %convert_element_type3A, %broadcast_in_dim3A_199 : vector<512x1024xi1>, vector<512x1024xf32>
    %reduce_min3A_201 = arith.constant dense<0x7F800000> : vector<512xf32>
    %reduce_min3A_202 = vector.multi_reduction <minimumf>, %select_n3A_200, %reduce_min3A_201 [1] : vector<512x1024xf32> to vector<512xf32>
    %broadcast_in_dim3A_203 = vector.shape_cast %reduce_min3A_202 : vector<512xf32> to vector<512x1xf32>
    %eq3A_204 = vector.broadcast %broadcast_in_dim3A_203 : vector<512x1xf32> to vector<512x1024xf32>
    %eq3A_205 = arith.cmpf oeq, %select_n3A_200, %eq3A_204 : vector<512x1024xf32>
    %jit3A_206 = arith.constant 1.000000e+30 : f32
    %broadcast_in_dim3A_207 = vector.broadcast %jit3A_206 : f32 to vector<512x1024xf32>
    %select_n3A_208 = arith.select %eq3A_205, %broadcast_in_dim3A_207, %select_n3A_192 : vector<512x1024xi1>, vector<512x1024xf32>
    %reduce_min3A_209 = arith.constant dense<0x7F800000> : vector<512xf32>
    %reduce_min3A_210 = vector.multi_reduction <minimumf>, %select_n3A_208, %reduce_min3A_209 [1] : vector<512x1024xf32> to vector<512xf32>
    %broadcast_in_dim3A_211 = vector.shape_cast %reduce_min3A_210 : vector<512xf32> to vector<512x1xf32>
    %eq3A_212 = vector.broadcast %broadcast_in_dim3A_211 : vector<512x1xf32> to vector<512x1024xf32>
    %eq3A_213 = arith.cmpf oeq, %select_n3A_208, %eq3A_212 : vector<512x1024xf32>
    %jit3A_214 = arith.constant 1.07374182E+9 : f32
    %broadcast_in_dim3A_215 = vector.broadcast %jit3A_214 : f32 to vector<512x1024xf32>
    %select_n3A_216 = arith.select %eq3A_213, %convert_element_type3A, %broadcast_in_dim3A_215 : vector<512x1024xi1>, vector<512x1024xf32>
    %reduce_min3A_217 = arith.constant dense<0x7F800000> : vector<512xf32>
    %reduce_min3A_218 = vector.multi_reduction <minimumf>, %select_n3A_216, %reduce_min3A_217 [1] : vector<512x1024xf32> to vector<512xf32>
    %broadcast_in_dim3A_219 = vector.shape_cast %reduce_min3A_218 : vector<512xf32> to vector<512x1xf32>
    %eq3A_220 = vector.broadcast %broadcast_in_dim3A_219 : vector<512x1xf32> to vector<512x1024xf32>
    %eq3A_221 = arith.cmpf oeq, %select_n3A_216, %eq3A_220 : vector<512x1024xf32>
    %jit3A_222 = arith.constant 1.000000e+30 : f32
    %broadcast_in_dim3A_223 = vector.broadcast %jit3A_222 : f32 to vector<512x1024xf32>
    %select_n3A_224 = arith.select %eq3A_221, %broadcast_in_dim3A_223, %select_n3A_208 : vector<512x1024xi1>, vector<512x1024xf32>
    %reduce_min3A_225 = arith.constant dense<0x7F800000> : vector<512xf32>
    %reduce_min3A_226 = vector.multi_reduction <minimumf>, %select_n3A_224, %reduce_min3A_225 [1] : vector<512x1024xf32> to vector<512xf32>
    %broadcast_in_dim3A_227 = vector.shape_cast %reduce_min3A_226 : vector<512xf32> to vector<512x1xf32>
    %eq3A_228 = vector.broadcast %broadcast_in_dim3A_227 : vector<512x1xf32> to vector<512x1024xf32>
    %eq3A_229 = arith.cmpf oeq, %select_n3A_224, %eq3A_228 : vector<512x1024xf32>
    %jit3A_230 = arith.constant 1.07374182E+9 : f32
    %broadcast_in_dim3A_231 = vector.broadcast %jit3A_230 : f32 to vector<512x1024xf32>
    %select_n3A_232 = arith.select %eq3A_229, %convert_element_type3A, %broadcast_in_dim3A_231 : vector<512x1024xi1>, vector<512x1024xf32>
    %reduce_min3A_233 = arith.constant dense<0x7F800000> : vector<512xf32>
    %reduce_min3A_234 = vector.multi_reduction <minimumf>, %select_n3A_232, %reduce_min3A_233 [1] : vector<512x1024xf32> to vector<512xf32>
    %broadcast_in_dim3A_235 = vector.shape_cast %reduce_min3A_234 : vector<512xf32> to vector<512x1xf32>
    %eq3A_236 = vector.broadcast %broadcast_in_dim3A_235 : vector<512x1xf32> to vector<512x1024xf32>
    %eq3A_237 = arith.cmpf oeq, %select_n3A_232, %eq3A_236 : vector<512x1024xf32>
    %jit3A_238 = arith.constant 1.000000e+30 : f32
    %broadcast_in_dim3A_239 = vector.broadcast %jit3A_238 : f32 to vector<512x1024xf32>
    %select_n3A_240 = arith.select %eq3A_237, %broadcast_in_dim3A_239, %select_n3A_224 : vector<512x1024xi1>, vector<512x1024xf32>
    %reduce_min3A_241 = arith.constant dense<0x7F800000> : vector<512xf32>
    %reduce_min3A_242 = vector.multi_reduction <minimumf>, %select_n3A_240, %reduce_min3A_241 [1] : vector<512x1024xf32> to vector<512xf32>
    %broadcast_in_dim3A_243 = vector.shape_cast %reduce_min3A_242 : vector<512xf32> to vector<512x1xf32>
    %eq3A_244 = vector.broadcast %broadcast_in_dim3A_243 : vector<512x1xf32> to vector<512x1024xf32>
    %eq3A_245 = arith.cmpf oeq, %select_n3A_240, %eq3A_244 : vector<512x1024xf32>
    %jit3A_246 = arith.constant 1.07374182E+9 : f32
    %broadcast_in_dim3A_247 = vector.broadcast %jit3A_246 : f32 to vector<512x1024xf32>
    %select_n3A_248 = arith.select %eq3A_245, %convert_element_type3A, %broadcast_in_dim3A_247 : vector<512x1024xi1>, vector<512x1024xf32>
    %reduce_min3A_249 = arith.constant dense<0x7F800000> : vector<512xf32>
    %reduce_min3A_250 = vector.multi_reduction <minimumf>, %select_n3A_248, %reduce_min3A_249 [1] : vector<512x1024xf32> to vector<512xf32>
    %broadcast_in_dim3A_251 = vector.shape_cast %reduce_min3A_250 : vector<512xf32> to vector<512x1xf32>
    %eq3A_252 = vector.broadcast %broadcast_in_dim3A_251 : vector<512x1xf32> to vector<512x1024xf32>
    %eq3A_253 = arith.cmpf oeq, %select_n3A_248, %eq3A_252 : vector<512x1024xf32>
    %jit3A_254 = arith.constant 1.000000e+30 : f32
    %broadcast_in_dim3A_255 = vector.broadcast %jit3A_254 : f32 to vector<512x1024xf32>
    %select_n3A_256 = arith.select %eq3A_253, %broadcast_in_dim3A_255, %select_n3A_240 : vector<512x1024xi1>, vector<512x1024xf32>
    %reduce_min3A_257 = arith.constant dense<0x7F800000> : vector<512xf32>
    %reduce_min3A_258 = vector.multi_reduction <minimumf>, %select_n3A_256, %reduce_min3A_257 [1] : vector<512x1024xf32> to vector<512xf32>
    %broadcast_in_dim3A_259 = vector.shape_cast %reduce_min3A_258 : vector<512xf32> to vector<512x1xf32>
    %eq3A_260 = vector.broadcast %broadcast_in_dim3A_259 : vector<512x1xf32> to vector<512x1024xf32>
    %eq3A_261 = arith.cmpf oeq, %select_n3A_256, %eq3A_260 : vector<512x1024xf32>
    %jit3A_262 = arith.constant 1.07374182E+9 : f32
    %broadcast_in_dim3A_263 = vector.broadcast %jit3A_262 : f32 to vector<512x1024xf32>
    %select_n3A_264 = arith.select %eq3A_261, %convert_element_type3A, %broadcast_in_dim3A_263 : vector<512x1024xi1>, vector<512x1024xf32>
    %reduce_min3A_265 = arith.constant dense<0x7F800000> : vector<512xf32>
    %reduce_min3A_266 = vector.multi_reduction <minimumf>, %select_n3A_264, %reduce_min3A_265 [1] : vector<512x1024xf32> to vector<512xf32>
    %broadcast_in_dim3A_267 = vector.shape_cast %reduce_min3A_266 : vector<512xf32> to vector<512x1xf32>
    %eq3A_268 = vector.broadcast %broadcast_in_dim3A_267 : vector<512x1xf32> to vector<512x1024xf32>
    %eq3A_269 = arith.cmpf oeq, %select_n3A_264, %eq3A_268 : vector<512x1024xf32>
    %jit3A_270 = arith.constant 1.000000e+30 : f32
    %broadcast_in_dim3A_271 = vector.broadcast %jit3A_270 : f32 to vector<512x1024xf32>
    %select_n3A_272 = arith.select %eq3A_269, %broadcast_in_dim3A_271, %select_n3A_256 : vector<512x1024xi1>, vector<512x1024xf32>
    %reduce_min3A_273 = arith.constant dense<0x7F800000> : vector<512xf32>
    %reduce_min3A_274 = vector.multi_reduction <minimumf>, %select_n3A_272, %reduce_min3A_273 [1] : vector<512x1024xf32> to vector<512xf32>
    %broadcast_in_dim3A_275 = vector.shape_cast %reduce_min3A_274 : vector<512xf32> to vector<512x1xf32>
    %eq3A_276 = vector.broadcast %broadcast_in_dim3A_275 : vector<512x1xf32> to vector<512x1024xf32>
    %eq3A_277 = arith.cmpf oeq, %select_n3A_272, %eq3A_276 : vector<512x1024xf32>
    %jit3A_278 = arith.constant 1.07374182E+9 : f32
    %broadcast_in_dim3A_279 = vector.broadcast %jit3A_278 : f32 to vector<512x1024xf32>
    %select_n3A_280 = arith.select %eq3A_277, %convert_element_type3A, %broadcast_in_dim3A_279 : vector<512x1024xi1>, vector<512x1024xf32>
    %reduce_min3A_281 = arith.constant dense<0x7F800000> : vector<512xf32>
    %reduce_min3A_282 = vector.multi_reduction <minimumf>, %select_n3A_280, %reduce_min3A_281 [1] : vector<512x1024xf32> to vector<512xf32>
    %broadcast_in_dim3A_283 = vector.shape_cast %reduce_min3A_282 : vector<512xf32> to vector<512x1xf32>
    %concatenate3A = tpu.concatenate %broadcast_in_dim3A_43, %broadcast_in_dim3A_59, %broadcast_in_dim3A_75, %broadcast_in_dim3A_91, %broadcast_in_dim3A_107, %broadcast_in_dim3A_123, %broadcast_in_dim3A_139, %broadcast_in_dim3A_155, %broadcast_in_dim3A_171, %broadcast_in_dim3A_187, %broadcast_in_dim3A_203, %broadcast_in_dim3A_219, %broadcast_in_dim3A_235, %broadcast_in_dim3A_251, %broadcast_in_dim3A_267, %broadcast_in_dim3A_283 in 1 : vector<512x1xf32>, vector<512x1xf32>, vector<512x1xf32>, vector<512x1xf32>, vector<512x1xf32>, vector<512x1xf32>, vector<512x1xf32>, vector<512x1xf32>, vector<512x1xf32>, vector<512x1xf32>, vector<512x1xf32>, vector<512x1xf32>, vector<512x1xf32>, vector<512x1xf32>, vector<512x1xf32>, vector<512x1xf32> -> vector<512x16xf32>
    %convert_element_type3A_284 = arith.fptosi %concatenate3A : vector<512x16xf32> to vector<512x16xi32>
    %mul3A_285 = arith.constant 1024 : i32
    %mul3A_286 = arith.muli %arg0, %mul3A_285 : i32
    %add3A_287 = vector.broadcast %mul3A_286 : i32 to vector<512x16xi32>
    %add3A_288 = arith.addi %convert_element_type3A_284, %add3A_287 : vector<512x16xi32>
    %swap3A = arith.constant 0 : index
    %swap3A_289 = arith.constant 0 : index
    %swap3A_290 = arith.constant 0 : index
    %swap3A_291 = vector.load %arg4[%swap3A, %swap3A_289, %swap3A_290] : memref<1x512x16xi32, #tpu.memory_space<vmem>>, vector<1x512x16xi32>
    %swap3A_292 = vector.shape_cast %swap3A_291 : vector<1x512x16xi32> to vector<512x16xi32>
    %swap3A_293 = vector.shape_cast %add3A_288 : vector<512x16xi32> to vector<1x512x16xi32>
    tpu.vector_store %arg4[%swap3A, %swap3A_289, %swap3A_290], %swap3A_293 {strides = array<i32>} : memref<1x512x16xi32, #tpu.memory_space<vmem>>, vector<1x512x16xi32>,
    %broadcast_in_dim3A_294 = arith.constant 0.000000e+00 : f32
    %broadcast_in_dim3A_295 = vector.broadcast %broadcast_in_dim3A_294 : f32 to vector<512x13xf32>
    %concatenate3A_296 = tpu.concatenate %get3A_3, %broadcast_in_dim3A_295 in 1 : vector<512x3xf32>, vector<512x13xf32> -> vector<512x16xf32>
    %swap3A_297 = arith.constant 0 : index
    %swap3A_298 = arith.constant 0 : index
    %swap3A_299 = vector.load %arg5[%swap3A_297, %swap3A_298] : memref<512x16xf32, #tpu.memory_space<vmem>>, vector<512x16xf32>
    tpu.vector_store %arg5[%swap3A_297, %swap3A_298], %concatenate3A_296 {strides = array<i32>} : memref<512x16xf32, #tpu.memory_space<vmem>>, vector<512x16xf32>,
    return
  }
  func.func @transform_0(%arg0: i32, %arg1: i32) -> (i32, i32, i32) {
    %c0_i32 = arith.constant 0 : i32
    %c0_i32_0 = arith.constant 0 : i32
    return %arg0, %arg1, %c0_i32 : i32, i32, i32
  }
  func.func @transform_1(%arg0: i32, %arg1: i32) -> (i32, i32, i32) {
    %c0_i32 = arith.constant 0 : i32
    %c0_i32_0 = arith.constant 0 : i32
    %c0_i32_1 = arith.constant 0 : i32
    return %arg0, %c0_i32, %c0_i32_0 : i32, i32, i32
  }
  func.func @transform_2(%arg0: i32, %arg1: i32) -> (i32, i32, i32) {
    %c0_i32 = arith.constant 0 : i32
    %c0_i32_0 = arith.constant 0 : i32
    return %arg0, %arg1, %c0_i32 : i32, i32, i32
  }
  func.func @transform_3(%arg0: i32, %arg1: i32) -> (i32, i32) {
    %mul3A = arith.constant 2 : i32
    %mul3A_0 = arith.muli %arg0, %mul3A : i32
    %add3A = arith.addi %mul3A_0, %arg1 : i32
    %c0_i32 = arith.constant 0 : i32
    %c0_i32_1 = arith.constant 0 : i32
    return %add3A, %c0_i32 : i32, i32
  }
}

module attributes {stable_mosaic.version = 14 : i64} {
  func.func @_mlp_body(%arg0: i32, %arg1: i32, %arg2: memref<1x512x16x16xf32, #tpu.memory_space<vmem>>, %arg3: memref<1x1x1xf32, #tpu.memory_space<vmem>>, %arg4: memref<1x128xf32, #tpu.memory_space<vmem>>, %arg5: memref<1x128xf32, #tpu.memory_space<vmem>>, %arg6: memref<1x128xf32, #tpu.memory_space<vmem>>, %arg7: memref<1x128xf32, #tpu.memory_space<vmem>>, %arg8: memref<1x128xf32, #tpu.memory_space<vmem>>, %arg9: memref<128x96xf32, #tpu.memory_space<vmem>>, %arg10: memref<1x96xf32, #tpu.memory_space<vmem>>, %arg11: memref<1x96xf32, #tpu.memory_space<vmem>>, %arg12: memref<1x96xf32, #tpu.memory_space<vmem>>, %arg13: memref<1x512x32xf32, #tpu.memory_space<vmem>>, %arg14: memref<1x1x64xf32, #tpu.memory_space<vmem>>) attributes {dimension_semantics = [#tpu.dimension_semantics<arbitrary>, #tpu.dimension_semantics<arbitrary>], iteration_bounds = array<i64: 8, 2>, scalar_prefetch = 0 : i64, scratch_operands = 0 : i64, tpu.core_type = #tpu.core_type<tc>, window_params = [{transform_indices = @transform_0, window_bounds = array<i64: 1, 512, 16, 16>}, {transform_indices = @transform_1, window_bounds = array<i64: 1, 1, 1>}, {pipeline_mode = #tpu.pipeline_mode<synchronous>, transform_indices = @transform_2, window_bounds = array<i64: 1, 128>}, {pipeline_mode = #tpu.pipeline_mode<synchronous>, transform_indices = @transform_3, window_bounds = array<i64: 1, 128>}, {pipeline_mode = #tpu.pipeline_mode<synchronous>, transform_indices = @transform_4, window_bounds = array<i64: 1, 128>}, {pipeline_mode = #tpu.pipeline_mode<synchronous>, transform_indices = @transform_5, window_bounds = array<i64: 1, 128>}, {pipeline_mode = #tpu.pipeline_mode<synchronous>, transform_indices = @transform_6, window_bounds = array<i64: 1, 128>}, {pipeline_mode = #tpu.pipeline_mode<synchronous>, transform_indices = @transform_7, window_bounds = array<i64: 128, 96>}, {pipeline_mode = #tpu.pipeline_mode<synchronous>, transform_indices = @transform_8, window_bounds = array<i64: 1, 96>}, {pipeline_mode = #tpu.pipeline_mode<synchronous>, transform_indices = @transform_9, window_bounds = array<i64: 1, 96>}, {pipeline_mode = #tpu.pipeline_mode<synchronous>, transform_indices = @transform_10, window_bounds = array<i64: 1, 96>}, {transform_indices = @transform_11, window_bounds = array<i64: 1, 512, 32>}, {transform_indices = @transform_12, window_bounds = array<i64: 1, 1, 64>}]} {
    %get3A = arith.constant 0 : index
    %get3A_0 = arith.constant 0 : index
    %get3A_1 = arith.constant 0 : index
    %get3A_2 = arith.constant 0 : index
    %get3A_3 = vector.load %arg2[%get3A, %get3A_0, %get3A_1, %get3A_2] : memref<1x512x16x16xf32, #tpu.memory_space<vmem>>, vector<1x512x16x16xf32>
    %get3A_4 = vector.shape_cast %get3A_3 : vector<1x512x16x16xf32> to vector<512x16x16xf32>
    %get3A_5 = arith.constant 0 : index
    %get3A_6 = arith.constant 0 : index
    %get3A_7 = vector.load %arg4[%get3A_5, %get3A_6] : memref<1x128xf32, #tpu.memory_space<vmem>>, vector<1x128xf32>
    %get3A_8 = arith.constant 0 : index
    %get3A_9 = arith.constant 0 : index
    %get3A_10 = vector.load %arg5[%get3A_8, %get3A_9] : memref<1x128xf32, #tpu.memory_space<vmem>>, vector<1x128xf32>
    %get3A_11 = arith.constant 0 : index
    %get3A_12 = arith.constant 0 : index
    %get3A_13 = vector.load %arg6[%get3A_11, %get3A_12] : memref<1x128xf32, #tpu.memory_space<vmem>>, vector<1x128xf32>
    %get3A_14 = arith.constant 0 : index
    %get3A_15 = arith.constant 0 : index
    %get3A_16 = vector.load %arg7[%get3A_14, %get3A_15] : memref<1x128xf32, #tpu.memory_space<vmem>>, vector<1x128xf32>
    %get3A_17 = arith.constant 0 : index
    %get3A_18 = arith.constant 0 : index
    %get3A_19 = vector.load %arg8[%get3A_17, %get3A_18] : memref<1x128xf32, #tpu.memory_space<vmem>>, vector<1x128xf32>
    %broadcast_in_dim3A = arith.constant 0.000000e+00 : f32
    %broadcast_in_dim3A_20 = vector.broadcast %broadcast_in_dim3A : f32 to vector<7680x128xf32>
    %slice3A = vector.extract_strided_slice %get3A_4 {offsets = [0, 0, 0], sizes = [512, 1, 1], strides = [1, 1, 1]} : vector<512x16x16xf32> to vector<512x1x1xf32>
    %squeeze3A = vector.shape_cast %slice3A : vector<512x1x1xf32> to vector<512x1xf32>
    %slice3A_21 = vector.extract_strided_slice %get3A_4 {offsets = [0, 1, 0], sizes = [512, 1, 1], strides = [1, 1, 1]} : vector<512x16x16xf32> to vector<512x1x1xf32>
    %squeeze3A_22 = vector.shape_cast %slice3A_21 : vector<512x1x1xf32> to vector<512x1xf32>
    %slice3A_23 = vector.extract_strided_slice %get3A_4 {offsets = [0, 2, 0], sizes = [512, 1, 1], strides = [1, 1, 1]} : vector<512x16x16xf32> to vector<512x1x1xf32>
    %squeeze3A_24 = vector.shape_cast %slice3A_23 : vector<512x1x1xf32> to vector<512x1xf32>
    %slice3A_25 = vector.extract_strided_slice %get3A_4 {offsets = [0, 3, 0], sizes = [512, 1, 1], strides = [1, 1, 1]} : vector<512x16x16xf32> to vector<512x1x1xf32>
    %squeeze3A_26 = vector.shape_cast %slice3A_25 : vector<512x1x1xf32> to vector<512x1xf32>
    %slice3A_27 = vector.extract_strided_slice %get3A_4 {offsets = [0, 4, 0], sizes = [512, 1, 1], strides = [1, 1, 1]} : vector<512x16x16xf32> to vector<512x1x1xf32>
    %squeeze3A_28 = vector.shape_cast %slice3A_27 : vector<512x1x1xf32> to vector<512x1xf32>
    %slice3A_29 = vector.extract_strided_slice %get3A_4 {offsets = [0, 5, 0], sizes = [512, 1, 1], strides = [1, 1, 1]} : vector<512x16x16xf32> to vector<512x1x1xf32>
    %squeeze3A_30 = vector.shape_cast %slice3A_29 : vector<512x1x1xf32> to vector<512x1xf32>
    %slice3A_31 = vector.extract_strided_slice %get3A_4 {offsets = [0, 6, 0], sizes = [512, 1, 1], strides = [1, 1, 1]} : vector<512x16x16xf32> to vector<512x1x1xf32>
    %squeeze3A_32 = vector.shape_cast %slice3A_31 : vector<512x1x1xf32> to vector<512x1xf32>
    %slice3A_33 = vector.extract_strided_slice %get3A_4 {offsets = [0, 7, 0], sizes = [512, 1, 1], strides = [1, 1, 1]} : vector<512x16x16xf32> to vector<512x1x1xf32>
    %squeeze3A_34 = vector.shape_cast %slice3A_33 : vector<512x1x1xf32> to vector<512x1xf32>
    %slice3A_35 = vector.extract_strided_slice %get3A_4 {offsets = [0, 8, 0], sizes = [512, 1, 1], strides = [1, 1, 1]} : vector<512x16x16xf32> to vector<512x1x1xf32>
    %squeeze3A_36 = vector.shape_cast %slice3A_35 : vector<512x1x1xf32> to vector<512x1xf32>
    %slice3A_37 = vector.extract_strided_slice %get3A_4 {offsets = [0, 9, 0], sizes = [512, 1, 1], strides = [1, 1, 1]} : vector<512x16x16xf32> to vector<512x1x1xf32>
    %squeeze3A_38 = vector.shape_cast %slice3A_37 : vector<512x1x1xf32> to vector<512x1xf32>
    %slice3A_39 = vector.extract_strided_slice %get3A_4 {offsets = [0, 10, 0], sizes = [512, 1, 1], strides = [1, 1, 1]} : vector<512x16x16xf32> to vector<512x1x1xf32>
    %squeeze3A_40 = vector.shape_cast %slice3A_39 : vector<512x1x1xf32> to vector<512x1xf32>
    %slice3A_41 = vector.extract_strided_slice %get3A_4 {offsets = [0, 11, 0], sizes = [512, 1, 1], strides = [1, 1, 1]} : vector<512x16x16xf32> to vector<512x1x1xf32>
    %squeeze3A_42 = vector.shape_cast %slice3A_41 : vector<512x1x1xf32> to vector<512x1xf32>
    %slice3A_43 = vector.extract_strided_slice %get3A_4 {offsets = [0, 12, 0], sizes = [512, 1, 1], strides = [1, 1, 1]} : vector<512x16x16xf32> to vector<512x1x1xf32>
    %squeeze3A_44 = vector.shape_cast %slice3A_43 : vector<512x1x1xf32> to vector<512x1xf32>
    %slice3A_45 = vector.extract_strided_slice %get3A_4 {offsets = [0, 13, 0], sizes = [512, 1, 1], strides = [1, 1, 1]} : vector<512x16x16xf32> to vector<512x1x1xf32>
    %squeeze3A_46 = vector.shape_cast %slice3A_45 : vector<512x1x1xf32> to vector<512x1xf32>
    %slice3A_47 = vector.extract_strided_slice %get3A_4 {offsets = [0, 14, 0], sizes = [512, 1, 1], strides = [1, 1, 1]} : vector<512x16x16xf32> to vector<512x1x1xf32>
    %squeeze3A_48 = vector.shape_cast %slice3A_47 : vector<512x1x1xf32> to vector<512x1xf32>
    %slice3A_49 = vector.extract_strided_slice %get3A_4 {offsets = [0, 15, 0], sizes = [512, 1, 1], strides = [1, 1, 1]} : vector<512x16x16xf32> to vector<512x1x1xf32>
    %squeeze3A_50 = vector.shape_cast %slice3A_49 : vector<512x1x1xf32> to vector<512x1xf32>
    %concatenate3A = tpu.concatenate %squeeze3A, %squeeze3A, %squeeze3A, %squeeze3A, %squeeze3A, %squeeze3A, %squeeze3A, %squeeze3A, %squeeze3A, %squeeze3A, %squeeze3A, %squeeze3A, %squeeze3A, %squeeze3A, %squeeze3A in 0 : vector<512x1xf32>, vector<512x1xf32>, vector<512x1xf32>, vector<512x1xf32>, vector<512x1xf32>, vector<512x1xf32>, vector<512x1xf32>, vector<512x1xf32>, vector<512x1xf32>, vector<512x1xf32>, vector<512x1xf32>, vector<512x1xf32>, vector<512x1xf32>, vector<512x1xf32>, vector<512x1xf32> -> vector<7680x1xf32>
    %concatenate3A_51 = tpu.concatenate %squeeze3A_22, %squeeze3A_24, %squeeze3A_26, %squeeze3A_28, %squeeze3A_30, %squeeze3A_32, %squeeze3A_34, %squeeze3A_36, %squeeze3A_38, %squeeze3A_40, %squeeze3A_42, %squeeze3A_44, %squeeze3A_46, %squeeze3A_48, %squeeze3A_50 in 0 : vector<512x1xf32>, vector<512x1xf32>, vector<512x1xf32>, vector<512x1xf32>, vector<512x1xf32>, vector<512x1xf32>, vector<512x1xf32>, vector<512x1xf32>, vector<512x1xf32>, vector<512x1xf32>, vector<512x1xf32>, vector<512x1xf32>, vector<512x1xf32>, vector<512x1xf32>, vector<512x1xf32> -> vector<7680x1xf32>
    %concatenate3A_52 = tpu.concatenate %squeeze3A_22, %squeeze3A_22, %squeeze3A_22, %squeeze3A_22, %squeeze3A_22, %squeeze3A_22, %squeeze3A_22, %squeeze3A_22, %squeeze3A_22, %squeeze3A_22, %squeeze3A_22, %squeeze3A_22, %squeeze3A_22, %squeeze3A_22, %squeeze3A_24 in 0 : vector<512x1xf32>, vector<512x1xf32>, vector<512x1xf32>, vector<512x1xf32>, vector<512x1xf32>, vector<512x1xf32>, vector<512x1xf32>, vector<512x1xf32>, vector<512x1xf32>, vector<512x1xf32>, vector<512x1xf32>, vector<512x1xf32>, vector<512x1xf32>, vector<512x1xf32>, vector<512x1xf32> -> vector<7680x1xf32>
    %concatenate3A_53 = tpu.concatenate %squeeze3A_24, %squeeze3A_26, %squeeze3A_28, %squeeze3A_30, %squeeze3A_32, %squeeze3A_34, %squeeze3A_36, %squeeze3A_38, %squeeze3A_40, %squeeze3A_42, %squeeze3A_44, %squeeze3A_46, %squeeze3A_48, %squeeze3A_50, %squeeze3A_26 in 0 : vector<512x1xf32>, vector<512x1xf32>, vector<512x1xf32>, vector<512x1xf32>, vector<512x1xf32>, vector<512x1xf32>, vector<512x1xf32>, vector<512x1xf32>, vector<512x1xf32>, vector<512x1xf32>, vector<512x1xf32>, vector<512x1xf32>, vector<512x1xf32>, vector<512x1xf32>, vector<512x1xf32> -> vector<7680x1xf32>
    %mul3A = vector.broadcast %concatenate3A : vector<7680x1xf32> to vector<7680x128xf32>
    %mul3A_54 = vector.broadcast %get3A_7 : vector<1x128xf32> to vector<7680x128xf32>
    %mul3A_55 = arith.mulf %mul3A, %mul3A_54 : vector<7680x128xf32>
    %mul3A_56 = vector.broadcast %concatenate3A_51 : vector<7680x1xf32> to vector<7680x128xf32>
    %mul3A_57 = vector.broadcast %get3A_10 : vector<1x128xf32> to vector<7680x128xf32>
    %mul3A_58 = arith.mulf %mul3A_56, %mul3A_57 : vector<7680x128xf32>
    %add3A = arith.addf %mul3A_55, %mul3A_58 : vector<7680x128xf32>
    %mul3A_59 = vector.broadcast %concatenate3A_52 : vector<7680x1xf32> to vector<7680x128xf32>
    %mul3A_60 = vector.broadcast %get3A_13 : vector<1x128xf32> to vector<7680x128xf32>
    %mul3A_61 = arith.mulf %mul3A_59, %mul3A_60 : vector<7680x128xf32>
    %add3A_62 = arith.addf %add3A, %mul3A_61 : vector<7680x128xf32>
    %mul3A_63 = vector.broadcast %concatenate3A_53 : vector<7680x1xf32> to vector<7680x128xf32>
    %mul3A_64 = vector.broadcast %get3A_16 : vector<1x128xf32> to vector<7680x128xf32>
    %mul3A_65 = arith.mulf %mul3A_63, %mul3A_64 : vector<7680x128xf32>
    %add3A_66 = arith.addf %add3A_62, %mul3A_65 : vector<7680x128xf32>
    %add3A_67 = vector.broadcast %get3A_19 : vector<1x128xf32> to vector<7680x128xf32>
    %add3A_68 = arith.addf %add3A_66, %add3A_67 : vector<7680x128xf32>
    %max3A = arith.constant 0.000000e+00 : f32
    %max3A_69 = vector.broadcast %max3A : f32 to vector<7680x128xf32>
    %max3A_70 = arith.maximumf %add3A_68, %max3A_69 : vector<7680x128xf32>
    %add3A_71 = arith.addf %broadcast_in_dim3A_20, %max3A_70 : vector<7680x128xf32>
    %slice3A_72 = vector.extract_strided_slice %get3A_4 {offsets = [0, 0, 1], sizes = [512, 1, 1], strides = [1, 1, 1]} : vector<512x16x16xf32> to vector<512x1x1xf32>
    %squeeze3A_73 = vector.shape_cast %slice3A_72 : vector<512x1x1xf32> to vector<512x1xf32>
    %slice3A_74 = vector.extract_strided_slice %get3A_4 {offsets = [0, 1, 1], sizes = [512, 1, 1], strides = [1, 1, 1]} : vector<512x16x16xf32> to vector<512x1x1xf32>
    %squeeze3A_75 = vector.shape_cast %slice3A_74 : vector<512x1x1xf32> to vector<512x1xf32>
    %slice3A_76 = vector.extract_strided_slice %get3A_4 {offsets = [0, 2, 1], sizes = [512, 1, 1], strides = [1, 1, 1]} : vector<512x16x16xf32> to vector<512x1x1xf32>
    %squeeze3A_77 = vector.shape_cast %slice3A_76 : vector<512x1x1xf32> to vector<512x1xf32>
    %slice3A_78 = vector.extract_strided_slice %get3A_4 {offsets = [0, 3, 1], sizes = [512, 1, 1], strides = [1, 1, 1]} : vector<512x16x16xf32> to vector<512x1x1xf32>
    %squeeze3A_79 = vector.shape_cast %slice3A_78 : vector<512x1x1xf32> to vector<512x1xf32>
    %slice3A_80 = vector.extract_strided_slice %get3A_4 {offsets = [0, 4, 1], sizes = [512, 1, 1], strides = [1, 1, 1]} : vector<512x16x16xf32> to vector<512x1x1xf32>
    %squeeze3A_81 = vector.shape_cast %slice3A_80 : vector<512x1x1xf32> to vector<512x1xf32>
    %slice3A_82 = vector.extract_strided_slice %get3A_4 {offsets = [0, 5, 1], sizes = [512, 1, 1], strides = [1, 1, 1]} : vector<512x16x16xf32> to vector<512x1x1xf32>
    %squeeze3A_83 = vector.shape_cast %slice3A_82 : vector<512x1x1xf32> to vector<512x1xf32>
    %slice3A_84 = vector.extract_strided_slice %get3A_4 {offsets = [0, 6, 1], sizes = [512, 1, 1], strides = [1, 1, 1]} : vector<512x16x16xf32> to vector<512x1x1xf32>
    %squeeze3A_85 = vector.shape_cast %slice3A_84 : vector<512x1x1xf32> to vector<512x1xf32>
    %slice3A_86 = vector.extract_strided_slice %get3A_4 {offsets = [0, 7, 1], sizes = [512, 1, 1], strides = [1, 1, 1]} : vector<512x16x16xf32> to vector<512x1x1xf32>
    %squeeze3A_87 = vector.shape_cast %slice3A_86 : vector<512x1x1xf32> to vector<512x1xf32>
    %slice3A_88 = vector.extract_strided_slice %get3A_4 {offsets = [0, 8, 1], sizes = [512, 1, 1], strides = [1, 1, 1]} : vector<512x16x16xf32> to vector<512x1x1xf32>
    %squeeze3A_89 = vector.shape_cast %slice3A_88 : vector<512x1x1xf32> to vector<512x1xf32>
    %slice3A_90 = vector.extract_strided_slice %get3A_4 {offsets = [0, 9, 1], sizes = [512, 1, 1], strides = [1, 1, 1]} : vector<512x16x16xf32> to vector<512x1x1xf32>
    %squeeze3A_91 = vector.shape_cast %slice3A_90 : vector<512x1x1xf32> to vector<512x1xf32>
    %slice3A_92 = vector.extract_strided_slice %get3A_4 {offsets = [0, 10, 1], sizes = [512, 1, 1], strides = [1, 1, 1]} : vector<512x16x16xf32> to vector<512x1x1xf32>
    %squeeze3A_93 = vector.shape_cast %slice3A_92 : vector<512x1x1xf32> to vector<512x1xf32>
    %slice3A_94 = vector.extract_strided_slice %get3A_4 {offsets = [0, 11, 1], sizes = [512, 1, 1], strides = [1, 1, 1]} : vector<512x16x16xf32> to vector<512x1x1xf32>
    %squeeze3A_95 = vector.shape_cast %slice3A_94 : vector<512x1x1xf32> to vector<512x1xf32>
    %slice3A_96 = vector.extract_strided_slice %get3A_4 {offsets = [0, 12, 1], sizes = [512, 1, 1], strides = [1, 1, 1]} : vector<512x16x16xf32> to vector<512x1x1xf32>
    %squeeze3A_97 = vector.shape_cast %slice3A_96 : vector<512x1x1xf32> to vector<512x1xf32>
    %slice3A_98 = vector.extract_strided_slice %get3A_4 {offsets = [0, 13, 1], sizes = [512, 1, 1], strides = [1, 1, 1]} : vector<512x16x16xf32> to vector<512x1x1xf32>
    %squeeze3A_99 = vector.shape_cast %slice3A_98 : vector<512x1x1xf32> to vector<512x1xf32>
    %slice3A_100 = vector.extract_strided_slice %get3A_4 {offsets = [0, 14, 1], sizes = [512, 1, 1], strides = [1, 1, 1]} : vector<512x16x16xf32> to vector<512x1x1xf32>
    %squeeze3A_101 = vector.shape_cast %slice3A_100 : vector<512x1x1xf32> to vector<512x1xf32>
    %slice3A_102 = vector.extract_strided_slice %get3A_4 {offsets = [0, 15, 1], sizes = [512, 1, 1], strides = [1, 1, 1]} : vector<512x16x16xf32> to vector<512x1x1xf32>
    %squeeze3A_103 = vector.shape_cast %slice3A_102 : vector<512x1x1xf32> to vector<512x1xf32>
    %concatenate3A_104 = tpu.concatenate %squeeze3A_73, %squeeze3A_73, %squeeze3A_73, %squeeze3A_73, %squeeze3A_73, %squeeze3A_73, %squeeze3A_73, %squeeze3A_73, %squeeze3A_73, %squeeze3A_73, %squeeze3A_73, %squeeze3A_73, %squeeze3A_73, %squeeze3A_73, %squeeze3A_73 in 0 : vector<512x1xf32>, vector<512x1xf32>, vector<512x1xf32>, vector<512x1xf32>, vector<512x1xf32>, vector<512x1xf32>, vector<512x1xf32>, vector<512x1xf32>, vector<512x1xf32>, vector<512x1xf32>, vector<512x1xf32>, vector<512x1xf32>, vector<512x1xf32>, vector<512x1xf32>, vector<512x1xf32> -> vector<7680x1xf32>
    %concatenate3A_105 = tpu.concatenate %squeeze3A_75, %squeeze3A_77, %squeeze3A_79, %squeeze3A_81, %squeeze3A_83, %squeeze3A_85, %squeeze3A_87, %squeeze3A_89, %squeeze3A_91, %squeeze3A_93, %squeeze3A_95, %squeeze3A_97, %squeeze3A_99, %squeeze3A_101, %squeeze3A_103 in 0 : vector<512x1xf32>, vector<512x1xf32>, vector<512x1xf32>, vector<512x1xf32>, vector<512x1xf32>, vector<512x1xf32>, vector<512x1xf32>, vector<512x1xf32>, vector<512x1xf32>, vector<512x1xf32>, vector<512x1xf32>, vector<512x1xf32>, vector<512x1xf32>, vector<512x1xf32>, vector<512x1xf32> -> vector<7680x1xf32>
    %concatenate3A_106 = tpu.concatenate %squeeze3A_75, %squeeze3A_75, %squeeze3A_75, %squeeze3A_75, %squeeze3A_75, %squeeze3A_75, %squeeze3A_75, %squeeze3A_75, %squeeze3A_75, %squeeze3A_75, %squeeze3A_75, %squeeze3A_75, %squeeze3A_75, %squeeze3A_75, %squeeze3A_77 in 0 : vector<512x1xf32>, vector<512x1xf32>, vector<512x1xf32>, vector<512x1xf32>, vector<512x1xf32>, vector<512x1xf32>, vector<512x1xf32>, vector<512x1xf32>, vector<512x1xf32>, vector<512x1xf32>, vector<512x1xf32>, vector<512x1xf32>, vector<512x1xf32>, vector<512x1xf32>, vector<512x1xf32> -> vector<7680x1xf32>
    %concatenate3A_107 = tpu.concatenate %squeeze3A_77, %squeeze3A_79, %squeeze3A_81, %squeeze3A_83, %squeeze3A_85, %squeeze3A_87, %squeeze3A_89, %squeeze3A_91, %squeeze3A_93, %squeeze3A_95, %squeeze3A_97, %squeeze3A_99, %squeeze3A_101, %squeeze3A_103, %squeeze3A_79 in 0 : vector<512x1xf32>, vector<512x1xf32>, vector<512x1xf32>, vector<512x1xf32>, vector<512x1xf32>, vector<512x1xf32>, vector<512x1xf32>, vector<512x1xf32>, vector<512x1xf32>, vector<512x1xf32>, vector<512x1xf32>, vector<512x1xf32>, vector<512x1xf32>, vector<512x1xf32>, vector<512x1xf32> -> vector<7680x1xf32>
    %mul3A_108 = vector.broadcast %concatenate3A_104 : vector<7680x1xf32> to vector<7680x128xf32>
    %mul3A_109 = vector.broadcast %get3A_7 : vector<1x128xf32> to vector<7680x128xf32>
    %mul3A_110 = arith.mulf %mul3A_108, %mul3A_109 : vector<7680x128xf32>
    %mul3A_111 = vector.broadcast %concatenate3A_105 : vector<7680x1xf32> to vector<7680x128xf32>
    %mul3A_112 = vector.broadcast %get3A_10 : vector<1x128xf32> to vector<7680x128xf32>
    %mul3A_113 = arith.mulf %mul3A_111, %mul3A_112 : vector<7680x128xf32>
    %add3A_114 = arith.addf %mul3A_110, %mul3A_113 : vector<7680x128xf32>
    %mul3A_115 = vector.broadcast %concatenate3A_106 : vector<7680x1xf32> to vector<7680x128xf32>
    %mul3A_116 = vector.broadcast %get3A_13 : vector<1x128xf32> to vector<7680x128xf32>
    %mul3A_117 = arith.mulf %mul3A_115, %mul3A_116 : vector<7680x128xf32>
    %add3A_118 = arith.addf %add3A_114, %mul3A_117 : vector<7680x128xf32>
    %mul3A_119 = vector.broadcast %concatenate3A_107 : vector<7680x1xf32> to vector<7680x128xf32>
    %mul3A_120 = vector.broadcast %get3A_16 : vector<1x128xf32> to vector<7680x128xf32>
    %mul3A_121 = arith.mulf %mul3A_119, %mul3A_120 : vector<7680x128xf32>
    %add3A_122 = arith.addf %add3A_118, %mul3A_121 : vector<7680x128xf32>
    %add3A_123 = vector.broadcast %get3A_19 : vector<1x128xf32> to vector<7680x128xf32>
    %add3A_124 = arith.addf %add3A_122, %add3A_123 : vector<7680x128xf32>
    %max3A_125 = arith.constant 0.000000e+00 : f32
    %max3A_126 = vector.broadcast %max3A_125 : f32 to vector<7680x128xf32>
    %max3A_127 = arith.maximumf %add3A_124, %max3A_126 : vector<7680x128xf32>
    %add3A_128 = arith.addf %add3A_71, %max3A_127 : vector<7680x128xf32>
    %slice3A_129 = vector.extract_strided_slice %get3A_4 {offsets = [0, 0, 2], sizes = [512, 1, 1], strides = [1, 1, 1]} : vector<512x16x16xf32> to vector<512x1x1xf32>
    %squeeze3A_130 = vector.shape_cast %slice3A_129 : vector<512x1x1xf32> to vector<512x1xf32>
    %slice3A_131 = vector.extract_strided_slice %get3A_4 {offsets = [0, 1, 2], sizes = [512, 1, 1], strides = [1, 1, 1]} : vector<512x16x16xf32> to vector<512x1x1xf32>
    %squeeze3A_132 = vector.shape_cast %slice3A_131 : vector<512x1x1xf32> to vector<512x1xf32>
    %slice3A_133 = vector.extract_strided_slice %get3A_4 {offsets = [0, 2, 2], sizes = [512, 1, 1], strides = [1, 1, 1]} : vector<512x16x16xf32> to vector<512x1x1xf32>
    %squeeze3A_134 = vector.shape_cast %slice3A_133 : vector<512x1x1xf32> to vector<512x1xf32>
    %slice3A_135 = vector.extract_strided_slice %get3A_4 {offsets = [0, 3, 2], sizes = [512, 1, 1], strides = [1, 1, 1]} : vector<512x16x16xf32> to vector<512x1x1xf32>
    %squeeze3A_136 = vector.shape_cast %slice3A_135 : vector<512x1x1xf32> to vector<512x1xf32>
    %slice3A_137 = vector.extract_strided_slice %get3A_4 {offsets = [0, 4, 2], sizes = [512, 1, 1], strides = [1, 1, 1]} : vector<512x16x16xf32> to vector<512x1x1xf32>
    %squeeze3A_138 = vector.shape_cast %slice3A_137 : vector<512x1x1xf32> to vector<512x1xf32>
    %slice3A_139 = vector.extract_strided_slice %get3A_4 {offsets = [0, 5, 2], sizes = [512, 1, 1], strides = [1, 1, 1]} : vector<512x16x16xf32> to vector<512x1x1xf32>
    %squeeze3A_140 = vector.shape_cast %slice3A_139 : vector<512x1x1xf32> to vector<512x1xf32>
    %slice3A_141 = vector.extract_strided_slice %get3A_4 {offsets = [0, 6, 2], sizes = [512, 1, 1], strides = [1, 1, 1]} : vector<512x16x16xf32> to vector<512x1x1xf32>
    %squeeze3A_142 = vector.shape_cast %slice3A_141 : vector<512x1x1xf32> to vector<512x1xf32>
    %slice3A_143 = vector.extract_strided_slice %get3A_4 {offsets = [0, 7, 2], sizes = [512, 1, 1], strides = [1, 1, 1]} : vector<512x16x16xf32> to vector<512x1x1xf32>
    %squeeze3A_144 = vector.shape_cast %slice3A_143 : vector<512x1x1xf32> to vector<512x1xf32>
    %slice3A_145 = vector.extract_strided_slice %get3A_4 {offsets = [0, 8, 2], sizes = [512, 1, 1], strides = [1, 1, 1]} : vector<512x16x16xf32> to vector<512x1x1xf32>
    %squeeze3A_146 = vector.shape_cast %slice3A_145 : vector<512x1x1xf32> to vector<512x1xf32>
    %slice3A_147 = vector.extract_strided_slice %get3A_4 {offsets = [0, 9, 2], sizes = [512, 1, 1], strides = [1, 1, 1]} : vector<512x16x16xf32> to vector<512x1x1xf32>
    %squeeze3A_148 = vector.shape_cast %slice3A_147 : vector<512x1x1xf32> to vector<512x1xf32>
    %slice3A_149 = vector.extract_strided_slice %get3A_4 {offsets = [0, 10, 2], sizes = [512, 1, 1], strides = [1, 1, 1]} : vector<512x16x16xf32> to vector<512x1x1xf32>
    %squeeze3A_150 = vector.shape_cast %slice3A_149 : vector<512x1x1xf32> to vector<512x1xf32>
    %slice3A_151 = vector.extract_strided_slice %get3A_4 {offsets = [0, 11, 2], sizes = [512, 1, 1], strides = [1, 1, 1]} : vector<512x16x16xf32> to vector<512x1x1xf32>
    %squeeze3A_152 = vector.shape_cast %slice3A_151 : vector<512x1x1xf32> to vector<512x1xf32>
    %slice3A_153 = vector.extract_strided_slice %get3A_4 {offsets = [0, 12, 2], sizes = [512, 1, 1], strides = [1, 1, 1]} : vector<512x16x16xf32> to vector<512x1x1xf32>
    %squeeze3A_154 = vector.shape_cast %slice3A_153 : vector<512x1x1xf32> to vector<512x1xf32>
    %slice3A_155 = vector.extract_strided_slice %get3A_4 {offsets = [0, 13, 2], sizes = [512, 1, 1], strides = [1, 1, 1]} : vector<512x16x16xf32> to vector<512x1x1xf32>
    %squeeze3A_156 = vector.shape_cast %slice3A_155 : vector<512x1x1xf32> to vector<512x1xf32>
    %slice3A_157 = vector.extract_strided_slice %get3A_4 {offsets = [0, 14, 2], sizes = [512, 1, 1], strides = [1, 1, 1]} : vector<512x16x16xf32> to vector<512x1x1xf32>
    %squeeze3A_158 = vector.shape_cast %slice3A_157 : vector<512x1x1xf32> to vector<512x1xf32>
    %slice3A_159 = vector.extract_strided_slice %get3A_4 {offsets = [0, 15, 2], sizes = [512, 1, 1], strides = [1, 1, 1]} : vector<512x16x16xf32> to vector<512x1x1xf32>
    %squeeze3A_160 = vector.shape_cast %slice3A_159 : vector<512x1x1xf32> to vector<512x1xf32>
    %concatenate3A_161 = tpu.concatenate %squeeze3A_130, %squeeze3A_130, %squeeze3A_130, %squeeze3A_130, %squeeze3A_130, %squeeze3A_130, %squeeze3A_130, %squeeze3A_130, %squeeze3A_130, %squeeze3A_130, %squeeze3A_130, %squeeze3A_130, %squeeze3A_130, %squeeze3A_130, %squeeze3A_130 in 0 : vector<512x1xf32>, vector<512x1xf32>, vector<512x1xf32>, vector<512x1xf32>, vector<512x1xf32>, vector<512x1xf32>, vector<512x1xf32>, vector<512x1xf32>, vector<512x1xf32>, vector<512x1xf32>, vector<512x1xf32>, vector<512x1xf32>, vector<512x1xf32>, vector<512x1xf32>, vector<512x1xf32> -> vector<7680x1xf32>
    %concatenate3A_162 = tpu.concatenate %squeeze3A_132, %squeeze3A_134, %squeeze3A_136, %squeeze3A_138, %squeeze3A_140, %squeeze3A_142, %squeeze3A_144, %squeeze3A_146, %squeeze3A_148, %squeeze3A_150, %squeeze3A_152, %squeeze3A_154, %squeeze3A_156, %squeeze3A_158, %squeeze3A_160 in 0 : vector<512x1xf32>, vector<512x1xf32>, vector<512x1xf32>, vector<512x1xf32>, vector<512x1xf32>, vector<512x1xf32>, vector<512x1xf32>, vector<512x1xf32>, vector<512x1xf32>, vector<512x1xf32>, vector<512x1xf32>, vector<512x1xf32>, vector<512x1xf32>, vector<512x1xf32>, vector<512x1xf32> -> vector<7680x1xf32>
    %concatenate3A_163 = tpu.concatenate %squeeze3A_132, %squeeze3A_132, %squeeze3A_132, %squeeze3A_132, %squeeze3A_132, %squeeze3A_132, %squeeze3A_132, %squeeze3A_132, %squeeze3A_132, %squeeze3A_132, %squeeze3A_132, %squeeze3A_132, %squeeze3A_132, %squeeze3A_132, %squeeze3A_134 in 0 : vector<512x1xf32>, vector<512x1xf32>, vector<512x1xf32>, vector<512x1xf32>, vector<512x1xf32>, vector<512x1xf32>, vector<512x1xf32>, vector<512x1xf32>, vector<512x1xf32>, vector<512x1xf32>, vector<512x1xf32>, vector<512x1xf32>, vector<512x1xf32>, vector<512x1xf32>, vector<512x1xf32> -> vector<7680x1xf32>
    %concatenate3A_164 = tpu.concatenate %squeeze3A_134, %squeeze3A_136, %squeeze3A_138, %squeeze3A_140, %squeeze3A_142, %squeeze3A_144, %squeeze3A_146, %squeeze3A_148, %squeeze3A_150, %squeeze3A_152, %squeeze3A_154, %squeeze3A_156, %squeeze3A_158, %squeeze3A_160, %squeeze3A_136 in 0 : vector<512x1xf32>, vector<512x1xf32>, vector<512x1xf32>, vector<512x1xf32>, vector<512x1xf32>, vector<512x1xf32>, vector<512x1xf32>, vector<512x1xf32>, vector<512x1xf32>, vector<512x1xf32>, vector<512x1xf32>, vector<512x1xf32>, vector<512x1xf32>, vector<512x1xf32>, vector<512x1xf32> -> vector<7680x1xf32>
    %mul3A_165 = vector.broadcast %concatenate3A_161 : vector<7680x1xf32> to vector<7680x128xf32>
    %mul3A_166 = vector.broadcast %get3A_7 : vector<1x128xf32> to vector<7680x128xf32>
    %mul3A_167 = arith.mulf %mul3A_165, %mul3A_166 : vector<7680x128xf32>
    %mul3A_168 = vector.broadcast %concatenate3A_162 : vector<7680x1xf32> to vector<7680x128xf32>
    %mul3A_169 = vector.broadcast %get3A_10 : vector<1x128xf32> to vector<7680x128xf32>
    %mul3A_170 = arith.mulf %mul3A_168, %mul3A_169 : vector<7680x128xf32>
    %add3A_171 = arith.addf %mul3A_167, %mul3A_170 : vector<7680x128xf32>
    %mul3A_172 = vector.broadcast %concatenate3A_163 : vector<7680x1xf32> to vector<7680x128xf32>
    %mul3A_173 = vector.broadcast %get3A_13 : vector<1x128xf32> to vector<7680x128xf32>
    %mul3A_174 = arith.mulf %mul3A_172, %mul3A_173 : vector<7680x128xf32>
    %add3A_175 = arith.addf %add3A_171, %mul3A_174 : vector<7680x128xf32>
    %mul3A_176 = vector.broadcast %concatenate3A_164 : vector<7680x1xf32> to vector<7680x128xf32>
    %mul3A_177 = vector.broadcast %get3A_16 : vector<1x128xf32> to vector<7680x128xf32>
    %mul3A_178 = arith.mulf %mul3A_176, %mul3A_177 : vector<7680x128xf32>
    %add3A_179 = arith.addf %add3A_175, %mul3A_178 : vector<7680x128xf32>
    %add3A_180 = vector.broadcast %get3A_19 : vector<1x128xf32> to vector<7680x128xf32>
    %add3A_181 = arith.addf %add3A_179, %add3A_180 : vector<7680x128xf32>
    %max3A_182 = arith.constant 0.000000e+00 : f32
    %max3A_183 = vector.broadcast %max3A_182 : f32 to vector<7680x128xf32>
    %max3A_184 = arith.maximumf %add3A_181, %max3A_183 : vector<7680x128xf32>
    %add3A_185 = arith.addf %add3A_128, %max3A_184 : vector<7680x128xf32>
    %get3A_186 = arith.constant 0 : index
    %get3A_187 = arith.constant 0 : index
    %get3A_188 = arith.constant 0 : index
    %get3A_189 = vector.load %arg3[%get3A_186, %get3A_187, %get3A_188] : memref<1x1x1xf32, #tpu.memory_space<vmem>>, vector<1x1x1xf32>
    %get3A_190 = vector.extract %get3A_189[0, 0, 0] : f32 from vector<1x1x1xf32>
    %get3A_191 = arith.constant 0 : index
    %get3A_192 = arith.constant 0 : index
    %get3A_193 = vector.load %arg11[%get3A_191, %get3A_192] : memref<1x96xf32, #tpu.memory_space<vmem>>, vector<1x96xf32>
    %mul3A_194 = vector.broadcast %get3A_190 : f32 to vector<1x96xf32>
    %mul3A_195 = arith.mulf %mul3A_194, %get3A_193 : vector<1x96xf32>
    %get3A_196 = arith.constant 0 : index
    %get3A_197 = arith.constant 0 : index
    %get3A_198 = vector.load %arg12[%get3A_196, %get3A_197] : memref<1x96xf32, #tpu.memory_space<vmem>>, vector<1x96xf32>
    %add3A_199 = arith.addf %mul3A_195, %get3A_198 : vector<1x96xf32>
    %mul3A_200 = arith.constant 0.333333343 : f32
    %mul3A_201 = vector.broadcast %mul3A_200 : f32 to vector<7680x128xf32>
    %mul3A_202 = arith.mulf %add3A_185, %mul3A_201 : vector<7680x128xf32>
    %get3A_203 = arith.constant 0 : index
    %get3A_204 = arith.constant 0 : index
    %get3A_205 = vector.load %arg9[%get3A_203, %get3A_204] : memref<128x96xf32, #tpu.memory_space<vmem>>, vector<128x96xf32>
    %dot_general3A = arith.constant dense<0.000000e+00> : vector<7680x96xf32>
    %dot_general3A_206 = tpu.matmul %mul3A_202, %get3A_205, %dot_general3A {dimension_numbers = #tpu.dot_dimension_numbers<[1], [0], [0], [1], [0, 0, 1, 1], [], []>, transpose_lhs_hint = false} : vector<7680x128xf32>, vector<128x96xf32>, vector<7680x96xf32> -> vector<7680x96xf32>
    %get3A_207 = arith.constant 0 : index
    %get3A_208 = arith.constant 0 : index
    %get3A_209 = vector.load %arg10[%get3A_207, %get3A_208] : memref<1x96xf32, #tpu.memory_space<vmem>>, vector<1x96xf32>
    %add3A_210 = vector.broadcast %get3A_209 : vector<1x96xf32> to vector<7680x96xf32>
    %add3A_211 = arith.addf %dot_general3A_206, %add3A_210 : vector<7680x96xf32>
    %add3A_212 = vector.broadcast %add3A_199 : vector<1x96xf32> to vector<7680x96xf32>
    %add3A_213 = arith.addf %add3A_211, %add3A_212 : vector<7680x96xf32>
    %max3A_214 = arith.constant 0.000000e+00 : f32
    %max3A_215 = vector.broadcast %max3A_214 : f32 to vector<7680x96xf32>
    %max3A_216 = arith.maximumf %add3A_213, %max3A_215 : vector<7680x96xf32>
    %slice3A_217 = vector.extract_strided_slice %max3A_216 {offsets = [0, 0], sizes = [7680, 32], strides = [1, 1]} : vector<7680x96xf32> to vector<7680x32xf32>
    %slice3A_218 = vector.extract_strided_slice %slice3A_217 {offsets = [0, 0], sizes = [512, 32], strides = [1, 1]} : vector<7680x32xf32> to vector<512x32xf32>
    %slice3A_219 = vector.extract_strided_slice %slice3A_217 {offsets = [512, 0], sizes = [512, 32], strides = [1, 1]} : vector<7680x32xf32> to vector<512x32xf32>
    %add3A_220 = arith.addf %slice3A_218, %slice3A_219 : vector<512x32xf32>
    %slice3A_221 = vector.extract_strided_slice %slice3A_217 {offsets = [1024, 0], sizes = [512, 32], strides = [1, 1]} : vector<7680x32xf32> to vector<512x32xf32>
    %add3A_222 = arith.addf %add3A_220, %slice3A_221 : vector<512x32xf32>
    %slice3A_223 = vector.extract_strided_slice %slice3A_217 {offsets = [1536, 0], sizes = [512, 32], strides = [1, 1]} : vector<7680x32xf32> to vector<512x32xf32>
    %add3A_224 = arith.addf %add3A_222, %slice3A_223 : vector<512x32xf32>
    %slice3A_225 = vector.extract_strided_slice %slice3A_217 {offsets = [2048, 0], sizes = [512, 32], strides = [1, 1]} : vector<7680x32xf32> to vector<512x32xf32>
    %add3A_226 = arith.addf %add3A_224, %slice3A_225 : vector<512x32xf32>
    %slice3A_227 = vector.extract_strided_slice %slice3A_217 {offsets = [2560, 0], sizes = [512, 32], strides = [1, 1]} : vector<7680x32xf32> to vector<512x32xf32>
    %add3A_228 = arith.addf %add3A_226, %slice3A_227 : vector<512x32xf32>
    %slice3A_229 = vector.extract_strided_slice %slice3A_217 {offsets = [3072, 0], sizes = [512, 32], strides = [1, 1]} : vector<7680x32xf32> to vector<512x32xf32>
    %add3A_230 = arith.addf %add3A_228, %slice3A_229 : vector<512x32xf32>
    %slice3A_231 = vector.extract_strided_slice %slice3A_217 {offsets = [3584, 0], sizes = [512, 32], strides = [1, 1]} : vector<7680x32xf32> to vector<512x32xf32>
    %add3A_232 = arith.addf %add3A_230, %slice3A_231 : vector<512x32xf32>
    %slice3A_233 = vector.extract_strided_slice %slice3A_217 {offsets = [4096, 0], sizes = [512, 32], strides = [1, 1]} : vector<7680x32xf32> to vector<512x32xf32>
    %add3A_234 = arith.addf %add3A_232, %slice3A_233 : vector<512x32xf32>
    %slice3A_235 = vector.extract_strided_slice %slice3A_217 {offsets = [4608, 0], sizes = [512, 32], strides = [1, 1]} : vector<7680x32xf32> to vector<512x32xf32>
    %add3A_236 = arith.addf %add3A_234, %slice3A_235 : vector<512x32xf32>
    %slice3A_237 = vector.extract_strided_slice %slice3A_217 {offsets = [5120, 0], sizes = [512, 32], strides = [1, 1]} : vector<7680x32xf32> to vector<512x32xf32>
    %add3A_238 = arith.addf %add3A_236, %slice3A_237 : vector<512x32xf32>
    %slice3A_239 = vector.extract_strided_slice %slice3A_217 {offsets = [5632, 0], sizes = [512, 32], strides = [1, 1]} : vector<7680x32xf32> to vector<512x32xf32>
    %add3A_240 = arith.addf %add3A_238, %slice3A_239 : vector<512x32xf32>
    %slice3A_241 = vector.extract_strided_slice %slice3A_217 {offsets = [6144, 0], sizes = [512, 32], strides = [1, 1]} : vector<7680x32xf32> to vector<512x32xf32>
    %add3A_242 = arith.addf %add3A_240, %slice3A_241 : vector<512x32xf32>
    %slice3A_243 = vector.extract_strided_slice %slice3A_217 {offsets = [6656, 0], sizes = [512, 32], strides = [1, 1]} : vector<7680x32xf32> to vector<512x32xf32>
    %add3A_244 = arith.addf %add3A_242, %slice3A_243 : vector<512x32xf32>
    %slice3A_245 = vector.extract_strided_slice %slice3A_217 {offsets = [7168, 0], sizes = [512, 32], strides = [1, 1]} : vector<7680x32xf32> to vector<512x32xf32>
    %add3A_246 = arith.addf %add3A_244, %slice3A_245 : vector<512x32xf32>
    %mul3A_247 = arith.constant 0.0666666701 : f32
    %mul3A_248 = vector.broadcast %mul3A_247 : f32 to vector<512x32xf32>
    %mul3A_249 = arith.mulf %add3A_246, %mul3A_248 : vector<512x32xf32>
    %swap3A = arith.constant 0 : index
    %swap3A_250 = arith.constant 0 : index
    %swap3A_251 = arith.constant 0 : index
    %swap3A_252 = vector.load %arg13[%swap3A, %swap3A_250, %swap3A_251] : memref<1x512x32xf32, #tpu.memory_space<vmem>>, vector<1x512x32xf32>
    %swap3A_253 = vector.shape_cast %swap3A_252 : vector<1x512x32xf32> to vector<512x32xf32>
    %swap3A_254 = vector.shape_cast %mul3A_249 : vector<512x32xf32> to vector<1x512x32xf32>
    tpu.vector_store %arg13[%swap3A, %swap3A_250, %swap3A_251], %swap3A_254 {strides = array<i32>} : memref<1x512x32xf32, #tpu.memory_space<vmem>>, vector<1x512x32xf32>,
    %slice3A_255 = vector.extract_strided_slice %max3A_216 {offsets = [0, 32], sizes = [7680, 64], strides = [1, 1]} : vector<7680x96xf32> to vector<7680x64xf32>
    %reduce_sum3A = arith.constant dense<0.000000e+00> : vector<64xf32>
    %reduce_sum3A_256 = vector.multi_reduction <add>, %slice3A_255, %reduce_sum3A [0] : vector<7680x64xf32> to vector<64xf32>
    %broadcast_in_dim3A_257 = vector.shape_cast %reduce_sum3A_256 : vector<64xf32> to vector<1x64xf32>
    %eq3A = arith.constant 0 : i32
    %eq3A_258 = arith.cmpi eq, %arg1, %eq3A : i32
    %get3A_259 = arith.constant 0 : index
    %get3A_260 = arith.constant 0 : index
    %get3A_261 = arith.constant 0 : index
    %get3A_262 = vector.load %arg14[%get3A_259, %get3A_260, %get3A_261] : memref<1x1x64xf32, #tpu.memory_space<vmem>>, vector<1x1x64xf32>
    %get3A_263 = vector.shape_cast %get3A_262 : vector<1x1x64xf32> to vector<1x64xf32>
    %add3A_264 = arith.addf %get3A_263, %broadcast_in_dim3A_257 : vector<1x64xf32>
    %select_n3A = arith.select %eq3A_258, %broadcast_in_dim3A_257, %add3A_264 : vector<1x64xf32>
    %eq3A_265 = arith.constant 1 : i32
    %eq3A_266 = arith.cmpi eq, %arg1, %eq3A_265 : i32
    %mul3A_267 = arith.constant 6.510417E-5 : f32
    %mul3A_268 = vector.broadcast %mul3A_267 : f32 to vector<1x64xf32>
    %mul3A_269 = arith.mulf %select_n3A, %mul3A_268 : vector<1x64xf32>
    %select_n3A_270 = arith.select %eq3A_266, %mul3A_269, %select_n3A : vector<1x64xf32>
    %swap3A_271 = arith.constant 0 : index
    %swap3A_272 = arith.constant 0 : index
    %swap3A_273 = arith.constant 0 : index
    %swap3A_274 = vector.load %arg14[%swap3A_271, %swap3A_272, %swap3A_273] : memref<1x1x64xf32, #tpu.memory_space<vmem>>, vector<1x1x64xf32>
    %swap3A_275 = vector.shape_cast %swap3A_274 : vector<1x1x64xf32> to vector<1x64xf32>
    %swap3A_276 = vector.shape_cast %select_n3A_270 : vector<1x64xf32> to vector<1x1x64xf32>
    tpu.vector_store %arg14[%swap3A_271, %swap3A_272, %swap3A_273], %swap3A_276 {strides = array<i32>} : memref<1x1x64xf32, #tpu.memory_space<vmem>>, vector<1x1x64xf32>,
    return
  }
  func.func @transform_0(%arg0: i32, %arg1: i32) -> (i32, i32, i32, i32) {
    %c0_i32 = arith.constant 0 : i32
    %c0_i32_0 = arith.constant 0 : i32
    %c0_i32_1 = arith.constant 0 : i32
    return %arg0, %arg1, %c0_i32, %c0_i32_0 : i32, i32, i32, i32
  }
  func.func @transform_1(%arg0: i32, %arg1: i32) -> (i32, i32, i32) {
    %c0_i32 = arith.constant 0 : i32
    %c0_i32_0 = arith.constant 0 : i32
    %c0_i32_1 = arith.constant 0 : i32
    return %arg0, %c0_i32, %c0_i32_0 : i32, i32, i32
  }
  func.func @transform_2(%arg0: i32, %arg1: i32) -> (i32, i32) {
    %c0_i32 = arith.constant 0 : i32
    %c0_i32_0 = arith.constant 0 : i32
    %c0_i32_1 = arith.constant 0 : i32
    return %c0_i32, %c0_i32_0 : i32, i32
  }
  func.func @transform_3(%arg0: i32, %arg1: i32) -> (i32, i32) {
    %c0_i32 = arith.constant 0 : i32
    %c0_i32_0 = arith.constant 0 : i32
    %c0_i32_1 = arith.constant 0 : i32
    return %c0_i32, %c0_i32_0 : i32, i32
  }
  func.func @transform_4(%arg0: i32, %arg1: i32) -> (i32, i32) {
    %c0_i32 = arith.constant 0 : i32
    %c0_i32_0 = arith.constant 0 : i32
    %c0_i32_1 = arith.constant 0 : i32
    return %c0_i32, %c0_i32_0 : i32, i32
  }
  func.func @transform_5(%arg0: i32, %arg1: i32) -> (i32, i32) {
    %c0_i32 = arith.constant 0 : i32
    %c0_i32_0 = arith.constant 0 : i32
    %c0_i32_1 = arith.constant 0 : i32
    return %c0_i32, %c0_i32_0 : i32, i32
  }
  func.func @transform_6(%arg0: i32, %arg1: i32) -> (i32, i32) {
    %c0_i32 = arith.constant 0 : i32
    %c0_i32_0 = arith.constant 0 : i32
    %c0_i32_1 = arith.constant 0 : i32
    return %c0_i32, %c0_i32_0 : i32, i32
  }
  func.func @transform_7(%arg0: i32, %arg1: i32) -> (i32, i32) {
    %c0_i32 = arith.constant 0 : i32
    %c0_i32_0 = arith.constant 0 : i32
    %c0_i32_1 = arith.constant 0 : i32
    return %c0_i32, %c0_i32_0 : i32, i32
  }
  func.func @transform_8(%arg0: i32, %arg1: i32) -> (i32, i32) {
    %c0_i32 = arith.constant 0 : i32
    %c0_i32_0 = arith.constant 0 : i32
    %c0_i32_1 = arith.constant 0 : i32
    return %c0_i32, %c0_i32_0 : i32, i32
  }
  func.func @transform_9(%arg0: i32, %arg1: i32) -> (i32, i32) {
    %c0_i32 = arith.constant 0 : i32
    %c0_i32_0 = arith.constant 0 : i32
    %c0_i32_1 = arith.constant 0 : i32
    return %c0_i32, %c0_i32_0 : i32, i32
  }
  func.func @transform_10(%arg0: i32, %arg1: i32) -> (i32, i32) {
    %c0_i32 = arith.constant 0 : i32
    %c0_i32_0 = arith.constant 0 : i32
    %c0_i32_1 = arith.constant 0 : i32
    return %c0_i32, %c0_i32_0 : i32, i32
  }
  func.func @transform_11(%arg0: i32, %arg1: i32) -> (i32, i32, i32) {
    %c0_i32 = arith.constant 0 : i32
    %c0_i32_0 = arith.constant 0 : i32
    return %arg0, %arg1, %c0_i32 : i32, i32, i32
  }
  func.func @transform_12(%arg0: i32, %arg1: i32) -> (i32, i32, i32) {
    %c0_i32 = arith.constant 0 : i32
    %c0_i32_0 = arith.constant 0 : i32
    %c0_i32_1 = arith.constant 0 : i32
    return %arg0, %c0_i32, %c0_i32_0 : i32, i32, i32
  }
}

</mosaic_0001>

<sc_bundles>
// kernel: kernel.5.cloned.1.call-start
scs
__scs_entry_jumppad:
0x0: {  	(pc) =	sbr.rel $0x88, $3  }
0x1: {  	(tag) =	ssettag $0x0;
	lr =	simm.s32 $0x1  }
0x2: {  	[smem:$0x3F8F] =	sst lr;
	_ =	strace $0xD0000000  }
0x3: {  	_ = 	snop  }
0x4: {  	_ = 	snop  }
0x5: {  	_ = 	snop  }
0x6: {  	_ = 	snop  }
0x7: {  	_ = 	snop  }
__scs_overlays_trampoline_lowered:
0x8: {  	[smem:$0x3F9E] =	sst s0  }
0x9: {  	[smem:$0x3F9F] =	sst s1  }
0xa: {  	[smem:$0x3FA0] =	sst s2  }
0xb: {  	[smem:$0x3FA1] =	sst s3  }
0xc: {  	[smem:$0x3FA2] =	sst s4  }
0xd: {  	[smem:$0x3FA3] =	sst s5  }
0xe: {  	[smem:$0x3FA4] =	sst s6  }
0xf: {  	[smem:$0x3FA5] =	sst s7  }
0x10: {  	[smem:$0x3FA6] =	sst s8  }
0x11: {  	[smem:$0x3FA7] =	sst s9;
	s0 =	simm.s32 @!p0 $0x0  }
0x12: {  	s1 =	sld [smem:$0x3F8D];
	s0 =	simm.s32 @p0 $0x1  }
0x13: {  	[smem:$0x3FA8] =	sst s0;
	s0 =	simm.s32 @!p1 $0x0  }
0x14: {  	s2 =	sld [smem:$0x3F8C];
	s0 =	simm.s32 @p1 $0x1  }
0x15: {  	[smem:$0x3FA9] =	sst s0;
	s0 =	simm.s32 @!p2 $0x0  }
0x16: {  	s3 =	sld [smem:$0x3FDB];
	s0 =	simm.s32 @p2 $0x1  }
0x17: {  	s4 =	simm.s32 $0x1BF5;
	[smem:$0x3FAB] =	sst s0  }
0x18: {  	s0 =	sld [smem:$0x3F8E];
	_ =	swait.ge [sflag:s4], $0x0  }
0x19: {  	s7 =	sld [smem:$0x3F8F]  }
0x1a: {  	s8 =	sadd.s32 $0xFFFFE003, lr  }
0x1b: {  	s9 =	sadd.s32 $0xFFFFFEF7, lr;
	s5 =	simm.s32 $0xFFFFFFFF;
	p2 =	slt.u32 s8, $0xFFFFF086  }
0x1c: {  	p1 =	slt.u32 s9, $0xF7A;
	s5 =	simm.s32 @!p2 $0x0  }
0x1d: {  	s5 =	simm.s32 @p1 $0x1;
	p0 =	seq.s32 s7, s2  }
0x1e: {  	s7 =	smul.u32 @!p0 $0xF7A, s2;
	p2 =	seq.s32 @!p0 s5, $0x0  }
0x1f: {  	s9 =	smul.u32 $0xF7A, s1;
	s8 =	simm.s32 @!p0 $0x1BF5;
	p2 =	por !p2, p0  }
0x20: {  	[sflag:s8] =	ssyncset.s32 @!p0 $0xFFFFF086;
	s6 =	sadd.s32 @!p0 s3, s7;
	s7 =	simm.s32 @!p0 $0x108  }
0x21: {  	s3 =	sadd.s32 s3, s9;
	s6 =	sadd.s32 @!p0 $0x88, s6;
	s7 =	simm.s32 @p2 $0x1082  }
0x22: {  	[simem:s7], [sflag:s8] =	dma.local @!p0 [hbm:s6], $0xF7A  }
0x23: {  	s9 =	sor.u32 $0xD0000000, s2;
	s6 =	simm.s32 $0x108;
	_ =	swait.ge @!p0 [sflag:s8], $0x0  }
0x24: {  	s3 =	sadd.s32 $0x88, s3;
	s6 =	simm.s32 @!p1 $0x1082;
	[sflag:s4] =	ssyncset.s32 $0xFFFFF086  }
0x25: {  	[simem:s6], [sflag:s4] =	dma.local [hbm:s3], $0xF7A  }
0x26: {  	[smem:$0x3F8F] =	sst s1;
	(tag) =	ssettag s2;
	_ =	strace s9  }
0x27: {  	s1 =	sld [smem:$0x3F9F]  }
0x28: {  	s2 =	sld [smem:$0x3FA0]  }
0x29: {  	s4 =	sld [smem:$0x3FA2]  }
0x2a: {  	p0 =	seq.s32 s5, $0x0;
	s5 =	sld [smem:$0x3FA3]  }
0x2b: {  	s6 =	sld [smem:$0x3FA4]  }
0x2c: {  	s7 =	sld [smem:$0x3FA5]  }
0x2d: {  	s3 =	simm.s32 $0x108;
	s8 =	sld [smem:$0x3FA6]  }
0x2e: {  	s3 =	simm.s32 @!p0 $0x1082;
	s9 =	sld [smem:$0x3FA7]  }
0x2f: {  	lr =	sadd.s32 s0, s3;
	s0 =	sld [smem:$0x3F9E]  }
0x30: {  	s3 =	sld [smem:$0x3FA1]  }
0x31: {  	[smem:$0x3FAA] =	sst s10  }
0x32: {  	s10 =	sld [smem:$0x3FA8];
	_ =	sdelay $0x3  }
0x33: {  	p0 =	seq.s32 s10, $0x1;
	s10 =	sld [smem:$0x3FAA];
	_ =	sdelay $0x3  }
0x34: {  	[smem:$0x3FAA] =	sst s10  }
0x35: {  	s10 =	sld [smem:$0x3FA9];
	_ =	sdelay $0x3  }
0x36: {  	p1 =	seq.s32 s10, $0x1;
	s10 =	sld [smem:$0x3FAA];
	_ =	sdelay $0x3  }
0x37: {  	[smem:$0x3FAA] =	sst s10  }
0x38: {  	s10 =	sld [smem:$0x3FAB]  }
0x39: {  	_ = 	snop;
	(pc) =	sbr.ind lr, $3  }
0x3a: {  	_ = 	snop  }
0x3b: {  	_ = 	snop  }
0x3c: {  	p2 =	seq.s32 s10, $0x1;
	s10 =	sld [smem:$0x3FAA]  }
0x3d: {  	_ =	shalt  }
0x3e: {  	_ =	shalt  }
0x3f: {  	_ =	shalt  }
0x40: {  	_ =	shalt  }
0x41: {  	_ =	shalt  }
0x42: {  	_ =	shalt  }
0x43: {  	_ =	shalt  }
0x44: {  	_ =	shalt  }
0x45: {  	_ =	shalt  }
0x46: {  	_ =	shalt  }
0x47: {  	_ =	shalt  }
0x48: {  	_ =	shalt  }
0x49: {  	_ =	shalt  }
0x4a: {  	_ =	shalt  }
0x4b: {  	_ =	shalt  }
0x4c: {  	_ =	shalt  }
0x4d: {  	_ =	shalt  }
0x4e: {  	_ =	shalt  }
0x4f: {  	_ =	shalt  }
0x50: {  	_ =	shalt  }
0x51: {  	_ =	shalt  }
0x52: {  	_ =	shalt  }
0x53: {  	_ =	shalt  }
0x54: {  	_ =	shalt  }
0x55: {  	_ =	shalt  }
0x56: {  	_ =	shalt  }
0x57: {  	_ =	shalt  }
0x58: {  	_ =	shalt  }
0x59: {  	_ =	shalt  }
0x5a: {  	_ =	shalt  }
0x5b: {  	_ =	shalt  }
0x5c: {  	_ =	shalt  }
0x5d: {  	_ =	shalt  }
0x5e: {  	_ =	shalt  }
0x5f: {  	_ =	shalt  }
0x60: {  	_ =	shalt  }
0x61: {  	_ =	shalt  }
0x62: {  	_ =	shalt  }
0x63: {  	_ =	shalt  }
0x64: {  	_ =	shalt  }
0x65: {  	_ =	shalt  }
0x66: {  	_ =	shalt  }
0x67: {  	_ =	shalt  }
0x68: {  	_ =	shalt  }
0x69: {  	_ =	shalt  }
0x6a: {  	_ =	shalt  }
0x6b: {  	_ =	shalt  }
0x6c: {  	_ =	shalt  }
0x6d: {  	_ =	shalt  }
0x6e: {  	_ =	shalt  }
0x6f: {  	_ =	shalt  }
0x70: {  	_ =	shalt  }
0x71: {  	_ =	shalt  }
0x72: {  	_ =	shalt  }
0x73: {  	_ =	shalt  }
0x74: {  	_ =	shalt  }
0x75: {  	_ =	shalt  }
0x76: {  	_ =	shalt  }
0x77: {  	_ =	shalt  }
0x78: {  	_ =	shalt  }
0x79: {  	_ =	shalt  }
0x7a: {  	_ =	shalt  }
0x7b: {  	_ =	shalt  }
0x7c: {  	_ =	shalt  }
0x7d: {  	_ =	shalt  }
0x7e: {  	_ =	shalt  }
0x7f: {  	_ =	shalt  }
0x80: {  	_ =	shalt  }
0x81: {  	_ =	shalt  }
0x82: {  	_ =	shalt  }
0x83: {  	_ =	shalt  }
0x84: {  	_ =	shalt  }
0x85: {  	_ =	shalt  }
0x86: {  	_ =	shalt  }
0x87: {  	_ =	shalt  }
.Lfunc_end0:
.L_simem_size_0:
called_computation_lowered:
.L_overlay_start_0:
0x88: {  	s2 =	sld [smem:$0x3FD9]  }
0x89: {  	s3 =	sld [smem:$0x3FFE];
	_ =	sdelay $0x1  }
0x8a: {  	s1 =	srdreg.scid  }
0x8b: {  	s0 =	sand.u32 $0x1, s1  }
0x8c: {  	s14 =	sshll.u32 s0, $0xA;
	s2 =	sadd.s32 s3, s2  }
0x8d: {  	s2 =	sadd.s32 s2, s14  }
0x8e: {  	[smem:$0x3FB6] =	sst s2  }
0x8f: {  	_ = 	snop  }
0x90: {  	s2 =	sld [smem:$0x3FD0];
	_ =	sdelay $0x2  }
0x91: {  	s15 =	simm.s32 $0xA;
	s4 =	simm.s32 $0x10  }
0x92: {  	[smem:s4], [sflag:s15] =	dma.local [hbm:s2], $0x1  }
0x93: {  	_ =	swait.eq [sflag:s15], $0x1  }
0x94: {  	[sflag:s15] =	ssyncset.done $0x0  }
0x95: {  	[sflag:s15] =	ssyncadd.s32 $0xFFFFFFFF  }
0x96: {  	s16 =	sld [smem:$0x10];
	(tm) =	ssettm $0x1  }
0x97: {  	s17 =	sld [smem:$0x3FFB];
	_ =	sdelay $0x3  }
0x98: {  	_ =	strace s17  }
0x99: {  	s3 =	sld [smem:$0x3FFC];
	_ =	sdelay $0x3  }
0x9a: {  	_ =	strace s3  }
0x9b: {  	s3 =	sld [smem:$0x3FFD];
	_ =	sdelay $0x3  }
0x9c: {  	_ =	strace s3  }
0x9d: {  	_ =	strace $0x8FFFFFFF  }
0x9e: {  	s18 =	sld [smem:$0x3FDB];
	_ =	sdelay $0x1  }
0x9f: {  	s19 =	simm.s32 $_scs_section_size  }
0xa0: {  	s5 =	simm.s32 $_size__tile_overlayer_lowered;
	s6 =	simm.s32 $_tile_overlayer_lowered  }
0xa1: {  	s22 =	simm.s32 $0x1BFF;
	s21 =	sshll.u32 s6, $0x1;
	s3 =	sadd.s32 s19, s18  }
0xa2: {  	s7 =	simm.s32 $0x0;
	s20 =	sshll.u32 s5, $0x1;
	s5 =	sadd.s32 s21, s3  }
0xa3: {  	[timem:s7], [sflag:s22] =	dma.local [hbm:s5], s20  }
0xa4: {  	_ =	swait.ge [sflag:s22], s20  }
0xa5: {  	s4 =	ssub.s32 $0x0, s20;
	[sflag:s22] =	ssyncset.done $0x0  }
0xa6: {  	[sflag:s22] =	ssyncadd.s32 s4;
	_ =	sdelay $0x1  }
0xa7: {  	s23 =	simm.s32 $0x1B8B  }
0xa8: {  	_ =	swait.ge [sflag:s23], $0x1  }
0xa9: {  	[sflag:s23] =	ssyncset.done $0x0  }
0xaa: {  	s25 =	simm.s32 $0x1B8E;
	s24 =	sld [smem:$0x3FFE];
	[sflag:s23] =	ssyncadd.s32 $0xFFFFFFFF  }
0xab: {  	s26 =	simm.s32 $execute0_lowered;
	[smem:$0x3FD2] =	sst s25  }
0xac: {  	s5 =	sshll.u32 s26, $0x1;
	_ =	strace $0x80000046;
	[dreg:$0x1] =	wrdreg $0xFFFFFFFF  }
0xad: {  	s28 =	simm.s32 $_size_execute0_lowered;
	s3 =	sadd.s32 s3, s5;
	[dreg:$0x0] =	wrdreg $0x0  }
0xae: {  	s5 =	sshll.u32 s28, $0x1;
	[dreg:$0x2] =	wrdreg s3  }
0xaf: {  	[dreg:$0x3] =	wrdreg s5  }
0xb0: {  	[dreg:$0x4] =	wrdreg $0xC0  }
0xb1: {  	_ =	task [dreg:s7], $0x5FFFF  }
0xb2: {  	[dreg:$0x1] =	wrdreg $0xFFFFFFFF  }
0xb3: {  	[dreg:$0x0] =	wrdreg $0x60  }
0xb4: {  	[dreg:$0x2] =	wrdreg s16  }
0xb5: {  	[dreg:$0x3] =	wrdreg s24  }
0xb6: {  	[dreg:$0x4] =	wrdreg $0x9  }
0xb7: {  	_ =	task.clear_ibuf [dreg:s7], $0x5FFFF;
	_ =	strace $0x90000046  }
0xb8: {  	s29 =	simm.s32 $0x9;
	_ =	strace $0x80000048  }
0xb9: {  	_ =	swait.ge [sflag:s29], $0x1  }
0xba: {  	[sflag:s29] =	ssyncadd.s32 $0xFFFFFFFF  }
0xbb: {  	_ =	strace $0x90000048  }
0xbc: {  	_ =	sfence  }
0xbd: {  	s30 =	sld [smem:$0x0];
	_ =	sdelay $0x2  }
0xbe: {  	s31 =	sshll.u32 s1, $0xD;
	s1 =	sshrl.u32 s1, $0x2  }
0xbf: {  	s3 =	sand.u32 $0x4000, s31;
	s1 =	sadd.s32 s1, s30  }
0xc0: {  	s0 =	sor.u32 s3, s0;
	s1 =	sshll.u32 s1, $0x11  }
0xc1: {  	s0 =	sor.u32 s1, s0  }
0xc2: {  	s0 =	sadd.s32 $0x8F2B, s0  }
0xc3: {  	[sflag:s0] =	ssyncadd.remote.s32 $0x1  }
0xc4: {  	_ =	sfence.sel $0xFFFF  }
0xc5: {  	[dreg:$0x0] =	wrdreg $0xFFFFFFFF;
	(pc) =	sbr.abs _section_cstart, $3  }
0xc6: {  	[dreg:$0x1] =	wrdreg $0xFFFFFFFF  }
0xc7: {  	_ =	task.clear_ibuf [dreg:s7], $0x2FFFF;
	_ =	strace $0x9FFFFFFF  }
0xc8: {  	(tm) =	ssettm $0x7FFFFFFF  }
0xc9: {  	_ =	shalt  }
tec
execute0_lowered:
.L_overlay_start_1:
0x0: {  	(tag) =	ssettag $0x1  }
0x1: {  	s15 =	stileid.u32  }
0x2: {  	s0 =	srdreg.scid;
	s1 =	sshll.u32 s15, $0x1  }
0x3: {  	s0 =	sand.u32 $0x1, s0;
	s1 =	sand.u32 $0x2, s1  }
0x4: {  	s6 =	sshrl.u32 s15, $0x1;
	s1 =	sor.u32 s0, s1  }
0x5: {  	s3 =	rddreg [dreg:$0x0];
	s5 =	sshll.u32 s6, $0xB;
	s7 =	sshll.u32 s1, $0x9  }
0x6: {  	s4 =	rddreg [dreg:$0x1];
	s2 =	simm.s32 $0x0;
	s5 =	sor.u32 s5, s7  }
0x7: {  	[smem:$0x7FF] =	sst s2;
	s7 =	simm.s32 $0x6000;
	s5 =	sadd.s32 s5, s4  }
0x8: {  	_ =	strace $0x80000047;
	[smem:$0x7E8] =	sst s7;
	s12 =	sadd.s32 $0x3600, s5  }
0x9: {  	s13 =	sadd.s32 $0x3610, s5;
	[dreg:$0x3] =	wrdreg s12  }
0xa: {  	s14 =	sadd.s32 $0x3620, s5;
	[dreg:$0x4] =	wrdreg s13  }
0xb: {  	s16 =	sadd.s32 $0x3630, s5;
	[dreg:$0x5] =	wrdreg s14  }
0xc: {  	s17 =	sadd.s32 $0x3640, s5;
	[dreg:$0x6] =	wrdreg s16  }
0xd: {  	s18 =	sadd.s32 $0x3650, s5;
	[dreg:$0x7] =	wrdreg s17  }
0xe: {  	s19 =	sadd.s32 $0x3660, s5;
	[dreg:$0x8] =	wrdreg s18  }
0xf: {  	s20 =	sadd.s32 $0x3670, s5;
	[dreg:$0x9] =	wrdreg s19  }
0x10: {  	s21 =	sadd.s32 $0x3680, s5;
	[dreg:$0xa] =	wrdreg s20  }
0x11: {  	s22 =	sadd.s32 $0x3690, s5;
	[dreg:$0xb] =	wrdreg s21  }
0x12: {  	s23 =	sadd.s32 $0x36A0, s5;
	[dreg:$0xc] =	wrdreg s22  }
0x13: {  	s24 =	sadd.s32 $0x36B0, s5;
	[dreg:$0xd] =	wrdreg s23  }
0x14: {  	s25 =	sadd.s32 $0x36C0, s5;
	[dreg:$0xe] =	wrdreg s24  }
0x15: {  	s26 =	sadd.s32 $0x36D0, s5;
	[dreg:$0xf] =	wrdreg s25  }
0x16: {  	s28 =	sadd.s32 $0x36E0, s5;
	[dreg:$0x10] =	wrdreg s26  }
0x17: {  	s29 =	sadd.s32 $0x36F0, s5;
	[dreg:$0x11] =	wrdreg s28  }
0x18: {  	s30 =	sadd.s32 $0x3700, s5;
	[dreg:$0x12] =	wrdreg s29  }
0x19: {  	s8 =	sadd.s32 $0x3710, s5;
	[dreg:$0x13] =	wrdreg s30  }
0x1a: {  	s6 =	sshll.u32 s6, $0xF;
	s9 =	sadd.s32 $0x3720, s5;
	[dreg:$0x14] =	wrdreg s8  }
0x1b: {  	s1 =	sshll.u32 s1, $0xD;
	s10 =	sadd.s32 $0x3730, s5;
	[dreg:$0x15] =	wrdreg s9  }
0x1c: {  	s4 =	sadd.s32 s6, s4;
	s11 =	sadd.s32 $0x3740, s5;
	[dreg:$0x16] =	wrdreg s10  }
0x1d: {  	s1 =	sadd.s32 s1, s4;
	s4 =	simm.s32 $0x5000;
	[dreg:$0x17] =	wrdreg s11  }
0x1e: {  	s12 =	sadd.s32 $0x3750, s5;
	[smem:$0x7E6] =	sst s4  }
0x1f: {  	s13 =	sadd.s32 $0x3760, s5;
	[dreg:$0x18] =	wrdreg s12  }
0x20: {  	s14 =	sadd.s32 $0x3770, s5;
	[dreg:$0x19] =	wrdreg s13  }
0x21: {  	s16 =	sadd.s32 $0x3780, s5;
	[dreg:$0x1a] =	wrdreg s14  }
0x22: {  	s17 =	sadd.s32 $0x3790, s5;
	[dreg:$0x1b] =	wrdreg s16  }
0x23: {  	s18 =	sadd.s32 $0x37A0, s5;
	[dreg:$0x1c] =	wrdreg s17  }
0x24: {  	s19 =	sadd.s32 $0x37B0, s5;
	[dreg:$0x1d] =	wrdreg s18  }
0x25: {  	s20 =	sadd.s32 $0x37C0, s5;
	[dreg:$0x1e] =	wrdreg s19  }
0x26: {  	s21 =	sadd.s32 $0x37D0, s5;
	[dreg:$0x1f] =	wrdreg s20  }
0x27: {  	s22 =	sadd.s32 $0x37E0, s5;
	[smem:$0x7DB] =	sst s21  }
0x28: {  	s5 =	sadd.s32 $0x37F0, s5;
	[smem:$0x7DC] =	sst s22  }
0x29: {  	s1 =	sadd.s32 $0x7600, s1;
	[smem:$0x7DD] =	sst s5  }
0x2a: {  	s23 =	simm.s32 $0x1800;
	[smem:$0x7DE] =	sst s1  }
0x2b: {  	s24 =	simm.s32 $0x2000;
	[smem:$0x7DF] =	sst s23  }
0x2c: {  	s25 =	simm.s32 $0x2800;
	[smem:$0x7E0] =	sst s24  }
0x2d: {  	s26 =	simm.s32 $0x3000;
	[smem:$0x7E1] =	sst s25  }
0x2e: {  	s28 =	simm.s32 $0x3800;
	[smem:$0x7E2] =	sst s26  }
0x2f: {  	s29 =	simm.s32 $0x4000;
	[smem:$0x7E3] =	sst s28  }
0x30: {  	s30 =	simm.s32 $0x4800;
	[smem:$0x7E4] =	sst s29  }
0x31: {  	s8 =	simm.s32 $0x6800;
	[smem:$0x7E5] =	sst s30  }
0x32: {  	s9 =	simm.s32 $0x7000;
	[smem:$0x7E9] =	sst s8  }
0x33: {  	s10 =	simm.s32 $0x7800;
	[smem:$0x7EA] =	sst s9  }
0x34: {  	s11 =	simm.s32 $0x8000;
	[smem:$0x7EB] =	sst s10  }
0x35: {  	s5 =	simm.s32 $0x5800;
	[smem:$0x7EC] =	sst s11  }
0x36: {  	s12 =	simm.s32 $0x8800;
	[smem:$0x7E7] =	sst s5  }
0x37: {  	s13 =	simm.s32 $0x9000;
	[smem:$0x7ED] =	sst s12  }
0x38: {  	s14 =	simm.s32 $0x9800;
	[smem:$0x7EE] =	sst s13  }
0x39: {  	s16 =	simm.s32 $0xA000;
	[smem:$0x7EF] =	sst s14  }
0x3a: {  	s17 =	simm.s32 $0xA800;
	[smem:$0x7F0] =	sst s16  }
0x3b: {  	s18 =	simm.s32 $0xB000;
	[smem:$0x7F1] =	sst s17  }
0x3c: {  	s19 =	simm.s32 $0xB800;
	[smem:$0x7F2] =	sst s18  }
0x3d: {  	s20 =	simm.s32 $0xC000;
	[smem:$0x7F3] =	sst s19  }
0x3e: {  	s21 =	simm.s32 $0xC800;
	[smem:$0x7F4] =	sst s20  }
0x3f: {  	s0 =	ssub.s32 $0x2, s0;
	s22 =	simm.s32 $0xD000;
	[smem:$0x7F5] =	sst s21  }
0x40: {  	s6 =	sshrl.u32 s0, $0x1;
	s23 =	simm.s32 $0xD800;
	[smem:$0x7F6] =	sst s22  }
0x41: {  	s0 =	ssub.s32 s0, s6;
	s24 =	simm.s32 $0xE000;
	[smem:$0x7F7] =	sst s23  }
0x42: {  	s0 =	smax.u32 s0, $0x1;
	s25 =	simm.s32 $0xE800;
	[smem:$0x7F8] =	sst s24  }
0x43: {  	s26 =	simm.s32 $0xF000;
	p1 =	sne.s32 s0, $0x1;
	[smem:$0x7F9] =	sst s25  }
.Ltmp0:
0x44: {  	s28 =	simm.s32 $0xF800;
	[smem:$0x7FA] =	sst s26;
	(pc) =	sbr.rel @!p1 .LBB2_5-.Ltmp0, $4  }
0x45: {  	p0 =	por $0x0, $0x0;
	s29 =	simm.s32 $0x10000;
	[smem:$0x7FB] =	sst s28  }
0x46: {  	s31 =	simm.s32 $0x3;
	s30 =	simm.s32 $0x10800;
	[smem:$0x7FC] =	sst s29  }
0x47: {  	s7 =	simm.s32 $0x80;
	s6 =	simm.s32 $0x2;
	[smem:$0x7FD] =	sst s30  }
0x48: {  	s0 =	sadd.s32 $0xFFFFFFFF, s0;
	s12 =	simm.s32 $0x1;
	s14 =	rddreg [dreg:$0x3]  }
0x49: {  	s13 =	rddreg [dreg:$0x4]  }
0x4a: {  	[tilespmem:s2], [sflag:$0x1] =	stream.linear.gather [hbm4b:s14+s2], $0x80, $0x38;
	[tilespmem:$0x11000] =	vst v63  }
0x4b: {  	s16 =	rddreg [dreg:$0x5]  }
0x4c: {  	[tilespmem:s7], [sflag:$0x1] =	stream.linear.gather [hbm4b:s13+s2], $0x80, $0x38;
	[tilespmem:$0x11000] =	vst v63  }
0x4d: {  	s17 =	rddreg [dreg:$0x6];
	s15 =	simm.s32 $0x100  }
0x4e: {  	[tilespmem:s15], [sflag:$0x1] =	stream.linear.gather [hbm4b:s16+s2], $0x80, $0x38;
	[tilespmem:$0x11000] =	vst v63  }
0x4f: {  	s18 =	rddreg [dreg:$0x7];
	s26 =	simm.s32 $0x180  }
0x50: {  	[tilespmem:s26], [sflag:$0x1] =	stream.linear.gather [hbm4b:s17+s2], $0x80, $0x38;
	[tilespmem:$0x11000] =	vst v63  }
0x51: {  	s19 =	rddreg [dreg:$0x8];
	s28 =	simm.s32 $0x200  }
0x52: {  	[tilespmem:s28], [sflag:$0x1] =	stream.linear.gather [hbm4b:s18+s2], $0x80, $0x38;
	[tilespmem:$0x11000] =	vst v63  }
0x53: {  	s20 =	rddreg [dreg:$0x9];
	s29 =	simm.s32 $0x280  }
0x54: {  	[tilespmem:s29], [sflag:$0x1] =	stream.linear.gather [hbm4b:s19+s2], $0x80, $0x38;
	[tilespmem:$0x11000] =	vst v63  }
0x55: {  	s21 =	rddreg [dreg:$0xa];
	s1 =	simm.s32 $0x300  }
0x56: {  	[tilespmem:s1], [sflag:$0x1] =	stream.linear.gather [hbm4b:s20+s2], $0x80, $0x38;
	[tilespmem:$0x11000] =	vst v63  }
0x57: {  	s22 =	rddreg [dreg:$0xb];
	s8 =	simm.s32 $0x380  }
0x58: {  	[tilespmem:s8], [sflag:$0x1] =	stream.linear.gather [hbm4b:s21+s2], $0x80, $0x38;
	[tilespmem:$0x11000] =	vst v63  }
0x59: {  	s23 =	rddreg [dreg:$0xc];
	s10 =	simm.s32 $0x400  }
0x5a: {  	[tilespmem:s10], [sflag:$0x1] =	stream.linear.gather [hbm4b:s22+s2], $0x80, $0x38;
	[tilespmem:$0x11000] =	vst v63  }
0x5b: {  	s24 =	rddreg [dreg:$0xd];
	s17 =	simm.s32 $0x480  }
0x5c: {  	[tilespmem:s17], [sflag:$0x1] =	stream.linear.gather [hbm4b:s23+s2], $0x80, $0x38;
	[tilespmem:$0x11000] =	vst v63  }
0x5d: {  	s25 =	rddreg [dreg:$0xe];
	s16 =	simm.s32 $0x500  }
0x5e: {  	[tilespmem:s16], [sflag:$0x1] =	stream.linear.gather [hbm4b:s24+s2], $0x80, $0x38;
	[tilespmem:$0x11000] =	vst v63  }
0x5f: {  	s30 =	rddreg [dreg:$0xf];
	s19 =	simm.s32 $0x580  }
0x60: {  	[tilespmem:s19], [sflag:$0x1] =	stream.linear.gather [hbm4b:s25+s2], $0x80, $0x38;
	[tilespmem:$0x11000] =	vst v63  }
0x61: {  	s4 =	rddreg [dreg:$0x10];
	s21 =	simm.s32 $0x600  }
0x62: {  	[tilespmem:s21], [sflag:$0x1] =	stream.linear.gather [hbm4b:s30+s2], $0x80, $0x38;
	[tilespmem:$0x11000] =	vst v63  }
0x63: {  	s5 =	rddreg [dreg:$0x11];
	s30 =	simm.s32 $0x680  }
0x64: {  	[tilespmem:s30], [sflag:$0x1] =	stream.linear.gather [hbm4b:s4+s2], $0x80, $0x38;
	[tilespmem:$0x11000] =	vst v63  }
0x65: {  	s9 =	rddreg [dreg:$0x12];
	s22 =	simm.s32 $0x700  }
0x66: {  	[tilespmem:s22], [sflag:$0x1] =	stream.linear.gather [hbm4b:s5+s2], $0x80, $0x38;
	[tilespmem:$0x11000] =	vst v63  }
0x67: {  	s11 =	rddreg [dreg:$0x13];
	s4 =	simm.s32 $0x780  }
0x68: {  	[tilespmem:s4], [sflag:$0x1] =	stream.linear.gather [hbm4b:s9+s2], $0x80, $0x38;
	[tilespmem:$0x11000] =	vst v63  }
0x69: {  	s14 =	rddreg [dreg:$0x1d];
	s5 =	simm.s32 $0x800  }
0x6a: {  	[tilespmem:s5], [sflag:$0x1] =	stream.linear.gather [hbm4b:s11+s2], $0x80, $0x38;
	[tilespmem:$0x11000] =	vst v63  }
0x6b: {  	s18 =	rddreg [dreg:$0x14];
	s9 =	simm.s32 $0x880  }
0x6c: {  	[tilespmem:s9], [sflag:$0x1] =	stream.linear.gather [hbm4b:s18+s2], $0x80, $0x38;
	[tilespmem:$0x11000] =	vst v63  }
0x6d: {  	s20 =	rddreg [dreg:$0x15];
	s11 =	simm.s32 $0x900  }
0x6e: {  	[tilespmem:s11], [sflag:$0x1] =	stream.linear.gather [hbm4b:s20+s2], $0x80, $0x38;
	[tilespmem:$0x11000] =	vst v63  }
0x6f: {  	s23 =	rddreg [dreg:$0x16];
	s18 =	simm.s32 $0x980  }
0x70: {  	[tilespmem:s18], [sflag:$0x1] =	stream.linear.gather [hbm4b:s23+s2], $0x80, $0x38;
	[tilespmem:$0x11000] =	vst v63  }
0x71: {  	s24 =	rddreg [dreg:$0x17];
	s20 =	simm.s32 $0xA00  }
0x72: {  	[tilespmem:s20], [sflag:$0x1] =	stream.linear.gather [hbm4b:s24+s2], $0x80, $0x38;
	[tilespmem:$0x11000] =	vst v63  }
0x73: {  	s25 =	rddreg [dreg:$0x18];
	s23 =	simm.s32 $0xA80  }
0x74: {  	[tilespmem:s23], [sflag:$0x1] =	stream.linear.gather [hbm4b:s25+s2], $0x80, $0x38;
	[tilespmem:$0x11000] =	vst v63  }
0x75: {  	s4 =	rddreg [dreg:$0x19];
	s25 =	simm.s32 $0xB00  }
0x76: {  	[tilespmem:s25], [sflag:$0x1] =	stream.linear.gather [hbm4b:s4+s2], $0x80, $0x38;
	[tilespmem:$0x11000] =	vst v63  }
0x77: {  	s24 =	rddreg [dreg:$0x1a];
	s25 =	simm.s32 $0xB80  }
0x78: {  	[tilespmem:s25], [sflag:$0x1] =	stream.linear.gather [hbm4b:s24+s2], $0x80, $0x38;
	[tilespmem:$0x11000] =	vst v63  }
0x79: {  	s4 =	rddreg [dreg:$0x1b];
	s24 =	simm.s32 $0xC00  }
0x7a: {  	[tilespmem:s24], [sflag:$0x1] =	stream.linear.gather [hbm4b:s4+s2], $0x80, $0x38;
	[tilespmem:$0x11000] =	vst v63  }
0x7b: {  	s13 =	rddreg [dreg:$0x1c];
	s4 =	simm.s32 $0xC80  }
0x7c: {  	[tilespmem:s4], [sflag:$0x1] =	stream.linear.gather [hbm4b:s13+s2], $0x80, $0x38;
	[tilespmem:$0x11000] =	vst v63  }
0x7d: {  	s13 =	rddreg [dreg:$0x1e];
	s4 =	simm.s32 $0xD00  }
0x7e: {  	[tilespmem:s4], [sflag:$0x1] =	stream.linear.gather [hbm4b:s14+s2], $0x80, $0x38;
	[tilespmem:$0x11000] =	vst v63  }
0x7f: {  	s14 =	rddreg [dreg:$0x1f];
	s4 =	simm.s32 $0xD80  }
0x80: {  	[tilespmem:s4], [sflag:$0x1] =	stream.linear.gather [hbm4b:s13+s2], $0x80, $0x38;
	[tilespmem:$0x11000] =	vst v63  }
0x81: {  	s13 =	sld [smem:$0x7DB];
	s4 =	simm.s32 $0xE00  }
0x82: {  	[tilespmem:s4], [sflag:$0x1] =	stream.linear.gather [hbm4b:s14+s2], $0x80, $0x38;
	[tilespmem:$0x11000] =	vst v63  }
0x83: {  	s14 =	sld [smem:$0x7DC];
	s4 =	simm.s32 $0xE80  }
0x84: {  	[tilespmem:s4], [sflag:$0x1] =	stream.linear.gather [hbm4b:s13+s2], $0x80, $0x38;
	[tilespmem:$0x11000] =	vst v63  }
0x85: {  	s13 =	sld [smem:$0x7DD];
	s4 =	simm.s32 $0xF00  }
0x86: {  	[tilespmem:s4], [sflag:$0x1] =	stream.linear.gather [hbm4b:s14+s2], $0x80, $0x38;
	[tilespmem:$0x11000] =	vst v63  }
0x87: {  	s14 =	simm.s32 $0xF80  }
0x88: {  	[tilespmem:s14], [sflag:$0x1] =	stream.linear.gather [hbm4b:s13+s2], $0x80, $0x38;
	[tilespmem:$0x11000] =	vst v63  }
0x89: {  	_ =	swait.ge [sflag:s12], $0x80  }
0x8a: {  	[sflag:s12] =	ssyncset.done $0x0  }
0x8b: {  	[sflag:s12] =	ssyncadd.s32 $0xFFFFFF80  }
0x8c: {  	_ =	swait.ge [sflag:s12], $0x80  }
0x8d: {  	[sflag:s12] =	ssyncset.done $0x0  }
0x8e: {  	[sflag:s12] =	ssyncadd.s32 $0xFFFFFF80  }
0x8f: {  	_ =	swait.ge [sflag:s12], $0x80  }
0x90: {  	[sflag:s12] =	ssyncset.done $0x0  }
0x91: {  	[sflag:s12] =	ssyncadd.s32 $0xFFFFFF80  }
0x92: {  	_ =	swait.ge [sflag:s12], $0x80  }
0x93: {  	[sflag:s12] =	ssyncset.done $0x0  }
0x94: {  	[sflag:s12] =	ssyncadd.s32 $0xFFFFFF80  }
0x95: {  	_ =	swait.ge [sflag:s12], $0x80  }
0x96: {  	[sflag:s12] =	ssyncset.done $0x0  }
0x97: {  	[sflag:s12] =	ssyncadd.s32 $0xFFFFFF80  }
0x98: {  	_ =	swait.ge [sflag:s12], $0x80  }
0x99: {  	[sflag:s12] =	ssyncset.done $0x0  }
0x9a: {  	[sflag:s12] =	ssyncadd.s32 $0xFFFFFF80  }
0x9b: {  	_ =	swait.ge [sflag:s12], $0x80  }
0x9c: {  	[sflag:s12] =	ssyncset.done $0x0  }
0x9d: {  	[sflag:s12] =	ssyncadd.s32 $0xFFFFFF80  }
0x9e: {  	_ =	swait.ge [sflag:s12], $0x80  }
0x9f: {  	[sflag:s12] =	ssyncset.done $0x0  }
0xa0: {  	[sflag:s12] =	ssyncadd.s32 $0xFFFFFF80  }
0xa1: {  	_ =	swait.ge [sflag:s12], $0x80  }
0xa2: {  	[sflag:s12] =	ssyncset.done $0x0  }
0xa3: {  	[sflag:s12] =	ssyncadd.s32 $0xFFFFFF80  }
0xa4: {  	_ =	swait.ge [sflag:s12], $0x80  }
0xa5: {  	[sflag:s12] =	ssyncset.done $0x0  }
0xa6: {  	[sflag:s12] =	ssyncadd.s32 $0xFFFFFF80  }
0xa7: {  	_ =	swait.ge [sflag:s12], $0x80  }
0xa8: {  	[sflag:s12] =	ssyncset.done $0x0  }
0xa9: {  	[sflag:s12] =	ssyncadd.s32 $0xFFFFFF80  }
0xaa: {  	_ =	swait.ge [sflag:s12], $0x80  }
0xab: {  	[sflag:s12] =	ssyncset.done $0x0  }
0xac: {  	[sflag:s12] =	ssyncadd.s32 $0xFFFFFF80  }
0xad: {  	_ =	swait.ge [sflag:s12], $0x80  }
0xae: {  	[sflag:s12] =	ssyncset.done $0x0  }
0xaf: {  	[sflag:s12] =	ssyncadd.s32 $0xFFFFFF80  }
0xb0: {  	_ =	swait.ge [sflag:s12], $0x80  }
0xb1: {  	[sflag:s12] =	ssyncset.done $0x0  }
0xb2: {  	[sflag:s12] =	ssyncadd.s32 $0xFFFFFF80  }
0xb3: {  	_ =	swait.ge [sflag:s12], $0x80  }
0xb4: {  	[sflag:s12] =	ssyncset.done $0x0  }
0xb5: {  	[sflag:s12] =	ssyncadd.s32 $0xFFFFFF80  }
0xb6: {  	_ =	swait.ge [sflag:s12], $0x80  }
0xb7: {  	[sflag:s12] =	ssyncset.done $0x0  }
0xb8: {  	[sflag:s12] =	ssyncadd.s32 $0xFFFFFF80  }
0xb9: {  	_ =	swait.ge [sflag:s12], $0x80  }
0xba: {  	[sflag:s12] =	ssyncset.done $0x0  }
0xbb: {  	[sflag:s12] =	ssyncadd.s32 $0xFFFFFF80  }
0xbc: {  	_ =	swait.ge [sflag:s12], $0x80  }
0xbd: {  	[sflag:s12] =	ssyncset.done $0x0  }
0xbe: {  	[sflag:s12] =	ssyncadd.s32 $0xFFFFFF80  }
0xbf: {  	_ =	swait.ge [sflag:s12], $0x80  }
0xc0: {  	[sflag:s12] =	ssyncset.done $0x0  }
0xc1: {  	[sflag:s12] =	ssyncadd.s32 $0xFFFFFF80  }
0xc2: {  	_ =	swait.ge [sflag:s12], $0x80  }
0xc3: {  	[sflag:s12] =	ssyncset.done $0x0  }
0xc4: {  	[sflag:s12] =	ssyncadd.s32 $0xFFFFFF80  }
0xc5: {  	_ =	swait.ge [sflag:s12], $0x80  }
0xc6: {  	[sflag:s12] =	ssyncset.done $0x0  }
0xc7: {  	[sflag:s12] =	ssyncadd.s32 $0xFFFFFF80  }
0xc8: {  	_ =	swait.ge [sflag:s12], $0x80  }
0xc9: {  	[sflag:s12] =	ssyncset.done $0x0  }
0xca: {  	[sflag:s12] =	ssyncadd.s32 $0xFFFFFF80  }
0xcb: {  	_ =	swait.ge [sflag:s12], $0x80  }
0xcc: {  	[sflag:s12] =	ssyncset.done $0x0  }
0xcd: {  	[sflag:s12] =	ssyncadd.s32 $0xFFFFFF80  }
0xce: {  	_ =	swait.ge [sflag:s12], $0x80  }
0xcf: {  	[sflag:s12] =	ssyncset.done $0x0  }
0xd0: {  	[sflag:s12] =	ssyncadd.s32 $0xFFFFFF80  }
0xd1: {  	_ =	swait.ge [sflag:s12], $0x80  }
0xd2: {  	[sflag:s12] =	ssyncset.done $0x0  }
0xd3: {  	[sflag:s12] =	ssyncadd.s32 $0xFFFFFF80  }
0xd4: {  	_ =	swait.ge [sflag:s12], $0x80  }
0xd5: {  	[sflag:s12] =	ssyncset.done $0x0  }
0xd6: {  	[sflag:s12] =	ssyncadd.s32 $0xFFFFFF80  }
0xd7: {  	_ =	swait.ge [sflag:s12], $0x80  }
0xd8: {  	[sflag:s12] =	ssyncset.done $0x0  }
0xd9: {  	[sflag:s12] =	ssyncadd.s32 $0xFFFFFF80  }
0xda: {  	_ =	swait.ge [sflag:s12], $0x80  }
0xdb: {  	[sflag:s12] =	ssyncset.done $0x0  }
0xdc: {  	[sflag:s12] =	ssyncadd.s32 $0xFFFFFF80  }
0xdd: {  	_ =	swait.ge [sflag:s12], $0x80  }
0xde: {  	[sflag:s12] =	ssyncset.done $0x0  }
0xdf: {  	[sflag:s12] =	ssyncadd.s32 $0xFFFFFF80  }
0xe0: {  	_ =	swait.ge [sflag:s12], $0x80  }
0xe1: {  	[sflag:s12] =	ssyncset.done $0x0  }
0xe2: {  	[sflag:s12] =	ssyncadd.s32 $0xFFFFFF80  }
0xe3: {  	_ =	swait.ge [sflag:s12], $0x80  }
0xe4: {  	[sflag:s12] =	ssyncset.done $0x0  }
0xe5: {  	[sflag:s12] =	ssyncadd.s32 $0xFFFFFF80  }
0xe6: {  	_ =	swait.ge [sflag:s12], $0x80  }
0xe7: {  	[sflag:s12] =	ssyncset.done $0x0  }
0xe8: {  	s14 =	simm.s32 $0x1000;
	s13 =	sld [smem:$0x7DF];
	[sflag:s12] =	ssyncadd.s32 $0xFFFFFF80  }
0xe9: {  	[tilespmem:s14], [sflag:$0x2] =	stream.indirect.gather [hbm4b:s3+s7], $0x10, s2, s7, $0xb8;
	[tilespmem:$0x11000] =	vst v63  }
0xea: {  	s14 =	sld [smem:$0x7E0]  }
0xeb: {  	[tilespmem:s13], [sflag:$0x2] =	stream.indirect.gather [hbm4b:s3+s7], $0x10, s7, s7, $0xb8;
	[tilespmem:$0x11000] =	vst v63  }
0xec: {  	s13 =	sld [smem:$0x7E1]  }
0xed: {  	[tilespmem:s14], [sflag:$0x2] =	stream.indirect.gather [hbm4b:s3+s7], $0x10, s15, s7, $0xb8;
	[tilespmem:$0x11000] =	vst v63  }
0xee: {  	s15 =	sld [smem:$0x7E2]  }
0xef: {  	[tilespmem:s13], [sflag:$0x2] =	stream.indirect.gather [hbm4b:s3+s7], $0x10, s26, s7, $0xb8;
	[tilespmem:$0x11000] =	vst v63  }
0xf0: {  	s26 =	sld [smem:$0x7E3]  }
0xf1: {  	[tilespmem:s15], [sflag:$0x2] =	stream.indirect.gather [hbm4b:s3+s7], $0x10, s28, s7, $0xb8;
	[tilespmem:$0x11000] =	vst v63  }
0xf2: {  	s28 =	sld [smem:$0x7E4]  }
0xf3: {  	[tilespmem:s26], [sflag:$0x2] =	stream.indirect.gather [hbm4b:s3+s7], $0x10, s29, s7, $0xb8;
	[tilespmem:$0x11000] =	vst v63  }
0xf4: {  	s29 =	sld [smem:$0x7E5]  }
0xf5: {  	[tilespmem:s28], [sflag:$0x2] =	stream.indirect.gather [hbm4b:s3+s7], $0x10, s1, s7, $0xb8;
	[tilespmem:$0x11000] =	vst v63  }
0xf6: {  	s1 =	sld [smem:$0x7E6]  }
0xf7: {  	[tilespmem:s29], [sflag:$0x2] =	stream.indirect.gather [hbm4b:s3+s7], $0x10, s8, s7, $0xb8;
	[tilespmem:$0x11000] =	vst v63  }
0xf8: {  	s8 =	sld [smem:$0x7E7]  }
0xf9: {  	[tilespmem:s1], [sflag:$0x2] =	stream.indirect.gather [hbm4b:s3+s7], $0x10, s10, s7, $0xb8;
	[tilespmem:$0x11000] =	vst v63  }
0xfa: {  	s10 =	sld [smem:$0x7E8]  }
0xfb: {  	[tilespmem:s8], [sflag:$0x2] =	stream.indirect.gather [hbm4b:s3+s7], $0x10, s17, s7, $0xb8;
	[tilespmem:$0x11000] =	vst v63  }
0xfc: {  	s15 =	sld [smem:$0x7E9]  }
0xfd: {  	[tilespmem:s10], [sflag:$0x2] =	stream.indirect.gather [hbm4b:s3+s7], $0x10, s16, s7, $0xb8;
	[tilespmem:$0x11000] =	vst v63  }
0xfe: {  	s16 =	sld [smem:$0x7EA]  }
0xff: {  	[tilespmem:s15], [sflag:$0x2] =	stream.indirect.gather [hbm4b:s3+s7], $0x10, s19, s7, $0xb8;
	[tilespmem:$0x11000] =	vst v63  }
0x100: {  	s17 =	sld [smem:$0x7EB]  }
0x101: {  	[tilespmem:s16], [sflag:$0x2] =	stream.indirect.gather [hbm4b:s3+s7], $0x10, s21, s7, $0xb8;
	[tilespmem:$0x11000] =	vst v63  }
0x102: {  	s19 =	sld [smem:$0x7EC]  }
0x103: {  	[tilespmem:s17], [sflag:$0x2] =	stream.indirect.gather [hbm4b:s3+s7], $0x10, s30, s7, $0xb8;
	[tilespmem:$0x11000] =	vst v63  }
0x104: {  	s21 =	sld [smem:$0x7ED]  }
0x105: {  	[tilespmem:s19], [sflag:$0x2] =	stream.indirect.gather [hbm4b:s3+s7], $0x10, s22, s7, $0xb8;
	[tilespmem:$0x11000] =	vst v63  }
0x106: {  	s26 =	simm.s32 $0x780;
	s22 =	sld [smem:$0x7EE]  }
0x107: {  	[tilespmem:s21], [sflag:$0x2] =	stream.indirect.gather [hbm4b:s3+s7], $0x10, s26, s7, $0xb8;
	[tilespmem:$0x11000] =	vst v63  }
0x108: {  	s28 =	sld [smem:$0x7EF]  }
0x109: {  	[tilespmem:s22], [sflag:$0x2] =	stream.indirect.gather [hbm4b:s3+s7], $0x10, s5, s7, $0xb8;
	[tilespmem:$0x11000] =	vst v63  }
0x10a: {  	s29 =	sld [smem:$0x7F0]  }
0x10b: {  	[tilespmem:s28], [sflag:$0x2] =	stream.indirect.gather [hbm4b:s3+s7], $0x10, s9, s7, $0xb8;
	[tilespmem:$0x11000] =	vst v63  }
0x10c: {  	s30 =	sld [smem:$0x7F1]  }
0x10d: {  	[tilespmem:s29], [sflag:$0x2] =	stream.indirect.gather [hbm4b:s3+s7], $0x10, s11, s7, $0xb8;
	[tilespmem:$0x11000] =	vst v63  }
0x10e: {  	s1 =	sld [smem:$0x7F2]  }
0x10f: {  	[tilespmem:s30], [sflag:$0x2] =	stream.indirect.gather [hbm4b:s3+s7], $0x10, s18, s7, $0xb8;
	[tilespmem:$0x11000] =	vst v63  }
0x110: {  	s5 =	sld [smem:$0x7F3]  }
0x111: {  	[tilespmem:s1], [sflag:$0x2] =	stream.indirect.gather [hbm4b:s3+s7], $0x10, s20, s7, $0xb8;
	[tilespmem:$0x11000] =	vst v63  }
0x112: {  	s8 =	sld [smem:$0x7F4]  }
0x113: {  	[tilespmem:s5], [sflag:$0x2] =	stream.indirect.gather [hbm4b:s3+s7], $0x10, s23, s7, $0xb8;
	[tilespmem:$0x11000] =	vst v63  }
0x114: {  	s10 =	simm.s32 $0xB00;
	s9 =	sld [smem:$0x7F5]  }
0x115: {  	[tilespmem:s8], [sflag:$0x2] =	stream.indirect.gather [hbm4b:s3+s7], $0x10, s10, s7, $0xb8;
	[tilespmem:$0x11000] =	vst v63  }
0x116: {  	s11 =	sld [smem:$0x7F6]  }
0x117: {  	[tilespmem:s9], [sflag:$0x2] =	stream.indirect.gather [hbm4b:s3+s7], $0x10, s25, s7, $0xb8;
	[tilespmem:$0x11000] =	vst v63  }
0x118: {  	s15 =	sld [smem:$0x7F7]  }
0x119: {  	[tilespmem:s11], [sflag:$0x2] =	stream.indirect.gather [hbm4b:s3+s7], $0x10, s24, s7, $0xb8;
	[tilespmem:$0x11000] =	vst v63  }
0x11a: {  	s16 =	sld [smem:$0x7F8];
	s17 =	simm.s32 $0xC80  }
0x11b: {  	[tilespmem:s15], [sflag:$0x2] =	stream.indirect.gather [hbm4b:s3+s7], $0x10, s17, s7, $0xb8;
	[tilespmem:$0x11000] =	vst v63  }
0x11c: {  	s19 =	simm.s32 $0xD00;
	s18 =	sld [smem:$0x7F9]  }
0x11d: {  	[tilespmem:s16], [sflag:$0x2] =	stream.indirect.gather [hbm4b:s3+s7], $0x10, s19, s7, $0xb8;
	[tilespmem:$0x11000] =	vst v63  }
0x11e: {  	s21 =	simm.s32 $0xD80;
	s20 =	sld [smem:$0x7FA]  }
0x11f: {  	[tilespmem:s18], [sflag:$0x2] =	stream.indirect.gather [hbm4b:s3+s7], $0x10, s21, s7, $0xb8;
	[tilespmem:$0x11000] =	vst v63  }
0x120: {  	s22 =	sld [smem:$0x7FB];
	s23 =	simm.s32 $0xE00  }
0x121: {  	[tilespmem:s20], [sflag:$0x2] =	stream.indirect.gather [hbm4b:s3+s7], $0x10, s23, s7, $0xb8;
	[tilespmem:$0x11000] =	vst v63  }
0x122: {  	s25 =	simm.s32 $0xE80;
	s24 =	sld [smem:$0x7FC]  }
0x123: {  	[tilespmem:s22], [sflag:$0x2] =	stream.indirect.gather [hbm4b:s3+s7], $0x10, s25, s7, $0xb8;
	[tilespmem:$0x11000] =	vst v63  }
0x124: {  	s26 =	sld [smem:$0x7FD]  }
0x125: {  	[tilespmem:s24], [sflag:$0x2] =	stream.indirect.gather [hbm4b:s3+s7], $0x10, s4, s7, $0xb8;
	[tilespmem:$0x11000] =	vst v63  }
0x126: {  	s28 =	simm.s32 $0xF80  }
0x127: {  	[tilespmem:s26], [sflag:$0x2] =	stream.indirect.gather [hbm4b:s3+s7], $0x10, s28, s7, $0xb8;
	[tilespmem:$0x11000] =	vst v63  }
0x128: {  	_ =	swait.ge [sflag:s6], $0x800  }
0x129: {  	[sflag:s6] =	ssyncset.done $0x0  }
0x12a: {  	[sflag:s6] =	ssyncadd.s32 $0xFFFFF800  }
0x12b: {  	_ =	swait.ge [sflag:s6], $0x800  }
0x12c: {  	[sflag:s6] =	ssyncset.done $0x0  }
0x12d: {  	[sflag:s6] =	ssyncadd.s32 $0xFFFFF800  }
0x12e: {  	_ =	swait.ge [sflag:s6], $0x800  }
0x12f: {  	[sflag:s6] =	ssyncset.done $0x0  }
0x130: {  	[sflag:s6] =	ssyncadd.s32 $0xFFFFF800  }
0x131: {  	_ =	swait.ge [sflag:s6], $0x800  }
0x132: {  	[sflag:s6] =	ssyncset.done $0x0  }
0x133: {  	[sflag:s6] =	ssyncadd.s32 $0xFFFFF800  }
0x134: {  	_ =	swait.ge [sflag:s6], $0x800  }
0x135: {  	[sflag:s6] =	ssyncset.done $0x0  }
0x136: {  	[sflag:s6] =	ssyncadd.s32 $0xFFFFF800  }
0x137: {  	_ =	swait.ge [sflag:s6], $0x800  }
0x138: {  	[sflag:s6] =	ssyncset.done $0x0  }
0x139: {  	[sflag:s6] =	ssyncadd.s32 $0xFFFFF800  }
0x13a: {  	_ =	swait.ge [sflag:s6], $0x800  }
0x13b: {  	[sflag:s6] =	ssyncset.done $0x0  }
0x13c: {  	[sflag:s6] =	ssyncadd.s32 $0xFFFFF800  }
0x13d: {  	_ =	swait.ge [sflag:s6], $0x800  }
0x13e: {  	[sflag:s6] =	ssyncset.done $0x0  }
0x13f: {  	[sflag:s6] =	ssyncadd.s32 $0xFFFFF800  }
0x140: {  	_ =	swait.ge [sflag:s6], $0x800  }
0x141: {  	[sflag:s6] =	ssyncset.done $0x0  }
0x142: {  	[sflag:s6] =	ssyncadd.s32 $0xFFFFF800  }
0x143: {  	_ =	swait.ge [sflag:s6], $0x800  }
0x144: {  	[sflag:s6] =	ssyncset.done $0x0  }
0x145: {  	[sflag:s6] =	ssyncadd.s32 $0xFFFFF800  }
0x146: {  	_ =	swait.ge [sflag:s6], $0x800  }
0x147: {  	[sflag:s6] =	ssyncset.done $0x0  }
0x148: {  	[sflag:s6] =	ssyncadd.s32 $0xFFFFF800  }
0x149: {  	_ =	swait.ge [sflag:s6], $0x800  }
0x14a: {  	[sflag:s6] =	ssyncset.done $0x0  }
0x14b: {  	[sflag:s6] =	ssyncadd.s32 $0xFFFFF800  }
0x14c: {  	_ =	swait.ge [sflag:s6], $0x800  }
0x14d: {  	[sflag:s6] =	ssyncset.done $0x0  }
0x14e: {  	[sflag:s6] =	ssyncadd.s32 $0xFFFFF800  }
0x14f: {  	_ =	swait.ge [sflag:s6], $0x800  }
0x150: {  	[sflag:s6] =	ssyncset.done $0x0  }
0x151: {  	[sflag:s6] =	ssyncadd.s32 $0xFFFFF800  }
0x152: {  	_ =	swait.ge [sflag:s6], $0x800  }
0x153: {  	[sflag:s6] =	ssyncset.done $0x0  }
0x154: {  	[sflag:s6] =	ssyncadd.s32 $0xFFFFF800  }
0x155: {  	_ =	swait.ge [sflag:s6], $0x800  }
0x156: {  	[sflag:s6] =	ssyncset.done $0x0  }
0x157: {  	[sflag:s6] =	ssyncadd.s32 $0xFFFFF800  }
0x158: {  	_ =	swait.ge [sflag:s6], $0x800  }
0x159: {  	[sflag:s6] =	ssyncset.done $0x0  }
0x15a: {  	[sflag:s6] =	ssyncadd.s32 $0xFFFFF800  }
0x15b: {  	_ =	swait.ge [sflag:s6], $0x800  }
0x15c: {  	[sflag:s6] =	ssyncset.done $0x0  }
0x15d: {  	[sflag:s6] =	ssyncadd.s32 $0xFFFFF800  }
0x15e: {  	_ =	swait.ge [sflag:s6], $0x800  }
0x15f: {  	[sflag:s6] =	ssyncset.done $0x0  }
0x160: {  	[sflag:s6] =	ssyncadd.s32 $0xFFFFF800  }
0x161: {  	_ =	swait.ge [sflag:s6], $0x800  }
0x162: {  	[sflag:s6] =	ssyncset.done $0x0  }
0x163: {  	[sflag:s6] =	ssyncadd.s32 $0xFFFFF800  }
0x164: {  	_ =	swait.ge [sflag:s6], $0x800  }
0x165: {  	[sflag:s6] =	ssyncset.done $0x0  }
0x166: {  	[sflag:s6] =	ssyncadd.s32 $0xFFFFF800  }
0x167: {  	_ =	swait.ge [sflag:s6], $0x800  }
0x168: {  	[sflag:s6] =	ssyncset.done $0x0  }
0x169: {  	[sflag:s6] =	ssyncadd.s32 $0xFFFFF800  }
0x16a: {  	_ =	swait.ge [sflag:s6], $0x800  }
0x16b: {  	[sflag:s6] =	ssyncset.done $0x0  }
0x16c: {  	[sflag:s6] =	ssyncadd.s32 $0xFFFFF800  }
0x16d: {  	_ =	swait.ge [sflag:s6], $0x800  }
0x16e: {  	[sflag:s6] =	ssyncset.done $0x0  }
0x16f: {  	[sflag:s6] =	ssyncadd.s32 $0xFFFFF800  }
0x170: {  	_ =	swait.ge [sflag:s6], $0x800  }
0x171: {  	[sflag:s6] =	ssyncset.done $0x0  }
0x172: {  	[sflag:s6] =	ssyncadd.s32 $0xFFFFF800  }
0x173: {  	_ =	swait.ge [sflag:s6], $0x800  }
0x174: {  	[sflag:s6] =	ssyncset.done $0x0  }
0x175: {  	[sflag:s6] =	ssyncadd.s32 $0xFFFFF800  }
0x176: {  	_ =	swait.ge [sflag:s6], $0x800  }
0x177: {  	[sflag:s6] =	ssyncset.done $0x0  }
0x178: {  	[sflag:s6] =	ssyncadd.s32 $0xFFFFF800  }
0x179: {  	_ =	swait.ge [sflag:s6], $0x800  }
0x17a: {  	[sflag:s6] =	ssyncset.done $0x0  }
0x17b: {  	[sflag:s6] =	ssyncadd.s32 $0xFFFFF800  }
0x17c: {  	_ =	swait.ge [sflag:s6], $0x800  }
0x17d: {  	[sflag:s6] =	ssyncset.done $0x0  }
0x17e: {  	[sflag:s6] =	ssyncadd.s32 $0xFFFFF800  }
0x17f: {  	_ =	swait.ge [sflag:s6], $0x800  }
0x180: {  	[sflag:s6] =	ssyncset.done $0x0  }
0x181: {  	[sflag:s6] =	ssyncadd.s32 $0xFFFFF800  }
0x182: {  	_ =	swait.ge [sflag:s6], $0x800  }
0x183: {  	[sflag:s6] =	ssyncset.done $0x0  }
0x184: {  	[sflag:s6] =	ssyncadd.s32 $0xFFFFF800  }
0x185: {  	_ =	swait.ge [sflag:s6], $0x800  }
0x186: {  	p1 =	sne.s32 s0, $0x1;
	s29 =	sld [smem:$0x7DE]  }
.Ltmp1:
0x187: {  	[sflag:s6] =	ssyncset.done $0x0;
	(pc) =	sbr.rel @!p1 .LBB2_6-.Ltmp1, $4  }
0x188: {  	s30 =	simm.s32 $0x1000;
	[sflag:s6] =	ssyncadd.s32 $0xFFFFF800  }
0x189: {  	[hbm4b:s29+s2] =	stream.linear.scatter [tilespmem:s30], [sflag:$0x3], $0x10000, $0x38;
	[tilespmem:$0x11000] =	vst v63  }
0x18a: {  	p0 =	por $0x1, $0x1;
	_ =	swait.ge [sflag:s31], $0x10000  }
0x18b: {  	s13 =	sadd.s32 $0xFFFFFFFF, s0;
	s14 =	rddreg [dreg:$0x3];
	[sflag:s31] =	ssyncset.done $0x0  }
0x18c: {  	s26 =	simm.s32 $0x100;
	s28 =	simm.s32 $0x180  }
0x18d: {  	s29 =	simm.s32 $0x200;
	s30 =	simm.s32 $0x280;
	s8 =	simm.s32 $0x380  }
0x18e: {  	s10 =	simm.s32 $0x400;
	s17 =	simm.s32 $0x480;
	s16 =	simm.s32 $0x500  }
0x18f: {  	s19 =	simm.s32 $0x580;
	s21 =	simm.s32 $0x600;
	s22 =	simm.s32 $0x700  }
0x190: {  	s5 =	simm.s32 $0x800;
	s9 =	simm.s32 $0x880;
	s11 =	simm.s32 $0x900  }
0x191: {  	s18 =	simm.s32 $0x980;
	s20 =	simm.s32 $0xA00;
	s23 =	simm.s32 $0xA80  }
0x192: {  	s4 =	simm.s32 $0xB00;
	s25 =	simm.s32 $0xB80;
	s24 =	simm.s32 $0xC00  }
.LBB2_3:
0x193: {  	[sflag:s31] =	ssyncadd.s32 $0xFFFF0000;
	s15 =	rddreg [dreg:$0x4]  }
0x194: {  	[tilespmem:s2], [sflag:$0x1] =	stream.linear.gather [hbm4b:s14+s2], $0x80, $0x38;
	[tilespmem:$0x11000] =	vst v63  }
0x195: {  	s0 =	rddreg [dreg:$0x5]  }
0x196: {  	[tilespmem:s7], [sflag:$0x1] =	stream.linear.gather [hbm4b:s15+s2], $0x80, $0x38;
	[tilespmem:$0x11000] =	vst v63  }
0x197: {  	s1 =	rddreg [dreg:$0x6]  }
0x198: {  	[tilespmem:s26], [sflag:$0x1] =	stream.linear.gather [hbm4b:s0+s2], $0x80, $0x38;
	[tilespmem:$0x11000] =	vst v63  }
0x199: {  	s14 =	rddreg [dreg:$0x13]  }
0x19a: {  	[tilespmem:s28], [sflag:$0x1] =	stream.linear.gather [hbm4b:s1+s2], $0x80, $0x38;
	[tilespmem:$0x11000] =	vst v63  }
0x19b: {  	s0 =	rddreg [dreg:$0x7]  }
0x19c: {  	[tilespmem:s29], [sflag:$0x1] =	stream.linear.gather [hbm4b:s0+s2], $0x80, $0x38;
	[tilespmem:$0x11000] =	vst v63  }
0x19d: {  	s1 =	rddreg [dreg:$0x8]  }
0x19e: {  	[tilespmem:s30], [sflag:$0x1] =	stream.linear.gather [hbm4b:s1+s2], $0x80, $0x38;
	[tilespmem:$0x11000] =	vst v63  }
0x19f: {  	s0 =	rddreg [dreg:$0x9];
	s1 =	simm.s32 $0x300  }
0x1a0: {  	[tilespmem:s1], [sflag:$0x1] =	stream.linear.gather [hbm4b:s0+s2], $0x80, $0x38;
	[tilespmem:$0x11000] =	vst v63  }
0x1a1: {  	s15 =	rddreg [dreg:$0xa]  }
0x1a2: {  	[tilespmem:s8], [sflag:$0x1] =	stream.linear.gather [hbm4b:s15+s2], $0x80, $0x38;
	[tilespmem:$0x11000] =	vst v63  }
0x1a3: {  	s0 =	rddreg [dreg:$0xb]  }
0x1a4: {  	[tilespmem:s10], [sflag:$0x1] =	stream.linear.gather [hbm4b:s0+s2], $0x80, $0x38;
	[tilespmem:$0x11000] =	vst v63  }
0x1a5: {  	s15 =	rddreg [dreg:$0xc]  }
0x1a6: {  	[tilespmem:s17], [sflag:$0x1] =	stream.linear.gather [hbm4b:s15+s2], $0x80, $0x38;
	[tilespmem:$0x11000] =	vst v63  }
0x1a7: {  	s0 =	rddreg [dreg:$0xd]  }
0x1a8: {  	[tilespmem:s16], [sflag:$0x1] =	stream.linear.gather [hbm4b:s0+s2], $0x80, $0x38;
	[tilespmem:$0x11000] =	vst v63  }
0x1a9: {  	s15 =	rddreg [dreg:$0xe]  }
0x1aa: {  	[tilespmem:s19], [sflag:$0x1] =	stream.linear.gather [hbm4b:s15+s2], $0x80, $0x38;
	[tilespmem:$0x11000] =	vst v63  }
0x1ab: {  	s0 =	rddreg [dreg:$0xf]  }
0x1ac: {  	[tilespmem:s21], [sflag:$0x1] =	stream.linear.gather [hbm4b:s0+s2], $0x80, $0x38;
	[tilespmem:$0x11000] =	vst v63  }
0x1ad: {  	s31 =	simm.s32 $0x680;
	s15 =	rddreg [dreg:$0x10]  }
0x1ae: {  	[tilespmem:s31], [sflag:$0x1] =	stream.linear.gather [hbm4b:s15+s2], $0x80, $0x38;
	[tilespmem:$0x11000] =	vst v63  }
0x1af: {  	s0 =	rddreg [dreg:$0x11]  }
0x1b0: {  	[tilespmem:s22], [sflag:$0x1] =	stream.linear.gather [hbm4b:s0+s2], $0x80, $0x38;
	[tilespmem:$0x11000] =	vst v63  }
0x1b1: {  	s15 =	rddreg [dreg:$0x12];
	s0 =	simm.s32 $0x780  }
0x1b2: {  	[tilespmem:s0], [sflag:$0x1] =	stream.linear.gather [hbm4b:s15+s2], $0x80, $0x38;
	[tilespmem:$0x11000] =	vst v63  }
0x1b3: {  	s15 =	rddreg [dreg:$0x14]  }
0x1b4: {  	[tilespmem:s5], [sflag:$0x1] =	stream.linear.gather [hbm4b:s14+s2], $0x80, $0x38;
	[tilespmem:$0x11000] =	vst v63  }
0x1b5: {  	s0 =	rddreg [dreg:$0x15]  }
0x1b6: {  	[tilespmem:s9], [sflag:$0x1] =	stream.linear.gather [hbm4b:s15+s2], $0x80, $0x38;
	[tilespmem:$0x11000] =	vst v63  }
0x1b7: {  	s14 =	rddreg [dreg:$0x1d]  }
0x1b8: {  	[tilespmem:s11], [sflag:$0x1] =	stream.linear.gather [hbm4b:s0+s2], $0x80, $0x38;
	[tilespmem:$0x11000] =	vst v63  }
0x1b9: {  	s15 =	rddreg [dreg:$0x16]  }
0x1ba: {  	[tilespmem:s18], [sflag:$0x1] =	stream.linear.gather [hbm4b:s15+s2], $0x80, $0x38;
	[tilespmem:$0x11000] =	vst v63  }
0x1bb: {  	s0 =	rddreg [dreg:$0x17]  }
0x1bc: {  	[tilespmem:s20], [sflag:$0x1] =	stream.linear.gather [hbm4b:s0+s2], $0x80, $0x38;
	[tilespmem:$0x11000] =	vst v63  }
0x1bd: {  	s15 =	rddreg [dreg:$0x18]  }
0x1be: {  	[tilespmem:s23], [sflag:$0x1] =	stream.linear.gather [hbm4b:s15+s2], $0x80, $0x38;
	[tilespmem:$0x11000] =	vst v63  }
0x1bf: {  	s0 =	rddreg [dreg:$0x19]  }
0x1c0: {  	[tilespmem:s4], [sflag:$0x1] =	stream.linear.gather [hbm4b:s0+s2], $0x80, $0x38;
	[tilespmem:$0x11000] =	vst v63  }
0x1c1: {  	s15 =	rddreg [dreg:$0x1a]  }
0x1c2: {  	[tilespmem:s25], [sflag:$0x1] =	stream.linear.gather [hbm4b:s15+s2], $0x80, $0x38;
	[tilespmem:$0x11000] =	vst v63  }
0x1c3: {  	s0 =	rddreg [dreg:$0x1b]  }
0x1c4: {  	[tilespmem:s24], [sflag:$0x1] =	stream.linear.gather [hbm4b:s0+s2], $0x80, $0x38;
	[tilespmem:$0x11000] =	vst v63  }
0x1c5: {  	s15 =	rddreg [dreg:$0x1c];
	s0 =	simm.s32 $0xC80  }
0x1c6: {  	[tilespmem:s0], [sflag:$0x1] =	stream.linear.gather [hbm4b:s15+s2], $0x80, $0x38;
	[tilespmem:$0x11000] =	vst v63  }
0x1c7: {  	s15 =	rddreg [dreg:$0x1e];
	s0 =	simm.s32 $0xD00  }
0x1c8: {  	[tilespmem:s0], [sflag:$0x1] =	stream.linear.gather [hbm4b:s14+s2], $0x80, $0x38;
	[tilespmem:$0x11000] =	vst v63  }
0x1c9: {  	s14 =	rddreg [dreg:$0x1f];
	s0 =	simm.s32 $0xD80  }
0x1ca: {  	[tilespmem:s0], [sflag:$0x1] =	stream.linear.gather [hbm4b:s15+s2], $0x80, $0x38;
	[tilespmem:$0x11000] =	vst v63  }
0x1cb: {  	s15 =	sld [smem:$0x7DB];
	s0 =	simm.s32 $0xE00  }
0x1cc: {  	[tilespmem:s0], [sflag:$0x1] =	stream.linear.gather [hbm4b:s14+s2], $0x80, $0x38;
	[tilespmem:$0x11000] =	vst v63  }
0x1cd: {  	s14 =	sld [smem:$0x7DC];
	s0 =	simm.s32 $0xE80  }
0x1ce: {  	[tilespmem:s0], [sflag:$0x1] =	stream.linear.gather [hbm4b:s15+s2], $0x80, $0x38;
	[tilespmem:$0x11000] =	vst v63  }
0x1cf: {  	s15 =	sld [smem:$0x7DD];
	s0 =	simm.s32 $0xF00  }
0x1d0: {  	[tilespmem:s0], [sflag:$0x1] =	stream.linear.gather [hbm4b:s14+s2], $0x80, $0x38;
	[tilespmem:$0x11000] =	vst v63  }
0x1d1: {  	s14 =	simm.s32 $0xF80  }
0x1d2: {  	[tilespmem:s14], [sflag:$0x1] =	stream.linear.gather [hbm4b:s15+s2], $0x80, $0x38;
	[tilespmem:$0x11000] =	vst v63  }
0x1d3: {  	_ =	swait.ge [sflag:s12], $0x80  }
0x1d4: {  	[sflag:s12] =	ssyncset.done $0x0  }
0x1d5: {  	[sflag:s12] =	ssyncadd.s32 $0xFFFFFF80  }
0x1d6: {  	_ =	swait.ge [sflag:s12], $0x80  }
0x1d7: {  	[sflag:s12] =	ssyncset.done $0x0  }
0x1d8: {  	[sflag:s12] =	ssyncadd.s32 $0xFFFFFF80  }
0x1d9: {  	_ =	swait.ge [sflag:s12], $0x80  }
0x1da: {  	[sflag:s12] =	ssyncset.done $0x0  }
0x1db: {  	[sflag:s12] =	ssyncadd.s32 $0xFFFFFF80  }
0x1dc: {  	_ =	swait.ge [sflag:s12], $0x80  }
0x1dd: {  	[sflag:s12] =	ssyncset.done $0x0  }
0x1de: {  	[sflag:s12] =	ssyncadd.s32 $0xFFFFFF80  }
0x1df: {  	_ =	swait.ge [sflag:s12], $0x80  }
0x1e0: {  	[sflag:s12] =	ssyncset.done $0x0  }
0x1e1: {  	[sflag:s12] =	ssyncadd.s32 $0xFFFFFF80  }
0x1e2: {  	_ =	swait.ge [sflag:s12], $0x80  }
0x1e3: {  	[sflag:s12] =	ssyncset.done $0x0  }
0x1e4: {  	[sflag:s12] =	ssyncadd.s32 $0xFFFFFF80  }
0x1e5: {  	_ =	swait.ge [sflag:s12], $0x80  }
0x1e6: {  	[sflag:s12] =	ssyncset.done $0x0  }
0x1e7: {  	[sflag:s12] =	ssyncadd.s32 $0xFFFFFF80  }
0x1e8: {  	_ =	swait.ge [sflag:s12], $0x80  }
0x1e9: {  	[sflag:s12] =	ssyncset.done $0x0  }
0x1ea: {  	[sflag:s12] =	ssyncadd.s32 $0xFFFFFF80  }
0x1eb: {  	_ =	swait.ge [sflag:s12], $0x80  }
0x1ec: {  	[sflag:s12] =	ssyncset.done $0x0  }
0x1ed: {  	[sflag:s12] =	ssyncadd.s32 $0xFFFFFF80  }
0x1ee: {  	_ =	swait.ge [sflag:s12], $0x80  }
0x1ef: {  	[sflag:s12] =	ssyncset.done $0x0  }
0x1f0: {  	[sflag:s12] =	ssyncadd.s32 $0xFFFFFF80  }
0x1f1: {  	_ =	swait.ge [sflag:s12], $0x80  }
0x1f2: {  	[sflag:s12] =	ssyncset.done $0x0  }
0x1f3: {  	[sflag:s12] =	ssyncadd.s32 $0xFFFFFF80  }
0x1f4: {  	_ =	swait.ge [sflag:s12], $0x80  }
0x1f5: {  	[sflag:s12] =	ssyncset.done $0x0  }
0x1f6: {  	[sflag:s12] =	ssyncadd.s32 $0xFFFFFF80  }
0x1f7: {  	_ =	swait.ge [sflag:s12], $0x80  }
0x1f8: {  	[sflag:s12] =	ssyncset.done $0x0  }
0x1f9: {  	[sflag:s12] =	ssyncadd.s32 $0xFFFFFF80  }
0x1fa: {  	_ =	swait.ge [sflag:s12], $0x80  }
0x1fb: {  	[sflag:s12] =	ssyncset.done $0x0  }
0x1fc: {  	[sflag:s12] =	ssyncadd.s32 $0xFFFFFF80  }
0x1fd: {  	_ =	swait.ge [sflag:s12], $0x80  }
0x1fe: {  	[sflag:s12] =	ssyncset.done $0x0  }
0x1ff: {  	[sflag:s12] =	ssyncadd.s32 $0xFFFFFF80  }
0x200: {  	_ =	swait.ge [sflag:s12], $0x80  }
0x201: {  	[sflag:s12] =	ssyncset.done $0x0  }
0x202: {  	[sflag:s12] =	ssyncadd.s32 $0xFFFFFF80  }
0x203: {  	_ =	swait.ge [sflag:s12], $0x80  }
0x204: {  	[sflag:s12] =	ssyncset.done $0x0  }
0x205: {  	[sflag:s12] =	ssyncadd.s32 $0xFFFFFF80  }
0x206: {  	_ =	swait.ge [sflag:s12], $0x80  }
0x207: {  	[sflag:s12] =	ssyncset.done $0x0  }
0x208: {  	[sflag:s12] =	ssyncadd.s32 $0xFFFFFF80  }
0x209: {  	_ =	swait.ge [sflag:s12], $0x80  }
0x20a: {  	[sflag:s12] =	ssyncset.done $0x0  }
0x20b: {  	[sflag:s12] =	ssyncadd.s32 $0xFFFFFF80  }
0x20c: {  	_ =	swait.ge [sflag:s12], $0x80  }
0x20d: {  	[sflag:s12] =	ssyncset.done $0x0  }
0x20e: {  	[sflag:s12] =	ssyncadd.s32 $0xFFFFFF80  }
0x20f: {  	_ =	swait.ge [sflag:s12], $0x80  }
0x210: {  	[sflag:s12] =	ssyncset.done $0x0  }
0x211: {  	[sflag:s12] =	ssyncadd.s32 $0xFFFFFF80  }
0x212: {  	_ =	swait.ge [sflag:s12], $0x80  }
0x213: {  	[sflag:s12] =	ssyncset.done $0x0  }
0x214: {  	[sflag:s12] =	ssyncadd.s32 $0xFFFFFF80  }
0x215: {  	_ =	swait.ge [sflag:s12], $0x80  }
0x216: {  	[sflag:s12] =	ssyncset.done $0x0  }
0x217: {  	[sflag:s12] =	ssyncadd.s32 $0xFFFFFF80  }
0x218: {  	_ =	swait.ge [sflag:s12], $0x80  }
0x219: {  	[sflag:s12] =	ssyncset.done $0x0  }
0x21a: {  	[sflag:s12] =	ssyncadd.s32 $0xFFFFFF80  }
0x21b: {  	_ =	swait.ge [sflag:s12], $0x80  }
0x21c: {  	[sflag:s12] =	ssyncset.done $0x0  }
0x21d: {  	[sflag:s12] =	ssyncadd.s32 $0xFFFFFF80  }
0x21e: {  	_ =	swait.ge [sflag:s12], $0x80  }
0x21f: {  	[sflag:s12] =	ssyncset.done $0x0  }
0x220: {  	[sflag:s12] =	ssyncadd.s32 $0xFFFFFF80  }
0x221: {  	_ =	swait.ge [sflag:s12], $0x80  }
0x222: {  	[sflag:s12] =	ssyncset.done $0x0  }
0x223: {  	[sflag:s12] =	ssyncadd.s32 $0xFFFFFF80  }
0x224: {  	_ =	swait.ge [sflag:s12], $0x80  }
0x225: {  	[sflag:s12] =	ssyncset.done $0x0  }
0x226: {  	[sflag:s12] =	ssyncadd.s32 $0xFFFFFF80  }
0x227: {  	_ =	swait.ge [sflag:s12], $0x80  }
0x228: {  	[sflag:s12] =	ssyncset.done $0x0  }
0x229: {  	[sflag:s12] =	ssyncadd.s32 $0xFFFFFF80  }
0x22a: {  	_ =	swait.ge [sflag:s12], $0x80  }
0x22b: {  	[sflag:s12] =	ssyncset.done $0x0  }
0x22c: {  	[sflag:s12] =	ssyncadd.s32 $0xFFFFFF80  }
0x22d: {  	_ =	swait.ge [sflag:s12], $0x80  }
0x22e: {  	[sflag:s12] =	ssyncset.done $0x0  }
0x22f: {  	[sflag:s12] =	ssyncadd.s32 $0xFFFFFF80  }
0x230: {  	_ =	swait.ge [sflag:s12], $0x80  }
0x231: {  	[sflag:s12] =	ssyncset.done $0x0  }
0x232: {  	s15 =	simm.s32 $0x1000;
	s14 =	sld [smem:$0x7DF];
	[sflag:s12] =	ssyncadd.s32 $0xFFFFFF80  }
0x233: {  	[tilespmem:s15], [sflag:$0x2] =	stream.indirect.gather [hbm4b:s3+s7], $0x10, s2, s7, $0xb8;
	[tilespmem:$0x11000] =	vst v63  }
0x234: {  	s15 =	sld [smem:$0x7E0]  }
0x235: {  	[tilespmem:s14], [sflag:$0x2] =	stream.indirect.gather [hbm4b:s3+s7], $0x10, s7, s7, $0xb8;
	[tilespmem:$0x11000] =	vst v63  }
0x236: {  	s14 =	sld [smem:$0x7E1]  }
0x237: {  	[tilespmem:s15], [sflag:$0x2] =	stream.indirect.gather [hbm4b:s3+s7], $0x10, s26, s7, $0xb8;
	[tilespmem:$0x11000] =	vst v63  }
0x238: {  	s15 =	sld [smem:$0x7E2]  }
0x239: {  	[tilespmem:s14], [sflag:$0x2] =	stream.indirect.gather [hbm4b:s3+s7], $0x10, s28, s7, $0xb8;
	[tilespmem:$0x11000] =	vst v63  }
0x23a: {  	s14 =	sld [smem:$0x7E3]  }
0x23b: {  	[tilespmem:s15], [sflag:$0x2] =	stream.indirect.gather [hbm4b:s3+s7], $0x10, s29, s7, $0xb8;
	[tilespmem:$0x11000] =	vst v63  }
0x23c: {  	s15 =	sld [smem:$0x7E4]  }
0x23d: {  	[tilespmem:s14], [sflag:$0x2] =	stream.indirect.gather [hbm4b:s3+s7], $0x10, s30, s7, $0xb8;
	[tilespmem:$0x11000] =	vst v63  }
0x23e: {  	s14 =	sld [smem:$0x7E5]  }
0x23f: {  	[tilespmem:s15], [sflag:$0x2] =	stream.indirect.gather [hbm4b:s3+s7], $0x10, s1, s7, $0xb8;
	[tilespmem:$0x11000] =	vst v63  }
0x240: {  	s1 =	sld [smem:$0x7E6]  }
0x241: {  	[tilespmem:s14], [sflag:$0x2] =	stream.indirect.gather [hbm4b:s3+s7], $0x10, s8, s7, $0xb8;
	[tilespmem:$0x11000] =	vst v63  }
0x242: {  	s14 =	sld [smem:$0x7E7]  }
0x243: {  	[tilespmem:s1], [sflag:$0x2] =	stream.indirect.gather [hbm4b:s3+s7], $0x10, s10, s7, $0xb8;
	[tilespmem:$0x11000] =	vst v63  }
0x244: {  	s1 =	sld [smem:$0x7E8]  }
0x245: {  	[tilespmem:s14], [sflag:$0x2] =	stream.indirect.gather [hbm4b:s3+s7], $0x10, s17, s7, $0xb8;
	[tilespmem:$0x11000] =	vst v63  }
0x246: {  	s14 =	sld [smem:$0x7E9]  }
0x247: {  	[tilespmem:s1], [sflag:$0x2] =	stream.indirect.gather [hbm4b:s3+s7], $0x10, s16, s7, $0xb8;
	[tilespmem:$0x11000] =	vst v63  }
0x248: {  	s1 =	sld [smem:$0x7EA]  }
0x249: {  	[tilespmem:s14], [sflag:$0x2] =	stream.indirect.gather [hbm4b:s3+s7], $0x10, s19, s7, $0xb8;
	[tilespmem:$0x11000] =	vst v63  }
0x24a: {  	s14 =	sld [smem:$0x7EB]  }
0x24b: {  	[tilespmem:s1], [sflag:$0x2] =	stream.indirect.gather [hbm4b:s3+s7], $0x10, s21, s7, $0xb8;
	[tilespmem:$0x11000] =	vst v63  }
0x24c: {  	s1 =	sld [smem:$0x7EC]  }
0x24d: {  	[tilespmem:s14], [sflag:$0x2] =	stream.indirect.gather [hbm4b:s3+s7], $0x10, s31, s7, $0xb8;
	[tilespmem:$0x11000] =	vst v63  }
0x24e: {  	s14 =	sld [smem:$0x7ED]  }
0x24f: {  	[tilespmem:s1], [sflag:$0x2] =	stream.indirect.gather [hbm4b:s3+s7], $0x10, s22, s7, $0xb8;
	[tilespmem:$0x11000] =	vst v63  }
0x250: {  	s15 =	sld [smem:$0x7EE];
	s1 =	simm.s32 $0x780  }
0x251: {  	[tilespmem:s14], [sflag:$0x2] =	stream.indirect.gather [hbm4b:s3+s7], $0x10, s1, s7, $0xb8;
	[tilespmem:$0x11000] =	vst v63  }
0x252: {  	s14 =	sld [smem:$0x7EF]  }
0x253: {  	[tilespmem:s15], [sflag:$0x2] =	stream.indirect.gather [hbm4b:s3+s7], $0x10, s5, s7, $0xb8;
	[tilespmem:$0x11000] =	vst v63  }
0x254: {  	s1 =	sld [smem:$0x7F0]  }
0x255: {  	[tilespmem:s14], [sflag:$0x2] =	stream.indirect.gather [hbm4b:s3+s7], $0x10, s9, s7, $0xb8;
	[tilespmem:$0x11000] =	vst v63  }
0x256: {  	s14 =	sld [smem:$0x7F1]  }
0x257: {  	[tilespmem:s1], [sflag:$0x2] =	stream.indirect.gather [hbm4b:s3+s7], $0x10, s11, s7, $0xb8;
	[tilespmem:$0x11000] =	vst v63  }
0x258: {  	s1 =	sld [smem:$0x7F2]  }
0x259: {  	[tilespmem:s14], [sflag:$0x2] =	stream.indirect.gather [hbm4b:s3+s7], $0x10, s18, s7, $0xb8;
	[tilespmem:$0x11000] =	vst v63  }
0x25a: {  	s14 =	sld [smem:$0x7F3]  }
0x25b: {  	[tilespmem:s1], [sflag:$0x2] =	stream.indirect.gather [hbm4b:s3+s7], $0x10, s20, s7, $0xb8;
	[tilespmem:$0x11000] =	vst v63  }
0x25c: {  	s1 =	sld [smem:$0x7F4]  }
0x25d: {  	[tilespmem:s14], [sflag:$0x2] =	stream.indirect.gather [hbm4b:s3+s7], $0x10, s23, s7, $0xb8;
	[tilespmem:$0x11000] =	vst v63  }
0x25e: {  	s14 =	sld [smem:$0x7F5]  }
0x25f: {  	[tilespmem:s1], [sflag:$0x2] =	stream.indirect.gather [hbm4b:s3+s7], $0x10, s4, s7, $0xb8;
	[tilespmem:$0x11000] =	vst v63  }
0x260: {  	s1 =	sld [smem:$0x7F6]  }
0x261: {  	[tilespmem:s14], [sflag:$0x2] =	stream.indirect.gather [hbm4b:s3+s7], $0x10, s25, s7, $0xb8;
	[tilespmem:$0x11000] =	vst v63  }
0x262: {  	s14 =	sld [smem:$0x7F7]  }
0x263: {  	[tilespmem:s1], [sflag:$0x2] =	stream.indirect.gather [hbm4b:s3+s7], $0x10, s24, s7, $0xb8;
	[tilespmem:$0x11000] =	vst v63  }
0x264: {  	s15 =	sld [smem:$0x7F8];
	s1 =	simm.s32 $0xC80  }
0x265: {  	[tilespmem:s14], [sflag:$0x2] =	stream.indirect.gather [hbm4b:s3+s7], $0x10, s1, s7, $0xb8;
	[tilespmem:$0x11000] =	vst v63  }
0x266: {  	s14 =	sld [smem:$0x7F9];
	s1 =	simm.s32 $0xD00  }
0x267: {  	[tilespmem:s15], [sflag:$0x2] =	stream.indirect.gather [hbm4b:s3+s7], $0x10, s1, s7, $0xb8;
	[tilespmem:$0x11000] =	vst v63  }
0x268: {  	s15 =	sld [smem:$0x7FA];
	s1 =	simm.s32 $0xD80  }
0x269: {  	[tilespmem:s14], [sflag:$0x2] =	stream.indirect.gather [hbm4b:s3+s7], $0x10, s1, s7, $0xb8;
	[tilespmem:$0x11000] =	vst v63  }
0x26a: {  	s14 =	sld [smem:$0x7FB];
	s1 =	simm.s32 $0xE00  }
0x26b: {  	[tilespmem:s15], [sflag:$0x2] =	stream.indirect.gather [hbm4b:s3+s7], $0x10, s1, s7, $0xb8;
	[tilespmem:$0x11000] =	vst v63  }
0x26c: {  	s15 =	sld [smem:$0x7FC];
	s1 =	simm.s32 $0xE80  }
0x26d: {  	[tilespmem:s14], [sflag:$0x2] =	stream.indirect.gather [hbm4b:s3+s7], $0x10, s1, s7, $0xb8;
	[tilespmem:$0x11000] =	vst v63  }
0x26e: {  	s1 =	sld [smem:$0x7FD]  }
0x26f: {  	[tilespmem:s15], [sflag:$0x2] =	stream.indirect.gather [hbm4b:s3+s7], $0x10, s0, s7, $0xb8;
	[tilespmem:$0x11000] =	vst v63  }
0x270: {  	s15 =	simm.s32 $0xF80  }
0x271: {  	[tilespmem:s1], [sflag:$0x2] =	stream.indirect.gather [hbm4b:s3+s7], $0x10, s15, s7, $0xb8;
	[tilespmem:$0x11000] =	vst v63  }
0x272: {  	_ =	swait.ge [sflag:s6], $0x800  }
0x273: {  	[sflag:s6] =	ssyncset.done $0x0  }
0x274: {  	[sflag:s6] =	ssyncadd.s32 $0xFFFFF800  }
0x275: {  	_ =	swait.ge [sflag:s6], $0x800  }
0x276: {  	[sflag:s6] =	ssyncset.done $0x0  }
0x277: {  	[sflag:s6] =	ssyncadd.s32 $0xFFFFF800  }
0x278: {  	_ =	swait.ge [sflag:s6], $0x800  }
0x279: {  	[sflag:s6] =	ssyncset.done $0x0  }
0x27a: {  	[sflag:s6] =	ssyncadd.s32 $0xFFFFF800  }
0x27b: {  	_ =	swait.ge [sflag:s6], $0x800  }
0x27c: {  	[sflag:s6] =	ssyncset.done $0x0  }
0x27d: {  	[sflag:s6] =	ssyncadd.s32 $0xFFFFF800  }
0x27e: {  	_ =	swait.ge [sflag:s6], $0x800  }
0x27f: {  	[sflag:s6] =	ssyncset.done $0x0  }
0x280: {  	[sflag:s6] =	ssyncadd.s32 $0xFFFFF800  }
0x281: {  	_ =	swait.ge [sflag:s6], $0x800  }
0x282: {  	[sflag:s6] =	ssyncset.done $0x0  }
0x283: {  	[sflag:s6] =	ssyncadd.s32 $0xFFFFF800  }
0x284: {  	_ =	swait.ge [sflag:s6], $0x800  }
0x285: {  	[sflag:s6] =	ssyncset.done $0x0  }
0x286: {  	[sflag:s6] =	ssyncadd.s32 $0xFFFFF800  }
0x287: {  	_ =	swait.ge [sflag:s6], $0x800  }
0x288: {  	[sflag:s6] =	ssyncset.done $0x0  }
0x289: {  	[sflag:s6] =	ssyncadd.s32 $0xFFFFF800  }
0x28a: {  	_ =	swait.ge [sflag:s6], $0x800  }
0x28b: {  	[sflag:s6] =	ssyncset.done $0x0  }
0x28c: {  	[sflag:s6] =	ssyncadd.s32 $0xFFFFF800  }
0x28d: {  	_ =	swait.ge [sflag:s6], $0x800  }
0x28e: {  	[sflag:s6] =	ssyncset.done $0x0  }
0x28f: {  	[sflag:s6] =	ssyncadd.s32 $0xFFFFF800  }
0x290: {  	_ =	swait.ge [sflag:s6], $0x800  }
0x291: {  	[sflag:s6] =	ssyncset.done $0x0  }
0x292: {  	[sflag:s6] =	ssyncadd.s32 $0xFFFFF800  }
0x293: {  	_ =	swait.ge [sflag:s6], $0x800  }
0x294: {  	[sflag:s6] =	ssyncset.done $0x0  }
0x295: {  	[sflag:s6] =	ssyncadd.s32 $0xFFFFF800  }
0x296: {  	_ =	swait.ge [sflag:s6], $0x800  }
0x297: {  	[sflag:s6] =	ssyncset.done $0x0  }
0x298: {  	[sflag:s6] =	ssyncadd.s32 $0xFFFFF800  }
0x299: {  	_ =	swait.ge [sflag:s6], $0x800  }
0x29a: {  	[sflag:s6] =	ssyncset.done $0x0  }
0x29b: {  	[sflag:s6] =	ssyncadd.s32 $0xFFFFF800  }
0x29c: {  	_ =	swait.ge [sflag:s6], $0x800  }
0x29d: {  	[sflag:s6] =	ssyncset.done $0x0  }
0x29e: {  	[sflag:s6] =	ssyncadd.s32 $0xFFFFF800  }
0x29f: {  	_ =	swait.ge [sflag:s6], $0x800  }
0x2a0: {  	[sflag:s6] =	ssyncset.done $0x0  }
0x2a1: {  	[sflag:s6] =	ssyncadd.s32 $0xFFFFF800  }
0x2a2: {  	_ =	swait.ge [sflag:s6], $0x800  }
0x2a3: {  	[sflag:s6] =	ssyncset.done $0x0  }
0x2a4: {  	[sflag:s6] =	ssyncadd.s32 $0xFFFFF800  }
0x2a5: {  	_ =	swait.ge [sflag:s6], $0x800  }
0x2a6: {  	[sflag:s6] =	ssyncset.done $0x0  }
0x2a7: {  	[sflag:s6] =	ssyncadd.s32 $0xFFFFF800  }
0x2a8: {  	_ =	swait.ge [sflag:s6], $0x800  }
0x2a9: {  	[sflag:s6] =	ssyncset.done $0x0  }
0x2aa: {  	[sflag:s6] =	ssyncadd.s32 $0xFFFFF800  }
0x2ab: {  	_ =	swait.ge [sflag:s6], $0x800  }
0x2ac: {  	[sflag:s6] =	ssyncset.done $0x0  }
0x2ad: {  	[sflag:s6] =	ssyncadd.s32 $0xFFFFF800  }
0x2ae: {  	_ =	swait.ge [sflag:s6], $0x800  }
0x2af: {  	[sflag:s6] =	ssyncset.done $0x0  }
0x2b0: {  	[sflag:s6] =	ssyncadd.s32 $0xFFFFF800  }
0x2b1: {  	_ =	swait.ge [sflag:s6], $0x800  }
0x2b2: {  	[sflag:s6] =	ssyncset.done $0x0  }
0x2b3: {  	[sflag:s6] =	ssyncadd.s32 $0xFFFFF800  }
0x2b4: {  	_ =	swait.ge [sflag:s6], $0x800  }
0x2b5: {  	[sflag:s6] =	ssyncset.done $0x0  }
0x2b6: {  	[sflag:s6] =	ssyncadd.s32 $0xFFFFF800  }
0x2b7: {  	_ =	swait.ge [sflag:s6], $0x800  }
0x2b8: {  	[sflag:s6] =	ssyncset.done $0x0  }
0x2b9: {  	[sflag:s6] =	ssyncadd.s32 $0xFFFFF800  }
0x2ba: {  	_ =	swait.ge [sflag:s6], $0x800  }
0x2bb: {  	[sflag:s6] =	ssyncset.done $0x0  }
0x2bc: {  	[sflag:s6] =	ssyncadd.s32 $0xFFFFF800  }
0x2bd: {  	_ =	swait.ge [sflag:s6], $0x800  }
0x2be: {  	[sflag:s6] =	ssyncset.done $0x0  }
0x2bf: {  	[sflag:s6] =	ssyncadd.s32 $0xFFFFF800  }
0x2c0: {  	_ =	swait.ge [sflag:s6], $0x800  }
0x2c1: {  	[sflag:s6] =	ssyncset.done $0x0  }
0x2c2: {  	[sflag:s6] =	ssyncadd.s32 $0xFFFFF800  }
0x2c3: {  	_ =	swait.ge [sflag:s6], $0x800  }
0x2c4: {  	[sflag:s6] =	ssyncset.done $0x0  }
0x2c5: {  	[sflag:s6] =	ssyncadd.s32 $0xFFFFF800  }
0x2c6: {  	_ =	swait.ge [sflag:s6], $0x800  }
0x2c7: {  	[sflag:s6] =	ssyncset.done $0x0  }
0x2c8: {  	[sflag:s6] =	ssyncadd.s32 $0xFFFFF800  }
0x2c9: {  	_ =	swait.ge [sflag:s6], $0x800  }
0x2ca: {  	[sflag:s6] =	ssyncset.done $0x0  }
0x2cb: {  	[sflag:s6] =	ssyncadd.s32 $0xFFFFF800  }
0x2cc: {  	_ =	swait.ge [sflag:s6], $0x800  }
0x2cd: {  	[sflag:s6] =	ssyncset.done $0x0  }
0x2ce: {  	[sflag:s6] =	ssyncadd.s32 $0xFFFFF800  }
0x2cf: {  	_ =	swait.ge [sflag:s6], $0x800  }
0x2d0: {  	p1 =	sne.s32 s13, $0x1;
	s1 =	sld [smem:$0x7DE]  }
.Ltmp2:
0x2d1: {  	[sflag:s6] =	ssyncset.done $0x0;
	(pc) =	sbr.rel @p1 .LBB2_3-.Ltmp2, $4  }
0x2d2: {  	s31 =	simm.s32 $0x3;
	s15 =	simm.s32 $0x1000;
	[sflag:s6] =	ssyncadd.s32 $0xFFFFF800  }
0x2d3: {  	[hbm4b:s1+s2] =	stream.linear.scatter [tilespmem:s15], [sflag:$0x3], $0x10000, $0x38;
	[tilespmem:$0x11000] =	vst v63  }
0x2d4: {  	_ =	swait.ge [sflag:s31], $0x10000  }
0x2d5: {  	s13 =	sadd.s32 $0xFFFFFFFF, s13;
	s14 =	rddreg [dreg:$0x3];
	[sflag:s31] =	ssyncset.done $0x0  }
0x2d6: {  	s15 =	stileid.u32  }
.LBB2_5:
0x2d7: {  	[sflag:s31] =	ssyncadd.s32 @p0 $0xFFFF0000;
	s13 =	rddreg [dreg:$0x4]  }
0x2d8: {  	[tilespmem:s2], [sflag:$0x1] =	stream.linear.gather [hbm4b:s14+s2], $0x80, $0x38;
	[tilespmem:$0x11000] =	vst v63  }
0x2d9: {  	s26 =	rddreg [dreg:$0x5]  }
0x2da: {  	[tilespmem:s7], [sflag:$0x1] =	stream.linear.gather [hbm4b:s13+s2], $0x80, $0x38;
	[tilespmem:$0x11000] =	vst v63  }
0x2db: {  	s28 =	rddreg [dreg:$0x6];
	s16 =	simm.s32 $0x100  }
0x2dc: {  	[tilespmem:s16], [sflag:$0x1] =	stream.linear.gather [hbm4b:s26+s2], $0x80, $0x38;
	[tilespmem:$0x11000] =	vst v63  }
0x2dd: {  	s29 =	rddreg [dreg:$0x7];
	s17 =	simm.s32 $0x180  }
0x2de: {  	[tilespmem:s17], [sflag:$0x1] =	stream.linear.gather [hbm4b:s28+s2], $0x80, $0x38;
	[tilespmem:$0x11000] =	vst v63  }
0x2df: {  	s30 =	rddreg [dreg:$0x8];
	s18 =	simm.s32 $0x200  }
0x2e0: {  	[tilespmem:s18], [sflag:$0x1] =	stream.linear.gather [hbm4b:s29+s2], $0x80, $0x38;
	[tilespmem:$0x11000] =	vst v63  }
0x2e1: {  	s31 =	rddreg [dreg:$0x9];
	s19 =	simm.s32 $0x280  }
0x2e2: {  	[tilespmem:s19], [sflag:$0x1] =	stream.linear.gather [hbm4b:s30+s2], $0x80, $0x38;
	[tilespmem:$0x11000] =	vst v63  }
0x2e3: {  	s0 =	rddreg [dreg:$0xa];
	s20 =	simm.s32 $0x300  }
0x2e4: {  	[tilespmem:s20], [sflag:$0x1] =	stream.linear.gather [hbm4b:s31+s2], $0x80, $0x38;
	[tilespmem:$0x11000] =	vst v63  }
0x2e5: {  	s1 =	rddreg [dreg:$0xb];
	s21 =	simm.s32 $0x380  }
0x2e6: {  	[tilespmem:s21], [sflag:$0x1] =	stream.linear.gather [hbm4b:s0+s2], $0x80, $0x38;
	[tilespmem:$0x11000] =	vst v63  }
0x2e7: {  	s4 =	rddreg [dreg:$0xc];
	s22 =	simm.s32 $0x400  }
0x2e8: {  	[tilespmem:s22], [sflag:$0x1] =	stream.linear.gather [hbm4b:s1+s2], $0x80, $0x38;
	[tilespmem:$0x11000] =	vst v63  }
0x2e9: {  	s5 =	rddreg [dreg:$0xd];
	s23 =	simm.s32 $0x480  }
0x2ea: {  	[tilespmem:s23], [sflag:$0x1] =	stream.linear.gather [hbm4b:s4+s2], $0x80, $0x38;
	[tilespmem:$0x11000] =	vst v63  }
0x2eb: {  	s8 =	rddreg [dreg:$0xe];
	s24 =	simm.s32 $0x500  }
0x2ec: {  	[tilespmem:s24], [sflag:$0x1] =	stream.linear.gather [hbm4b:s5+s2], $0x80, $0x38;
	[tilespmem:$0x11000] =	vst v63  }
0x2ed: {  	s9 =	rddreg [dreg:$0xf];
	s25 =	simm.s32 $0x580  }
0x2ee: {  	[tilespmem:s25], [sflag:$0x1] =	stream.linear.gather [hbm4b:s8+s2], $0x80, $0x38;
	[tilespmem:$0x11000] =	vst v63  }
0x2ef: {  	s10 =	rddreg [dreg:$0x10];
	s26 =	simm.s32 $0x600  }
0x2f0: {  	[tilespmem:s26], [sflag:$0x1] =	stream.linear.gather [hbm4b:s9+s2], $0x80, $0x38;
	[tilespmem:$0x11000] =	vst v63  }
0x2f1: {  	s11 =	rddreg [dreg:$0x11];
	s28 =	simm.s32 $0x680  }
0x2f2: {  	[tilespmem:s28], [sflag:$0x1] =	stream.linear.gather [hbm4b:s10+s2], $0x80, $0x38;
	[tilespmem:$0x11000] =	vst v63  }
0x2f3: {  	s14 =	rddreg [dreg:$0x1f];
	s29 =	simm.s32 $0x700  }
0x2f4: {  	[tilespmem:s29], [sflag:$0x1] =	stream.linear.gather [hbm4b:s11+s2], $0x80, $0x38;
	[tilespmem:$0x11000] =	vst v63  }
0x2f5: {  	s30 =	rddreg [dreg:$0x12];
	s0 =	simm.s32 $0x780  }
0x2f6: {  	[tilespmem:s0], [sflag:$0x1] =	stream.linear.gather [hbm4b:s30+s2], $0x80, $0x38;
	[tilespmem:$0x11000] =	vst v63  }
0x2f7: {  	s31 =	rddreg [dreg:$0x13];
	s4 =	simm.s32 $0x800  }
0x2f8: {  	[tilespmem:s4], [sflag:$0x1] =	stream.linear.gather [hbm4b:s31+s2], $0x80, $0x38;
	[tilespmem:$0x11000] =	vst v63  }
0x2f9: {  	s1 =	rddreg [dreg:$0x14];
	s8 =	simm.s32 $0x880  }
0x2fa: {  	[tilespmem:s8], [sflag:$0x1] =	stream.linear.gather [hbm4b:s1+s2], $0x80, $0x38;
	[tilespmem:$0x11000] =	vst v63  }
0x2fb: {  	s5 =	rddreg [dreg:$0x15];
	s10 =	simm.s32 $0x900  }
0x2fc: {  	[tilespmem:s10], [sflag:$0x1] =	stream.linear.gather [hbm4b:s5+s2], $0x80, $0x38;
	[tilespmem:$0x11000] =	vst v63  }
0x2fd: {  	s9 =	rddreg [dreg:$0x16];
	s1 =	simm.s32 $0x980  }
0x2fe: {  	[tilespmem:s1], [sflag:$0x1] =	stream.linear.gather [hbm4b:s9+s2], $0x80, $0x38;
	[tilespmem:$0x11000] =	vst v63  }
0x2ff: {  	s11 =	rddreg [dreg:$0x17];
	s5 =	simm.s32 $0xA00  }
0x300: {  	[tilespmem:s5], [sflag:$0x1] =	stream.linear.gather [hbm4b:s11+s2], $0x80, $0x38;
	[tilespmem:$0x11000] =	vst v63  }
0x301: {  	s30 =	rddreg [dreg:$0x18];
	s8 =	simm.s32 $0xA80  }
0x302: {  	[tilespmem:s8], [sflag:$0x1] =	stream.linear.gather [hbm4b:s30+s2], $0x80, $0x38;
	[tilespmem:$0x11000] =	vst v63  }
0x303: {  	s0 =	simm.s32 $0xB00;
	s31 =	rddreg [dreg:$0x19]  }
0x304: {  	[tilespmem:s0], [sflag:$0x1] =	stream.linear.gather [hbm4b:s31+s2], $0x80, $0x38;
	[tilespmem:$0x11000] =	vst v63  }
0x305: {  	s4 =	rddreg [dreg:$0x1a];
	s9 =	simm.s32 $0xB80  }
0x306: {  	[tilespmem:s9], [sflag:$0x1] =	stream.linear.gather [hbm4b:s4+s2], $0x80, $0x38;
	[tilespmem:$0x11000] =	vst v63  }
0x307: {  	s11 =	rddreg [dreg:$0x1b];
	s4 =	simm.s32 $0xC00  }
0x308: {  	[tilespmem:s4], [sflag:$0x1] =	stream.linear.gather [hbm4b:s11+s2], $0x80, $0x38;
	[tilespmem:$0x11000] =	vst v63  }
0x309: {  	s30 =	rddreg [dreg:$0x1c];
	s11 =	simm.s32 $0xC80  }
0x30a: {  	[tilespmem:s11], [sflag:$0x1] =	stream.linear.gather [hbm4b:s30+s2], $0x80, $0x38;
	[tilespmem:$0x11000] =	vst v63  }
0x30b: {  	s31 =	rddreg [dreg:$0x1d];
	s11 =	simm.s32 $0xD00  }
0x30c: {  	[tilespmem:s11], [sflag:$0x1] =	stream.linear.gather [hbm4b:s31+s2], $0x80, $0x38;
	[tilespmem:$0x11000] =	vst v63  }
0x30d: {  	s30 =	rddreg [dreg:$0x1e];
	s31 =	simm.s32 $0xD80  }
0x30e: {  	[tilespmem:s31], [sflag:$0x1] =	stream.linear.gather [hbm4b:s30+s2], $0x80, $0x38;
	[tilespmem:$0x11000] =	vst v63  }
0x30f: {  	s13 =	sld [smem:$0x7DB];
	s30 =	simm.s32 $0xE00  }
0x310: {  	[tilespmem:s30], [sflag:$0x1] =	stream.linear.gather [hbm4b:s14+s2], $0x80, $0x38;
	[tilespmem:$0x11000] =	vst v63  }
0x311: {  	s31 =	simm.s32 $0xE80;
	s14 =	sld [smem:$0x7DC]  }
0x312: {  	[tilespmem:s31], [sflag:$0x1] =	stream.linear.gather [hbm4b:s13+s2], $0x80, $0x38;
	[tilespmem:$0x11000] =	vst v63  }
0x313: {  	s30 =	simm.s32 $0xF00;
	s13 =	sld [smem:$0x7DD]  }
0x314: {  	[tilespmem:s30], [sflag:$0x1] =	stream.linear.gather [hbm4b:s14+s2], $0x80, $0x38;
	[tilespmem:$0x11000] =	vst v63  }
0x315: {  	s31 =	simm.s32 $0xF80  }
0x316: {  	[tilespmem:s31], [sflag:$0x1] =	stream.linear.gather [hbm4b:s13+s2], $0x80, $0x38;
	[tilespmem:$0x11000] =	vst v63  }
0x317: {  	_ =	swait.ge [sflag:s12], $0x80  }
0x318: {  	[sflag:s12] =	ssyncset.done $0x0  }
0x319: {  	[sflag:s12] =	ssyncadd.s32 $0xFFFFFF80  }
0x31a: {  	_ =	swait.ge [sflag:s12], $0x80  }
0x31b: {  	[sflag:s12] =	ssyncset.done $0x0  }
0x31c: {  	[sflag:s12] =	ssyncadd.s32 $0xFFFFFF80  }
0x31d: {  	_ =	swait.ge [sflag:s12], $0x80  }
0x31e: {  	[sflag:s12] =	ssyncset.done $0x0  }
0x31f: {  	[sflag:s12] =	ssyncadd.s32 $0xFFFFFF80  }
0x320: {  	_ =	swait.ge [sflag:s12], $0x80  }
0x321: {  	[sflag:s12] =	ssyncset.done $0x0  }
0x322: {  	[sflag:s12] =	ssyncadd.s32 $0xFFFFFF80  }
0x323: {  	_ =	swait.ge [sflag:s12], $0x80  }
0x324: {  	[sflag:s12] =	ssyncset.done $0x0  }
0x325: {  	[sflag:s12] =	ssyncadd.s32 $0xFFFFFF80  }
0x326: {  	_ =	swait.ge [sflag:s12], $0x80  }
0x327: {  	[sflag:s12] =	ssyncset.done $0x0  }
0x328: {  	[sflag:s12] =	ssyncadd.s32 $0xFFFFFF80  }
0x329: {  	_ =	swait.ge [sflag:s12], $0x80  }
0x32a: {  	[sflag:s12] =	ssyncset.done $0x0  }
0x32b: {  	[sflag:s12] =	ssyncadd.s32 $0xFFFFFF80  }
0x32c: {  	_ =	swait.ge [sflag:s12], $0x80  }
0x32d: {  	[sflag:s12] =	ssyncset.done $0x0  }
0x32e: {  	[sflag:s12] =	ssyncadd.s32 $0xFFFFFF80  }
0x32f: {  	_ =	swait.ge [sflag:s12], $0x80  }
0x330: {  	[sflag:s12] =	ssyncset.done $0x0  }
0x331: {  	[sflag:s12] =	ssyncadd.s32 $0xFFFFFF80  }
0x332: {  	_ =	swait.ge [sflag:s12], $0x80  }
0x333: {  	[sflag:s12] =	ssyncset.done $0x0  }
0x334: {  	[sflag:s12] =	ssyncadd.s32 $0xFFFFFF80  }
0x335: {  	_ =	swait.ge [sflag:s12], $0x80  }
0x336: {  	[sflag:s12] =	ssyncset.done $0x0  }
0x337: {  	[sflag:s12] =	ssyncadd.s32 $0xFFFFFF80  }
0x338: {  	_ =	swait.ge [sflag:s12], $0x80  }
0x339: {  	[sflag:s12] =	ssyncset.done $0x0  }
0x33a: {  	[sflag:s12] =	ssyncadd.s32 $0xFFFFFF80  }
0x33b: {  	_ =	swait.ge [sflag:s12], $0x80  }
0x33c: {  	[sflag:s12] =	ssyncset.done $0x0  }
0x33d: {  	[sflag:s12] =	ssyncadd.s32 $0xFFFFFF80  }
0x33e: {  	_ =	swait.ge [sflag:s12], $0x80  }
0x33f: {  	[sflag:s12] =	ssyncset.done $0x0  }
0x340: {  	[sflag:s12] =	ssyncadd.s32 $0xFFFFFF80  }
0x341: {  	_ =	swait.ge [sflag:s12], $0x80  }
0x342: {  	[sflag:s12] =	ssyncset.done $0x0  }
0x343: {  	[sflag:s12] =	ssyncadd.s32 $0xFFFFFF80  }
0x344: {  	_ =	swait.ge [sflag:s12], $0x80  }
0x345: {  	[sflag:s12] =	ssyncset.done $0x0  }
0x346: {  	[sflag:s12] =	ssyncadd.s32 $0xFFFFFF80  }
0x347: {  	_ =	swait.ge [sflag:s12], $0x80  }
0x348: {  	[sflag:s12] =	ssyncset.done $0x0  }
0x349: {  	[sflag:s12] =	ssyncadd.s32 $0xFFFFFF80  }
0x34a: {  	_ =	swait.ge [sflag:s12], $0x80  }
0x34b: {  	[sflag:s12] =	ssyncset.done $0x0  }
0x34c: {  	[sflag:s12] =	ssyncadd.s32 $0xFFFFFF80  }
0x34d: {  	_ =	swait.ge [sflag:s12], $0x80  }
0x34e: {  	[sflag:s12] =	ssyncset.done $0x0  }
0x34f: {  	[sflag:s12] =	ssyncadd.s32 $0xFFFFFF80  }
0x350: {  	_ =	swait.ge [sflag:s12], $0x80  }
0x351: {  	[sflag:s12] =	ssyncset.done $0x0  }
0x352: {  	[sflag:s12] =	ssyncadd.s32 $0xFFFFFF80  }
0x353: {  	_ =	swait.ge [sflag:s12], $0x80  }
0x354: {  	[sflag:s12] =	ssyncset.done $0x0  }
0x355: {  	[sflag:s12] =	ssyncadd.s32 $0xFFFFFF80  }
0x356: {  	_ =	swait.ge [sflag:s12], $0x80  }
0x357: {  	[sflag:s12] =	ssyncset.done $0x0  }
0x358: {  	[sflag:s12] =	ssyncadd.s32 $0xFFFFFF80  }
0x359: {  	_ =	swait.ge [sflag:s12], $0x80  }
0x35a: {  	[sflag:s12] =	ssyncset.done $0x0  }
0x35b: {  	[sflag:s12] =	ssyncadd.s32 $0xFFFFFF80  }
0x35c: {  	_ =	swait.ge [sflag:s12], $0x80  }
0x35d: {  	[sflag:s12] =	ssyncset.done $0x0  }
0x35e: {  	[sflag:s12] =	ssyncadd.s32 $0xFFFFFF80  }
0x35f: {  	_ =	swait.ge [sflag:s12], $0x80  }
0x360: {  	[sflag:s12] =	ssyncset.done $0x0  }
0x361: {  	[sflag:s12] =	ssyncadd.s32 $0xFFFFFF80  }
0x362: {  	_ =	swait.ge [sflag:s12], $0x80  }
0x363: {  	[sflag:s12] =	ssyncset.done $0x0  }
0x364: {  	[sflag:s12] =	ssyncadd.s32 $0xFFFFFF80  }
0x365: {  	_ =	swait.ge [sflag:s12], $0x80  }
0x366: {  	[sflag:s12] =	ssyncset.done $0x0  }
0x367: {  	[sflag:s12] =	ssyncadd.s32 $0xFFFFFF80  }
0x368: {  	_ =	swait.ge [sflag:s12], $0x80  }
0x369: {  	[sflag:s12] =	ssyncset.done $0x0  }
0x36a: {  	[sflag:s12] =	ssyncadd.s32 $0xFFFFFF80  }
0x36b: {  	_ =	swait.ge [sflag:s12], $0x80  }
0x36c: {  	[sflag:s12] =	ssyncset.done $0x0  }
0x36d: {  	[sflag:s12] =	ssyncadd.s32 $0xFFFFFF80  }
0x36e: {  	_ =	swait.ge [sflag:s12], $0x80  }
0x36f: {  	[sflag:s12] =	ssyncset.done $0x0  }
0x370: {  	[sflag:s12] =	ssyncadd.s32 $0xFFFFFF80  }
0x371: {  	_ =	swait.ge [sflag:s12], $0x80  }
0x372: {  	[sflag:s12] =	ssyncset.done $0x0  }
0x373: {  	[sflag:s12] =	ssyncadd.s32 $0xFFFFFF80  }
0x374: {  	_ =	swait.ge [sflag:s12], $0x80  }
0x375: {  	[sflag:s12] =	ssyncset.done $0x0  }
0x376: {  	s14 =	simm.s32 $0x1000;
	[sflag:s12] =	ssyncadd.s32 $0xFFFFFF80;
	s12 =	sld [smem:$0x7DF]  }
0x377: {  	[tilespmem:s14], [sflag:$0x2] =	stream.indirect.gather [hbm4b:s3+s7], $0x10, s2, s7, $0xb8;
	[tilespmem:$0x11000] =	vst v63  }
0x378: {  	s13 =	sld [smem:$0x7E0]  }
0x379: {  	[tilespmem:s12], [sflag:$0x2] =	stream.indirect.gather [hbm4b:s3+s7], $0x10, s7, s7, $0xb8;
	[tilespmem:$0x11000] =	vst v63  }
0x37a: {  	s12 =	sld [smem:$0x7E1]  }
0x37b: {  	[tilespmem:s13], [sflag:$0x2] =	stream.indirect.gather [hbm4b:s3+s7], $0x10, s16, s7, $0xb8;
	[tilespmem:$0x11000] =	vst v63  }
0x37c: {  	s16 =	sld [smem:$0x7E2]  }
0x37d: {  	[tilespmem:s12], [sflag:$0x2] =	stream.indirect.gather [hbm4b:s3+s7], $0x10, s17, s7, $0xb8;
	[tilespmem:$0x11000] =	vst v63  }
0x37e: {  	s17 =	sld [smem:$0x7E3]  }
0x37f: {  	[tilespmem:s16], [sflag:$0x2] =	stream.indirect.gather [hbm4b:s3+s7], $0x10, s18, s7, $0xb8;
	[tilespmem:$0x11000] =	vst v63  }
0x380: {  	s18 =	sld [smem:$0x7E4]  }
0x381: {  	[tilespmem:s17], [sflag:$0x2] =	stream.indirect.gather [hbm4b:s3+s7], $0x10, s19, s7, $0xb8;
	[tilespmem:$0x11000] =	vst v63  }
0x382: {  	s19 =	sld [smem:$0x7E5]  }
0x383: {  	[tilespmem:s18], [sflag:$0x2] =	stream.indirect.gather [hbm4b:s3+s7], $0x10, s20, s7, $0xb8;
	[tilespmem:$0x11000] =	vst v63  }
0x384: {  	s20 =	sld [smem:$0x7E6]  }
0x385: {  	[tilespmem:s19], [sflag:$0x2] =	stream.indirect.gather [hbm4b:s3+s7], $0x10, s21, s7, $0xb8;
	[tilespmem:$0x11000] =	vst v63  }
0x386: {  	s21 =	sld [smem:$0x7E7]  }
0x387: {  	[tilespmem:s20], [sflag:$0x2] =	stream.indirect.gather [hbm4b:s3+s7], $0x10, s22, s7, $0xb8;
	[tilespmem:$0x11000] =	vst v63  }
0x388: {  	s22 =	sld [smem:$0x7E8]  }
0x389: {  	[tilespmem:s21], [sflag:$0x2] =	stream.indirect.gather [hbm4b:s3+s7], $0x10, s23, s7, $0xb8;
	[tilespmem:$0x11000] =	vst v63  }
0x38a: {  	s16 =	sld [smem:$0x7E9]  }
0x38b: {  	[tilespmem:s22], [sflag:$0x2] =	stream.indirect.gather [hbm4b:s3+s7], $0x10, s24, s7, $0xb8;
	[tilespmem:$0x11000] =	vst v63  }
0x38c: {  	s17 =	sld [smem:$0x7EA]  }
0x38d: {  	[tilespmem:s16], [sflag:$0x2] =	stream.indirect.gather [hbm4b:s3+s7], $0x10, s25, s7, $0xb8;
	[tilespmem:$0x11000] =	vst v63  }
0x38e: {  	s18 =	sld [smem:$0x7EB]  }
0x38f: {  	[tilespmem:s17], [sflag:$0x2] =	stream.indirect.gather [hbm4b:s3+s7], $0x10, s26, s7, $0xb8;
	[tilespmem:$0x11000] =	vst v63  }
0x390: {  	s19 =	sld [smem:$0x7EC]  }
0x391: {  	[tilespmem:s18], [sflag:$0x2] =	stream.indirect.gather [hbm4b:s3+s7], $0x10, s28, s7, $0xb8;
	[tilespmem:$0x11000] =	vst v63  }
0x392: {  	s20 =	sld [smem:$0x7ED]  }
0x393: {  	[tilespmem:s19], [sflag:$0x2] =	stream.indirect.gather [hbm4b:s3+s7], $0x10, s29, s7, $0xb8;
	[tilespmem:$0x11000] =	vst v63  }
0x394: {  	s21 =	sld [smem:$0x7EE];
	s22 =	simm.s32 $0x780  }
0x395: {  	[tilespmem:s20], [sflag:$0x2] =	stream.indirect.gather [hbm4b:s3+s7], $0x10, s22, s7, $0xb8;
	[tilespmem:$0x11000] =	vst v63  }
0x396: {  	s23 =	sld [smem:$0x7EF];
	s24 =	simm.s32 $0x800  }
0x397: {  	[tilespmem:s21], [sflag:$0x2] =	stream.indirect.gather [hbm4b:s3+s7], $0x10, s24, s7, $0xb8;
	[tilespmem:$0x11000] =	vst v63  }
0x398: {  	s25 =	sld [smem:$0x7F0];
	s26 =	simm.s32 $0x880  }
0x399: {  	[tilespmem:s23], [sflag:$0x2] =	stream.indirect.gather [hbm4b:s3+s7], $0x10, s26, s7, $0xb8;
	[tilespmem:$0x11000] =	vst v63  }
0x39a: {  	s28 =	sld [smem:$0x7F1]  }
0x39b: {  	[tilespmem:s25], [sflag:$0x2] =	stream.indirect.gather [hbm4b:s3+s7], $0x10, s10, s7, $0xb8;
	[tilespmem:$0x11000] =	vst v63  }
0x39c: {  	s29 =	sld [smem:$0x7F2]  }
0x39d: {  	[tilespmem:s28], [sflag:$0x2] =	stream.indirect.gather [hbm4b:s3+s7], $0x10, s1, s7, $0xb8;
	[tilespmem:$0x11000] =	vst v63  }
0x39e: {  	s10 =	sld [smem:$0x7F3]  }
0x39f: {  	[tilespmem:s29], [sflag:$0x2] =	stream.indirect.gather [hbm4b:s3+s7], $0x10, s5, s7, $0xb8;
	[tilespmem:$0x11000] =	vst v63  }
0x3a0: {  	s12 =	sld [smem:$0x7F4]  }
0x3a1: {  	[tilespmem:s10], [sflag:$0x2] =	stream.indirect.gather [hbm4b:s3+s7], $0x10, s8, s7, $0xb8;
	[tilespmem:$0x11000] =	vst v63  }
0x3a2: {  	s13 =	sld [smem:$0x7F5]  }
0x3a3: {  	[tilespmem:s12], [sflag:$0x2] =	stream.indirect.gather [hbm4b:s3+s7], $0x10, s0, s7, $0xb8;
	[tilespmem:$0x11000] =	vst v63  }
0x3a4: {  	s16 =	sld [smem:$0x7F6]  }
0x3a5: {  	[tilespmem:s13], [sflag:$0x2] =	stream.indirect.gather [hbm4b:s3+s7], $0x10, s9, s7, $0xb8;
	[tilespmem:$0x11000] =	vst v63  }
0x3a6: {  	s17 =	sld [smem:$0x7F7];
	s18 =	simm.s32 $0xC00  }
0x3a7: {  	[tilespmem:s16], [sflag:$0x2] =	stream.indirect.gather [hbm4b:s3+s7], $0x10, s18, s7, $0xb8;
	[tilespmem:$0x11000] =	vst v63  }
0x3a8: {  	s19 =	sld [smem:$0x7F8];
	s20 =	simm.s32 $0xC80  }
0x3a9: {  	[tilespmem:s17], [sflag:$0x2] =	stream.indirect.gather [hbm4b:s3+s7], $0x10, s20, s7, $0xb8;
	[tilespmem:$0x11000] =	vst v63  }
0x3aa: {  	s21 =	sld [smem:$0x7F9]  }
0x3ab: {  	[tilespmem:s19], [sflag:$0x2] =	stream.indirect.gather [hbm4b:s3+s7], $0x10, s11, s7, $0xb8;
	[tilespmem:$0x11000] =	vst v63  }
0x3ac: {  	s22 =	sld [smem:$0x7FA];
	s23 =	simm.s32 $0xD80  }
0x3ad: {  	[tilespmem:s21], [sflag:$0x2] =	stream.indirect.gather [hbm4b:s3+s7], $0x10, s23, s7, $0xb8;
	[tilespmem:$0x11000] =	vst v63  }
0x3ae: {  	s24 =	sld [smem:$0x7FB];
	s25 =	simm.s32 $0xE00  }
0x3af: {  	[tilespmem:s22], [sflag:$0x2] =	stream.indirect.gather [hbm4b:s3+s7], $0x10, s25, s7, $0xb8;
	[tilespmem:$0x11000] =	vst v63  }
0x3b0: {  	s26 =	sld [smem:$0x7FC];
	s28 =	simm.s32 $0xE80  }
0x3b1: {  	[tilespmem:s24], [sflag:$0x2] =	stream.indirect.gather [hbm4b:s3+s7], $0x10, s28, s7, $0xb8;
	[tilespmem:$0x11000] =	vst v63  }
0x3b2: {  	s29 =	sld [smem:$0x7FD]  }
0x3b3: {  	[tilespmem:s26], [sflag:$0x2] =	stream.indirect.gather [hbm4b:s3+s7], $0x10, s30, s7, $0xb8;
	[tilespmem:$0x11000] =	vst v63  }
0x3b4: {  	_ = 	snop  }
0x3b5: {  	[tilespmem:s29], [sflag:$0x2] =	stream.indirect.gather [hbm4b:s3+s7], $0x10, s31, s7, $0xb8;
	[tilespmem:$0x11000] =	vst v63  }
0x3b6: {  	_ =	swait.ge [sflag:s6], $0x800  }
0x3b7: {  	[sflag:s6] =	ssyncset.done $0x0  }
0x3b8: {  	[sflag:s6] =	ssyncadd.s32 $0xFFFFF800  }
0x3b9: {  	_ =	swait.ge [sflag:s6], $0x800  }
0x3ba: {  	[sflag:s6] =	ssyncset.done $0x0  }
0x3bb: {  	[sflag:s6] =	ssyncadd.s32 $0xFFFFF800  }
0x3bc: {  	_ =	swait.ge [sflag:s6], $0x800  }
0x3bd: {  	[sflag:s6] =	ssyncset.done $0x0  }
0x3be: {  	[sflag:s6] =	ssyncadd.s32 $0xFFFFF800  }
0x3bf: {  	_ =	swait.ge [sflag:s6], $0x800  }
0x3c0: {  	[sflag:s6] =	ssyncset.done $0x0  }
0x3c1: {  	[sflag:s6] =	ssyncadd.s32 $0xFFFFF800  }
0x3c2: {  	_ =	swait.ge [sflag:s6], $0x800  }
0x3c3: {  	[sflag:s6] =	ssyncset.done $0x0  }
0x3c4: {  	[sflag:s6] =	ssyncadd.s32 $0xFFFFF800  }
0x3c5: {  	_ =	swait.ge [sflag:s6], $0x800  }
0x3c6: {  	[sflag:s6] =	ssyncset.done $0x0  }
0x3c7: {  	[sflag:s6] =	ssyncadd.s32 $0xFFFFF800  }
0x3c8: {  	_ =	swait.ge [sflag:s6], $0x800  }
0x3c9: {  	[sflag:s6] =	ssyncset.done $0x0  }
0x3ca: {  	[sflag:s6] =	ssyncadd.s32 $0xFFFFF800  }
0x3cb: {  	_ =	swait.ge [sflag:s6], $0x800  }
0x3cc: {  	[sflag:s6] =	ssyncset.done $0x0  }
0x3cd: {  	[sflag:s6] =	ssyncadd.s32 $0xFFFFF800  }
0x3ce: {  	_ =	swait.ge [sflag:s6], $0x800  }
0x3cf: {  	[sflag:s6] =	ssyncset.done $0x0  }
0x3d0: {  	[sflag:s6] =	ssyncadd.s32 $0xFFFFF800  }
0x3d1: {  	_ =	swait.ge [sflag:s6], $0x800  }
0x3d2: {  	[sflag:s6] =	ssyncset.done $0x0  }
0x3d3: {  	[sflag:s6] =	ssyncadd.s32 $0xFFFFF800  }
0x3d4: {  	_ =	swait.ge [sflag:s6], $0x800  }
0x3d5: {  	[sflag:s6] =	ssyncset.done $0x0  }
0x3d6: {  	[sflag:s6] =	ssyncadd.s32 $0xFFFFF800  }
0x3d7: {  	_ =	swait.ge [sflag:s6], $0x800  }
0x3d8: {  	[sflag:s6] =	ssyncset.done $0x0  }
0x3d9: {  	[sflag:s6] =	ssyncadd.s32 $0xFFFFF800  }
0x3da: {  	_ =	swait.ge [sflag:s6], $0x800  }
0x3db: {  	[sflag:s6] =	ssyncset.done $0x0  }
0x3dc: {  	[sflag:s6] =	ssyncadd.s32 $0xFFFFF800  }
0x3dd: {  	_ =	swait.ge [sflag:s6], $0x800  }
0x3de: {  	[sflag:s6] =	ssyncset.done $0x0  }
0x3df: {  	[sflag:s6] =	ssyncadd.s32 $0xFFFFF800  }
0x3e0: {  	_ =	swait.ge [sflag:s6], $0x800  }
0x3e1: {  	[sflag:s6] =	ssyncset.done $0x0  }
0x3e2: {  	[sflag:s6] =	ssyncadd.s32 $0xFFFFF800  }
0x3e3: {  	_ =	swait.ge [sflag:s6], $0x800  }
0x3e4: {  	[sflag:s6] =	ssyncset.done $0x0  }
0x3e5: {  	[sflag:s6] =	ssyncadd.s32 $0xFFFFF800  }
0x3e6: {  	_ =	swait.ge [sflag:s6], $0x800  }
0x3e7: {  	[sflag:s6] =	ssyncset.done $0x0  }
0x3e8: {  	[sflag:s6] =	ssyncadd.s32 $0xFFFFF800  }
0x3e9: {  	_ =	swait.ge [sflag:s6], $0x800  }
0x3ea: {  	[sflag:s6] =	ssyncset.done $0x0  }
0x3eb: {  	[sflag:s6] =	ssyncadd.s32 $0xFFFFF800  }
0x3ec: {  	_ =	swait.ge [sflag:s6], $0x800  }
0x3ed: {  	[sflag:s6] =	ssyncset.done $0x0  }
0x3ee: {  	[sflag:s6] =	ssyncadd.s32 $0xFFFFF800  }
0x3ef: {  	_ =	swait.ge [sflag:s6], $0x800  }
0x3f0: {  	[sflag:s6] =	ssyncset.done $0x0  }
0x3f1: {  	[sflag:s6] =	ssyncadd.s32 $0xFFFFF800  }
0x3f2: {  	_ =	swait.ge [sflag:s6], $0x800  }
0x3f3: {  	[sflag:s6] =	ssyncset.done $0x0  }
0x3f4: {  	[sflag:s6] =	ssyncadd.s32 $0xFFFFF800  }
0x3f5: {  	_ =	swait.ge [sflag:s6], $0x800  }
0x3f6: {  	[sflag:s6] =	ssyncset.done $0x0  }
0x3f7: {  	[sflag:s6] =	ssyncadd.s32 $0xFFFFF800  }
0x3f8: {  	_ =	swait.ge [sflag:s6], $0x800  }
0x3f9: {  	[sflag:s6] =	ssyncset.done $0x0  }
0x3fa: {  	[sflag:s6] =	ssyncadd.s32 $0xFFFFF800  }
0x3fb: {  	_ =	swait.ge [sflag:s6], $0x800  }
0x3fc: {  	[sflag:s6] =	ssyncset.done $0x0  }
0x3fd: {  	[sflag:s6] =	ssyncadd.s32 $0xFFFFF800  }
0x3fe: {  	_ =	swait.ge [sflag:s6], $0x800  }
0x3ff: {  	[sflag:s6] =	ssyncset.done $0x0  }
0x400: {  	[sflag:s6] =	ssyncadd.s32 $0xFFFFF800  }
0x401: {  	_ =	swait.ge [sflag:s6], $0x800  }
0x402: {  	[sflag:s6] =	ssyncset.done $0x0  }
0x403: {  	[sflag:s6] =	ssyncadd.s32 $0xFFFFF800  }
0x404: {  	_ =	swait.ge [sflag:s6], $0x800  }
0x405: {  	[sflag:s6] =	ssyncset.done $0x0  }
0x406: {  	[sflag:s6] =	ssyncadd.s32 $0xFFFFF800  }
0x407: {  	_ =	swait.ge [sflag:s6], $0x800  }
0x408: {  	[sflag:s6] =	ssyncset.done $0x0  }
0x409: {  	[sflag:s6] =	ssyncadd.s32 $0xFFFFF800  }
0x40a: {  	_ =	swait.ge [sflag:s6], $0x800  }
0x40b: {  	[sflag:s6] =	ssyncset.done $0x0  }
0x40c: {  	[sflag:s6] =	ssyncadd.s32 $0xFFFFF800  }
0x40d: {  	_ =	swait.ge [sflag:s6], $0x800  }
0x40e: {  	[sflag:s6] =	ssyncset.done $0x0  }
0x40f: {  	[sflag:s6] =	ssyncadd.s32 $0xFFFFF800  }
0x410: {  	_ =	swait.ge [sflag:s6], $0x800  }
0x411: {  	[sflag:s6] =	ssyncset.done $0x0  }
0x412: {  	[sflag:s6] =	ssyncadd.s32 $0xFFFFF800  }
0x413: {  	_ =	swait.ge [sflag:s6], $0x800  }
0x414: {  	s31 =	sld [smem:$0x7DE]  }
0x415: {  	[sflag:s6] =	ssyncset.done $0x0  }
0x416: {  	s4 =	simm.s32 $0x3;
	[sflag:s6] =	ssyncadd.s32 $0xFFFFF800  }
0x417: {  	[hbm4b:s31+s2] =	stream.linear.scatter [tilespmem:s14], [sflag:$0x3], $0x10000, $0x38;
	[tilespmem:$0x11000] =	vst v63  }
0x418: {  	_ =	swait.ge [sflag:s4], $0x10000  }
0x419: {  	[sflag:s4] =	ssyncset.done $0x0  }
0x41a: {  	[sflag:s4] =	ssyncadd.s32 $0xFFFF0000  }
0x41b: {  	_ =	sfence.sel $0x180000  }
0x41c: {  	[bflag:$0x0] =	sbarrier.arrive $0xFFFF  }
0x41d: {  	_ =	strace $0x90000047  }
0x41e: {  	[bflag:$0x2] =	sbarrier.arrive $0xFFFF  }
0x41f: {  	p0 =	sne.s32 s15, $0x0;
	s0 =	rddreg [dreg:$0x2]  }
0x420: {  	s0 =	sadd.s32 @!p0 $0x100000, s0  }
0x421: {  	[sflag:s0] =	ssyncadd.tile.s32 @!p0 $0x1;
	_ =	shalt  }
.LBB2_6:
.Ltmp3:
0x422: {  	(pc) =	sbr.rel .LBB2_5-.Ltmp3, $2  }
0x423: {  	_ =	sdelay $0x2  }
0x424: {  	s15 =	stileid.u32  }
.Lfunc_end2:
_tile_overlayer_lowered:
.L_overlay_start_2:
0x425: {  	(tag) =	ssettag $0x2  }
0x426: {  	s0 =	rddreg [dreg:$0x0];
	s2 =	stileid.u32  }
0x427: {  	s1 =	rddreg [dreg:$0x1];
	p0 =	sne.s32 s2, $0x0  }
0x428: {  	s3 =	rddreg [dreg:$0x2];
	[bflag:$0x3] =	sbarrier.arrive $0xFFFF;
	s2 =	simm.s32 @!p0 $0x1C03  }
0x429: {  	[timem:s3], [sflag:s2] =	dma.local @!p0 [hbm:s0], s1  }
0x42a: {  	s0 =	simm.s32 @!p0 $0x3  }
0x42b: {  	_ =	swait.ge @!p0 [sflag:s0], s1  }
0x42c: {  	s1 =	ssub.s32 @!p0 $0x0, s1;
	[sflag:s0] =	ssyncset.done @!p0 $0x0  }
0x42d: {  	[sflag:s0] =	ssyncadd.s32 @!p0 s1  }
0x42e: {  	[bflag:$0x3] =	sbarrier.arrive $0xFFFF  }
0x42f: {  	_ =	shalt  }

</sc_bundles>
